<compile_context>
chip_gen: v7x
topology: tpu7x:2x2x1
jax: 0.10.2.dev20260603
libtpu: 0.0.44.dev20260713+nightly
codegen_flags: <defaults>
</compile_context>

<pallas_src>
import functools

import jax
import jax.numpy as jnp
from jax import lax
from jax.experimental import pallas as pl
from jax.experimental.pallas import tpu as pltpu
from jax.experimental.pallas import tpu_sc as plsc

_N = 10000
_E = 320000
_D = 128
_NPAD = 10240
_CH = 80
_NTILES = 32
_CHUNKS = 125
_RPT = _NPAD // 16


def _segment_sum_sc(h, src1, dst1):
    mesh = plsc.VectorSubcoreMesh(core_axis_name="c", subcore_axis_name="s")

    @functools.partial(
        pl.kernel,
        out_type=jax.ShapeDtypeStruct((2, _NPAD, _D), jnp.float32),
        mesh=mesh,
        scratch_types=[
            pltpu.VMEM((3, _CH), jnp.int32),
            pltpu.VMEM((6, _CH), jnp.int32),
            pltpu.VMEM((3, _CH, _D), jnp.float32),
            pltpu.VMEM((16, _D), jnp.float32),
            pltpu.VMEM_SHARED((_NPAD, _D), jnp.float32),
            pltpu.SemaphoreType.DMA,
            pltpu.SemaphoreType.DMA,
            pltpu.SemaphoreType.DMA,
            pltpu.SemaphoreType.DMA,
            pltpu.SemaphoreType.DMA,
            pltpu.SemaphoreType.DMA,
            pltpu.SemaphoreType.DMA,
            pltpu.SemaphoreType.DMA,
            pltpu.SemaphoreType.DMA,
        ],
    )
    def k(h_hbm, src_hbm, dst_hbm, out_hbm, sidxb, didxb, rowsb, zbuf, acc,
          semi0, semi1, semi2, semg0, semg1, semg2, sems0, sems1, sems2):
        cid = lax.axis_index("c")
        sid = lax.axis_index("s")
        wid = cid * 16 + sid
        ebase = wid * (_CHUNKS * _CH)

        def zstore(i, carry):
            zbuf[i // 8, pl.ds((i % 8) * 16, 16)] = jnp.zeros((16,), jnp.float32)
            return carry
        lax.fori_loop(0, 16 * (_D // 16), zstore, 0)

        sidx = [sidxb.at[j] for j in range(3)]
        didx = [didxb.at[j] for j in range(6)]
        rows = [rowsb.at[j] for j in range(3)]
        semi = [semi0, semi1, semi2]
        semg = [semg0, semg1, semg2]
        sems = [sems0, sems1, sems2]

        def fire_idx(c, b, db):
            off = ebase + c * _CH
            pltpu.async_copy(src_hbm.at[pl.ds(off, _CH)], sidx[b], semi[b])
            pltpu.async_copy(dst_hbm.at[pl.ds(off, _CH)], didx[db], semi[b])

        def wait_idx(b, db):
            pltpu.make_async_copy(src_hbm.at[pl.ds(0, _CH)], sidx[b],
                                  semi[b]).wait()
            pltpu.make_async_copy(src_hbm.at[pl.ds(0, _CH)], didx[db],
                                  semi[b]).wait()

        def fire_gather(b):
            return pltpu.async_copy(h_hbm.at[sidx[b]], rows[b], semg[b])

        def wait_gather(b):
            pltpu.make_async_copy(h_hbm.at[sidx[b]], rows[b], semg[b]).wait()

        def fire_scatter(b, db):
            return pltpu.async_copy(rows[b], acc.at[didx[db]], sems[b],
                                    add=True)

        zd = [pltpu.async_copy(zbuf, acc.at[pl.ds(sid * _RPT + j * 16, 16)],
                               sems0) for j in range(_RPT // 16)]
        for b in range(3):
            fire_idx(b, b, b)
        for b in range(3):
            wait_idx(b, b)
            fire_gather(b)
        for d in zd:
            d.wait()
        plsc.subcore_barrier()

        def trio(c, dbs, nxt_c, nxt_dbs, fire_next):
            ds_ = []
            for b in range(3):
                wait_gather(b)
                ds_.append(fire_scatter(b, dbs[b]))
            if fire_next:
                for b in range(3):
                    fire_idx(nxt_c + b, b, nxt_dbs[b])
            for d in ds_:
                d.wait()
            if fire_next:
                for b in range(3):
                    wait_idx(b, nxt_dbs[b])
                    fire_gather(b)

        def body(kk, carry):
            c = kk * 6
            trio(c, (0, 1, 2), c + 3, (3, 4, 5), True)
            trio(c + 3, (3, 4, 5), c + 6, (0, 1, 2), True)
            return carry
        lax.fori_loop(0, (_CHUNKS - 5) // 6, body, 0)

        ct = _CHUNKS - 5
        ds_ = []
        for b in range(3):
            wait_gather(b)
            ds_.append(fire_scatter(b, b))
        for b in range(2):
            fire_idx(ct + 3 + b, b, 3 + b)
        for d in ds_:
            d.wait()
        for b in range(2):
            wait_idx(b, 3 + b)
            fire_gather(b)
        ds_ = []
        for b in range(2):
            wait_gather(b)
            ds_.append(fire_scatter(b, 3 + b))
        for d in ds_:
            d.wait()
        plsc.subcore_barrier()

        pltpu.sync_copy(acc.at[pl.ds(sid * _RPT, _RPT)],
                        out_hbm.at[cid, pl.ds(sid * _RPT, _RPT)])

    return k(h, src1, dst1)


def _dense_body(x_ref, agg_ref, w1_ref, b1_ref, al_ref, g_ref, be_ref,
                w2_ref, b2_ref, out_ref):
    h = x_ref[...] + agg_ref[0, :_N, :] + agg_ref[1, :_N, :]
    h = jnp.dot(h, w1_ref[...], preferred_element_type=jnp.float32) + b1_ref[...]
    mean = jnp.mean(h, axis=0, keepdims=True)
    cen = h - al_ref[...] * mean
    var = jnp.mean(cen * cen, axis=0, keepdims=True)
    h = g_ref[...] * cen / jnp.sqrt(var + 1e-5) + be_ref[...]
    h = jnp.maximum(h, 0.0)
    h = jnp.dot(h, w2_ref[...], preferred_element_type=jnp.float32) + b2_ref[...]
    out_ref[...] = jnp.maximum(h, 0.0)


def _dense_layer(x, agg, W1, b1, alpha, gamma, beta, W2, b2):
    return pl.pallas_call(
        _dense_body,
        out_shape=jax.ShapeDtypeStruct((_N, _D), jnp.float32),
    )(x, agg, W1, b1.reshape(1, _D), alpha.reshape(1, _D),
      gamma.reshape(1, _D), beta.reshape(1, _D), W2, b2.reshape(1, _D))


def kernel(x, edge_index, W1_0, b1_0, alpha_0, gamma_0, beta_0, W2_0, b2_0,
           W1_1, b1_1, alpha_1, gamma_1, beta_1, W2_1, b2_1):
    src1 = edge_index[0]
    dst1 = edge_index[1]
    agg0 = _segment_sum_sc(x, src1, dst1)
    h = _dense_layer(x, agg0, W1_0, b1_0, alpha_0, gamma_0, beta_0, W2_0, b2_0)
    agg1 = _segment_sum_sc(h, src1, dst1)
    h = _dense_layer(h, agg1, W1_1, b1_1, alpha_1, gamma_1, beta_1, W2_1, b2_1)
    return h

# --- scband reference (transcript-rebuilt; emitter-appended) ---
"""Pipeline reference for scband-gnn-18176301596804 (READ-ONLY COPY).

The authoritative reference and input builder live on the scoring server;
editing this copy changes nothing except your own understanding.
"""

import jax, jax.numpy as jnp
import numpy as np

N = 10000
E = 320000
D = 128
NUM_LAYER = 2


def setup_inputs(seed: int = 0) -> dict:
    key = jax.random.key(seed)
    ks = jax.random.split(key, 2 + NUM_LAYER * 7)
    inp = {}
    inp["x"] = jax.random.normal(ks[0], (N, D), dtype=jnp.float32)
    inp["edge_index"] = jax.random.randint(ks[1], (2, E), 0, N, dtype=jnp.int32)
    s = 1.0 / np.sqrt(D)
    ki = 2
    for l in range(NUM_LAYER):
        inp[f"W1_{l}"] = jax.random.normal(ks[ki], (D, D), dtype=jnp.float32) * s; ki += 1
        inp[f"b1_{l}"] = jnp.zeros((D,), dtype=jnp.float32)
        inp[f"alpha_{l}"] = jnp.ones((D,), dtype=jnp.float32)
        inp[f"gamma_{l}"] = jnp.ones((D,), dtype=jnp.float32)
        inp[f"beta_{l}"] = jnp.zeros((D,), dtype=jnp.float32)
        inp[f"W2_{l}"] = jax.random.normal(ks[ki], (D, D), dtype=jnp.float32) * s; ki += 1
        inp[f"b2_{l}"] = jnp.zeros((D,), dtype=jnp.float32)
    return inp


def _graph_norm(h, alpha, gamma, beta, eps=1e-5):
    # PyG GraphNorm with a single graph: per-feature mean/var over all nodes
    mean = jnp.mean(h, axis=0, keepdims=True)
    out = h - alpha * mean
    var = jnp.mean(out * out, axis=0, keepdims=True)
    return gamma * out / jnp.sqrt(var + eps) + beta


def _gin_layer(x, src, dst, W1, b1, alpha, gamma, beta, W2, b2):
    # GINConv: h_i = MLP((1+eps)*x_i + sum_{j in N(i)} x_j), eps=0
    msgs = jnp.take(x, src, axis=0)
    agg = jax.ops.segment_sum(msgs, dst, num_segments=N)
    h = x + agg
    h = h @ W1 + b1
    h = _graph_norm(h, alpha, gamma, beta)
    h = jax.nn.relu(h)
    h = h @ W2 + b2
    return jax.nn.relu(h)


def reference(x, edge_index, W1_0, b1_0, alpha_0, gamma_0, beta_0, W2_0, b2_0,
              W1_1, b1_1, alpha_1, gamma_1, beta_1, W2_1, b2_1):
    src = edge_index[0]
    dst = edge_index[1]
    h = _gin_layer(x, src, dst, W1_0, b1_0, alpha_0, gamma_0, beta_0, W2_0, b2_0)
    h = _gin_layer(h, src, dst, W1_1, b1_1, alpha_1, gamma_1, beta_1, W2_1, b2_1)
    # JK == 'last' -> return last layer representation
    return h

if __name__ == "__main__":
    import jax
    _d = setup_inputs()
    print(jax.jit(kernel)(*tuple(_d.values())))

</pallas_src>

<mosaic_0001>
#map = affine_map<(d0, d1) -> (0, 0)>
#map1 = affine_map<(d0, d1) -> (0)>
#map2 = affine_map<(d0, d1) -> (0, 0, 0)>
module attributes {stable_mosaic.version = 14 : i64} {
  func.func @k(%arg0: i32, %arg1: i32, %arg2: memref<10000x128xf32, #tpu.memory_space<hbm>>, %arg3: memref<320000xi32, #tpu.memory_space<hbm>>, %arg4: memref<320000xi32, #tpu.memory_space<hbm>>, %arg5: memref<2x10240x128xf32, #tpu.memory_space<hbm>>, %arg6: memref<3x80xi32, #tpu.memory_space<vmem>>, %arg7: memref<6x80xi32, #tpu.memory_space<vmem>>, %arg8: memref<3x80x128xf32, #tpu.memory_space<vmem>>, %arg9: memref<16x128xf32, #tpu.memory_space<vmem>>, %arg10: memref<10240x128xf32, #tpu.memory_space<vmem_shared>>, %arg11: memref<!tpu.dma_semaphore, #tpu.memory_space<semaphore_mem>>, %arg12: memref<!tpu.dma_semaphore, #tpu.memory_space<semaphore_mem>>, %arg13: memref<!tpu.dma_semaphore, #tpu.memory_space<semaphore_mem>>, %arg14: memref<!tpu.dma_semaphore, #tpu.memory_space<semaphore_mem>>, %arg15: memref<!tpu.dma_semaphore, #tpu.memory_space<semaphore_mem>>, %arg16: memref<!tpu.dma_semaphore, #tpu.memory_space<semaphore_mem>>, %arg17: memref<!tpu.dma_semaphore, #tpu.memory_space<semaphore_mem>>, %arg18: memref<!tpu.dma_semaphore, #tpu.memory_space<semaphore_mem>>, %arg19: memref<!tpu.dma_semaphore, #tpu.memory_space<semaphore_mem>>) attributes {dimension_semantics = [#tpu.dimension_semantics<core_parallel>, #tpu.dimension_semantics<subcore_parallel>], iteration_bounds = array<i64: 2, 16>, scalar_prefetch = 0 : i64, scratch_operands = 14 : i64, tpu.core_type = #tpu.core_type<sc_vector_subcore>, window_params = [{transform_indices = #map}, {transform_indices = #map1}, {transform_indices = #map1}, {transform_indices = #map2}]} {
    %mul3A = arith.constant 16 : i32
    %mul3A_0 = arith.muli %arg0, %mul3A : i32
    %add3A = arith.addi %mul3A_0, %arg1 : i32
    %mul3A_1 = arith.constant 10000 : i32
    %mul3A_2 = arith.muli %add3A, %mul3A_1 : i32
    %scan3A = arith.constant 0 : i32
    %scan3A_3 = arith.constant 0 : i32
    %scan3A_4 = arith.constant 128 : i32
    %scan3A_5 = arith.addi %scan3A_3, %scan3A_4 : i32
    %scan3A_6 = arith.constant 1 : i32
    scf.for %scan3A_959 = %scan3A_3 to %scan3A_5 step %scan3A_6  : i32 {
      %broadcast_in_dim3A = arith.constant 0.000000e+00 : f32
      %broadcast_in_dim3A_960 = vector.broadcast %broadcast_in_dim3A : f32 to vector<16xf32>
      %jit3A = arith.constant 8 : i32
      %div3A = arith.divsi %scan3A_959, %jit3A : i32
      %sign3A = arith.constant 0 : i32
      %sign3A_961 = arith.cmpi sgt, %scan3A_959, %sign3A : i32
      %sign3A_962 = arith.extui %sign3A_961 : i1 to i32
      %sign3A_963 = arith.constant 0 : i32
      %sign3A_964 = arith.cmpi slt, %scan3A_959, %sign3A_963 : i32
      %sign3A_965 = arith.extui %sign3A_964 : i1 to i32
      %sign3A_966 = arith.subi %sign3A_962, %sign3A_965 : i32
      %sign3A_967 = arith.constant 0 : i32
      %sign3A_968 = arith.cmpi sgt, %jit3A, %sign3A_967 : i32
      %sign3A_969 = arith.extui %sign3A_968 : i1 to i32
      %sign3A_970 = arith.constant 0 : i32
      %sign3A_971 = arith.cmpi slt, %jit3A, %sign3A_970 : i32
      %sign3A_972 = arith.extui %sign3A_971 : i1 to i32
      %sign3A_973 = arith.subi %sign3A_969, %sign3A_972 : i32
      %ne3A = arith.cmpi ne, %sign3A_966, %sign3A_973 : i32
      %rem3A = arith.remsi %scan3A_959, %jit3A : i32
      %ne3A_974 = arith.constant 0 : i32
      %ne3A_975 = arith.cmpi ne, %rem3A, %ne3A_974 : i32
      %and3A = arith.andi %ne3A, %ne3A_975 : i1
      %sub3A = arith.constant 1 : i32
      %sub3A_976 = arith.subi %div3A, %sub3A : i32
      %select_n3A = arith.select %and3A, %sub3A_976, %div3A : i32
      %jit3A_977 = arith.constant 8 : i32
      %eq3A = arith.constant 0 : i32
      %eq3A_978 = arith.cmpi eq, %jit3A_977, %eq3A : i32
      %jit3A_979 = arith.constant 1 : i32
      %select_n3A_980 = arith.select %eq3A_978, %jit3A_979, %jit3A_977 : i32
      %rem3A_981 = arith.remsi %scan3A_959, %select_n3A_980 : i32
      %ne3A_982 = arith.constant 0 : i32
      %ne3A_983 = arith.cmpi ne, %rem3A_981, %ne3A_982 : i32
      %lt3A = arith.constant 0 : i32
      %lt3A_984 = arith.cmpi slt, %rem3A_981, %lt3A : i32
      %lt3A_985 = arith.constant 0 : i32
      %lt3A_986 = arith.cmpi slt, %select_n3A_980, %lt3A_985 : i32
      %ne3A_987 = arith.xori %lt3A_984, %lt3A_986 : i1
      %and3A_988 = arith.andi %ne3A_987, %ne3A_983 : i1
      %add3A_989 = arith.addi %rem3A_981, %select_n3A_980 : i32
      %select_n3A_990 = arith.select %and3A_988, %add3A_989, %rem3A_981 : i32
      %mul3A_991 = arith.constant 16 : i32
      %mul3A_992 = arith.muli %select_n3A_990, %mul3A_991 : i32
      %swap3A = arith.index_cast %select_n3A : i32 to index
      %swap3A_993 = arith.index_cast %mul3A_992 : i32 to index
      %swap3A_994 = tpu.vector_load %arg9[%swap3A, %swap3A_993] {strides = array<i32>} : memref<16x128xf32, #tpu.memory_space<vmem>>, vector<1x16xf32>,
      %swap3A_995 = vector.shape_cast %swap3A_994 : vector<1x16xf32> to vector<16xf32>
      %swap3A_996 = vector.shape_cast %broadcast_in_dim3A_960 : vector<16xf32> to vector<1x16xf32>
      tpu.vector_store %arg9[%swap3A, %swap3A_993], %swap3A_996 {strides = array<i32>} : memref<16x128xf32, #tpu.memory_space<vmem>>, vector<1x16xf32>,
    }
    %scan3A_7 = arith.constant 128 : i32
    %mul3A_8 = arith.constant 640 : i32
    %mul3A_9 = arith.muli %arg1, %mul3A_8 : i32
    %add3A_10 = arith.constant 0 : i32
    %add3A_11 = arith.addi %mul3A_9, %add3A_10 : i32
    %dma_start3A = arith.constant 0 : i32
    %dma_start3A_12 = tpu.memref_slice %arg10[%add3A_11, %dma_start3A] : memref<10240x128xf32, #tpu.memory_space<vmem_shared>> -> memref<16x128xf32, #tpu.memory_space<vmem_shared>>
    %dma_start3A_13 = arith.constant 0 : i32
    %dma_start3A_14 = tpu.memref_slice %arg10[%add3A_11, %dma_start3A_13] : memref<10240x128xf32, #tpu.memory_space<vmem_shared>> -> memref<16x128xf32, #tpu.memory_space<vmem_shared>>
    tpu.enqueue_dma source(%arg9 : memref<16x128xf32, #tpu.memory_space<vmem>>) target(%dma_start3A_14 : memref<16x128xf32, #tpu.memory_space<vmem_shared>>) target_semaphore(%arg17 : memref<!tpu.dma_semaphore, #tpu.memory_space<semaphore_mem>>)
    %mul3A_15 = arith.constant 640 : i32
    %mul3A_16 = arith.muli %arg1, %mul3A_15 : i32
    %add3A_17 = arith.constant 16 : i32
    %add3A_18 = arith.addi %mul3A_16, %add3A_17 : i32
    %dma_start3A_19 = arith.constant 0 : i32
    %dma_start3A_20 = tpu.memref_slice %arg10[%add3A_18, %dma_start3A_19] : memref<10240x128xf32, #tpu.memory_space<vmem_shared>> -> memref<16x128xf32, #tpu.memory_space<vmem_shared>>
    %dma_start3A_21 = arith.constant 0 : i32
    %dma_start3A_22 = tpu.memref_slice %arg10[%add3A_18, %dma_start3A_21] : memref<10240x128xf32, #tpu.memory_space<vmem_shared>> -> memref<16x128xf32, #tpu.memory_space<vmem_shared>>
    tpu.enqueue_dma source(%arg9 : memref<16x128xf32, #tpu.memory_space<vmem>>) target(%dma_start3A_22 : memref<16x128xf32, #tpu.memory_space<vmem_shared>>) target_semaphore(%arg17 : memref<!tpu.dma_semaphore, #tpu.memory_space<semaphore_mem>>)
    %mul3A_23 = arith.constant 640 : i32
    %mul3A_24 = arith.muli %arg1, %mul3A_23 : i32
    %add3A_25 = arith.constant 32 : i32
    %add3A_26 = arith.addi %mul3A_24, %add3A_25 : i32
    %dma_start3A_27 = arith.constant 0 : i32
    %dma_start3A_28 = tpu.memref_slice %arg10[%add3A_26, %dma_start3A_27] : memref<10240x128xf32, #tpu.memory_space<vmem_shared>> -> memref<16x128xf32, #tpu.memory_space<vmem_shared>>
    %dma_start3A_29 = arith.constant 0 : i32
    %dma_start3A_30 = tpu.memref_slice %arg10[%add3A_26, %dma_start3A_29] : memref<10240x128xf32, #tpu.memory_space<vmem_shared>> -> memref<16x128xf32, #tpu.memory_space<vmem_shared>>
    tpu.enqueue_dma source(%arg9 : memref<16x128xf32, #tpu.memory_space<vmem>>) target(%dma_start3A_30 : memref<16x128xf32, #tpu.memory_space<vmem_shared>>) target_semaphore(%arg17 : memref<!tpu.dma_semaphore, #tpu.memory_space<semaphore_mem>>)
    %mul3A_31 = arith.constant 640 : i32
    %mul3A_32 = arith.muli %arg1, %mul3A_31 : i32
    %add3A_33 = arith.constant 48 : i32
    %add3A_34 = arith.addi %mul3A_32, %add3A_33 : i32
    %dma_start3A_35 = arith.constant 0 : i32
    %dma_start3A_36 = tpu.memref_slice %arg10[%add3A_34, %dma_start3A_35] : memref<10240x128xf32, #tpu.memory_space<vmem_shared>> -> memref<16x128xf32, #tpu.memory_space<vmem_shared>>
    %dma_start3A_37 = arith.constant 0 : i32
    %dma_start3A_38 = tpu.memref_slice %arg10[%add3A_34, %dma_start3A_37] : memref<10240x128xf32, #tpu.memory_space<vmem_shared>> -> memref<16x128xf32, #tpu.memory_space<vmem_shared>>
    tpu.enqueue_dma source(%arg9 : memref<16x128xf32, #tpu.memory_space<vmem>>) target(%dma_start3A_38 : memref<16x128xf32, #tpu.memory_space<vmem_shared>>) target_semaphore(%arg17 : memref<!tpu.dma_semaphore, #tpu.memory_space<semaphore_mem>>)
    %mul3A_39 = arith.constant 640 : i32
    %mul3A_40 = arith.muli %arg1, %mul3A_39 : i32
    %add3A_41 = arith.constant 64 : i32
    %add3A_42 = arith.addi %mul3A_40, %add3A_41 : i32
    %dma_start3A_43 = arith.constant 0 : i32
    %dma_start3A_44 = tpu.memref_slice %arg10[%add3A_42, %dma_start3A_43] : memref<10240x128xf32, #tpu.memory_space<vmem_shared>> -> memref<16x128xf32, #tpu.memory_space<vmem_shared>>
    %dma_start3A_45 = arith.constant 0 : i32
    %dma_start3A_46 = tpu.memref_slice %arg10[%add3A_42, %dma_start3A_45] : memref<10240x128xf32, #tpu.memory_space<vmem_shared>> -> memref<16x128xf32, #tpu.memory_space<vmem_shared>>
    tpu.enqueue_dma source(%arg9 : memref<16x128xf32, #tpu.memory_space<vmem>>) target(%dma_start3A_46 : memref<16x128xf32, #tpu.memory_space<vmem_shared>>) target_semaphore(%arg17 : memref<!tpu.dma_semaphore, #tpu.memory_space<semaphore_mem>>)
    %mul3A_47 = arith.constant 640 : i32
    %mul3A_48 = arith.muli %arg1, %mul3A_47 : i32
    %add3A_49 = arith.constant 80 : i32
    %add3A_50 = arith.addi %mul3A_48, %add3A_49 : i32
    %dma_start3A_51 = arith.constant 0 : i32
    %dma_start3A_52 = tpu.memref_slice %arg10[%add3A_50, %dma_start3A_51] : memref<10240x128xf32, #tpu.memory_space<vmem_shared>> -> memref<16x128xf32, #tpu.memory_space<vmem_shared>>
    %dma_start3A_53 = arith.constant 0 : i32
    %dma_start3A_54 = tpu.memref_slice %arg10[%add3A_50, %dma_start3A_53] : memref<10240x128xf32, #tpu.memory_space<vmem_shared>> -> memref<16x128xf32, #tpu.memory_space<vmem_shared>>
    tpu.enqueue_dma source(%arg9 : memref<16x128xf32, #tpu.memory_space<vmem>>) target(%dma_start3A_54 : memref<16x128xf32, #tpu.memory_space<vmem_shared>>) target_semaphore(%arg17 : memref<!tpu.dma_semaphore, #tpu.memory_space<semaphore_mem>>)
    %mul3A_55 = arith.constant 640 : i32
    %mul3A_56 = arith.muli %arg1, %mul3A_55 : i32
    %add3A_57 = arith.constant 96 : i32
    %add3A_58 = arith.addi %mul3A_56, %add3A_57 : i32
    %dma_start3A_59 = arith.constant 0 : i32
    %dma_start3A_60 = tpu.memref_slice %arg10[%add3A_58, %dma_start3A_59] : memref<10240x128xf32, #tpu.memory_space<vmem_shared>> -> memref<16x128xf32, #tpu.memory_space<vmem_shared>>
    %dma_start3A_61 = arith.constant 0 : i32
    %dma_start3A_62 = tpu.memref_slice %arg10[%add3A_58, %dma_start3A_61] : memref<10240x128xf32, #tpu.memory_space<vmem_shared>> -> memref<16x128xf32, #tpu.memory_space<vmem_shared>>
    tpu.enqueue_dma source(%arg9 : memref<16x128xf32, #tpu.memory_space<vmem>>) target(%dma_start3A_62 : memref<16x128xf32, #tpu.memory_space<vmem_shared>>) target_semaphore(%arg17 : memref<!tpu.dma_semaphore, #tpu.memory_space<semaphore_mem>>)
    %mul3A_63 = arith.constant 640 : i32
    %mul3A_64 = arith.muli %arg1, %mul3A_63 : i32
    %add3A_65 = arith.constant 112 : i32
    %add3A_66 = arith.addi %mul3A_64, %add3A_65 : i32
    %dma_start3A_67 = arith.constant 0 : i32
    %dma_start3A_68 = tpu.memref_slice %arg10[%add3A_66, %dma_start3A_67] : memref<10240x128xf32, #tpu.memory_space<vmem_shared>> -> memref<16x128xf32, #tpu.memory_space<vmem_shared>>
    %dma_start3A_69 = arith.constant 0 : i32
    %dma_start3A_70 = tpu.memref_slice %arg10[%add3A_66, %dma_start3A_69] : memref<10240x128xf32, #tpu.memory_space<vmem_shared>> -> memref<16x128xf32, #tpu.memory_space<vmem_shared>>
    tpu.enqueue_dma source(%arg9 : memref<16x128xf32, #tpu.memory_space<vmem>>) target(%dma_start3A_70 : memref<16x128xf32, #tpu.memory_space<vmem_shared>>) target_semaphore(%arg17 : memref<!tpu.dma_semaphore, #tpu.memory_space<semaphore_mem>>)
    %mul3A_71 = arith.constant 640 : i32
    %mul3A_72 = arith.muli %arg1, %mul3A_71 : i32
    %add3A_73 = arith.constant 128 : i32
    %add3A_74 = arith.addi %mul3A_72, %add3A_73 : i32
    %dma_start3A_75 = arith.constant 0 : i32
    %dma_start3A_76 = tpu.memref_slice %arg10[%add3A_74, %dma_start3A_75] : memref<10240x128xf32, #tpu.memory_space<vmem_shared>> -> memref<16x128xf32, #tpu.memory_space<vmem_shared>>
    %dma_start3A_77 = arith.constant 0 : i32
    %dma_start3A_78 = tpu.memref_slice %arg10[%add3A_74, %dma_start3A_77] : memref<10240x128xf32, #tpu.memory_space<vmem_shared>> -> memref<16x128xf32, #tpu.memory_space<vmem_shared>>
    tpu.enqueue_dma source(%arg9 : memref<16x128xf32, #tpu.memory_space<vmem>>) target(%dma_start3A_78 : memref<16x128xf32, #tpu.memory_space<vmem_shared>>) target_semaphore(%arg17 : memref<!tpu.dma_semaphore, #tpu.memory_space<semaphore_mem>>)
    %mul3A_79 = arith.constant 640 : i32
    %mul3A_80 = arith.muli %arg1, %mul3A_79 : i32
    %add3A_81 = arith.constant 144 : i32
    %add3A_82 = arith.addi %mul3A_80, %add3A_81 : i32
    %dma_start3A_83 = arith.constant 0 : i32
    %dma_start3A_84 = tpu.memref_slice %arg10[%add3A_82, %dma_start3A_83] : memref<10240x128xf32, #tpu.memory_space<vmem_shared>> -> memref<16x128xf32, #tpu.memory_space<vmem_shared>>
    %dma_start3A_85 = arith.constant 0 : i32
    %dma_start3A_86 = tpu.memref_slice %arg10[%add3A_82, %dma_start3A_85] : memref<10240x128xf32, #tpu.memory_space<vmem_shared>> -> memref<16x128xf32, #tpu.memory_space<vmem_shared>>
    tpu.enqueue_dma source(%arg9 : memref<16x128xf32, #tpu.memory_space<vmem>>) target(%dma_start3A_86 : memref<16x128xf32, #tpu.memory_space<vmem_shared>>) target_semaphore(%arg17 : memref<!tpu.dma_semaphore, #tpu.memory_space<semaphore_mem>>)
    %mul3A_87 = arith.constant 640 : i32
    %mul3A_88 = arith.muli %arg1, %mul3A_87 : i32
    %add3A_89 = arith.constant 160 : i32
    %add3A_90 = arith.addi %mul3A_88, %add3A_89 : i32
    %dma_start3A_91 = arith.constant 0 : i32
    %dma_start3A_92 = tpu.memref_slice %arg10[%add3A_90, %dma_start3A_91] : memref<10240x128xf32, #tpu.memory_space<vmem_shared>> -> memref<16x128xf32, #tpu.memory_space<vmem_shared>>
    %dma_start3A_93 = arith.constant 0 : i32
    %dma_start3A_94 = tpu.memref_slice %arg10[%add3A_90, %dma_start3A_93] : memref<10240x128xf32, #tpu.memory_space<vmem_shared>> -> memref<16x128xf32, #tpu.memory_space<vmem_shared>>
    tpu.enqueue_dma source(%arg9 : memref<16x128xf32, #tpu.memory_space<vmem>>) target(%dma_start3A_94 : memref<16x128xf32, #tpu.memory_space<vmem_shared>>) target_semaphore(%arg17 : memref<!tpu.dma_semaphore, #tpu.memory_space<semaphore_mem>>)
    %mul3A_95 = arith.constant 640 : i32
    %mul3A_96 = arith.muli %arg1, %mul3A_95 : i32
    %add3A_97 = arith.constant 176 : i32
    %add3A_98 = arith.addi %mul3A_96, %add3A_97 : i32
    %dma_start3A_99 = arith.constant 0 : i32
    %dma_start3A_100 = tpu.memref_slice %arg10[%add3A_98, %dma_start3A_99] : memref<10240x128xf32, #tpu.memory_space<vmem_shared>> -> memref<16x128xf32, #tpu.memory_space<vmem_shared>>
    %dma_start3A_101 = arith.constant 0 : i32
    %dma_start3A_102 = tpu.memref_slice %arg10[%add3A_98, %dma_start3A_101] : memref<10240x128xf32, #tpu.memory_space<vmem_shared>> -> memref<16x128xf32, #tpu.memory_space<vmem_shared>>
    tpu.enqueue_dma source(%arg9 : memref<16x128xf32, #tpu.memory_space<vmem>>) target(%dma_start3A_102 : memref<16x128xf32, #tpu.memory_space<vmem_shared>>) target_semaphore(%arg17 : memref<!tpu.dma_semaphore, #tpu.memory_space<semaphore_mem>>)
    %mul3A_103 = arith.constant 640 : i32
    %mul3A_104 = arith.muli %arg1, %mul3A_103 : i32
    %add3A_105 = arith.constant 192 : i32
    %add3A_106 = arith.addi %mul3A_104, %add3A_105 : i32
    %dma_start3A_107 = arith.constant 0 : i32
    %dma_start3A_108 = tpu.memref_slice %arg10[%add3A_106, %dma_start3A_107] : memref<10240x128xf32, #tpu.memory_space<vmem_shared>> -> memref<16x128xf32, #tpu.memory_space<vmem_shared>>
    %dma_start3A_109 = arith.constant 0 : i32
    %dma_start3A_110 = tpu.memref_slice %arg10[%add3A_106, %dma_start3A_109] : memref<10240x128xf32, #tpu.memory_space<vmem_shared>> -> memref<16x128xf32, #tpu.memory_space<vmem_shared>>
    tpu.enqueue_dma source(%arg9 : memref<16x128xf32, #tpu.memory_space<vmem>>) target(%dma_start3A_110 : memref<16x128xf32, #tpu.memory_space<vmem_shared>>) target_semaphore(%arg17 : memref<!tpu.dma_semaphore, #tpu.memory_space<semaphore_mem>>)
    %mul3A_111 = arith.constant 640 : i32
    %mul3A_112 = arith.muli %arg1, %mul3A_111 : i32
    %add3A_113 = arith.constant 208 : i32
    %add3A_114 = arith.addi %mul3A_112, %add3A_113 : i32
    %dma_start3A_115 = arith.constant 0 : i32
    %dma_start3A_116 = tpu.memref_slice %arg10[%add3A_114, %dma_start3A_115] : memref<10240x128xf32, #tpu.memory_space<vmem_shared>> -> memref<16x128xf32, #tpu.memory_space<vmem_shared>>
    %dma_start3A_117 = arith.constant 0 : i32
    %dma_start3A_118 = tpu.memref_slice %arg10[%add3A_114, %dma_start3A_117] : memref<10240x128xf32, #tpu.memory_space<vmem_shared>> -> memref<16x128xf32, #tpu.memory_space<vmem_shared>>
    tpu.enqueue_dma source(%arg9 : memref<16x128xf32, #tpu.memory_space<vmem>>) target(%dma_start3A_118 : memref<16x128xf32, #tpu.memory_space<vmem_shared>>) target_semaphore(%arg17 : memref<!tpu.dma_semaphore, #tpu.memory_space<semaphore_mem>>)
    %mul3A_119 = arith.constant 640 : i32
    %mul3A_120 = arith.muli %arg1, %mul3A_119 : i32
    %add3A_121 = arith.constant 224 : i32
    %add3A_122 = arith.addi %mul3A_120, %add3A_121 : i32
    %dma_start3A_123 = arith.constant 0 : i32
    %dma_start3A_124 = tpu.memref_slice %arg10[%add3A_122, %dma_start3A_123] : memref<10240x128xf32, #tpu.memory_space<vmem_shared>> -> memref<16x128xf32, #tpu.memory_space<vmem_shared>>
    %dma_start3A_125 = arith.constant 0 : i32
    %dma_start3A_126 = tpu.memref_slice %arg10[%add3A_122, %dma_start3A_125] : memref<10240x128xf32, #tpu.memory_space<vmem_shared>> -> memref<16x128xf32, #tpu.memory_space<vmem_shared>>
    tpu.enqueue_dma source(%arg9 : memref<16x128xf32, #tpu.memory_space<vmem>>) target(%dma_start3A_126 : memref<16x128xf32, #tpu.memory_space<vmem_shared>>) target_semaphore(%arg17 : memref<!tpu.dma_semaphore, #tpu.memory_space<semaphore_mem>>)
    %mul3A_127 = arith.constant 640 : i32
    %mul3A_128 = arith.muli %arg1, %mul3A_127 : i32
    %add3A_129 = arith.constant 240 : i32
    %add3A_130 = arith.addi %mul3A_128, %add3A_129 : i32
    %dma_start3A_131 = arith.constant 0 : i32
    %dma_start3A_132 = tpu.memref_slice %arg10[%add3A_130, %dma_start3A_131] : memref<10240x128xf32, #tpu.memory_space<vmem_shared>> -> memref<16x128xf32, #tpu.memory_space<vmem_shared>>
    %dma_start3A_133 = arith.constant 0 : i32
    %dma_start3A_134 = tpu.memref_slice %arg10[%add3A_130, %dma_start3A_133] : memref<10240x128xf32, #tpu.memory_space<vmem_shared>> -> memref<16x128xf32, #tpu.memory_space<vmem_shared>>
    tpu.enqueue_dma source(%arg9 : memref<16x128xf32, #tpu.memory_space<vmem>>) target(%dma_start3A_134 : memref<16x128xf32, #tpu.memory_space<vmem_shared>>) target_semaphore(%arg17 : memref<!tpu.dma_semaphore, #tpu.memory_space<semaphore_mem>>)
    %mul3A_135 = arith.constant 640 : i32
    %mul3A_136 = arith.muli %arg1, %mul3A_135 : i32
    %add3A_137 = arith.constant 256 : i32
    %add3A_138 = arith.addi %mul3A_136, %add3A_137 : i32
    %dma_start3A_139 = arith.constant 0 : i32
    %dma_start3A_140 = tpu.memref_slice %arg10[%add3A_138, %dma_start3A_139] : memref<10240x128xf32, #tpu.memory_space<vmem_shared>> -> memref<16x128xf32, #tpu.memory_space<vmem_shared>>
    %dma_start3A_141 = arith.constant 0 : i32
    %dma_start3A_142 = tpu.memref_slice %arg10[%add3A_138, %dma_start3A_141] : memref<10240x128xf32, #tpu.memory_space<vmem_shared>> -> memref<16x128xf32, #tpu.memory_space<vmem_shared>>
    tpu.enqueue_dma source(%arg9 : memref<16x128xf32, #tpu.memory_space<vmem>>) target(%dma_start3A_142 : memref<16x128xf32, #tpu.memory_space<vmem_shared>>) target_semaphore(%arg17 : memref<!tpu.dma_semaphore, #tpu.memory_space<semaphore_mem>>)
    %mul3A_143 = arith.constant 640 : i32
    %mul3A_144 = arith.muli %arg1, %mul3A_143 : i32
    %add3A_145 = arith.constant 272 : i32
    %add3A_146 = arith.addi %mul3A_144, %add3A_145 : i32
    %dma_start3A_147 = arith.constant 0 : i32
    %dma_start3A_148 = tpu.memref_slice %arg10[%add3A_146, %dma_start3A_147] : memref<10240x128xf32, #tpu.memory_space<vmem_shared>> -> memref<16x128xf32, #tpu.memory_space<vmem_shared>>
    %dma_start3A_149 = arith.constant 0 : i32
    %dma_start3A_150 = tpu.memref_slice %arg10[%add3A_146, %dma_start3A_149] : memref<10240x128xf32, #tpu.memory_space<vmem_shared>> -> memref<16x128xf32, #tpu.memory_space<vmem_shared>>
    tpu.enqueue_dma source(%arg9 : memref<16x128xf32, #tpu.memory_space<vmem>>) target(%dma_start3A_150 : memref<16x128xf32, #tpu.memory_space<vmem_shared>>) target_semaphore(%arg17 : memref<!tpu.dma_semaphore, #tpu.memory_space<semaphore_mem>>)
    %mul3A_151 = arith.constant 640 : i32
    %mul3A_152 = arith.muli %arg1, %mul3A_151 : i32
    %add3A_153 = arith.constant 288 : i32
    %add3A_154 = arith.addi %mul3A_152, %add3A_153 : i32
    %dma_start3A_155 = arith.constant 0 : i32
    %dma_start3A_156 = tpu.memref_slice %arg10[%add3A_154, %dma_start3A_155] : memref<10240x128xf32, #tpu.memory_space<vmem_shared>> -> memref<16x128xf32, #tpu.memory_space<vmem_shared>>
    %dma_start3A_157 = arith.constant 0 : i32
    %dma_start3A_158 = tpu.memref_slice %arg10[%add3A_154, %dma_start3A_157] : memref<10240x128xf32, #tpu.memory_space<vmem_shared>> -> memref<16x128xf32, #tpu.memory_space<vmem_shared>>
    tpu.enqueue_dma source(%arg9 : memref<16x128xf32, #tpu.memory_space<vmem>>) target(%dma_start3A_158 : memref<16x128xf32, #tpu.memory_space<vmem_shared>>) target_semaphore(%arg17 : memref<!tpu.dma_semaphore, #tpu.memory_space<semaphore_mem>>)
    %mul3A_159 = arith.constant 640 : i32
    %mul3A_160 = arith.muli %arg1, %mul3A_159 : i32
    %add3A_161 = arith.constant 304 : i32
    %add3A_162 = arith.addi %mul3A_160, %add3A_161 : i32
    %dma_start3A_163 = arith.constant 0 : i32
    %dma_start3A_164 = tpu.memref_slice %arg10[%add3A_162, %dma_start3A_163] : memref<10240x128xf32, #tpu.memory_space<vmem_shared>> -> memref<16x128xf32, #tpu.memory_space<vmem_shared>>
    %dma_start3A_165 = arith.constant 0 : i32
    %dma_start3A_166 = tpu.memref_slice %arg10[%add3A_162, %dma_start3A_165] : memref<10240x128xf32, #tpu.memory_space<vmem_shared>> -> memref<16x128xf32, #tpu.memory_space<vmem_shared>>
    tpu.enqueue_dma source(%arg9 : memref<16x128xf32, #tpu.memory_space<vmem>>) target(%dma_start3A_166 : memref<16x128xf32, #tpu.memory_space<vmem_shared>>) target_semaphore(%arg17 : memref<!tpu.dma_semaphore, #tpu.memory_space<semaphore_mem>>)
    %mul3A_167 = arith.constant 640 : i32
    %mul3A_168 = arith.muli %arg1, %mul3A_167 : i32
    %add3A_169 = arith.constant 320 : i32
    %add3A_170 = arith.addi %mul3A_168, %add3A_169 : i32
    %dma_start3A_171 = arith.constant 0 : i32
    %dma_start3A_172 = tpu.memref_slice %arg10[%add3A_170, %dma_start3A_171] : memref<10240x128xf32, #tpu.memory_space<vmem_shared>> -> memref<16x128xf32, #tpu.memory_space<vmem_shared>>
    %dma_start3A_173 = arith.constant 0 : i32
    %dma_start3A_174 = tpu.memref_slice %arg10[%add3A_170, %dma_start3A_173] : memref<10240x128xf32, #tpu.memory_space<vmem_shared>> -> memref<16x128xf32, #tpu.memory_space<vmem_shared>>
    tpu.enqueue_dma source(%arg9 : memref<16x128xf32, #tpu.memory_space<vmem>>) target(%dma_start3A_174 : memref<16x128xf32, #tpu.memory_space<vmem_shared>>) target_semaphore(%arg17 : memref<!tpu.dma_semaphore, #tpu.memory_space<semaphore_mem>>)
    %mul3A_175 = arith.constant 640 : i32
    %mul3A_176 = arith.muli %arg1, %mul3A_175 : i32
    %add3A_177 = arith.constant 336 : i32
    %add3A_178 = arith.addi %mul3A_176, %add3A_177 : i32
    %dma_start3A_179 = arith.constant 0 : i32
    %dma_start3A_180 = tpu.memref_slice %arg10[%add3A_178, %dma_start3A_179] : memref<10240x128xf32, #tpu.memory_space<vmem_shared>> -> memref<16x128xf32, #tpu.memory_space<vmem_shared>>
    %dma_start3A_181 = arith.constant 0 : i32
    %dma_start3A_182 = tpu.memref_slice %arg10[%add3A_178, %dma_start3A_181] : memref<10240x128xf32, #tpu.memory_space<vmem_shared>> -> memref<16x128xf32, #tpu.memory_space<vmem_shared>>
    tpu.enqueue_dma source(%arg9 : memref<16x128xf32, #tpu.memory_space<vmem>>) target(%dma_start3A_182 : memref<16x128xf32, #tpu.memory_space<vmem_shared>>) target_semaphore(%arg17 : memref<!tpu.dma_semaphore, #tpu.memory_space<semaphore_mem>>)
    %mul3A_183 = arith.constant 640 : i32
    %mul3A_184 = arith.muli %arg1, %mul3A_183 : i32
    %add3A_185 = arith.constant 352 : i32
    %add3A_186 = arith.addi %mul3A_184, %add3A_185 : i32
    %dma_start3A_187 = arith.constant 0 : i32
    %dma_start3A_188 = tpu.memref_slice %arg10[%add3A_186, %dma_start3A_187] : memref<10240x128xf32, #tpu.memory_space<vmem_shared>> -> memref<16x128xf32, #tpu.memory_space<vmem_shared>>
    %dma_start3A_189 = arith.constant 0 : i32
    %dma_start3A_190 = tpu.memref_slice %arg10[%add3A_186, %dma_start3A_189] : memref<10240x128xf32, #tpu.memory_space<vmem_shared>> -> memref<16x128xf32, #tpu.memory_space<vmem_shared>>
    tpu.enqueue_dma source(%arg9 : memref<16x128xf32, #tpu.memory_space<vmem>>) target(%dma_start3A_190 : memref<16x128xf32, #tpu.memory_space<vmem_shared>>) target_semaphore(%arg17 : memref<!tpu.dma_semaphore, #tpu.memory_space<semaphore_mem>>)
    %mul3A_191 = arith.constant 640 : i32
    %mul3A_192 = arith.muli %arg1, %mul3A_191 : i32
    %add3A_193 = arith.constant 368 : i32
    %add3A_194 = arith.addi %mul3A_192, %add3A_193 : i32
    %dma_start3A_195 = arith.constant 0 : i32
    %dma_start3A_196 = tpu.memref_slice %arg10[%add3A_194, %dma_start3A_195] : memref<10240x128xf32, #tpu.memory_space<vmem_shared>> -> memref<16x128xf32, #tpu.memory_space<vmem_shared>>
    %dma_start3A_197 = arith.constant 0 : i32
    %dma_start3A_198 = tpu.memref_slice %arg10[%add3A_194, %dma_start3A_197] : memref<10240x128xf32, #tpu.memory_space<vmem_shared>> -> memref<16x128xf32, #tpu.memory_space<vmem_shared>>
    tpu.enqueue_dma source(%arg9 : memref<16x128xf32, #tpu.memory_space<vmem>>) target(%dma_start3A_198 : memref<16x128xf32, #tpu.memory_space<vmem_shared>>) target_semaphore(%arg17 : memref<!tpu.dma_semaphore, #tpu.memory_space<semaphore_mem>>)
    %mul3A_199 = arith.constant 640 : i32
    %mul3A_200 = arith.muli %arg1, %mul3A_199 : i32
    %add3A_201 = arith.constant 384 : i32
    %add3A_202 = arith.addi %mul3A_200, %add3A_201 : i32
    %dma_start3A_203 = arith.constant 0 : i32
    %dma_start3A_204 = tpu.memref_slice %arg10[%add3A_202, %dma_start3A_203] : memref<10240x128xf32, #tpu.memory_space<vmem_shared>> -> memref<16x128xf32, #tpu.memory_space<vmem_shared>>
    %dma_start3A_205 = arith.constant 0 : i32
    %dma_start3A_206 = tpu.memref_slice %arg10[%add3A_202, %dma_start3A_205] : memref<10240x128xf32, #tpu.memory_space<vmem_shared>> -> memref<16x128xf32, #tpu.memory_space<vmem_shared>>
    tpu.enqueue_dma source(%arg9 : memref<16x128xf32, #tpu.memory_space<vmem>>) target(%dma_start3A_206 : memref<16x128xf32, #tpu.memory_space<vmem_shared>>) target_semaphore(%arg17 : memref<!tpu.dma_semaphore, #tpu.memory_space<semaphore_mem>>)
    %mul3A_207 = arith.constant 640 : i32
    %mul3A_208 = arith.muli %arg1, %mul3A_207 : i32
    %add3A_209 = arith.constant 400 : i32
    %add3A_210 = arith.addi %mul3A_208, %add3A_209 : i32
    %dma_start3A_211 = arith.constant 0 : i32
    %dma_start3A_212 = tpu.memref_slice %arg10[%add3A_210, %dma_start3A_211] : memref<10240x128xf32, #tpu.memory_space<vmem_shared>> -> memref<16x128xf32, #tpu.memory_space<vmem_shared>>
    %dma_start3A_213 = arith.constant 0 : i32
    %dma_start3A_214 = tpu.memref_slice %arg10[%add3A_210, %dma_start3A_213] : memref<10240x128xf32, #tpu.memory_space<vmem_shared>> -> memref<16x128xf32, #tpu.memory_space<vmem_shared>>
    tpu.enqueue_dma source(%arg9 : memref<16x128xf32, #tpu.memory_space<vmem>>) target(%dma_start3A_214 : memref<16x128xf32, #tpu.memory_space<vmem_shared>>) target_semaphore(%arg17 : memref<!tpu.dma_semaphore, #tpu.memory_space<semaphore_mem>>)
    %mul3A_215 = arith.constant 640 : i32
    %mul3A_216 = arith.muli %arg1, %mul3A_215 : i32
    %add3A_217 = arith.constant 416 : i32
    %add3A_218 = arith.addi %mul3A_216, %add3A_217 : i32
    %dma_start3A_219 = arith.constant 0 : i32
    %dma_start3A_220 = tpu.memref_slice %arg10[%add3A_218, %dma_start3A_219] : memref<10240x128xf32, #tpu.memory_space<vmem_shared>> -> memref<16x128xf32, #tpu.memory_space<vmem_shared>>
    %dma_start3A_221 = arith.constant 0 : i32
    %dma_start3A_222 = tpu.memref_slice %arg10[%add3A_218, %dma_start3A_221] : memref<10240x128xf32, #tpu.memory_space<vmem_shared>> -> memref<16x128xf32, #tpu.memory_space<vmem_shared>>
    tpu.enqueue_dma source(%arg9 : memref<16x128xf32, #tpu.memory_space<vmem>>) target(%dma_start3A_222 : memref<16x128xf32, #tpu.memory_space<vmem_shared>>) target_semaphore(%arg17 : memref<!tpu.dma_semaphore, #tpu.memory_space<semaphore_mem>>)
    %mul3A_223 = arith.constant 640 : i32
    %mul3A_224 = arith.muli %arg1, %mul3A_223 : i32
    %add3A_225 = arith.constant 432 : i32
    %add3A_226 = arith.addi %mul3A_224, %add3A_225 : i32
    %dma_start3A_227 = arith.constant 0 : i32
    %dma_start3A_228 = tpu.memref_slice %arg10[%add3A_226, %dma_start3A_227] : memref<10240x128xf32, #tpu.memory_space<vmem_shared>> -> memref<16x128xf32, #tpu.memory_space<vmem_shared>>
    %dma_start3A_229 = arith.constant 0 : i32
    %dma_start3A_230 = tpu.memref_slice %arg10[%add3A_226, %dma_start3A_229] : memref<10240x128xf32, #tpu.memory_space<vmem_shared>> -> memref<16x128xf32, #tpu.memory_space<vmem_shared>>
    tpu.enqueue_dma source(%arg9 : memref<16x128xf32, #tpu.memory_space<vmem>>) target(%dma_start3A_230 : memref<16x128xf32, #tpu.memory_space<vmem_shared>>) target_semaphore(%arg17 : memref<!tpu.dma_semaphore, #tpu.memory_space<semaphore_mem>>)
    %mul3A_231 = arith.constant 640 : i32
    %mul3A_232 = arith.muli %arg1, %mul3A_231 : i32
    %add3A_233 = arith.constant 448 : i32
    %add3A_234 = arith.addi %mul3A_232, %add3A_233 : i32
    %dma_start3A_235 = arith.constant 0 : i32
    %dma_start3A_236 = tpu.memref_slice %arg10[%add3A_234, %dma_start3A_235] : memref<10240x128xf32, #tpu.memory_space<vmem_shared>> -> memref<16x128xf32, #tpu.memory_space<vmem_shared>>
    %dma_start3A_237 = arith.constant 0 : i32
    %dma_start3A_238 = tpu.memref_slice %arg10[%add3A_234, %dma_start3A_237] : memref<10240x128xf32, #tpu.memory_space<vmem_shared>> -> memref<16x128xf32, #tpu.memory_space<vmem_shared>>
    tpu.enqueue_dma source(%arg9 : memref<16x128xf32, #tpu.memory_space<vmem>>) target(%dma_start3A_238 : memref<16x128xf32, #tpu.memory_space<vmem_shared>>) target_semaphore(%arg17 : memref<!tpu.dma_semaphore, #tpu.memory_space<semaphore_mem>>)
    %mul3A_239 = arith.constant 640 : i32
    %mul3A_240 = arith.muli %arg1, %mul3A_239 : i32
    %add3A_241 = arith.constant 464 : i32
    %add3A_242 = arith.addi %mul3A_240, %add3A_241 : i32
    %dma_start3A_243 = arith.constant 0 : i32
    %dma_start3A_244 = tpu.memref_slice %arg10[%add3A_242, %dma_start3A_243] : memref<10240x128xf32, #tpu.memory_space<vmem_shared>> -> memref<16x128xf32, #tpu.memory_space<vmem_shared>>
    %dma_start3A_245 = arith.constant 0 : i32
    %dma_start3A_246 = tpu.memref_slice %arg10[%add3A_242, %dma_start3A_245] : memref<10240x128xf32, #tpu.memory_space<vmem_shared>> -> memref<16x128xf32, #tpu.memory_space<vmem_shared>>
    tpu.enqueue_dma source(%arg9 : memref<16x128xf32, #tpu.memory_space<vmem>>) target(%dma_start3A_246 : memref<16x128xf32, #tpu.memory_space<vmem_shared>>) target_semaphore(%arg17 : memref<!tpu.dma_semaphore, #tpu.memory_space<semaphore_mem>>)
    %mul3A_247 = arith.constant 640 : i32
    %mul3A_248 = arith.muli %arg1, %mul3A_247 : i32
    %add3A_249 = arith.constant 480 : i32
    %add3A_250 = arith.addi %mul3A_248, %add3A_249 : i32
    %dma_start3A_251 = arith.constant 0 : i32
    %dma_start3A_252 = tpu.memref_slice %arg10[%add3A_250, %dma_start3A_251] : memref<10240x128xf32, #tpu.memory_space<vmem_shared>> -> memref<16x128xf32, #tpu.memory_space<vmem_shared>>
    %dma_start3A_253 = arith.constant 0 : i32
    %dma_start3A_254 = tpu.memref_slice %arg10[%add3A_250, %dma_start3A_253] : memref<10240x128xf32, #tpu.memory_space<vmem_shared>> -> memref<16x128xf32, #tpu.memory_space<vmem_shared>>
    tpu.enqueue_dma source(%arg9 : memref<16x128xf32, #tpu.memory_space<vmem>>) target(%dma_start3A_254 : memref<16x128xf32, #tpu.memory_space<vmem_shared>>) target_semaphore(%arg17 : memref<!tpu.dma_semaphore, #tpu.memory_space<semaphore_mem>>)
    %mul3A_255 = arith.constant 640 : i32
    %mul3A_256 = arith.muli %arg1, %mul3A_255 : i32
    %add3A_257 = arith.constant 496 : i32
    %add3A_258 = arith.addi %mul3A_256, %add3A_257 : i32
    %dma_start3A_259 = arith.constant 0 : i32
    %dma_start3A_260 = tpu.memref_slice %arg10[%add3A_258, %dma_start3A_259] : memref<10240x128xf32, #tpu.memory_space<vmem_shared>> -> memref<16x128xf32, #tpu.memory_space<vmem_shared>>
    %dma_start3A_261 = arith.constant 0 : i32
    %dma_start3A_262 = tpu.memref_slice %arg10[%add3A_258, %dma_start3A_261] : memref<10240x128xf32, #tpu.memory_space<vmem_shared>> -> memref<16x128xf32, #tpu.memory_space<vmem_shared>>
    tpu.enqueue_dma source(%arg9 : memref<16x128xf32, #tpu.memory_space<vmem>>) target(%dma_start3A_262 : memref<16x128xf32, #tpu.memory_space<vmem_shared>>) target_semaphore(%arg17 : memref<!tpu.dma_semaphore, #tpu.memory_space<semaphore_mem>>)
    %mul3A_263 = arith.constant 640 : i32
    %mul3A_264 = arith.muli %arg1, %mul3A_263 : i32
    %add3A_265 = arith.constant 512 : i32
    %add3A_266 = arith.addi %mul3A_264, %add3A_265 : i32
    %dma_start3A_267 = arith.constant 0 : i32
    %dma_start3A_268 = tpu.memref_slice %arg10[%add3A_266, %dma_start3A_267] : memref<10240x128xf32, #tpu.memory_space<vmem_shared>> -> memref<16x128xf32, #tpu.memory_space<vmem_shared>>
    %dma_start3A_269 = arith.constant 0 : i32
    %dma_start3A_270 = tpu.memref_slice %arg10[%add3A_266, %dma_start3A_269] : memref<10240x128xf32, #tpu.memory_space<vmem_shared>> -> memref<16x128xf32, #tpu.memory_space<vmem_shared>>
    tpu.enqueue_dma source(%arg9 : memref<16x128xf32, #tpu.memory_space<vmem>>) target(%dma_start3A_270 : memref<16x128xf32, #tpu.memory_space<vmem_shared>>) target_semaphore(%arg17 : memref<!tpu.dma_semaphore, #tpu.memory_space<semaphore_mem>>)
    %mul3A_271 = arith.constant 640 : i32
    %mul3A_272 = arith.muli %arg1, %mul3A_271 : i32
    %add3A_273 = arith.constant 528 : i32
    %add3A_274 = arith.addi %mul3A_272, %add3A_273 : i32
    %dma_start3A_275 = arith.constant 0 : i32
    %dma_start3A_276 = tpu.memref_slice %arg10[%add3A_274, %dma_start3A_275] : memref<10240x128xf32, #tpu.memory_space<vmem_shared>> -> memref<16x128xf32, #tpu.memory_space<vmem_shared>>
    %dma_start3A_277 = arith.constant 0 : i32
    %dma_start3A_278 = tpu.memref_slice %arg10[%add3A_274, %dma_start3A_277] : memref<10240x128xf32, #tpu.memory_space<vmem_shared>> -> memref<16x128xf32, #tpu.memory_space<vmem_shared>>
    tpu.enqueue_dma source(%arg9 : memref<16x128xf32, #tpu.memory_space<vmem>>) target(%dma_start3A_278 : memref<16x128xf32, #tpu.memory_space<vmem_shared>>) target_semaphore(%arg17 : memref<!tpu.dma_semaphore, #tpu.memory_space<semaphore_mem>>)
    %mul3A_279 = arith.constant 640 : i32
    %mul3A_280 = arith.muli %arg1, %mul3A_279 : i32
    %add3A_281 = arith.constant 544 : i32
    %add3A_282 = arith.addi %mul3A_280, %add3A_281 : i32
    %dma_start3A_283 = arith.constant 0 : i32
    %dma_start3A_284 = tpu.memref_slice %arg10[%add3A_282, %dma_start3A_283] : memref<10240x128xf32, #tpu.memory_space<vmem_shared>> -> memref<16x128xf32, #tpu.memory_space<vmem_shared>>
    %dma_start3A_285 = arith.constant 0 : i32
    %dma_start3A_286 = tpu.memref_slice %arg10[%add3A_282, %dma_start3A_285] : memref<10240x128xf32, #tpu.memory_space<vmem_shared>> -> memref<16x128xf32, #tpu.memory_space<vmem_shared>>
    tpu.enqueue_dma source(%arg9 : memref<16x128xf32, #tpu.memory_space<vmem>>) target(%dma_start3A_286 : memref<16x128xf32, #tpu.memory_space<vmem_shared>>) target_semaphore(%arg17 : memref<!tpu.dma_semaphore, #tpu.memory_space<semaphore_mem>>)
    %mul3A_287 = arith.constant 640 : i32
    %mul3A_288 = arith.muli %arg1, %mul3A_287 : i32
    %add3A_289 = arith.constant 560 : i32
    %add3A_290 = arith.addi %mul3A_288, %add3A_289 : i32
    %dma_start3A_291 = arith.constant 0 : i32
    %dma_start3A_292 = tpu.memref_slice %arg10[%add3A_290, %dma_start3A_291] : memref<10240x128xf32, #tpu.memory_space<vmem_shared>> -> memref<16x128xf32, #tpu.memory_space<vmem_shared>>
    %dma_start3A_293 = arith.constant 0 : i32
    %dma_start3A_294 = tpu.memref_slice %arg10[%add3A_290, %dma_start3A_293] : memref<10240x128xf32, #tpu.memory_space<vmem_shared>> -> memref<16x128xf32, #tpu.memory_space<vmem_shared>>
    tpu.enqueue_dma source(%arg9 : memref<16x128xf32, #tpu.memory_space<vmem>>) target(%dma_start3A_294 : memref<16x128xf32, #tpu.memory_space<vmem_shared>>) target_semaphore(%arg17 : memref<!tpu.dma_semaphore, #tpu.memory_space<semaphore_mem>>)
    %mul3A_295 = arith.constant 640 : i32
    %mul3A_296 = arith.muli %arg1, %mul3A_295 : i32
    %add3A_297 = arith.constant 576 : i32
    %add3A_298 = arith.addi %mul3A_296, %add3A_297 : i32
    %dma_start3A_299 = arith.constant 0 : i32
    %dma_start3A_300 = tpu.memref_slice %arg10[%add3A_298, %dma_start3A_299] : memref<10240x128xf32, #tpu.memory_space<vmem_shared>> -> memref<16x128xf32, #tpu.memory_space<vmem_shared>>
    %dma_start3A_301 = arith.constant 0 : i32
    %dma_start3A_302 = tpu.memref_slice %arg10[%add3A_298, %dma_start3A_301] : memref<10240x128xf32, #tpu.memory_space<vmem_shared>> -> memref<16x128xf32, #tpu.memory_space<vmem_shared>>
    tpu.enqueue_dma source(%arg9 : memref<16x128xf32, #tpu.memory_space<vmem>>) target(%dma_start3A_302 : memref<16x128xf32, #tpu.memory_space<vmem_shared>>) target_semaphore(%arg17 : memref<!tpu.dma_semaphore, #tpu.memory_space<semaphore_mem>>)
    %mul3A_303 = arith.constant 640 : i32
    %mul3A_304 = arith.muli %arg1, %mul3A_303 : i32
    %add3A_305 = arith.constant 592 : i32
    %add3A_306 = arith.addi %mul3A_304, %add3A_305 : i32
    %dma_start3A_307 = arith.constant 0 : i32
    %dma_start3A_308 = tpu.memref_slice %arg10[%add3A_306, %dma_start3A_307] : memref<10240x128xf32, #tpu.memory_space<vmem_shared>> -> memref<16x128xf32, #tpu.memory_space<vmem_shared>>
    %dma_start3A_309 = arith.constant 0 : i32
    %dma_start3A_310 = tpu.memref_slice %arg10[%add3A_306, %dma_start3A_309] : memref<10240x128xf32, #tpu.memory_space<vmem_shared>> -> memref<16x128xf32, #tpu.memory_space<vmem_shared>>
    tpu.enqueue_dma source(%arg9 : memref<16x128xf32, #tpu.memory_space<vmem>>) target(%dma_start3A_310 : memref<16x128xf32, #tpu.memory_space<vmem_shared>>) target_semaphore(%arg17 : memref<!tpu.dma_semaphore, #tpu.memory_space<semaphore_mem>>)
    %mul3A_311 = arith.constant 640 : i32
    %mul3A_312 = arith.muli %arg1, %mul3A_311 : i32
    %add3A_313 = arith.constant 608 : i32
    %add3A_314 = arith.addi %mul3A_312, %add3A_313 : i32
    %dma_start3A_315 = arith.constant 0 : i32
    %dma_start3A_316 = tpu.memref_slice %arg10[%add3A_314, %dma_start3A_315] : memref<10240x128xf32, #tpu.memory_space<vmem_shared>> -> memref<16x128xf32, #tpu.memory_space<vmem_shared>>
    %dma_start3A_317 = arith.constant 0 : i32
    %dma_start3A_318 = tpu.memref_slice %arg10[%add3A_314, %dma_start3A_317] : memref<10240x128xf32, #tpu.memory_space<vmem_shared>> -> memref<16x128xf32, #tpu.memory_space<vmem_shared>>
    tpu.enqueue_dma source(%arg9 : memref<16x128xf32, #tpu.memory_space<vmem>>) target(%dma_start3A_318 : memref<16x128xf32, #tpu.memory_space<vmem_shared>>) target_semaphore(%arg17 : memref<!tpu.dma_semaphore, #tpu.memory_space<semaphore_mem>>)
    %mul3A_319 = arith.constant 640 : i32
    %mul3A_320 = arith.muli %arg1, %mul3A_319 : i32
    %add3A_321 = arith.constant 624 : i32
    %add3A_322 = arith.addi %mul3A_320, %add3A_321 : i32
    %dma_start3A_323 = arith.constant 0 : i32
    %dma_start3A_324 = tpu.memref_slice %arg10[%add3A_322, %dma_start3A_323] : memref<10240x128xf32, #tpu.memory_space<vmem_shared>> -> memref<16x128xf32, #tpu.memory_space<vmem_shared>>
    %dma_start3A_325 = arith.constant 0 : i32
    %dma_start3A_326 = tpu.memref_slice %arg10[%add3A_322, %dma_start3A_325] : memref<10240x128xf32, #tpu.memory_space<vmem_shared>> -> memref<16x128xf32, #tpu.memory_space<vmem_shared>>
    tpu.enqueue_dma source(%arg9 : memref<16x128xf32, #tpu.memory_space<vmem>>) target(%dma_start3A_326 : memref<16x128xf32, #tpu.memory_space<vmem_shared>>) target_semaphore(%arg17 : memref<!tpu.dma_semaphore, #tpu.memory_space<semaphore_mem>>)
    %add3A_327 = arith.constant 0 : i32
    %add3A_328 = arith.addi %mul3A_2, %add3A_327 : i32
    %dma_start3A_329 = arith.constant 0 : i32
    %dma_start3A_330 = arith.constant 0 : i32
    %dma_start3A_331 = tpu.memref_slice %arg6[%dma_start3A_329, %dma_start3A_330] : memref<3x80xi32, #tpu.memory_space<vmem>> -> memref<1x80xi32, #tpu.memory_space<vmem>>
    %dma_start3A_332 = tpu.memref_squeeze %dma_start3A_331 : memref<1x80xi32, #tpu.memory_space<vmem>> -> memref<80xi32, #tpu.memory_space<vmem>>
    %dma_start3A_333 = tpu.memref_slice %arg3[%add3A_328] : memref<320000xi32, #tpu.memory_space<hbm>> -> memref<80xi32, #tpu.memory_space<hbm>>
    %dma_start3A_334 = arith.constant 0 : i32
    %dma_start3A_335 = tpu.memref_slice %arg6[%dma_start3A_329, %dma_start3A_334] : memref<3x80xi32, #tpu.memory_space<vmem>> -> memref<1x80xi32, #tpu.memory_space<vmem>>
    %dma_start3A_336 = tpu.memref_squeeze %dma_start3A_335 : memref<1x80xi32, #tpu.memory_space<vmem>> -> memref<80xi32, #tpu.memory_space<vmem>>
    %dma_start3A_337 = tpu.memref_slice %arg3[%add3A_328] : memref<320000xi32, #tpu.memory_space<hbm>> -> memref<80xi32, #tpu.memory_space<hbm>>
    tpu.enqueue_dma source(%dma_start3A_337 : memref<80xi32, #tpu.memory_space<hbm>>) target(%dma_start3A_336 : memref<80xi32, #tpu.memory_space<vmem>>) target_semaphore(%arg11 : memref<!tpu.dma_semaphore, #tpu.memory_space<semaphore_mem>>)
    %dma_start3A_338 = arith.constant 0 : i32
    %dma_start3A_339 = arith.constant 0 : i32
    %dma_start3A_340 = tpu.memref_slice %arg7[%dma_start3A_338, %dma_start3A_339] : memref<6x80xi32, #tpu.memory_space<vmem>> -> memref<1x80xi32, #tpu.memory_space<vmem>>
    %dma_start3A_341 = tpu.memref_squeeze %dma_start3A_340 : memref<1x80xi32, #tpu.memory_space<vmem>> -> memref<80xi32, #tpu.memory_space<vmem>>
    %dma_start3A_342 = tpu.memref_slice %arg4[%add3A_328] : memref<320000xi32, #tpu.memory_space<hbm>> -> memref<80xi32, #tpu.memory_space<hbm>>
    %dma_start3A_343 = arith.constant 0 : i32
    %dma_start3A_344 = tpu.memref_slice %arg7[%dma_start3A_338, %dma_start3A_343] : memref<6x80xi32, #tpu.memory_space<vmem>> -> memref<1x80xi32, #tpu.memory_space<vmem>>
    %dma_start3A_345 = tpu.memref_squeeze %dma_start3A_344 : memref<1x80xi32, #tpu.memory_space<vmem>> -> memref<80xi32, #tpu.memory_space<vmem>>
    %dma_start3A_346 = tpu.memref_slice %arg4[%add3A_328] : memref<320000xi32, #tpu.memory_space<hbm>> -> memref<80xi32, #tpu.memory_space<hbm>>
    tpu.enqueue_dma source(%dma_start3A_346 : memref<80xi32, #tpu.memory_space<hbm>>) target(%dma_start3A_345 : memref<80xi32, #tpu.memory_space<vmem>>) target_semaphore(%arg11 : memref<!tpu.dma_semaphore, #tpu.memory_space<semaphore_mem>>)
    %add3A_347 = arith.constant 80 : i32
    %add3A_348 = arith.addi %mul3A_2, %add3A_347 : i32
    %dma_start3A_349 = arith.constant 1 : i32
    %dma_start3A_350 = arith.constant 0 : i32
    %dma_start3A_351 = tpu.memref_slice %arg6[%dma_start3A_349, %dma_start3A_350] : memref<3x80xi32, #tpu.memory_space<vmem>> -> memref<1x80xi32, #tpu.memory_space<vmem>>
    %dma_start3A_352 = tpu.memref_squeeze %dma_start3A_351 : memref<1x80xi32, #tpu.memory_space<vmem>> -> memref<80xi32, #tpu.memory_space<vmem>>
    %dma_start3A_353 = tpu.memref_slice %arg3[%add3A_348] : memref<320000xi32, #tpu.memory_space<hbm>> -> memref<80xi32, #tpu.memory_space<hbm>>
    %dma_start3A_354 = arith.constant 0 : i32
    %dma_start3A_355 = tpu.memref_slice %arg6[%dma_start3A_349, %dma_start3A_354] : memref<3x80xi32, #tpu.memory_space<vmem>> -> memref<1x80xi32, #tpu.memory_space<vmem>>
    %dma_start3A_356 = tpu.memref_squeeze %dma_start3A_355 : memref<1x80xi32, #tpu.memory_space<vmem>> -> memref<80xi32, #tpu.memory_space<vmem>>
    %dma_start3A_357 = tpu.memref_slice %arg3[%add3A_348] : memref<320000xi32, #tpu.memory_space<hbm>> -> memref<80xi32, #tpu.memory_space<hbm>>
    tpu.enqueue_dma source(%dma_start3A_357 : memref<80xi32, #tpu.memory_space<hbm>>) target(%dma_start3A_356 : memref<80xi32, #tpu.memory_space<vmem>>) target_semaphore(%arg12 : memref<!tpu.dma_semaphore, #tpu.memory_space<semaphore_mem>>)
    %dma_start3A_358 = arith.constant 1 : i32
    %dma_start3A_359 = arith.constant 0 : i32
    %dma_start3A_360 = tpu.memref_slice %arg7[%dma_start3A_358, %dma_start3A_359] : memref<6x80xi32, #tpu.memory_space<vmem>> -> memref<1x80xi32, #tpu.memory_space<vmem>>
    %dma_start3A_361 = tpu.memref_squeeze %dma_start3A_360 : memref<1x80xi32, #tpu.memory_space<vmem>> -> memref<80xi32, #tpu.memory_space<vmem>>
    %dma_start3A_362 = tpu.memref_slice %arg4[%add3A_348] : memref<320000xi32, #tpu.memory_space<hbm>> -> memref<80xi32, #tpu.memory_space<hbm>>
    %dma_start3A_363 = arith.constant 0 : i32
    %dma_start3A_364 = tpu.memref_slice %arg7[%dma_start3A_358, %dma_start3A_363] : memref<6x80xi32, #tpu.memory_space<vmem>> -> memref<1x80xi32, #tpu.memory_space<vmem>>
    %dma_start3A_365 = tpu.memref_squeeze %dma_start3A_364 : memref<1x80xi32, #tpu.memory_space<vmem>> -> memref<80xi32, #tpu.memory_space<vmem>>
    %dma_start3A_366 = tpu.memref_slice %arg4[%add3A_348] : memref<320000xi32, #tpu.memory_space<hbm>> -> memref<80xi32, #tpu.memory_space<hbm>>
    tpu.enqueue_dma source(%dma_start3A_366 : memref<80xi32, #tpu.memory_space<hbm>>) target(%dma_start3A_365 : memref<80xi32, #tpu.memory_space<vmem>>) target_semaphore(%arg12 : memref<!tpu.dma_semaphore, #tpu.memory_space<semaphore_mem>>)
    %add3A_367 = arith.constant 160 : i32
    %add3A_368 = arith.addi %mul3A_2, %add3A_367 : i32
    %dma_start3A_369 = arith.constant 2 : i32
    %dma_start3A_370 = arith.constant 0 : i32
    %dma_start3A_371 = tpu.memref_slice %arg6[%dma_start3A_369, %dma_start3A_370] : memref<3x80xi32, #tpu.memory_space<vmem>> -> memref<1x80xi32, #tpu.memory_space<vmem>>
    %dma_start3A_372 = tpu.memref_squeeze %dma_start3A_371 : memref<1x80xi32, #tpu.memory_space<vmem>> -> memref<80xi32, #tpu.memory_space<vmem>>
    %dma_start3A_373 = tpu.memref_slice %arg3[%add3A_368] : memref<320000xi32, #tpu.memory_space<hbm>> -> memref<80xi32, #tpu.memory_space<hbm>>
    %dma_start3A_374 = arith.constant 0 : i32
    %dma_start3A_375 = tpu.memref_slice %arg6[%dma_start3A_369, %dma_start3A_374] : memref<3x80xi32, #tpu.memory_space<vmem>> -> memref<1x80xi32, #tpu.memory_space<vmem>>
    %dma_start3A_376 = tpu.memref_squeeze %dma_start3A_375 : memref<1x80xi32, #tpu.memory_space<vmem>> -> memref<80xi32, #tpu.memory_space<vmem>>
    %dma_start3A_377 = tpu.memref_slice %arg3[%add3A_368] : memref<320000xi32, #tpu.memory_space<hbm>> -> memref<80xi32, #tpu.memory_space<hbm>>
    tpu.enqueue_dma source(%dma_start3A_377 : memref<80xi32, #tpu.memory_space<hbm>>) target(%dma_start3A_376 : memref<80xi32, #tpu.memory_space<vmem>>) target_semaphore(%arg13 : memref<!tpu.dma_semaphore, #tpu.memory_space<semaphore_mem>>)
    %dma_start3A_378 = arith.constant 2 : i32
    %dma_start3A_379 = arith.constant 0 : i32
    %dma_start3A_380 = tpu.memref_slice %arg7[%dma_start3A_378, %dma_start3A_379] : memref<6x80xi32, #tpu.memory_space<vmem>> -> memref<1x80xi32, #tpu.memory_space<vmem>>
    %dma_start3A_381 = tpu.memref_squeeze %dma_start3A_380 : memref<1x80xi32, #tpu.memory_space<vmem>> -> memref<80xi32, #tpu.memory_space<vmem>>
    %dma_start3A_382 = tpu.memref_slice %arg4[%add3A_368] : memref<320000xi32, #tpu.memory_space<hbm>> -> memref<80xi32, #tpu.memory_space<hbm>>
    %dma_start3A_383 = arith.constant 0 : i32
    %dma_start3A_384 = tpu.memref_slice %arg7[%dma_start3A_378, %dma_start3A_383] : memref<6x80xi32, #tpu.memory_space<vmem>> -> memref<1x80xi32, #tpu.memory_space<vmem>>
    %dma_start3A_385 = tpu.memref_squeeze %dma_start3A_384 : memref<1x80xi32, #tpu.memory_space<vmem>> -> memref<80xi32, #tpu.memory_space<vmem>>
    %dma_start3A_386 = tpu.memref_slice %arg4[%add3A_368] : memref<320000xi32, #tpu.memory_space<hbm>> -> memref<80xi32, #tpu.memory_space<hbm>>
    tpu.enqueue_dma source(%dma_start3A_386 : memref<80xi32, #tpu.memory_space<hbm>>) target(%dma_start3A_385 : memref<80xi32, #tpu.memory_space<vmem>>) target_semaphore(%arg13 : memref<!tpu.dma_semaphore, #tpu.memory_space<semaphore_mem>>)
    %dma_wait3A = arith.constant 0 : i32
    %dma_wait3A_387 = arith.constant 0 : i32
    %dma_wait3A_388 = tpu.memref_slice %arg6[%dma_wait3A, %dma_wait3A_387] : memref<3x80xi32, #tpu.memory_space<vmem>> -> memref<1x80xi32, #tpu.memory_space<vmem>>
    %dma_wait3A_389 = tpu.memref_squeeze %dma_wait3A_388 : memref<1x80xi32, #tpu.memory_space<vmem>> -> memref<80xi32, #tpu.memory_space<vmem>>
    %dma_wait3A_390 = arith.constant 0 : i32
    %dma_wait3A_391 = tpu.memref_slice %arg3[%dma_wait3A_390] : memref<320000xi32, #tpu.memory_space<hbm>> -> memref<80xi32, #tpu.memory_space<hbm>>
    %dma_wait3A_392 = arith.constant 0 : i32
    %dma_wait3A_393 = tpu.memref_slice %arg6[%dma_wait3A, %dma_wait3A_392] : memref<3x80xi32, #tpu.memory_space<vmem>> -> memref<1x80xi32, #tpu.memory_space<vmem>>
    %dma_wait3A_394 = tpu.memref_squeeze %dma_wait3A_393 : memref<1x80xi32, #tpu.memory_space<vmem>> -> memref<80xi32, #tpu.memory_space<vmem>>
    %dma_wait3A_395 = arith.constant 0 : i32
    %dma_wait3A_396 = tpu.memref_slice %arg3[%dma_wait3A_395] : memref<320000xi32, #tpu.memory_space<hbm>> -> memref<80xi32, #tpu.memory_space<hbm>>
    tpu.wait_dma2 semaphore(%arg11 : memref<!tpu.dma_semaphore, #tpu.memory_space<semaphore_mem>>) src(%dma_wait3A_396 : memref<80xi32, #tpu.memory_space<hbm>>) dst(%dma_wait3A_394 : memref<80xi32, #tpu.memory_space<vmem>>)
    %dma_wait3A_397 = arith.constant 0 : i32
    %dma_wait3A_398 = arith.constant 0 : i32
    %dma_wait3A_399 = tpu.memref_slice %arg7[%dma_wait3A_397, %dma_wait3A_398] : memref<6x80xi32, #tpu.memory_space<vmem>> -> memref<1x80xi32, #tpu.memory_space<vmem>>
    %dma_wait3A_400 = tpu.memref_squeeze %dma_wait3A_399 : memref<1x80xi32, #tpu.memory_space<vmem>> -> memref<80xi32, #tpu.memory_space<vmem>>
    %dma_wait3A_401 = arith.constant 0 : i32
    %dma_wait3A_402 = tpu.memref_slice %arg3[%dma_wait3A_401] : memref<320000xi32, #tpu.memory_space<hbm>> -> memref<80xi32, #tpu.memory_space<hbm>>
    %dma_wait3A_403 = arith.constant 0 : i32
    %dma_wait3A_404 = tpu.memref_slice %arg7[%dma_wait3A_397, %dma_wait3A_403] : memref<6x80xi32, #tpu.memory_space<vmem>> -> memref<1x80xi32, #tpu.memory_space<vmem>>
    %dma_wait3A_405 = tpu.memref_squeeze %dma_wait3A_404 : memref<1x80xi32, #tpu.memory_space<vmem>> -> memref<80xi32, #tpu.memory_space<vmem>>
    %dma_wait3A_406 = arith.constant 0 : i32
    %dma_wait3A_407 = tpu.memref_slice %arg3[%dma_wait3A_406] : memref<320000xi32, #tpu.memory_space<hbm>> -> memref<80xi32, #tpu.memory_space<hbm>>
    tpu.wait_dma2 semaphore(%arg11 : memref<!tpu.dma_semaphore, #tpu.memory_space<semaphore_mem>>) src(%dma_wait3A_407 : memref<80xi32, #tpu.memory_space<hbm>>) dst(%dma_wait3A_405 : memref<80xi32, #tpu.memory_space<vmem>>)
    %dma_start3A_408 = arith.constant 0 : i32
    %dma_start3A_409 = arith.constant 0 : i32
    %dma_start3A_410 = arith.constant 0 : i32
    %dma_start3A_411 = arith.constant 0 : i32
    %dma_start3A_412 = tpu.memref_slice %arg8[%dma_start3A_409, %dma_start3A_410, %dma_start3A_411] : memref<3x80x128xf32, #tpu.memory_space<vmem>> -> memref<1x80x128xf32, #tpu.memory_space<vmem>>
    %dma_start3A_413 = tpu.memref_squeeze %dma_start3A_412 : memref<1x80x128xf32, #tpu.memory_space<vmem>> -> memref<80x128xf32, #tpu.memory_space<vmem>>
    %dma_start3A_414 = arith.constant 0 : i32
    %dma_start3A_415 = tpu.memref_slice %arg6[%dma_start3A_408, %dma_start3A_414] : memref<3x80xi32, #tpu.memory_space<vmem>> -> memref<1x80xi32, #tpu.memory_space<vmem>>
    %dma_start3A_416 = tpu.memref_squeeze %dma_start3A_415 : memref<1x80xi32, #tpu.memory_space<vmem>> -> memref<80xi32, #tpu.memory_space<vmem>>
    %dma_start3A_417 = arith.constant 0 : i32
    %dma_start3A_418 = arith.constant 0 : i32
    %dma_start3A_419 = tpu.memref_slice %arg2[%dma_start3A_417, %dma_start3A_418] : memref<10000x128xf32, #tpu.memory_space<hbm>> -> memref<10000x128xf32, #tpu.memory_space<hbm>>
    tpu.enqueue_indirect_dma source(%dma_start3A_419 : memref<10000x128xf32, #tpu.memory_space<hbm>>) target(%dma_start3A_413 : memref<80x128xf32, #tpu.memory_space<vmem>>) offsets(%dma_start3A_416 : memref<80xi32, #tpu.memory_space<vmem>>) semaphore(%arg14 : memref<!tpu.dma_semaphore, #tpu.memory_space<semaphore_mem>>)
    %dma_wait3A_420 = arith.constant 1 : i32
    %dma_wait3A_421 = arith.constant 0 : i32
    %dma_wait3A_422 = tpu.memref_slice %arg6[%dma_wait3A_420, %dma_wait3A_421] : memref<3x80xi32, #tpu.memory_space<vmem>> -> memref<1x80xi32, #tpu.memory_space<vmem>>
    %dma_wait3A_423 = tpu.memref_squeeze %dma_wait3A_422 : memref<1x80xi32, #tpu.memory_space<vmem>> -> memref<80xi32, #tpu.memory_space<vmem>>
    %dma_wait3A_424 = arith.constant 0 : i32
    %dma_wait3A_425 = tpu.memref_slice %arg3[%dma_wait3A_424] : memref<320000xi32, #tpu.memory_space<hbm>> -> memref<80xi32, #tpu.memory_space<hbm>>
    %dma_wait3A_426 = arith.constant 0 : i32
    %dma_wait3A_427 = tpu.memref_slice %arg6[%dma_wait3A_420, %dma_wait3A_426] : memref<3x80xi32, #tpu.memory_space<vmem>> -> memref<1x80xi32, #tpu.memory_space<vmem>>
    %dma_wait3A_428 = tpu.memref_squeeze %dma_wait3A_427 : memref<1x80xi32, #tpu.memory_space<vmem>> -> memref<80xi32, #tpu.memory_space<vmem>>
    %dma_wait3A_429 = arith.constant 0 : i32
    %dma_wait3A_430 = tpu.memref_slice %arg3[%dma_wait3A_429] : memref<320000xi32, #tpu.memory_space<hbm>> -> memref<80xi32, #tpu.memory_space<hbm>>
    tpu.wait_dma2 semaphore(%arg12 : memref<!tpu.dma_semaphore, #tpu.memory_space<semaphore_mem>>) src(%dma_wait3A_430 : memref<80xi32, #tpu.memory_space<hbm>>) dst(%dma_wait3A_428 : memref<80xi32, #tpu.memory_space<vmem>>)
    %dma_wait3A_431 = arith.constant 1 : i32
    %dma_wait3A_432 = arith.constant 0 : i32
    %dma_wait3A_433 = tpu.memref_slice %arg7[%dma_wait3A_431, %dma_wait3A_432] : memref<6x80xi32, #tpu.memory_space<vmem>> -> memref<1x80xi32, #tpu.memory_space<vmem>>
    %dma_wait3A_434 = tpu.memref_squeeze %dma_wait3A_433 : memref<1x80xi32, #tpu.memory_space<vmem>> -> memref<80xi32, #tpu.memory_space<vmem>>
    %dma_wait3A_435 = arith.constant 0 : i32
    %dma_wait3A_436 = tpu.memref_slice %arg3[%dma_wait3A_435] : memref<320000xi32, #tpu.memory_space<hbm>> -> memref<80xi32, #tpu.memory_space<hbm>>
    %dma_wait3A_437 = arith.constant 0 : i32
    %dma_wait3A_438 = tpu.memref_slice %arg7[%dma_wait3A_431, %dma_wait3A_437] : memref<6x80xi32, #tpu.memory_space<vmem>> -> memref<1x80xi32, #tpu.memory_space<vmem>>
    %dma_wait3A_439 = tpu.memref_squeeze %dma_wait3A_438 : memref<1x80xi32, #tpu.memory_space<vmem>> -> memref<80xi32, #tpu.memory_space<vmem>>
    %dma_wait3A_440 = arith.constant 0 : i32
    %dma_wait3A_441 = tpu.memref_slice %arg3[%dma_wait3A_440] : memref<320000xi32, #tpu.memory_space<hbm>> -> memref<80xi32, #tpu.memory_space<hbm>>
    tpu.wait_dma2 semaphore(%arg12 : memref<!tpu.dma_semaphore, #tpu.memory_space<semaphore_mem>>) src(%dma_wait3A_441 : memref<80xi32, #tpu.memory_space<hbm>>) dst(%dma_wait3A_439 : memref<80xi32, #tpu.memory_space<vmem>>)
    %dma_start3A_442 = arith.constant 1 : i32
    %dma_start3A_443 = arith.constant 1 : i32
    %dma_start3A_444 = arith.constant 0 : i32
    %dma_start3A_445 = arith.constant 0 : i32
    %dma_start3A_446 = tpu.memref_slice %arg8[%dma_start3A_443, %dma_start3A_444, %dma_start3A_445] : memref<3x80x128xf32, #tpu.memory_space<vmem>> -> memref<1x80x128xf32, #tpu.memory_space<vmem>>
    %dma_start3A_447 = tpu.memref_squeeze %dma_start3A_446 : memref<1x80x128xf32, #tpu.memory_space<vmem>> -> memref<80x128xf32, #tpu.memory_space<vmem>>
    %dma_start3A_448 = arith.constant 0 : i32
    %dma_start3A_449 = tpu.memref_slice %arg6[%dma_start3A_442, %dma_start3A_448] : memref<3x80xi32, #tpu.memory_space<vmem>> -> memref<1x80xi32, #tpu.memory_space<vmem>>
    %dma_start3A_450 = tpu.memref_squeeze %dma_start3A_449 : memref<1x80xi32, #tpu.memory_space<vmem>> -> memref<80xi32, #tpu.memory_space<vmem>>
    %dma_start3A_451 = arith.constant 0 : i32
    %dma_start3A_452 = arith.constant 0 : i32
    %dma_start3A_453 = tpu.memref_slice %arg2[%dma_start3A_451, %dma_start3A_452] : memref<10000x128xf32, #tpu.memory_space<hbm>> -> memref<10000x128xf32, #tpu.memory_space<hbm>>
    tpu.enqueue_indirect_dma source(%dma_start3A_453 : memref<10000x128xf32, #tpu.memory_space<hbm>>) target(%dma_start3A_447 : memref<80x128xf32, #tpu.memory_space<vmem>>) offsets(%dma_start3A_450 : memref<80xi32, #tpu.memory_space<vmem>>) semaphore(%arg15 : memref<!tpu.dma_semaphore, #tpu.memory_space<semaphore_mem>>)
    %dma_wait3A_454 = arith.constant 2 : i32
    %dma_wait3A_455 = arith.constant 0 : i32
    %dma_wait3A_456 = tpu.memref_slice %arg6[%dma_wait3A_454, %dma_wait3A_455] : memref<3x80xi32, #tpu.memory_space<vmem>> -> memref<1x80xi32, #tpu.memory_space<vmem>>
    %dma_wait3A_457 = tpu.memref_squeeze %dma_wait3A_456 : memref<1x80xi32, #tpu.memory_space<vmem>> -> memref<80xi32, #tpu.memory_space<vmem>>
    %dma_wait3A_458 = arith.constant 0 : i32
    %dma_wait3A_459 = tpu.memref_slice %arg3[%dma_wait3A_458] : memref<320000xi32, #tpu.memory_space<hbm>> -> memref<80xi32, #tpu.memory_space<hbm>>
    %dma_wait3A_460 = arith.constant 0 : i32
    %dma_wait3A_461 = tpu.memref_slice %arg6[%dma_wait3A_454, %dma_wait3A_460] : memref<3x80xi32, #tpu.memory_space<vmem>> -> memref<1x80xi32, #tpu.memory_space<vmem>>
    %dma_wait3A_462 = tpu.memref_squeeze %dma_wait3A_461 : memref<1x80xi32, #tpu.memory_space<vmem>> -> memref<80xi32, #tpu.memory_space<vmem>>
    %dma_wait3A_463 = arith.constant 0 : i32
    %dma_wait3A_464 = tpu.memref_slice %arg3[%dma_wait3A_463] : memref<320000xi32, #tpu.memory_space<hbm>> -> memref<80xi32, #tpu.memory_space<hbm>>
    tpu.wait_dma2 semaphore(%arg13 : memref<!tpu.dma_semaphore, #tpu.memory_space<semaphore_mem>>) src(%dma_wait3A_464 : memref<80xi32, #tpu.memory_space<hbm>>) dst(%dma_wait3A_462 : memref<80xi32, #tpu.memory_space<vmem>>)
    %dma_wait3A_465 = arith.constant 2 : i32
    %dma_wait3A_466 = arith.constant 0 : i32
    %dma_wait3A_467 = tpu.memref_slice %arg7[%dma_wait3A_465, %dma_wait3A_466] : memref<6x80xi32, #tpu.memory_space<vmem>> -> memref<1x80xi32, #tpu.memory_space<vmem>>
    %dma_wait3A_468 = tpu.memref_squeeze %dma_wait3A_467 : memref<1x80xi32, #tpu.memory_space<vmem>> -> memref<80xi32, #tpu.memory_space<vmem>>
    %dma_wait3A_469 = arith.constant 0 : i32
    %dma_wait3A_470 = tpu.memref_slice %arg3[%dma_wait3A_469] : memref<320000xi32, #tpu.memory_space<hbm>> -> memref<80xi32, #tpu.memory_space<hbm>>
    %dma_wait3A_471 = arith.constant 0 : i32
    %dma_wait3A_472 = tpu.memref_slice %arg7[%dma_wait3A_465, %dma_wait3A_471] : memref<6x80xi32, #tpu.memory_space<vmem>> -> memref<1x80xi32, #tpu.memory_space<vmem>>
    %dma_wait3A_473 = tpu.memref_squeeze %dma_wait3A_472 : memref<1x80xi32, #tpu.memory_space<vmem>> -> memref<80xi32, #tpu.memory_space<vmem>>
    %dma_wait3A_474 = arith.constant 0 : i32
    %dma_wait3A_475 = tpu.memref_slice %arg3[%dma_wait3A_474] : memref<320000xi32, #tpu.memory_space<hbm>> -> memref<80xi32, #tpu.memory_space<hbm>>
    tpu.wait_dma2 semaphore(%arg13 : memref<!tpu.dma_semaphore, #tpu.memory_space<semaphore_mem>>) src(%dma_wait3A_475 : memref<80xi32, #tpu.memory_space<hbm>>) dst(%dma_wait3A_473 : memref<80xi32, #tpu.memory_space<vmem>>)
    %dma_start3A_476 = arith.constant 2 : i32
    %dma_start3A_477 = arith.constant 2 : i32
    %dma_start3A_478 = arith.constant 0 : i32
    %dma_start3A_479 = arith.constant 0 : i32
    %dma_start3A_480 = tpu.memref_slice %arg8[%dma_start3A_477, %dma_start3A_478, %dma_start3A_479] : memref<3x80x128xf32, #tpu.memory_space<vmem>> -> memref<1x80x128xf32, #tpu.memory_space<vmem>>
    %dma_start3A_481 = tpu.memref_squeeze %dma_start3A_480 : memref<1x80x128xf32, #tpu.memory_space<vmem>> -> memref<80x128xf32, #tpu.memory_space<vmem>>
    %dma_start3A_482 = arith.constant 0 : i32
    %dma_start3A_483 = tpu.memref_slice %arg6[%dma_start3A_476, %dma_start3A_482] : memref<3x80xi32, #tpu.memory_space<vmem>> -> memref<1x80xi32, #tpu.memory_space<vmem>>
    %dma_start3A_484 = tpu.memref_squeeze %dma_start3A_483 : memref<1x80xi32, #tpu.memory_space<vmem>> -> memref<80xi32, #tpu.memory_space<vmem>>
    %dma_start3A_485 = arith.constant 0 : i32
    %dma_start3A_486 = arith.constant 0 : i32
    %dma_start3A_487 = tpu.memref_slice %arg2[%dma_start3A_485, %dma_start3A_486] : memref<10000x128xf32, #tpu.memory_space<hbm>> -> memref<10000x128xf32, #tpu.memory_space<hbm>>
    tpu.enqueue_indirect_dma source(%dma_start3A_487 : memref<10000x128xf32, #tpu.memory_space<hbm>>) target(%dma_start3A_481 : memref<80x128xf32, #tpu.memory_space<vmem>>) offsets(%dma_start3A_484 : memref<80xi32, #tpu.memory_space<vmem>>) semaphore(%arg16 : memref<!tpu.dma_semaphore, #tpu.memory_space<semaphore_mem>>)
    %dma_wait3A_488 = arith.constant 0 : i32
    %dma_wait3A_489 = tpu.memref_slice %arg10[%add3A_11, %dma_wait3A_488] : memref<10240x128xf32, #tpu.memory_space<vmem_shared>> -> memref<16x128xf32, #tpu.memory_space<vmem_shared>>
    %dma_wait3A_490 = arith.constant 0 : i32
    %dma_wait3A_491 = tpu.memref_slice %arg10[%add3A_11, %dma_wait3A_490] : memref<10240x128xf32, #tpu.memory_space<vmem_shared>> -> memref<16x128xf32, #tpu.memory_space<vmem_shared>>
    tpu.wait_dma2 semaphore(%arg17 : memref<!tpu.dma_semaphore, #tpu.memory_space<semaphore_mem>>) src(%arg9 : memref<16x128xf32, #tpu.memory_space<vmem>>) dst(%dma_wait3A_491 : memref<16x128xf32, #tpu.memory_space<vmem_shared>>)
    %dma_wait3A_492 = arith.constant 0 : i32
    %dma_wait3A_493 = tpu.memref_slice %arg10[%add3A_18, %dma_wait3A_492] : memref<10240x128xf32, #tpu.memory_space<vmem_shared>> -> memref<16x128xf32, #tpu.memory_space<vmem_shared>>
    %dma_wait3A_494 = arith.constant 0 : i32
    %dma_wait3A_495 = tpu.memref_slice %arg10[%add3A_18, %dma_wait3A_494] : memref<10240x128xf32, #tpu.memory_space<vmem_shared>> -> memref<16x128xf32, #tpu.memory_space<vmem_shared>>
    tpu.wait_dma2 semaphore(%arg17 : memref<!tpu.dma_semaphore, #tpu.memory_space<semaphore_mem>>) src(%arg9 : memref<16x128xf32, #tpu.memory_space<vmem>>) dst(%dma_wait3A_495 : memref<16x128xf32, #tpu.memory_space<vmem_shared>>)
    %dma_wait3A_496 = arith.constant 0 : i32
    %dma_wait3A_497 = tpu.memref_slice %arg10[%add3A_26, %dma_wait3A_496] : memref<10240x128xf32, #tpu.memory_space<vmem_shared>> -> memref<16x128xf32, #tpu.memory_space<vmem_shared>>
    %dma_wait3A_498 = arith.constant 0 : i32
    %dma_wait3A_499 = tpu.memref_slice %arg10[%add3A_26, %dma_wait3A_498] : memref<10240x128xf32, #tpu.memory_space<vmem_shared>> -> memref<16x128xf32, #tpu.memory_space<vmem_shared>>
    tpu.wait_dma2 semaphore(%arg17 : memref<!tpu.dma_semaphore, #tpu.memory_space<semaphore_mem>>) src(%arg9 : memref<16x128xf32, #tpu.memory_space<vmem>>) dst(%dma_wait3A_499 : memref<16x128xf32, #tpu.memory_space<vmem_shared>>)
    %dma_wait3A_500 = arith.constant 0 : i32
    %dma_wait3A_501 = tpu.memref_slice %arg10[%add3A_34, %dma_wait3A_500] : memref<10240x128xf32, #tpu.memory_space<vmem_shared>> -> memref<16x128xf32, #tpu.memory_space<vmem_shared>>
    %dma_wait3A_502 = arith.constant 0 : i32
    %dma_wait3A_503 = tpu.memref_slice %arg10[%add3A_34, %dma_wait3A_502] : memref<10240x128xf32, #tpu.memory_space<vmem_shared>> -> memref<16x128xf32, #tpu.memory_space<vmem_shared>>
    tpu.wait_dma2 semaphore(%arg17 : memref<!tpu.dma_semaphore, #tpu.memory_space<semaphore_mem>>) src(%arg9 : memref<16x128xf32, #tpu.memory_space<vmem>>) dst(%dma_wait3A_503 : memref<16x128xf32, #tpu.memory_space<vmem_shared>>)
    %dma_wait3A_504 = arith.constant 0 : i32
    %dma_wait3A_505 = tpu.memref_slice %arg10[%add3A_42, %dma_wait3A_504] : memref<10240x128xf32, #tpu.memory_space<vmem_shared>> -> memref<16x128xf32, #tpu.memory_space<vmem_shared>>
    %dma_wait3A_506 = arith.constant 0 : i32
    %dma_wait3A_507 = tpu.memref_slice %arg10[%add3A_42, %dma_wait3A_506] : memref<10240x128xf32, #tpu.memory_space<vmem_shared>> -> memref<16x128xf32, #tpu.memory_space<vmem_shared>>
    tpu.wait_dma2 semaphore(%arg17 : memref<!tpu.dma_semaphore, #tpu.memory_space<semaphore_mem>>) src(%arg9 : memref<16x128xf32, #tpu.memory_space<vmem>>) dst(%dma_wait3A_507 : memref<16x128xf32, #tpu.memory_space<vmem_shared>>)
    %dma_wait3A_508 = arith.constant 0 : i32
    %dma_wait3A_509 = tpu.memref_slice %arg10[%add3A_50, %dma_wait3A_508] : memref<10240x128xf32, #tpu.memory_space<vmem_shared>> -> memref<16x128xf32, #tpu.memory_space<vmem_shared>>
    %dma_wait3A_510 = arith.constant 0 : i32
    %dma_wait3A_511 = tpu.memref_slice %arg10[%add3A_50, %dma_wait3A_510] : memref<10240x128xf32, #tpu.memory_space<vmem_shared>> -> memref<16x128xf32, #tpu.memory_space<vmem_shared>>
    tpu.wait_dma2 semaphore(%arg17 : memref<!tpu.dma_semaphore, #tpu.memory_space<semaphore_mem>>) src(%arg9 : memref<16x128xf32, #tpu.memory_space<vmem>>) dst(%dma_wait3A_511 : memref<16x128xf32, #tpu.memory_space<vmem_shared>>)
    %dma_wait3A_512 = arith.constant 0 : i32
    %dma_wait3A_513 = tpu.memref_slice %arg10[%add3A_58, %dma_wait3A_512] : memref<10240x128xf32, #tpu.memory_space<vmem_shared>> -> memref<16x128xf32, #tpu.memory_space<vmem_shared>>
    %dma_wait3A_514 = arith.constant 0 : i32
    %dma_wait3A_515 = tpu.memref_slice %arg10[%add3A_58, %dma_wait3A_514] : memref<10240x128xf32, #tpu.memory_space<vmem_shared>> -> memref<16x128xf32, #tpu.memory_space<vmem_shared>>
    tpu.wait_dma2 semaphore(%arg17 : memref<!tpu.dma_semaphore, #tpu.memory_space<semaphore_mem>>) src(%arg9 : memref<16x128xf32, #tpu.memory_space<vmem>>) dst(%dma_wait3A_515 : memref<16x128xf32, #tpu.memory_space<vmem_shared>>)
    %dma_wait3A_516 = arith.constant 0 : i32
    %dma_wait3A_517 = tpu.memref_slice %arg10[%add3A_66, %dma_wait3A_516] : memref<10240x128xf32, #tpu.memory_space<vmem_shared>> -> memref<16x128xf32, #tpu.memory_space<vmem_shared>>
    %dma_wait3A_518 = arith.constant 0 : i32
    %dma_wait3A_519 = tpu.memref_slice %arg10[%add3A_66, %dma_wait3A_518] : memref<10240x128xf32, #tpu.memory_space<vmem_shared>> -> memref<16x128xf32, #tpu.memory_space<vmem_shared>>
    tpu.wait_dma2 semaphore(%arg17 : memref<!tpu.dma_semaphore, #tpu.memory_space<semaphore_mem>>) src(%arg9 : memref<16x128xf32, #tpu.memory_space<vmem>>) dst(%dma_wait3A_519 : memref<16x128xf32, #tpu.memory_space<vmem_shared>>)
    %dma_wait3A_520 = arith.constant 0 : i32
    %dma_wait3A_521 = tpu.memref_slice %arg10[%add3A_74, %dma_wait3A_520] : memref<10240x128xf32, #tpu.memory_space<vmem_shared>> -> memref<16x128xf32, #tpu.memory_space<vmem_shared>>
    %dma_wait3A_522 = arith.constant 0 : i32
    %dma_wait3A_523 = tpu.memref_slice %arg10[%add3A_74, %dma_wait3A_522] : memref<10240x128xf32, #tpu.memory_space<vmem_shared>> -> memref<16x128xf32, #tpu.memory_space<vmem_shared>>
    tpu.wait_dma2 semaphore(%arg17 : memref<!tpu.dma_semaphore, #tpu.memory_space<semaphore_mem>>) src(%arg9 : memref<16x128xf32, #tpu.memory_space<vmem>>) dst(%dma_wait3A_523 : memref<16x128xf32, #tpu.memory_space<vmem_shared>>)
    %dma_wait3A_524 = arith.constant 0 : i32
    %dma_wait3A_525 = tpu.memref_slice %arg10[%add3A_82, %dma_wait3A_524] : memref<10240x128xf32, #tpu.memory_space<vmem_shared>> -> memref<16x128xf32, #tpu.memory_space<vmem_shared>>
    %dma_wait3A_526 = arith.constant 0 : i32
    %dma_wait3A_527 = tpu.memref_slice %arg10[%add3A_82, %dma_wait3A_526] : memref<10240x128xf32, #tpu.memory_space<vmem_shared>> -> memref<16x128xf32, #tpu.memory_space<vmem_shared>>
    tpu.wait_dma2 semaphore(%arg17 : memref<!tpu.dma_semaphore, #tpu.memory_space<semaphore_mem>>) src(%arg9 : memref<16x128xf32, #tpu.memory_space<vmem>>) dst(%dma_wait3A_527 : memref<16x128xf32, #tpu.memory_space<vmem_shared>>)
    %dma_wait3A_528 = arith.constant 0 : i32
    %dma_wait3A_529 = tpu.memref_slice %arg10[%add3A_90, %dma_wait3A_528] : memref<10240x128xf32, #tpu.memory_space<vmem_shared>> -> memref<16x128xf32, #tpu.memory_space<vmem_shared>>
    %dma_wait3A_530 = arith.constant 0 : i32
    %dma_wait3A_531 = tpu.memref_slice %arg10[%add3A_90, %dma_wait3A_530] : memref<10240x128xf32, #tpu.memory_space<vmem_shared>> -> memref<16x128xf32, #tpu.memory_space<vmem_shared>>
    tpu.wait_dma2 semaphore(%arg17 : memref<!tpu.dma_semaphore, #tpu.memory_space<semaphore_mem>>) src(%arg9 : memref<16x128xf32, #tpu.memory_space<vmem>>) dst(%dma_wait3A_531 : memref<16x128xf32, #tpu.memory_space<vmem_shared>>)
    %dma_wait3A_532 = arith.constant 0 : i32
    %dma_wait3A_533 = tpu.memref_slice %arg10[%add3A_98, %dma_wait3A_532] : memref<10240x128xf32, #tpu.memory_space<vmem_shared>> -> memref<16x128xf32, #tpu.memory_space<vmem_shared>>
    %dma_wait3A_534 = arith.constant 0 : i32
    %dma_wait3A_535 = tpu.memref_slice %arg10[%add3A_98, %dma_wait3A_534] : memref<10240x128xf32, #tpu.memory_space<vmem_shared>> -> memref<16x128xf32, #tpu.memory_space<vmem_shared>>
    tpu.wait_dma2 semaphore(%arg17 : memref<!tpu.dma_semaphore, #tpu.memory_space<semaphore_mem>>) src(%arg9 : memref<16x128xf32, #tpu.memory_space<vmem>>) dst(%dma_wait3A_535 : memref<16x128xf32, #tpu.memory_space<vmem_shared>>)
    %dma_wait3A_536 = arith.constant 0 : i32
    %dma_wait3A_537 = tpu.memref_slice %arg10[%add3A_106, %dma_wait3A_536] : memref<10240x128xf32, #tpu.memory_space<vmem_shared>> -> memref<16x128xf32, #tpu.memory_space<vmem_shared>>
    %dma_wait3A_538 = arith.constant 0 : i32
    %dma_wait3A_539 = tpu.memref_slice %arg10[%add3A_106, %dma_wait3A_538] : memref<10240x128xf32, #tpu.memory_space<vmem_shared>> -> memref<16x128xf32, #tpu.memory_space<vmem_shared>>
    tpu.wait_dma2 semaphore(%arg17 : memref<!tpu.dma_semaphore, #tpu.memory_space<semaphore_mem>>) src(%arg9 : memref<16x128xf32, #tpu.memory_space<vmem>>) dst(%dma_wait3A_539 : memref<16x128xf32, #tpu.memory_space<vmem_shared>>)
    %dma_wait3A_540 = arith.constant 0 : i32
    %dma_wait3A_541 = tpu.memref_slice %arg10[%add3A_114, %dma_wait3A_540] : memref<10240x128xf32, #tpu.memory_space<vmem_shared>> -> memref<16x128xf32, #tpu.memory_space<vmem_shared>>
    %dma_wait3A_542 = arith.constant 0 : i32
    %dma_wait3A_543 = tpu.memref_slice %arg10[%add3A_114, %dma_wait3A_542] : memref<10240x128xf32, #tpu.memory_space<vmem_shared>> -> memref<16x128xf32, #tpu.memory_space<vmem_shared>>
    tpu.wait_dma2 semaphore(%arg17 : memref<!tpu.dma_semaphore, #tpu.memory_space<semaphore_mem>>) src(%arg9 : memref<16x128xf32, #tpu.memory_space<vmem>>) dst(%dma_wait3A_543 : memref<16x128xf32, #tpu.memory_space<vmem_shared>>)
    %dma_wait3A_544 = arith.constant 0 : i32
    %dma_wait3A_545 = tpu.memref_slice %arg10[%add3A_122, %dma_wait3A_544] : memref<10240x128xf32, #tpu.memory_space<vmem_shared>> -> memref<16x128xf32, #tpu.memory_space<vmem_shared>>
    %dma_wait3A_546 = arith.constant 0 : i32
    %dma_wait3A_547 = tpu.memref_slice %arg10[%add3A_122, %dma_wait3A_546] : memref<10240x128xf32, #tpu.memory_space<vmem_shared>> -> memref<16x128xf32, #tpu.memory_space<vmem_shared>>
    tpu.wait_dma2 semaphore(%arg17 : memref<!tpu.dma_semaphore, #tpu.memory_space<semaphore_mem>>) src(%arg9 : memref<16x128xf32, #tpu.memory_space<vmem>>) dst(%dma_wait3A_547 : memref<16x128xf32, #tpu.memory_space<vmem_shared>>)
    %dma_wait3A_548 = arith.constant 0 : i32
    %dma_wait3A_549 = tpu.memref_slice %arg10[%add3A_130, %dma_wait3A_548] : memref<10240x128xf32, #tpu.memory_space<vmem_shared>> -> memref<16x128xf32, #tpu.memory_space<vmem_shared>>
    %dma_wait3A_550 = arith.constant 0 : i32
    %dma_wait3A_551 = tpu.memref_slice %arg10[%add3A_130, %dma_wait3A_550] : memref<10240x128xf32, #tpu.memory_space<vmem_shared>> -> memref<16x128xf32, #tpu.memory_space<vmem_shared>>
    tpu.wait_dma2 semaphore(%arg17 : memref<!tpu.dma_semaphore, #tpu.memory_space<semaphore_mem>>) src(%arg9 : memref<16x128xf32, #tpu.memory_space<vmem>>) dst(%dma_wait3A_551 : memref<16x128xf32, #tpu.memory_space<vmem_shared>>)
    %dma_wait3A_552 = arith.constant 0 : i32
    %dma_wait3A_553 = tpu.memref_slice %arg10[%add3A_138, %dma_wait3A_552] : memref<10240x128xf32, #tpu.memory_space<vmem_shared>> -> memref<16x128xf32, #tpu.memory_space<vmem_shared>>
    %dma_wait3A_554 = arith.constant 0 : i32
    %dma_wait3A_555 = tpu.memref_slice %arg10[%add3A_138, %dma_wait3A_554] : memref<10240x128xf32, #tpu.memory_space<vmem_shared>> -> memref<16x128xf32, #tpu.memory_space<vmem_shared>>
    tpu.wait_dma2 semaphore(%arg17 : memref<!tpu.dma_semaphore, #tpu.memory_space<semaphore_mem>>) src(%arg9 : memref<16x128xf32, #tpu.memory_space<vmem>>) dst(%dma_wait3A_555 : memref<16x128xf32, #tpu.memory_space<vmem_shared>>)
    %dma_wait3A_556 = arith.constant 0 : i32
    %dma_wait3A_557 = tpu.memref_slice %arg10[%add3A_146, %dma_wait3A_556] : memref<10240x128xf32, #tpu.memory_space<vmem_shared>> -> memref<16x128xf32, #tpu.memory_space<vmem_shared>>
    %dma_wait3A_558 = arith.constant 0 : i32
    %dma_wait3A_559 = tpu.memref_slice %arg10[%add3A_146, %dma_wait3A_558] : memref<10240x128xf32, #tpu.memory_space<vmem_shared>> -> memref<16x128xf32, #tpu.memory_space<vmem_shared>>
    tpu.wait_dma2 semaphore(%arg17 : memref<!tpu.dma_semaphore, #tpu.memory_space<semaphore_mem>>) src(%arg9 : memref<16x128xf32, #tpu.memory_space<vmem>>) dst(%dma_wait3A_559 : memref<16x128xf32, #tpu.memory_space<vmem_shared>>)
    %dma_wait3A_560 = arith.constant 0 : i32
    %dma_wait3A_561 = tpu.memref_slice %arg10[%add3A_154, %dma_wait3A_560] : memref<10240x128xf32, #tpu.memory_space<vmem_shared>> -> memref<16x128xf32, #tpu.memory_space<vmem_shared>>
    %dma_wait3A_562 = arith.constant 0 : i32
    %dma_wait3A_563 = tpu.memref_slice %arg10[%add3A_154, %dma_wait3A_562] : memref<10240x128xf32, #tpu.memory_space<vmem_shared>> -> memref<16x128xf32, #tpu.memory_space<vmem_shared>>
    tpu.wait_dma2 semaphore(%arg17 : memref<!tpu.dma_semaphore, #tpu.memory_space<semaphore_mem>>) src(%arg9 : memref<16x128xf32, #tpu.memory_space<vmem>>) dst(%dma_wait3A_563 : memref<16x128xf32, #tpu.memory_space<vmem_shared>>)
    %dma_wait3A_564 = arith.constant 0 : i32
    %dma_wait3A_565 = tpu.memref_slice %arg10[%add3A_162, %dma_wait3A_564] : memref<10240x128xf32, #tpu.memory_space<vmem_shared>> -> memref<16x128xf32, #tpu.memory_space<vmem_shared>>
    %dma_wait3A_566 = arith.constant 0 : i32
    %dma_wait3A_567 = tpu.memref_slice %arg10[%add3A_162, %dma_wait3A_566] : memref<10240x128xf32, #tpu.memory_space<vmem_shared>> -> memref<16x128xf32, #tpu.memory_space<vmem_shared>>
    tpu.wait_dma2 semaphore(%arg17 : memref<!tpu.dma_semaphore, #tpu.memory_space<semaphore_mem>>) src(%arg9 : memref<16x128xf32, #tpu.memory_space<vmem>>) dst(%dma_wait3A_567 : memref<16x128xf32, #tpu.memory_space<vmem_shared>>)
    %dma_wait3A_568 = arith.constant 0 : i32
    %dma_wait3A_569 = tpu.memref_slice %arg10[%add3A_170, %dma_wait3A_568] : memref<10240x128xf32, #tpu.memory_space<vmem_shared>> -> memref<16x128xf32, #tpu.memory_space<vmem_shared>>
    %dma_wait3A_570 = arith.constant 0 : i32
    %dma_wait3A_571 = tpu.memref_slice %arg10[%add3A_170, %dma_wait3A_570] : memref<10240x128xf32, #tpu.memory_space<vmem_shared>> -> memref<16x128xf32, #tpu.memory_space<vmem_shared>>
    tpu.wait_dma2 semaphore(%arg17 : memref<!tpu.dma_semaphore, #tpu.memory_space<semaphore_mem>>) src(%arg9 : memref<16x128xf32, #tpu.memory_space<vmem>>) dst(%dma_wait3A_571 : memref<16x128xf32, #tpu.memory_space<vmem_shared>>)
    %dma_wait3A_572 = arith.constant 0 : i32
    %dma_wait3A_573 = tpu.memref_slice %arg10[%add3A_178, %dma_wait3A_572] : memref<10240x128xf32, #tpu.memory_space<vmem_shared>> -> memref<16x128xf32, #tpu.memory_space<vmem_shared>>
    %dma_wait3A_574 = arith.constant 0 : i32
    %dma_wait3A_575 = tpu.memref_slice %arg10[%add3A_178, %dma_wait3A_574] : memref<10240x128xf32, #tpu.memory_space<vmem_shared>> -> memref<16x128xf32, #tpu.memory_space<vmem_shared>>
    tpu.wait_dma2 semaphore(%arg17 : memref<!tpu.dma_semaphore, #tpu.memory_space<semaphore_mem>>) src(%arg9 : memref<16x128xf32, #tpu.memory_space<vmem>>) dst(%dma_wait3A_575 : memref<16x128xf32, #tpu.memory_space<vmem_shared>>)
    %dma_wait3A_576 = arith.constant 0 : i32
    %dma_wait3A_577 = tpu.memref_slice %arg10[%add3A_186, %dma_wait3A_576] : memref<10240x128xf32, #tpu.memory_space<vmem_shared>> -> memref<16x128xf32, #tpu.memory_space<vmem_shared>>
    %dma_wait3A_578 = arith.constant 0 : i32
    %dma_wait3A_579 = tpu.memref_slice %arg10[%add3A_186, %dma_wait3A_578] : memref<10240x128xf32, #tpu.memory_space<vmem_shared>> -> memref<16x128xf32, #tpu.memory_space<vmem_shared>>
    tpu.wait_dma2 semaphore(%arg17 : memref<!tpu.dma_semaphore, #tpu.memory_space<semaphore_mem>>) src(%arg9 : memref<16x128xf32, #tpu.memory_space<vmem>>) dst(%dma_wait3A_579 : memref<16x128xf32, #tpu.memory_space<vmem_shared>>)
    %dma_wait3A_580 = arith.constant 0 : i32
    %dma_wait3A_581 = tpu.memref_slice %arg10[%add3A_194, %dma_wait3A_580] : memref<10240x128xf32, #tpu.memory_space<vmem_shared>> -> memref<16x128xf32, #tpu.memory_space<vmem_shared>>
    %dma_wait3A_582 = arith.constant 0 : i32
    %dma_wait3A_583 = tpu.memref_slice %arg10[%add3A_194, %dma_wait3A_582] : memref<10240x128xf32, #tpu.memory_space<vmem_shared>> -> memref<16x128xf32, #tpu.memory_space<vmem_shared>>
    tpu.wait_dma2 semaphore(%arg17 : memref<!tpu.dma_semaphore, #tpu.memory_space<semaphore_mem>>) src(%arg9 : memref<16x128xf32, #tpu.memory_space<vmem>>) dst(%dma_wait3A_583 : memref<16x128xf32, #tpu.memory_space<vmem_shared>>)
    %dma_wait3A_584 = arith.constant 0 : i32
    %dma_wait3A_585 = tpu.memref_slice %arg10[%add3A_202, %dma_wait3A_584] : memref<10240x128xf32, #tpu.memory_space<vmem_shared>> -> memref<16x128xf32, #tpu.memory_space<vmem_shared>>
    %dma_wait3A_586 = arith.constant 0 : i32
    %dma_wait3A_587 = tpu.memref_slice %arg10[%add3A_202, %dma_wait3A_586] : memref<10240x128xf32, #tpu.memory_space<vmem_shared>> -> memref<16x128xf32, #tpu.memory_space<vmem_shared>>
    tpu.wait_dma2 semaphore(%arg17 : memref<!tpu.dma_semaphore, #tpu.memory_space<semaphore_mem>>) src(%arg9 : memref<16x128xf32, #tpu.memory_space<vmem>>) dst(%dma_wait3A_587 : memref<16x128xf32, #tpu.memory_space<vmem_shared>>)
    %dma_wait3A_588 = arith.constant 0 : i32
    %dma_wait3A_589 = tpu.memref_slice %arg10[%add3A_210, %dma_wait3A_588] : memref<10240x128xf32, #tpu.memory_space<vmem_shared>> -> memref<16x128xf32, #tpu.memory_space<vmem_shared>>
    %dma_wait3A_590 = arith.constant 0 : i32
    %dma_wait3A_591 = tpu.memref_slice %arg10[%add3A_210, %dma_wait3A_590] : memref<10240x128xf32, #tpu.memory_space<vmem_shared>> -> memref<16x128xf32, #tpu.memory_space<vmem_shared>>
    tpu.wait_dma2 semaphore(%arg17 : memref<!tpu.dma_semaphore, #tpu.memory_space<semaphore_mem>>) src(%arg9 : memref<16x128xf32, #tpu.memory_space<vmem>>) dst(%dma_wait3A_591 : memref<16x128xf32, #tpu.memory_space<vmem_shared>>)
    %dma_wait3A_592 = arith.constant 0 : i32
    %dma_wait3A_593 = tpu.memref_slice %arg10[%add3A_218, %dma_wait3A_592] : memref<10240x128xf32, #tpu.memory_space<vmem_shared>> -> memref<16x128xf32, #tpu.memory_space<vmem_shared>>
    %dma_wait3A_594 = arith.constant 0 : i32
    %dma_wait3A_595 = tpu.memref_slice %arg10[%add3A_218, %dma_wait3A_594] : memref<10240x128xf32, #tpu.memory_space<vmem_shared>> -> memref<16x128xf32, #tpu.memory_space<vmem_shared>>
    tpu.wait_dma2 semaphore(%arg17 : memref<!tpu.dma_semaphore, #tpu.memory_space<semaphore_mem>>) src(%arg9 : memref<16x128xf32, #tpu.memory_space<vmem>>) dst(%dma_wait3A_595 : memref<16x128xf32, #tpu.memory_space<vmem_shared>>)
    %dma_wait3A_596 = arith.constant 0 : i32
    %dma_wait3A_597 = tpu.memref_slice %arg10[%add3A_226, %dma_wait3A_596] : memref<10240x128xf32, #tpu.memory_space<vmem_shared>> -> memref<16x128xf32, #tpu.memory_space<vmem_shared>>
    %dma_wait3A_598 = arith.constant 0 : i32
    %dma_wait3A_599 = tpu.memref_slice %arg10[%add3A_226, %dma_wait3A_598] : memref<10240x128xf32, #tpu.memory_space<vmem_shared>> -> memref<16x128xf32, #tpu.memory_space<vmem_shared>>
    tpu.wait_dma2 semaphore(%arg17 : memref<!tpu.dma_semaphore, #tpu.memory_space<semaphore_mem>>) src(%arg9 : memref<16x128xf32, #tpu.memory_space<vmem>>) dst(%dma_wait3A_599 : memref<16x128xf32, #tpu.memory_space<vmem_shared>>)
    %dma_wait3A_600 = arith.constant 0 : i32
    %dma_wait3A_601 = tpu.memref_slice %arg10[%add3A_234, %dma_wait3A_600] : memref<10240x128xf32, #tpu.memory_space<vmem_shared>> -> memref<16x128xf32, #tpu.memory_space<vmem_shared>>
    %dma_wait3A_602 = arith.constant 0 : i32
    %dma_wait3A_603 = tpu.memref_slice %arg10[%add3A_234, %dma_wait3A_602] : memref<10240x128xf32, #tpu.memory_space<vmem_shared>> -> memref<16x128xf32, #tpu.memory_space<vmem_shared>>
    tpu.wait_dma2 semaphore(%arg17 : memref<!tpu.dma_semaphore, #tpu.memory_space<semaphore_mem>>) src(%arg9 : memref<16x128xf32, #tpu.memory_space<vmem>>) dst(%dma_wait3A_603 : memref<16x128xf32, #tpu.memory_space<vmem_shared>>)
    %dma_wait3A_604 = arith.constant 0 : i32
    %dma_wait3A_605 = tpu.memref_slice %arg10[%add3A_242, %dma_wait3A_604] : memref<10240x128xf32, #tpu.memory_space<vmem_shared>> -> memref<16x128xf32, #tpu.memory_space<vmem_shared>>
    %dma_wait3A_606 = arith.constant 0 : i32
    %dma_wait3A_607 = tpu.memref_slice %arg10[%add3A_242, %dma_wait3A_606] : memref<10240x128xf32, #tpu.memory_space<vmem_shared>> -> memref<16x128xf32, #tpu.memory_space<vmem_shared>>
    tpu.wait_dma2 semaphore(%arg17 : memref<!tpu.dma_semaphore, #tpu.memory_space<semaphore_mem>>) src(%arg9 : memref<16x128xf32, #tpu.memory_space<vmem>>) dst(%dma_wait3A_607 : memref<16x128xf32, #tpu.memory_space<vmem_shared>>)
    %dma_wait3A_608 = arith.constant 0 : i32
    %dma_wait3A_609 = tpu.memref_slice %arg10[%add3A_250, %dma_wait3A_608] : memref<10240x128xf32, #tpu.memory_space<vmem_shared>> -> memref<16x128xf32, #tpu.memory_space<vmem_shared>>
    %dma_wait3A_610 = arith.constant 0 : i32
    %dma_wait3A_611 = tpu.memref_slice %arg10[%add3A_250, %dma_wait3A_610] : memref<10240x128xf32, #tpu.memory_space<vmem_shared>> -> memref<16x128xf32, #tpu.memory_space<vmem_shared>>
    tpu.wait_dma2 semaphore(%arg17 : memref<!tpu.dma_semaphore, #tpu.memory_space<semaphore_mem>>) src(%arg9 : memref<16x128xf32, #tpu.memory_space<vmem>>) dst(%dma_wait3A_611 : memref<16x128xf32, #tpu.memory_space<vmem_shared>>)
    %dma_wait3A_612 = arith.constant 0 : i32
    %dma_wait3A_613 = tpu.memref_slice %arg10[%add3A_258, %dma_wait3A_612] : memref<10240x128xf32, #tpu.memory_space<vmem_shared>> -> memref<16x128xf32, #tpu.memory_space<vmem_shared>>
    %dma_wait3A_614 = arith.constant 0 : i32
    %dma_wait3A_615 = tpu.memref_slice %arg10[%add3A_258, %dma_wait3A_614] : memref<10240x128xf32, #tpu.memory_space<vmem_shared>> -> memref<16x128xf32, #tpu.memory_space<vmem_shared>>
    tpu.wait_dma2 semaphore(%arg17 : memref<!tpu.dma_semaphore, #tpu.memory_space<semaphore_mem>>) src(%arg9 : memref<16x128xf32, #tpu.memory_space<vmem>>) dst(%dma_wait3A_615 : memref<16x128xf32, #tpu.memory_space<vmem_shared>>)
    %dma_wait3A_616 = arith.constant 0 : i32
    %dma_wait3A_617 = tpu.memref_slice %arg10[%add3A_266, %dma_wait3A_616] : memref<10240x128xf32, #tpu.memory_space<vmem_shared>> -> memref<16x128xf32, #tpu.memory_space<vmem_shared>>
    %dma_wait3A_618 = arith.constant 0 : i32
    %dma_wait3A_619 = tpu.memref_slice %arg10[%add3A_266, %dma_wait3A_618] : memref<10240x128xf32, #tpu.memory_space<vmem_shared>> -> memref<16x128xf32, #tpu.memory_space<vmem_shared>>
    tpu.wait_dma2 semaphore(%arg17 : memref<!tpu.dma_semaphore, #tpu.memory_space<semaphore_mem>>) src(%arg9 : memref<16x128xf32, #tpu.memory_space<vmem>>) dst(%dma_wait3A_619 : memref<16x128xf32, #tpu.memory_space<vmem_shared>>)
    %dma_wait3A_620 = arith.constant 0 : i32
    %dma_wait3A_621 = tpu.memref_slice %arg10[%add3A_274, %dma_wait3A_620] : memref<10240x128xf32, #tpu.memory_space<vmem_shared>> -> memref<16x128xf32, #tpu.memory_space<vmem_shared>>
    %dma_wait3A_622 = arith.constant 0 : i32
    %dma_wait3A_623 = tpu.memref_slice %arg10[%add3A_274, %dma_wait3A_622] : memref<10240x128xf32, #tpu.memory_space<vmem_shared>> -> memref<16x128xf32, #tpu.memory_space<vmem_shared>>
    tpu.wait_dma2 semaphore(%arg17 : memref<!tpu.dma_semaphore, #tpu.memory_space<semaphore_mem>>) src(%arg9 : memref<16x128xf32, #tpu.memory_space<vmem>>) dst(%dma_wait3A_623 : memref<16x128xf32, #tpu.memory_space<vmem_shared>>)
    %dma_wait3A_624 = arith.constant 0 : i32
    %dma_wait3A_625 = tpu.memref_slice %arg10[%add3A_282, %dma_wait3A_624] : memref<10240x128xf32, #tpu.memory_space<vmem_shared>> -> memref<16x128xf32, #tpu.memory_space<vmem_shared>>
    %dma_wait3A_626 = arith.constant 0 : i32
    %dma_wait3A_627 = tpu.memref_slice %arg10[%add3A_282, %dma_wait3A_626] : memref<10240x128xf32, #tpu.memory_space<vmem_shared>> -> memref<16x128xf32, #tpu.memory_space<vmem_shared>>
    tpu.wait_dma2 semaphore(%arg17 : memref<!tpu.dma_semaphore, #tpu.memory_space<semaphore_mem>>) src(%arg9 : memref<16x128xf32, #tpu.memory_space<vmem>>) dst(%dma_wait3A_627 : memref<16x128xf32, #tpu.memory_space<vmem_shared>>)
    %dma_wait3A_628 = arith.constant 0 : i32
    %dma_wait3A_629 = tpu.memref_slice %arg10[%add3A_290, %dma_wait3A_628] : memref<10240x128xf32, #tpu.memory_space<vmem_shared>> -> memref<16x128xf32, #tpu.memory_space<vmem_shared>>
    %dma_wait3A_630 = arith.constant 0 : i32
    %dma_wait3A_631 = tpu.memref_slice %arg10[%add3A_290, %dma_wait3A_630] : memref<10240x128xf32, #tpu.memory_space<vmem_shared>> -> memref<16x128xf32, #tpu.memory_space<vmem_shared>>
    tpu.wait_dma2 semaphore(%arg17 : memref<!tpu.dma_semaphore, #tpu.memory_space<semaphore_mem>>) src(%arg9 : memref<16x128xf32, #tpu.memory_space<vmem>>) dst(%dma_wait3A_631 : memref<16x128xf32, #tpu.memory_space<vmem_shared>>)
    %dma_wait3A_632 = arith.constant 0 : i32
    %dma_wait3A_633 = tpu.memref_slice %arg10[%add3A_298, %dma_wait3A_632] : memref<10240x128xf32, #tpu.memory_space<vmem_shared>> -> memref<16x128xf32, #tpu.memory_space<vmem_shared>>
    %dma_wait3A_634 = arith.constant 0 : i32
    %dma_wait3A_635 = tpu.memref_slice %arg10[%add3A_298, %dma_wait3A_634] : memref<10240x128xf32, #tpu.memory_space<vmem_shared>> -> memref<16x128xf32, #tpu.memory_space<vmem_shared>>
    tpu.wait_dma2 semaphore(%arg17 : memref<!tpu.dma_semaphore, #tpu.memory_space<semaphore_mem>>) src(%arg9 : memref<16x128xf32, #tpu.memory_space<vmem>>) dst(%dma_wait3A_635 : memref<16x128xf32, #tpu.memory_space<vmem_shared>>)
    %dma_wait3A_636 = arith.constant 0 : i32
    %dma_wait3A_637 = tpu.memref_slice %arg10[%add3A_306, %dma_wait3A_636] : memref<10240x128xf32, #tpu.memory_space<vmem_shared>> -> memref<16x128xf32, #tpu.memory_space<vmem_shared>>
    %dma_wait3A_638 = arith.constant 0 : i32
    %dma_wait3A_639 = tpu.memref_slice %arg10[%add3A_306, %dma_wait3A_638] : memref<10240x128xf32, #tpu.memory_space<vmem_shared>> -> memref<16x128xf32, #tpu.memory_space<vmem_shared>>
    tpu.wait_dma2 semaphore(%arg17 : memref<!tpu.dma_semaphore, #tpu.memory_space<semaphore_mem>>) src(%arg9 : memref<16x128xf32, #tpu.memory_space<vmem>>) dst(%dma_wait3A_639 : memref<16x128xf32, #tpu.memory_space<vmem_shared>>)
    %dma_wait3A_640 = arith.constant 0 : i32
    %dma_wait3A_641 = tpu.memref_slice %arg10[%add3A_314, %dma_wait3A_640] : memref<10240x128xf32, #tpu.memory_space<vmem_shared>> -> memref<16x128xf32, #tpu.memory_space<vmem_shared>>
    %dma_wait3A_642 = arith.constant 0 : i32
    %dma_wait3A_643 = tpu.memref_slice %arg10[%add3A_314, %dma_wait3A_642] : memref<10240x128xf32, #tpu.memory_space<vmem_shared>> -> memref<16x128xf32, #tpu.memory_space<vmem_shared>>
    tpu.wait_dma2 semaphore(%arg17 : memref<!tpu.dma_semaphore, #tpu.memory_space<semaphore_mem>>) src(%arg9 : memref<16x128xf32, #tpu.memory_space<vmem>>) dst(%dma_wait3A_643 : memref<16x128xf32, #tpu.memory_space<vmem_shared>>)
    %dma_wait3A_644 = arith.constant 0 : i32
    %dma_wait3A_645 = tpu.memref_slice %arg10[%add3A_322, %dma_wait3A_644] : memref<10240x128xf32, #tpu.memory_space<vmem_shared>> -> memref<16x128xf32, #tpu.memory_space<vmem_shared>>
    %dma_wait3A_646 = arith.constant 0 : i32
    %dma_wait3A_647 = tpu.memref_slice %arg10[%add3A_322, %dma_wait3A_646] : memref<10240x128xf32, #tpu.memory_space<vmem_shared>> -> memref<16x128xf32, #tpu.memory_space<vmem_shared>>
    tpu.wait_dma2 semaphore(%arg17 : memref<!tpu.dma_semaphore, #tpu.memory_space<semaphore_mem>>) src(%arg9 : memref<16x128xf32, #tpu.memory_space<vmem>>) dst(%dma_wait3A_647 : memref<16x128xf32, #tpu.memory_space<vmem_shared>>)
    %barrier3A = arith.constant 0 : index
    tpu.barrier barrier_id(%barrier3A)
    %scan3A_648 = arith.constant 0 : i32
    %scan3A_649 = arith.constant 0 : i32
    %scan3A_650 = arith.constant 0 : i32
    %scan3A_651 = arith.constant 0 : i32
    %scan3A_652 = arith.constant 1 : i32
    %scan3A_653 = arith.constant 1 : i32
    %scan3A_654 = arith.constant 1 : i32
    %scan3A_655 = arith.constant 2 : i32
    %scan3A_656 = arith.constant 2 : i32
    %scan3A_657 = arith.constant 2 : i32
    %scan3A_658 = arith.constant 3 : i32
    %scan3A_659 = arith.constant 4 : i32
    %scan3A_660 = arith.constant 5 : i32
    %scan3A_661 = arith.constant 0 : i32
    %scan3A_662 = arith.constant 20 : i32
    %scan3A_663 = arith.addi %scan3A_661, %scan3A_662 : i32
    %scan3A_664 = arith.constant 1 : i32
    scf.for %scan3A_959 = %scan3A_661 to %scan3A_663 step %scan3A_664  : i32 {
      %mul3A_960 = arith.constant 6 : i32
      %mul3A_961 = arith.muli %scan3A_959, %mul3A_960 : i32
      %add3A_962 = arith.constant 3 : i32
      %add3A_963 = arith.addi %mul3A_961, %add3A_962 : i32
      %dma_wait3A_964 = arith.constant 0 : i32
      %dma_wait3A_965 = arith.constant 0 : i32
      %dma_wait3A_966 = tpu.memref_slice %arg8[%scan3A_650, %dma_wait3A_964, %dma_wait3A_965] : memref<3x80x128xf32, #tpu.memory_space<vmem>> -> memref<1x80x128xf32, #tpu.memory_space<vmem>>
      %dma_wait3A_967 = tpu.memref_squeeze %dma_wait3A_966 : memref<1x80x128xf32, #tpu.memory_space<vmem>> -> memref<80x128xf32, #tpu.memory_space<vmem>>
      %dma_wait3A_968 = arith.constant 0 : i32
      %dma_wait3A_969 = tpu.memref_slice %arg6[%scan3A_649, %dma_wait3A_968] : memref<3x80xi32, #tpu.memory_space<vmem>> -> memref<1x80xi32, #tpu.memory_space<vmem>>
      %dma_wait3A_970 = tpu.memref_squeeze %dma_wait3A_969 : memref<1x80xi32, #tpu.memory_space<vmem>> -> memref<80xi32, #tpu.memory_space<vmem>>
      %dma_wait3A_971 = arith.constant 0 : i32
      %dma_wait3A_972 = arith.constant 0 : i32
      %dma_wait3A_973 = tpu.memref_slice %arg2[%dma_wait3A_971, %dma_wait3A_972] : memref<10000x128xf32, #tpu.memory_space<hbm>> -> memref<10000x128xf32, #tpu.memory_space<hbm>>
      tpu.wait_indirect_dma semaphore(%arg14 : memref<!tpu.dma_semaphore, #tpu.memory_space<semaphore_mem>>) src(%dma_wait3A_973 : memref<10000x128xf32, #tpu.memory_space<hbm>>) dst(%dma_wait3A_967 : memref<80x128xf32, #tpu.memory_space<vmem>>)
      %dma_start3A_974 = arith.constant 0 : i32
      %dma_start3A_975 = arith.constant 0 : i32
      %dma_start3A_976 = tpu.memref_slice %arg8[%scan3A_650, %dma_start3A_974, %dma_start3A_975] : memref<3x80x128xf32, #tpu.memory_space<vmem>> -> memref<1x80x128xf32, #tpu.memory_space<vmem>>
      %dma_start3A_977 = tpu.memref_squeeze %dma_start3A_976 : memref<1x80x128xf32, #tpu.memory_space<vmem>> -> memref<80x128xf32, #tpu.memory_space<vmem>>
      %dma_start3A_978 = arith.constant 0 : i32
      %dma_start3A_979 = tpu.memref_slice %arg7[%scan3A_651, %dma_start3A_978] : memref<6x80xi32, #tpu.memory_space<vmem>> -> memref<1x80xi32, #tpu.memory_space<vmem>>
      %dma_start3A_980 = tpu.memref_squeeze %dma_start3A_979 : memref<1x80xi32, #tpu.memory_space<vmem>> -> memref<80xi32, #tpu.memory_space<vmem>>
      %dma_start3A_981 = arith.constant 0 : i32
      %dma_start3A_982 = arith.constant 0 : i32
      %dma_start3A_983 = tpu.memref_slice %arg10[%dma_start3A_981, %dma_start3A_982] : memref<10240x128xf32, #tpu.memory_space<vmem_shared>> -> memref<10240x128xf32, #tpu.memory_space<vmem_shared>>
      tpu.enqueue_indirect_dma source(%dma_start3A_977 : memref<80x128xf32, #tpu.memory_space<vmem>>) target(%dma_start3A_983 : memref<10240x128xf32, #tpu.memory_space<vmem_shared>>) offsets(%dma_start3A_980 : memref<80xi32, #tpu.memory_space<vmem>>) semaphore(%arg17 : memref<!tpu.dma_semaphore, #tpu.memory_space<semaphore_mem>>) {add = true}
      %dma_wait3A_984 = arith.constant 0 : i32
      %dma_wait3A_985 = arith.constant 0 : i32
      %dma_wait3A_986 = tpu.memref_slice %arg8[%scan3A_653, %dma_wait3A_984, %dma_wait3A_985] : memref<3x80x128xf32, #tpu.memory_space<vmem>> -> memref<1x80x128xf32, #tpu.memory_space<vmem>>
      %dma_wait3A_987 = tpu.memref_squeeze %dma_wait3A_986 : memref<1x80x128xf32, #tpu.memory_space<vmem>> -> memref<80x128xf32, #tpu.memory_space<vmem>>
      %dma_wait3A_988 = arith.constant 0 : i32
      %dma_wait3A_989 = tpu.memref_slice %arg6[%scan3A_652, %dma_wait3A_988] : memref<3x80xi32, #tpu.memory_space<vmem>> -> memref<1x80xi32, #tpu.memory_space<vmem>>
      %dma_wait3A_990 = tpu.memref_squeeze %dma_wait3A_989 : memref<1x80xi32, #tpu.memory_space<vmem>> -> memref<80xi32, #tpu.memory_space<vmem>>
      %dma_wait3A_991 = arith.constant 0 : i32
      %dma_wait3A_992 = arith.constant 0 : i32
      %dma_wait3A_993 = tpu.memref_slice %arg2[%dma_wait3A_991, %dma_wait3A_992] : memref<10000x128xf32, #tpu.memory_space<hbm>> -> memref<10000x128xf32, #tpu.memory_space<hbm>>
      tpu.wait_indirect_dma semaphore(%arg15 : memref<!tpu.dma_semaphore, #tpu.memory_space<semaphore_mem>>) src(%dma_wait3A_993 : memref<10000x128xf32, #tpu.memory_space<hbm>>) dst(%dma_wait3A_987 : memref<80x128xf32, #tpu.memory_space<vmem>>)
      %dma_start3A_994 = arith.constant 0 : i32
      %dma_start3A_995 = arith.constant 0 : i32
      %dma_start3A_996 = tpu.memref_slice %arg8[%scan3A_653, %dma_start3A_994, %dma_start3A_995] : memref<3x80x128xf32, #tpu.memory_space<vmem>> -> memref<1x80x128xf32, #tpu.memory_space<vmem>>
      %dma_start3A_997 = tpu.memref_squeeze %dma_start3A_996 : memref<1x80x128xf32, #tpu.memory_space<vmem>> -> memref<80x128xf32, #tpu.memory_space<vmem>>
      %dma_start3A_998 = arith.constant 0 : i32
      %dma_start3A_999 = tpu.memref_slice %arg7[%scan3A_654, %dma_start3A_998] : memref<6x80xi32, #tpu.memory_space<vmem>> -> memref<1x80xi32, #tpu.memory_space<vmem>>
      %dma_start3A_1000 = tpu.memref_squeeze %dma_start3A_999 : memref<1x80xi32, #tpu.memory_space<vmem>> -> memref<80xi32, #tpu.memory_space<vmem>>
      %dma_start3A_1001 = arith.constant 0 : i32
      %dma_start3A_1002 = arith.constant 0 : i32
      %dma_start3A_1003 = tpu.memref_slice %arg10[%dma_start3A_1001, %dma_start3A_1002] : memref<10240x128xf32, #tpu.memory_space<vmem_shared>> -> memref<10240x128xf32, #tpu.memory_space<vmem_shared>>
      tpu.enqueue_indirect_dma source(%dma_start3A_997 : memref<80x128xf32, #tpu.memory_space<vmem>>) target(%dma_start3A_1003 : memref<10240x128xf32, #tpu.memory_space<vmem_shared>>) offsets(%dma_start3A_1000 : memref<80xi32, #tpu.memory_space<vmem>>) semaphore(%arg18 : memref<!tpu.dma_semaphore, #tpu.memory_space<semaphore_mem>>) {add = true}
      %dma_wait3A_1004 = arith.constant 0 : i32
      %dma_wait3A_1005 = arith.constant 0 : i32
      %dma_wait3A_1006 = tpu.memref_slice %arg8[%scan3A_656, %dma_wait3A_1004, %dma_wait3A_1005] : memref<3x80x128xf32, #tpu.memory_space<vmem>> -> memref<1x80x128xf32, #tpu.memory_space<vmem>>
      %dma_wait3A_1007 = tpu.memref_squeeze %dma_wait3A_1006 : memref<1x80x128xf32, #tpu.memory_space<vmem>> -> memref<80x128xf32, #tpu.memory_space<vmem>>
      %dma_wait3A_1008 = arith.constant 0 : i32
      %dma_wait3A_1009 = tpu.memref_slice %arg6[%scan3A_655, %dma_wait3A_1008] : memref<3x80xi32, #tpu.memory_space<vmem>> -> memref<1x80xi32, #tpu.memory_space<vmem>>
      %dma_wait3A_1010 = tpu.memref_squeeze %dma_wait3A_1009 : memref<1x80xi32, #tpu.memory_space<vmem>> -> memref<80xi32, #tpu.memory_space<vmem>>
      %dma_wait3A_1011 = arith.constant 0 : i32
      %dma_wait3A_1012 = arith.constant 0 : i32
      %dma_wait3A_1013 = tpu.memref_slice %arg2[%dma_wait3A_1011, %dma_wait3A_1012] : memref<10000x128xf32, #tpu.memory_space<hbm>> -> memref<10000x128xf32, #tpu.memory_space<hbm>>
      tpu.wait_indirect_dma semaphore(%arg16 : memref<!tpu.dma_semaphore, #tpu.memory_space<semaphore_mem>>) src(%dma_wait3A_1013 : memref<10000x128xf32, #tpu.memory_space<hbm>>) dst(%dma_wait3A_1007 : memref<80x128xf32, #tpu.memory_space<vmem>>)
      %dma_start3A_1014 = arith.constant 0 : i32
      %dma_start3A_1015 = arith.constant 0 : i32
      %dma_start3A_1016 = tpu.memref_slice %arg8[%scan3A_656, %dma_start3A_1014, %dma_start3A_1015] : memref<3x80x128xf32, #tpu.memory_space<vmem>> -> memref<1x80x128xf32, #tpu.memory_space<vmem>>
      %dma_start3A_1017 = tpu.memref_squeeze %dma_start3A_1016 : memref<1x80x128xf32, #tpu.memory_space<vmem>> -> memref<80x128xf32, #tpu.memory_space<vmem>>
      %dma_start3A_1018 = arith.constant 0 : i32
      %dma_start3A_1019 = tpu.memref_slice %arg7[%scan3A_657, %dma_start3A_1018] : memref<6x80xi32, #tpu.memory_space<vmem>> -> memref<1x80xi32, #tpu.memory_space<vmem>>
      %dma_start3A_1020 = tpu.memref_squeeze %dma_start3A_1019 : memref<1x80xi32, #tpu.memory_space<vmem>> -> memref<80xi32, #tpu.memory_space<vmem>>
      %dma_start3A_1021 = arith.constant 0 : i32
      %dma_start3A_1022 = arith.constant 0 : i32
      %dma_start3A_1023 = tpu.memref_slice %arg10[%dma_start3A_1021, %dma_start3A_1022] : memref<10240x128xf32, #tpu.memory_space<vmem_shared>> -> memref<10240x128xf32, #tpu.memory_space<vmem_shared>>
      tpu.enqueue_indirect_dma source(%dma_start3A_1017 : memref<80x128xf32, #tpu.memory_space<vmem>>) target(%dma_start3A_1023 : memref<10240x128xf32, #tpu.memory_space<vmem_shared>>) offsets(%dma_start3A_1020 : memref<80xi32, #tpu.memory_space<vmem>>) semaphore(%arg19 : memref<!tpu.dma_semaphore, #tpu.memory_space<semaphore_mem>>) {add = true}
      %add3A_1024 = arith.constant 0 : i32
      %add3A_1025 = arith.addi %add3A_963, %add3A_1024 : i32
      %mul3A_1026 = arith.constant 80 : i32
      %mul3A_1027 = arith.muli %add3A_1025, %mul3A_1026 : i32
      %add3A_1028 = arith.addi %mul3A_2, %mul3A_1027 : i32
      %dma_start3A_1029 = arith.constant 0 : i32
      %dma_start3A_1030 = tpu.memref_slice %arg6[%scan3A_649, %dma_start3A_1029] : memref<3x80xi32, #tpu.memory_space<vmem>> -> memref<1x80xi32, #tpu.memory_space<vmem>>
      %dma_start3A_1031 = tpu.memref_squeeze %dma_start3A_1030 : memref<1x80xi32, #tpu.memory_space<vmem>> -> memref<80xi32, #tpu.memory_space<vmem>>
      %dma_start3A_1032 = tpu.memref_slice %arg3[%add3A_1028] : memref<320000xi32, #tpu.memory_space<hbm>> -> memref<80xi32, #tpu.memory_space<hbm>>
      %dma_start3A_1033 = arith.constant 0 : i32
      %dma_start3A_1034 = tpu.memref_slice %arg6[%scan3A_649, %dma_start3A_1033] : memref<3x80xi32, #tpu.memory_space<vmem>> -> memref<1x80xi32, #tpu.memory_space<vmem>>
      %dma_start3A_1035 = tpu.memref_squeeze %dma_start3A_1034 : memref<1x80xi32, #tpu.memory_space<vmem>> -> memref<80xi32, #tpu.memory_space<vmem>>
      %dma_start3A_1036 = tpu.memref_slice %arg3[%add3A_1028] : memref<320000xi32, #tpu.memory_space<hbm>> -> memref<80xi32, #tpu.memory_space<hbm>>
      tpu.enqueue_dma source(%dma_start3A_1036 : memref<80xi32, #tpu.memory_space<hbm>>) target(%dma_start3A_1035 : memref<80xi32, #tpu.memory_space<vmem>>) target_semaphore(%arg11 : memref<!tpu.dma_semaphore, #tpu.memory_space<semaphore_mem>>)
      %dma_start3A_1037 = arith.constant 0 : i32
      %dma_start3A_1038 = tpu.memref_slice %arg7[%scan3A_658, %dma_start3A_1037] : memref<6x80xi32, #tpu.memory_space<vmem>> -> memref<1x80xi32, #tpu.memory_space<vmem>>
      %dma_start3A_1039 = tpu.memref_squeeze %dma_start3A_1038 : memref<1x80xi32, #tpu.memory_space<vmem>> -> memref<80xi32, #tpu.memory_space<vmem>>
      %dma_start3A_1040 = tpu.memref_slice %arg4[%add3A_1028] : memref<320000xi32, #tpu.memory_space<hbm>> -> memref<80xi32, #tpu.memory_space<hbm>>
      %dma_start3A_1041 = arith.constant 0 : i32
      %dma_start3A_1042 = tpu.memref_slice %arg7[%scan3A_658, %dma_start3A_1041] : memref<6x80xi32, #tpu.memory_space<vmem>> -> memref<1x80xi32, #tpu.memory_space<vmem>>
      %dma_start3A_1043 = tpu.memref_squeeze %dma_start3A_1042 : memref<1x80xi32, #tpu.memory_space<vmem>> -> memref<80xi32, #tpu.memory_space<vmem>>
      %dma_start3A_1044 = tpu.memref_slice %arg4[%add3A_1028] : memref<320000xi32, #tpu.memory_space<hbm>> -> memref<80xi32, #tpu.memory_space<hbm>>
      tpu.enqueue_dma source(%dma_start3A_1044 : memref<80xi32, #tpu.memory_space<hbm>>) target(%dma_start3A_1043 : memref<80xi32, #tpu.memory_space<vmem>>) target_semaphore(%arg11 : memref<!tpu.dma_semaphore, #tpu.memory_space<semaphore_mem>>)
      %add3A_1045 = arith.constant 1 : i32
      %add3A_1046 = arith.addi %add3A_963, %add3A_1045 : i32
      %mul3A_1047 = arith.constant 80 : i32
      %mul3A_1048 = arith.muli %add3A_1046, %mul3A_1047 : i32
      %add3A_1049 = arith.addi %mul3A_2, %mul3A_1048 : i32
      %dma_start3A_1050 = arith.constant 0 : i32
      %dma_start3A_1051 = tpu.memref_slice %arg6[%scan3A_652, %dma_start3A_1050] : memref<3x80xi32, #tpu.memory_space<vmem>> -> memref<1x80xi32, #tpu.memory_space<vmem>>
      %dma_start3A_1052 = tpu.memref_squeeze %dma_start3A_1051 : memref<1x80xi32, #tpu.memory_space<vmem>> -> memref<80xi32, #tpu.memory_space<vmem>>
      %dma_start3A_1053 = tpu.memref_slice %arg3[%add3A_1049] : memref<320000xi32, #tpu.memory_space<hbm>> -> memref<80xi32, #tpu.memory_space<hbm>>
      %dma_start3A_1054 = arith.constant 0 : i32
      %dma_start3A_1055 = tpu.memref_slice %arg6[%scan3A_652, %dma_start3A_1054] : memref<3x80xi32, #tpu.memory_space<vmem>> -> memref<1x80xi32, #tpu.memory_space<vmem>>
      %dma_start3A_1056 = tpu.memref_squeeze %dma_start3A_1055 : memref<1x80xi32, #tpu.memory_space<vmem>> -> memref<80xi32, #tpu.memory_space<vmem>>
      %dma_start3A_1057 = tpu.memref_slice %arg3[%add3A_1049] : memref<320000xi32, #tpu.memory_space<hbm>> -> memref<80xi32, #tpu.memory_space<hbm>>
      tpu.enqueue_dma source(%dma_start3A_1057 : memref<80xi32, #tpu.memory_space<hbm>>) target(%dma_start3A_1056 : memref<80xi32, #tpu.memory_space<vmem>>) target_semaphore(%arg12 : memref<!tpu.dma_semaphore, #tpu.memory_space<semaphore_mem>>)
      %dma_start3A_1058 = arith.constant 0 : i32
      %dma_start3A_1059 = tpu.memref_slice %arg7[%scan3A_659, %dma_start3A_1058] : memref<6x80xi32, #tpu.memory_space<vmem>> -> memref<1x80xi32, #tpu.memory_space<vmem>>
      %dma_start3A_1060 = tpu.memref_squeeze %dma_start3A_1059 : memref<1x80xi32, #tpu.memory_space<vmem>> -> memref<80xi32, #tpu.memory_space<vmem>>
      %dma_start3A_1061 = tpu.memref_slice %arg4[%add3A_1049] : memref<320000xi32, #tpu.memory_space<hbm>> -> memref<80xi32, #tpu.memory_space<hbm>>
      %dma_start3A_1062 = arith.constant 0 : i32
      %dma_start3A_1063 = tpu.memref_slice %arg7[%scan3A_659, %dma_start3A_1062] : memref<6x80xi32, #tpu.memory_space<vmem>> -> memref<1x80xi32, #tpu.memory_space<vmem>>
      %dma_start3A_1064 = tpu.memref_squeeze %dma_start3A_1063 : memref<1x80xi32, #tpu.memory_space<vmem>> -> memref<80xi32, #tpu.memory_space<vmem>>
      %dma_start3A_1065 = tpu.memref_slice %arg4[%add3A_1049] : memref<320000xi32, #tpu.memory_space<hbm>> -> memref<80xi32, #tpu.memory_space<hbm>>
      tpu.enqueue_dma source(%dma_start3A_1065 : memref<80xi32, #tpu.memory_space<hbm>>) target(%dma_start3A_1064 : memref<80xi32, #tpu.memory_space<vmem>>) target_semaphore(%arg12 : memref<!tpu.dma_semaphore, #tpu.memory_space<semaphore_mem>>)
      %add3A_1066 = arith.constant 2 : i32
      %add3A_1067 = arith.addi %add3A_963, %add3A_1066 : i32
      %mul3A_1068 = arith.constant 80 : i32
      %mul3A_1069 = arith.muli %add3A_1067, %mul3A_1068 : i32
      %add3A_1070 = arith.addi %mul3A_2, %mul3A_1069 : i32
      %dma_start3A_1071 = arith.constant 0 : i32
      %dma_start3A_1072 = tpu.memref_slice %arg6[%scan3A_655, %dma_start3A_1071] : memref<3x80xi32, #tpu.memory_space<vmem>> -> memref<1x80xi32, #tpu.memory_space<vmem>>
      %dma_start3A_1073 = tpu.memref_squeeze %dma_start3A_1072 : memref<1x80xi32, #tpu.memory_space<vmem>> -> memref<80xi32, #tpu.memory_space<vmem>>
      %dma_start3A_1074 = tpu.memref_slice %arg3[%add3A_1070] : memref<320000xi32, #tpu.memory_space<hbm>> -> memref<80xi32, #tpu.memory_space<hbm>>
      %dma_start3A_1075 = arith.constant 0 : i32
      %dma_start3A_1076 = tpu.memref_slice %arg6[%scan3A_655, %dma_start3A_1075] : memref<3x80xi32, #tpu.memory_space<vmem>> -> memref<1x80xi32, #tpu.memory_space<vmem>>
      %dma_start3A_1077 = tpu.memref_squeeze %dma_start3A_1076 : memref<1x80xi32, #tpu.memory_space<vmem>> -> memref<80xi32, #tpu.memory_space<vmem>>
      %dma_start3A_1078 = tpu.memref_slice %arg3[%add3A_1070] : memref<320000xi32, #tpu.memory_space<hbm>> -> memref<80xi32, #tpu.memory_space<hbm>>
      tpu.enqueue_dma source(%dma_start3A_1078 : memref<80xi32, #tpu.memory_space<hbm>>) target(%dma_start3A_1077 : memref<80xi32, #tpu.memory_space<vmem>>) target_semaphore(%arg13 : memref<!tpu.dma_semaphore, #tpu.memory_space<semaphore_mem>>)
      %dma_start3A_1079 = arith.constant 0 : i32
      %dma_start3A_1080 = tpu.memref_slice %arg7[%scan3A_660, %dma_start3A_1079] : memref<6x80xi32, #tpu.memory_space<vmem>> -> memref<1x80xi32, #tpu.memory_space<vmem>>
      %dma_start3A_1081 = tpu.memref_squeeze %dma_start3A_1080 : memref<1x80xi32, #tpu.memory_space<vmem>> -> memref<80xi32, #tpu.memory_space<vmem>>
      %dma_start3A_1082 = tpu.memref_slice %arg4[%add3A_1070] : memref<320000xi32, #tpu.memory_space<hbm>> -> memref<80xi32, #tpu.memory_space<hbm>>
      %dma_start3A_1083 = arith.constant 0 : i32
      %dma_start3A_1084 = tpu.memref_slice %arg7[%scan3A_660, %dma_start3A_1083] : memref<6x80xi32, #tpu.memory_space<vmem>> -> memref<1x80xi32, #tpu.memory_space<vmem>>
      %dma_start3A_1085 = tpu.memref_squeeze %dma_start3A_1084 : memref<1x80xi32, #tpu.memory_space<vmem>> -> memref<80xi32, #tpu.memory_space<vmem>>
      %dma_start3A_1086 = tpu.memref_slice %arg4[%add3A_1070] : memref<320000xi32, #tpu.memory_space<hbm>> -> memref<80xi32, #tpu.memory_space<hbm>>
      tpu.enqueue_dma source(%dma_start3A_1086 : memref<80xi32, #tpu.memory_space<hbm>>) target(%dma_start3A_1085 : memref<80xi32, #tpu.memory_space<vmem>>) target_semaphore(%arg13 : memref<!tpu.dma_semaphore, #tpu.memory_space<semaphore_mem>>)
      %dma_wait3A_1087 = arith.constant 0 : i32
      %dma_wait3A_1088 = arith.constant 0 : i32
      %dma_wait3A_1089 = tpu.memref_slice %arg8[%scan3A_650, %dma_wait3A_1087, %dma_wait3A_1088] : memref<3x80x128xf32, #tpu.memory_space<vmem>> -> memref<1x80x128xf32, #tpu.memory_space<vmem>>
      %dma_wait3A_1090 = tpu.memref_squeeze %dma_wait3A_1089 : memref<1x80x128xf32, #tpu.memory_space<vmem>> -> memref<80x128xf32, #tpu.memory_space<vmem>>
      %dma_wait3A_1091 = arith.constant 0 : i32
      %dma_wait3A_1092 = tpu.memref_slice %arg7[%scan3A_651, %dma_wait3A_1091] : memref<6x80xi32, #tpu.memory_space<vmem>> -> memref<1x80xi32, #tpu.memory_space<vmem>>
      %dma_wait3A_1093 = tpu.memref_squeeze %dma_wait3A_1092 : memref<1x80xi32, #tpu.memory_space<vmem>> -> memref<80xi32, #tpu.memory_space<vmem>>
      %dma_wait3A_1094 = arith.constant 0 : i32
      %dma_wait3A_1095 = arith.constant 0 : i32
      %dma_wait3A_1096 = tpu.memref_slice %arg10[%dma_wait3A_1094, %dma_wait3A_1095] : memref<10240x128xf32, #tpu.memory_space<vmem_shared>> -> memref<10240x128xf32, #tpu.memory_space<vmem_shared>>
      tpu.wait_indirect_dma semaphore(%arg17 : memref<!tpu.dma_semaphore, #tpu.memory_space<semaphore_mem>>) src(%dma_wait3A_1090 : memref<80x128xf32, #tpu.memory_space<vmem>>) dst(%dma_wait3A_1096 : memref<10240x128xf32, #tpu.memory_space<vmem_shared>>)
      %dma_wait3A_1097 = arith.constant 0 : i32
      %dma_wait3A_1098 = arith.constant 0 : i32
      %dma_wait3A_1099 = tpu.memref_slice %arg8[%scan3A_653, %dma_wait3A_1097, %dma_wait3A_1098] : memref<3x80x128xf32, #tpu.memory_space<vmem>> -> memref<1x80x128xf32, #tpu.memory_space<vmem>>
      %dma_wait3A_1100 = tpu.memref_squeeze %dma_wait3A_1099 : memref<1x80x128xf32, #tpu.memory_space<vmem>> -> memref<80x128xf32, #tpu.memory_space<vmem>>
      %dma_wait3A_1101 = arith.constant 0 : i32
      %dma_wait3A_1102 = tpu.memref_slice %arg7[%scan3A_654, %dma_wait3A_1101] : memref<6x80xi32, #tpu.memory_space<vmem>> -> memref<1x80xi32, #tpu.memory_space<vmem>>
      %dma_wait3A_1103 = tpu.memref_squeeze %dma_wait3A_1102 : memref<1x80xi32, #tpu.memory_space<vmem>> -> memref<80xi32, #tpu.memory_space<vmem>>
      %dma_wait3A_1104 = arith.constant 0 : i32
      %dma_wait3A_1105 = arith.constant 0 : i32
      %dma_wait3A_1106 = tpu.memref_slice %arg10[%dma_wait3A_1104, %dma_wait3A_1105] : memref<10240x128xf32, #tpu.memory_space<vmem_shared>> -> memref<10240x128xf32, #tpu.memory_space<vmem_shared>>
      tpu.wait_indirect_dma semaphore(%arg18 : memref<!tpu.dma_semaphore, #tpu.memory_space<semaphore_mem>>) src(%dma_wait3A_1100 : memref<80x128xf32, #tpu.memory_space<vmem>>) dst(%dma_wait3A_1106 : memref<10240x128xf32, #tpu.memory_space<vmem_shared>>)
      %dma_wait3A_1107 = arith.constant 0 : i32
      %dma_wait3A_1108 = arith.constant 0 : i32
      %dma_wait3A_1109 = tpu.memref_slice %arg8[%scan3A_656, %dma_wait3A_1107, %dma_wait3A_1108] : memref<3x80x128xf32, #tpu.memory_space<vmem>> -> memref<1x80x128xf32, #tpu.memory_space<vmem>>
      %dma_wait3A_1110 = tpu.memref_squeeze %dma_wait3A_1109 : memref<1x80x128xf32, #tpu.memory_space<vmem>> -> memref<80x128xf32, #tpu.memory_space<vmem>>
      %dma_wait3A_1111 = arith.constant 0 : i32
      %dma_wait3A_1112 = tpu.memref_slice %arg7[%scan3A_657, %dma_wait3A_1111] : memref<6x80xi32, #tpu.memory_space<vmem>> -> memref<1x80xi32, #tpu.memory_space<vmem>>
      %dma_wait3A_1113 = tpu.memref_squeeze %dma_wait3A_1112 : memref<1x80xi32, #tpu.memory_space<vmem>> -> memref<80xi32, #tpu.memory_space<vmem>>
      %dma_wait3A_1114 = arith.constant 0 : i32
      %dma_wait3A_1115 = arith.constant 0 : i32
      %dma_wait3A_1116 = tpu.memref_slice %arg10[%dma_wait3A_1114, %dma_wait3A_1115] : memref<10240x128xf32, #tpu.memory_space<vmem_shared>> -> memref<10240x128xf32, #tpu.memory_space<vmem_shared>>
      tpu.wait_indirect_dma semaphore(%arg19 : memref<!tpu.dma_semaphore, #tpu.memory_space<semaphore_mem>>) src(%dma_wait3A_1110 : memref<80x128xf32, #tpu.memory_space<vmem>>) dst(%dma_wait3A_1116 : memref<10240x128xf32, #tpu.memory_space<vmem_shared>>)
      %dma_wait3A_1117 = arith.constant 0 : i32
      %dma_wait3A_1118 = tpu.memref_slice %arg6[%scan3A_649, %dma_wait3A_1117] : memref<3x80xi32, #tpu.memory_space<vmem>> -> memref<1x80xi32, #tpu.memory_space<vmem>>
      %dma_wait3A_1119 = tpu.memref_squeeze %dma_wait3A_1118 : memref<1x80xi32, #tpu.memory_space<vmem>> -> memref<80xi32, #tpu.memory_space<vmem>>
      %dma_wait3A_1120 = arith.constant 0 : i32
      %dma_wait3A_1121 = tpu.memref_slice %arg3[%dma_wait3A_1120] : memref<320000xi32, #tpu.memory_space<hbm>> -> memref<80xi32, #tpu.memory_space<hbm>>
      %dma_wait3A_1122 = arith.constant 0 : i32
      %dma_wait3A_1123 = tpu.memref_slice %arg6[%scan3A_649, %dma_wait3A_1122] : memref<3x80xi32, #tpu.memory_space<vmem>> -> memref<1x80xi32, #tpu.memory_space<vmem>>
      %dma_wait3A_1124 = tpu.memref_squeeze %dma_wait3A_1123 : memref<1x80xi32, #tpu.memory_space<vmem>> -> memref<80xi32, #tpu.memory_space<vmem>>
      %dma_wait3A_1125 = arith.constant 0 : i32
      %dma_wait3A_1126 = tpu.memref_slice %arg3[%dma_wait3A_1125] : memref<320000xi32, #tpu.memory_space<hbm>> -> memref<80xi32, #tpu.memory_space<hbm>>
      tpu.wait_dma2 semaphore(%arg11 : memref<!tpu.dma_semaphore, #tpu.memory_space<semaphore_mem>>) src(%dma_wait3A_1126 : memref<80xi32, #tpu.memory_space<hbm>>) dst(%dma_wait3A_1124 : memref<80xi32, #tpu.memory_space<vmem>>)
      %dma_wait3A_1127 = arith.constant 0 : i32
      %dma_wait3A_1128 = tpu.memref_slice %arg7[%scan3A_658, %dma_wait3A_1127] : memref<6x80xi32, #tpu.memory_space<vmem>> -> memref<1x80xi32, #tpu.memory_space<vmem>>
      %dma_wait3A_1129 = tpu.memref_squeeze %dma_wait3A_1128 : memref<1x80xi32, #tpu.memory_space<vmem>> -> memref<80xi32, #tpu.memory_space<vmem>>
      %dma_wait3A_1130 = arith.constant 0 : i32
      %dma_wait3A_1131 = tpu.memref_slice %arg3[%dma_wait3A_1130] : memref<320000xi32, #tpu.memory_space<hbm>> -> memref<80xi32, #tpu.memory_space<hbm>>
      %dma_wait3A_1132 = arith.constant 0 : i32
      %dma_wait3A_1133 = tpu.memref_slice %arg7[%scan3A_658, %dma_wait3A_1132] : memref<6x80xi32, #tpu.memory_space<vmem>> -> memref<1x80xi32, #tpu.memory_space<vmem>>
      %dma_wait3A_1134 = tpu.memref_squeeze %dma_wait3A_1133 : memref<1x80xi32, #tpu.memory_space<vmem>> -> memref<80xi32, #tpu.memory_space<vmem>>
      %dma_wait3A_1135 = arith.constant 0 : i32
      %dma_wait3A_1136 = tpu.memref_slice %arg3[%dma_wait3A_1135] : memref<320000xi32, #tpu.memory_space<hbm>> -> memref<80xi32, #tpu.memory_space<hbm>>
      tpu.wait_dma2 semaphore(%arg11 : memref<!tpu.dma_semaphore, #tpu.memory_space<semaphore_mem>>) src(%dma_wait3A_1136 : memref<80xi32, #tpu.memory_space<hbm>>) dst(%dma_wait3A_1134 : memref<80xi32, #tpu.memory_space<vmem>>)
      %dma_start3A_1137 = arith.constant 0 : i32
      %dma_start3A_1138 = arith.constant 0 : i32
      %dma_start3A_1139 = tpu.memref_slice %arg8[%scan3A_650, %dma_start3A_1137, %dma_start3A_1138] : memref<3x80x128xf32, #tpu.memory_space<vmem>> -> memref<1x80x128xf32, #tpu.memory_space<vmem>>
      %dma_start3A_1140 = tpu.memref_squeeze %dma_start3A_1139 : memref<1x80x128xf32, #tpu.memory_space<vmem>> -> memref<80x128xf32, #tpu.memory_space<vmem>>
      %dma_start3A_1141 = arith.constant 0 : i32
      %dma_start3A_1142 = tpu.memref_slice %arg6[%scan3A_649, %dma_start3A_1141] : memref<3x80xi32, #tpu.memory_space<vmem>> -> memref<1x80xi32, #tpu.memory_space<vmem>>
      %dma_start3A_1143 = tpu.memref_squeeze %dma_start3A_1142 : memref<1x80xi32, #tpu.memory_space<vmem>> -> memref<80xi32, #tpu.memory_space<vmem>>
      %dma_start3A_1144 = arith.constant 0 : i32
      %dma_start3A_1145 = arith.constant 0 : i32
      %dma_start3A_1146 = tpu.memref_slice %arg2[%dma_start3A_1144, %dma_start3A_1145] : memref<10000x128xf32, #tpu.memory_space<hbm>> -> memref<10000x128xf32, #tpu.memory_space<hbm>>
      tpu.enqueue_indirect_dma source(%dma_start3A_1146 : memref<10000x128xf32, #tpu.memory_space<hbm>>) target(%dma_start3A_1140 : memref<80x128xf32, #tpu.memory_space<vmem>>) offsets(%dma_start3A_1143 : memref<80xi32, #tpu.memory_space<vmem>>) semaphore(%arg14 : memref<!tpu.dma_semaphore, #tpu.memory_space<semaphore_mem>>)
      %dma_wait3A_1147 = arith.constant 0 : i32
      %dma_wait3A_1148 = tpu.memref_slice %arg6[%scan3A_652, %dma_wait3A_1147] : memref<3x80xi32, #tpu.memory_space<vmem>> -> memref<1x80xi32, #tpu.memory_space<vmem>>
      %dma_wait3A_1149 = tpu.memref_squeeze %dma_wait3A_1148 : memref<1x80xi32, #tpu.memory_space<vmem>> -> memref<80xi32, #tpu.memory_space<vmem>>
      %dma_wait3A_1150 = arith.constant 0 : i32
      %dma_wait3A_1151 = tpu.memref_slice %arg3[%dma_wait3A_1150] : memref<320000xi32, #tpu.memory_space<hbm>> -> memref<80xi32, #tpu.memory_space<hbm>>
      %dma_wait3A_1152 = arith.constant 0 : i32
      %dma_wait3A_1153 = tpu.memref_slice %arg6[%scan3A_652, %dma_wait3A_1152] : memref<3x80xi32, #tpu.memory_space<vmem>> -> memref<1x80xi32, #tpu.memory_space<vmem>>
      %dma_wait3A_1154 = tpu.memref_squeeze %dma_wait3A_1153 : memref<1x80xi32, #tpu.memory_space<vmem>> -> memref<80xi32, #tpu.memory_space<vmem>>
      %dma_wait3A_1155 = arith.constant 0 : i32
      %dma_wait3A_1156 = tpu.memref_slice %arg3[%dma_wait3A_1155] : memref<320000xi32, #tpu.memory_space<hbm>> -> memref<80xi32, #tpu.memory_space<hbm>>
      tpu.wait_dma2 semaphore(%arg12 : memref<!tpu.dma_semaphore, #tpu.memory_space<semaphore_mem>>) src(%dma_wait3A_1156 : memref<80xi32, #tpu.memory_space<hbm>>) dst(%dma_wait3A_1154 : memref<80xi32, #tpu.memory_space<vmem>>)
      %dma_wait3A_1157 = arith.constant 0 : i32
      %dma_wait3A_1158 = tpu.memref_slice %arg7[%scan3A_659, %dma_wait3A_1157] : memref<6x80xi32, #tpu.memory_space<vmem>> -> memref<1x80xi32, #tpu.memory_space<vmem>>
      %dma_wait3A_1159 = tpu.memref_squeeze %dma_wait3A_1158 : memref<1x80xi32, #tpu.memory_space<vmem>> -> memref<80xi32, #tpu.memory_space<vmem>>
      %dma_wait3A_1160 = arith.constant 0 : i32
      %dma_wait3A_1161 = tpu.memref_slice %arg3[%dma_wait3A_1160] : memref<320000xi32, #tpu.memory_space<hbm>> -> memref<80xi32, #tpu.memory_space<hbm>>
      %dma_wait3A_1162 = arith.constant 0 : i32
      %dma_wait3A_1163 = tpu.memref_slice %arg7[%scan3A_659, %dma_wait3A_1162] : memref<6x80xi32, #tpu.memory_space<vmem>> -> memref<1x80xi32, #tpu.memory_space<vmem>>
      %dma_wait3A_1164 = tpu.memref_squeeze %dma_wait3A_1163 : memref<1x80xi32, #tpu.memory_space<vmem>> -> memref<80xi32, #tpu.memory_space<vmem>>
      %dma_wait3A_1165 = arith.constant 0 : i32
      %dma_wait3A_1166 = tpu.memref_slice %arg3[%dma_wait3A_1165] : memref<320000xi32, #tpu.memory_space<hbm>> -> memref<80xi32, #tpu.memory_space<hbm>>
      tpu.wait_dma2 semaphore(%arg12 : memref<!tpu.dma_semaphore, #tpu.memory_space<semaphore_mem>>) src(%dma_wait3A_1166 : memref<80xi32, #tpu.memory_space<hbm>>) dst(%dma_wait3A_1164 : memref<80xi32, #tpu.memory_space<vmem>>)
      %dma_start3A_1167 = arith.constant 0 : i32
      %dma_start3A_1168 = arith.constant 0 : i32
      %dma_start3A_1169 = tpu.memref_slice %arg8[%scan3A_653, %dma_start3A_1167, %dma_start3A_1168] : memref<3x80x128xf32, #tpu.memory_space<vmem>> -> memref<1x80x128xf32, #tpu.memory_space<vmem>>
      %dma_start3A_1170 = tpu.memref_squeeze %dma_start3A_1169 : memref<1x80x128xf32, #tpu.memory_space<vmem>> -> memref<80x128xf32, #tpu.memory_space<vmem>>
      %dma_start3A_1171 = arith.constant 0 : i32
      %dma_start3A_1172 = tpu.memref_slice %arg6[%scan3A_652, %dma_start3A_1171] : memref<3x80xi32, #tpu.memory_space<vmem>> -> memref<1x80xi32, #tpu.memory_space<vmem>>
      %dma_start3A_1173 = tpu.memref_squeeze %dma_start3A_1172 : memref<1x80xi32, #tpu.memory_space<vmem>> -> memref<80xi32, #tpu.memory_space<vmem>>
      %dma_start3A_1174 = arith.constant 0 : i32
      %dma_start3A_1175 = arith.constant 0 : i32
      %dma_start3A_1176 = tpu.memref_slice %arg2[%dma_start3A_1174, %dma_start3A_1175] : memref<10000x128xf32, #tpu.memory_space<hbm>> -> memref<10000x128xf32, #tpu.memory_space<hbm>>
      tpu.enqueue_indirect_dma source(%dma_start3A_1176 : memref<10000x128xf32, #tpu.memory_space<hbm>>) target(%dma_start3A_1170 : memref<80x128xf32, #tpu.memory_space<vmem>>) offsets(%dma_start3A_1173 : memref<80xi32, #tpu.memory_space<vmem>>) semaphore(%arg15 : memref<!tpu.dma_semaphore, #tpu.memory_space<semaphore_mem>>)
      %dma_wait3A_1177 = arith.constant 0 : i32
      %dma_wait3A_1178 = tpu.memref_slice %arg6[%scan3A_655, %dma_wait3A_1177] : memref<3x80xi32, #tpu.memory_space<vmem>> -> memref<1x80xi32, #tpu.memory_space<vmem>>
      %dma_wait3A_1179 = tpu.memref_squeeze %dma_wait3A_1178 : memref<1x80xi32, #tpu.memory_space<vmem>> -> memref<80xi32, #tpu.memory_space<vmem>>
      %dma_wait3A_1180 = arith.constant 0 : i32
      %dma_wait3A_1181 = tpu.memref_slice %arg3[%dma_wait3A_1180] : memref<320000xi32, #tpu.memory_space<hbm>> -> memref<80xi32, #tpu.memory_space<hbm>>
      %dma_wait3A_1182 = arith.constant 0 : i32
      %dma_wait3A_1183 = tpu.memref_slice %arg6[%scan3A_655, %dma_wait3A_1182] : memref<3x80xi32, #tpu.memory_space<vmem>> -> memref<1x80xi32, #tpu.memory_space<vmem>>
      %dma_wait3A_1184 = tpu.memref_squeeze %dma_wait3A_1183 : memref<1x80xi32, #tpu.memory_space<vmem>> -> memref<80xi32, #tpu.memory_space<vmem>>
      %dma_wait3A_1185 = arith.constant 0 : i32
      %dma_wait3A_1186 = tpu.memref_slice %arg3[%dma_wait3A_1185] : memref<320000xi32, #tpu.memory_space<hbm>> -> memref<80xi32, #tpu.memory_space<hbm>>
      tpu.wait_dma2 semaphore(%arg13 : memref<!tpu.dma_semaphore, #tpu.memory_space<semaphore_mem>>) src(%dma_wait3A_1186 : memref<80xi32, #tpu.memory_space<hbm>>) dst(%dma_wait3A_1184 : memref<80xi32, #tpu.memory_space<vmem>>)
      %dma_wait3A_1187 = arith.constant 0 : i32
      %dma_wait3A_1188 = tpu.memref_slice %arg7[%scan3A_660, %dma_wait3A_1187] : memref<6x80xi32, #tpu.memory_space<vmem>> -> memref<1x80xi32, #tpu.memory_space<vmem>>
      %dma_wait3A_1189 = tpu.memref_squeeze %dma_wait3A_1188 : memref<1x80xi32, #tpu.memory_space<vmem>> -> memref<80xi32, #tpu.memory_space<vmem>>
      %dma_wait3A_1190 = arith.constant 0 : i32
      %dma_wait3A_1191 = tpu.memref_slice %arg3[%dma_wait3A_1190] : memref<320000xi32, #tpu.memory_space<hbm>> -> memref<80xi32, #tpu.memory_space<hbm>>
      %dma_wait3A_1192 = arith.constant 0 : i32
      %dma_wait3A_1193 = tpu.memref_slice %arg7[%scan3A_660, %dma_wait3A_1192] : memref<6x80xi32, #tpu.memory_space<vmem>> -> memref<1x80xi32, #tpu.memory_space<vmem>>
      %dma_wait3A_1194 = tpu.memref_squeeze %dma_wait3A_1193 : memref<1x80xi32, #tpu.memory_space<vmem>> -> memref<80xi32, #tpu.memory_space<vmem>>
      %dma_wait3A_1195 = arith.constant 0 : i32
      %dma_wait3A_1196 = tpu.memref_slice %arg3[%dma_wait3A_1195] : memref<320000xi32, #tpu.memory_space<hbm>> -> memref<80xi32, #tpu.memory_space<hbm>>
      tpu.wait_dma2 semaphore(%arg13 : memref<!tpu.dma_semaphore, #tpu.memory_space<semaphore_mem>>) src(%dma_wait3A_1196 : memref<80xi32, #tpu.memory_space<hbm>>) dst(%dma_wait3A_1194 : memref<80xi32, #tpu.memory_space<vmem>>)
      %dma_start3A_1197 = arith.constant 0 : i32
      %dma_start3A_1198 = arith.constant 0 : i32
      %dma_start3A_1199 = tpu.memref_slice %arg8[%scan3A_656, %dma_start3A_1197, %dma_start3A_1198] : memref<3x80x128xf32, #tpu.memory_space<vmem>> -> memref<1x80x128xf32, #tpu.memory_space<vmem>>
      %dma_start3A_1200 = tpu.memref_squeeze %dma_start3A_1199 : memref<1x80x128xf32, #tpu.memory_space<vmem>> -> memref<80x128xf32, #tpu.memory_space<vmem>>
      %dma_start3A_1201 = arith.constant 0 : i32
      %dma_start3A_1202 = tpu.memref_slice %arg6[%scan3A_655, %dma_start3A_1201] : memref<3x80xi32, #tpu.memory_space<vmem>> -> memref<1x80xi32, #tpu.memory_space<vmem>>
      %dma_start3A_1203 = tpu.memref_squeeze %dma_start3A_1202 : memref<1x80xi32, #tpu.memory_space<vmem>> -> memref<80xi32, #tpu.memory_space<vmem>>
      %dma_start3A_1204 = arith.constant 0 : i32
      %dma_start3A_1205 = arith.constant 0 : i32
      %dma_start3A_1206 = tpu.memref_slice %arg2[%dma_start3A_1204, %dma_start3A_1205] : memref<10000x128xf32, #tpu.memory_space<hbm>> -> memref<10000x128xf32, #tpu.memory_space<hbm>>
      tpu.enqueue_indirect_dma source(%dma_start3A_1206 : memref<10000x128xf32, #tpu.memory_space<hbm>>) target(%dma_start3A_1200 : memref<80x128xf32, #tpu.memory_space<vmem>>) offsets(%dma_start3A_1203 : memref<80xi32, #tpu.memory_space<vmem>>) semaphore(%arg16 : memref<!tpu.dma_semaphore, #tpu.memory_space<semaphore_mem>>)
      %add3A_1207 = arith.constant 3 : i32
      %add3A_1208 = arith.addi %mul3A_961, %add3A_1207 : i32
      %add3A_1209 = arith.constant 6 : i32
      %add3A_1210 = arith.addi %mul3A_961, %add3A_1209 : i32
      %dma_wait3A_1211 = arith.constant 0 : i32
      %dma_wait3A_1212 = arith.constant 0 : i32
      %dma_wait3A_1213 = tpu.memref_slice %arg8[%scan3A_650, %dma_wait3A_1211, %dma_wait3A_1212] : memref<3x80x128xf32, #tpu.memory_space<vmem>> -> memref<1x80x128xf32, #tpu.memory_space<vmem>>
      %dma_wait3A_1214 = tpu.memref_squeeze %dma_wait3A_1213 : memref<1x80x128xf32, #tpu.memory_space<vmem>> -> memref<80x128xf32, #tpu.memory_space<vmem>>
      %dma_wait3A_1215 = arith.constant 0 : i32
      %dma_wait3A_1216 = tpu.memref_slice %arg6[%scan3A_649, %dma_wait3A_1215] : memref<3x80xi32, #tpu.memory_space<vmem>> -> memref<1x80xi32, #tpu.memory_space<vmem>>
      %dma_wait3A_1217 = tpu.memref_squeeze %dma_wait3A_1216 : memref<1x80xi32, #tpu.memory_space<vmem>> -> memref<80xi32, #tpu.memory_space<vmem>>
      %dma_wait3A_1218 = arith.constant 0 : i32
      %dma_wait3A_1219 = arith.constant 0 : i32
      %dma_wait3A_1220 = tpu.memref_slice %arg2[%dma_wait3A_1218, %dma_wait3A_1219] : memref<10000x128xf32, #tpu.memory_space<hbm>> -> memref<10000x128xf32, #tpu.memory_space<hbm>>
      tpu.wait_indirect_dma semaphore(%arg14 : memref<!tpu.dma_semaphore, #tpu.memory_space<semaphore_mem>>) src(%dma_wait3A_1220 : memref<10000x128xf32, #tpu.memory_space<hbm>>) dst(%dma_wait3A_1214 : memref<80x128xf32, #tpu.memory_space<vmem>>)
      %dma_start3A_1221 = arith.constant 0 : i32
      %dma_start3A_1222 = arith.constant 0 : i32
      %dma_start3A_1223 = tpu.memref_slice %arg8[%scan3A_650, %dma_start3A_1221, %dma_start3A_1222] : memref<3x80x128xf32, #tpu.memory_space<vmem>> -> memref<1x80x128xf32, #tpu.memory_space<vmem>>
      %dma_start3A_1224 = tpu.memref_squeeze %dma_start3A_1223 : memref<1x80x128xf32, #tpu.memory_space<vmem>> -> memref<80x128xf32, #tpu.memory_space<vmem>>
      %dma_start3A_1225 = arith.constant 0 : i32
      %dma_start3A_1226 = tpu.memref_slice %arg7[%scan3A_658, %dma_start3A_1225] : memref<6x80xi32, #tpu.memory_space<vmem>> -> memref<1x80xi32, #tpu.memory_space<vmem>>
      %dma_start3A_1227 = tpu.memref_squeeze %dma_start3A_1226 : memref<1x80xi32, #tpu.memory_space<vmem>> -> memref<80xi32, #tpu.memory_space<vmem>>
      %dma_start3A_1228 = arith.constant 0 : i32
      %dma_start3A_1229 = arith.constant 0 : i32
      %dma_start3A_1230 = tpu.memref_slice %arg10[%dma_start3A_1228, %dma_start3A_1229] : memref<10240x128xf32, #tpu.memory_space<vmem_shared>> -> memref<10240x128xf32, #tpu.memory_space<vmem_shared>>
      tpu.enqueue_indirect_dma source(%dma_start3A_1224 : memref<80x128xf32, #tpu.memory_space<vmem>>) target(%dma_start3A_1230 : memref<10240x128xf32, #tpu.memory_space<vmem_shared>>) offsets(%dma_start3A_1227 : memref<80xi32, #tpu.memory_space<vmem>>) semaphore(%arg17 : memref<!tpu.dma_semaphore, #tpu.memory_space<semaphore_mem>>) {add = true}
      %dma_wait3A_1231 = arith.constant 0 : i32
      %dma_wait3A_1232 = arith.constant 0 : i32
      %dma_wait3A_1233 = tpu.memref_slice %arg8[%scan3A_653, %dma_wait3A_1231, %dma_wait3A_1232] : memref<3x80x128xf32, #tpu.memory_space<vmem>> -> memref<1x80x128xf32, #tpu.memory_space<vmem>>
      %dma_wait3A_1234 = tpu.memref_squeeze %dma_wait3A_1233 : memref<1x80x128xf32, #tpu.memory_space<vmem>> -> memref<80x128xf32, #tpu.memory_space<vmem>>
      %dma_wait3A_1235 = arith.constant 0 : i32
      %dma_wait3A_1236 = tpu.memref_slice %arg6[%scan3A_652, %dma_wait3A_1235] : memref<3x80xi32, #tpu.memory_space<vmem>> -> memref<1x80xi32, #tpu.memory_space<vmem>>
      %dma_wait3A_1237 = tpu.memref_squeeze %dma_wait3A_1236 : memref<1x80xi32, #tpu.memory_space<vmem>> -> memref<80xi32, #tpu.memory_space<vmem>>
      %dma_wait3A_1238 = arith.constant 0 : i32
      %dma_wait3A_1239 = arith.constant 0 : i32
      %dma_wait3A_1240 = tpu.memref_slice %arg2[%dma_wait3A_1238, %dma_wait3A_1239] : memref<10000x128xf32, #tpu.memory_space<hbm>> -> memref<10000x128xf32, #tpu.memory_space<hbm>>
      tpu.wait_indirect_dma semaphore(%arg15 : memref<!tpu.dma_semaphore, #tpu.memory_space<semaphore_mem>>) src(%dma_wait3A_1240 : memref<10000x128xf32, #tpu.memory_space<hbm>>) dst(%dma_wait3A_1234 : memref<80x128xf32, #tpu.memory_space<vmem>>)
      %dma_start3A_1241 = arith.constant 0 : i32
      %dma_start3A_1242 = arith.constant 0 : i32
      %dma_start3A_1243 = tpu.memref_slice %arg8[%scan3A_653, %dma_start3A_1241, %dma_start3A_1242] : memref<3x80x128xf32, #tpu.memory_space<vmem>> -> memref<1x80x128xf32, #tpu.memory_space<vmem>>
      %dma_start3A_1244 = tpu.memref_squeeze %dma_start3A_1243 : memref<1x80x128xf32, #tpu.memory_space<vmem>> -> memref<80x128xf32, #tpu.memory_space<vmem>>
      %dma_start3A_1245 = arith.constant 0 : i32
      %dma_start3A_1246 = tpu.memref_slice %arg7[%scan3A_659, %dma_start3A_1245] : memref<6x80xi32, #tpu.memory_space<vmem>> -> memref<1x80xi32, #tpu.memory_space<vmem>>
      %dma_start3A_1247 = tpu.memref_squeeze %dma_start3A_1246 : memref<1x80xi32, #tpu.memory_space<vmem>> -> memref<80xi32, #tpu.memory_space<vmem>>
      %dma_start3A_1248 = arith.constant 0 : i32
      %dma_start3A_1249 = arith.constant 0 : i32
      %dma_start3A_1250 = tpu.memref_slice %arg10[%dma_start3A_1248, %dma_start3A_1249] : memref<10240x128xf32, #tpu.memory_space<vmem_shared>> -> memref<10240x128xf32, #tpu.memory_space<vmem_shared>>
      tpu.enqueue_indirect_dma source(%dma_start3A_1244 : memref<80x128xf32, #tpu.memory_space<vmem>>) target(%dma_start3A_1250 : memref<10240x128xf32, #tpu.memory_space<vmem_shared>>) offsets(%dma_start3A_1247 : memref<80xi32, #tpu.memory_space<vmem>>) semaphore(%arg18 : memref<!tpu.dma_semaphore, #tpu.memory_space<semaphore_mem>>) {add = true}
      %dma_wait3A_1251 = arith.constant 0 : i32
      %dma_wait3A_1252 = arith.constant 0 : i32
      %dma_wait3A_1253 = tpu.memref_slice %arg8[%scan3A_656, %dma_wait3A_1251, %dma_wait3A_1252] : memref<3x80x128xf32, #tpu.memory_space<vmem>> -> memref<1x80x128xf32, #tpu.memory_space<vmem>>
      %dma_wait3A_1254 = tpu.memref_squeeze %dma_wait3A_1253 : memref<1x80x128xf32, #tpu.memory_space<vmem>> -> memref<80x128xf32, #tpu.memory_space<vmem>>
      %dma_wait3A_1255 = arith.constant 0 : i32
      %dma_wait3A_1256 = tpu.memref_slice %arg6[%scan3A_655, %dma_wait3A_1255] : memref<3x80xi32, #tpu.memory_space<vmem>> -> memref<1x80xi32, #tpu.memory_space<vmem>>
      %dma_wait3A_1257 = tpu.memref_squeeze %dma_wait3A_1256 : memref<1x80xi32, #tpu.memory_space<vmem>> -> memref<80xi32, #tpu.memory_space<vmem>>
      %dma_wait3A_1258 = arith.constant 0 : i32
      %dma_wait3A_1259 = arith.constant 0 : i32
      %dma_wait3A_1260 = tpu.memref_slice %arg2[%dma_wait3A_1258, %dma_wait3A_1259] : memref<10000x128xf32, #tpu.memory_space<hbm>> -> memref<10000x128xf32, #tpu.memory_space<hbm>>
      tpu.wait_indirect_dma semaphore(%arg16 : memref<!tpu.dma_semaphore, #tpu.memory_space<semaphore_mem>>) src(%dma_wait3A_1260 : memref<10000x128xf32, #tpu.memory_space<hbm>>) dst(%dma_wait3A_1254 : memref<80x128xf32, #tpu.memory_space<vmem>>)
      %dma_start3A_1261 = arith.constant 0 : i32
      %dma_start3A_1262 = arith.constant 0 : i32
      %dma_start3A_1263 = tpu.memref_slice %arg8[%scan3A_656, %dma_start3A_1261, %dma_start3A_1262] : memref<3x80x128xf32, #tpu.memory_space<vmem>> -> memref<1x80x128xf32, #tpu.memory_space<vmem>>
      %dma_start3A_1264 = tpu.memref_squeeze %dma_start3A_1263 : memref<1x80x128xf32, #tpu.memory_space<vmem>> -> memref<80x128xf32, #tpu.memory_space<vmem>>
      %dma_start3A_1265 = arith.constant 0 : i32
      %dma_start3A_1266 = tpu.memref_slice %arg7[%scan3A_660, %dma_start3A_1265] : memref<6x80xi32, #tpu.memory_space<vmem>> -> memref<1x80xi32, #tpu.memory_space<vmem>>
      %dma_start3A_1267 = tpu.memref_squeeze %dma_start3A_1266 : memref<1x80xi32, #tpu.memory_space<vmem>> -> memref<80xi32, #tpu.memory_space<vmem>>
      %dma_start3A_1268 = arith.constant 0 : i32
      %dma_start3A_1269 = arith.constant 0 : i32
      %dma_start3A_1270 = tpu.memref_slice %arg10[%dma_start3A_1268, %dma_start3A_1269] : memref<10240x128xf32, #tpu.memory_space<vmem_shared>> -> memref<10240x128xf32, #tpu.memory_space<vmem_shared>>
      tpu.enqueue_indirect_dma source(%dma_start3A_1264 : memref<80x128xf32, #tpu.memory_space<vmem>>) target(%dma_start3A_1270 : memref<10240x128xf32, #tpu.memory_space<vmem_shared>>) offsets(%dma_start3A_1267 : memref<80xi32, #tpu.memory_space<vmem>>) semaphore(%arg19 : memref<!tpu.dma_semaphore, #tpu.memory_space<semaphore_mem>>) {add = true}
      %add3A_1271 = arith.constant 0 : i32
      %add3A_1272 = arith.addi %add3A_1210, %add3A_1271 : i32
      %mul3A_1273 = arith.constant 80 : i32
      %mul3A_1274 = arith.muli %add3A_1272, %mul3A_1273 : i32
      %add3A_1275 = arith.addi %mul3A_2, %mul3A_1274 : i32
      %dma_start3A_1276 = arith.constant 0 : i32
      %dma_start3A_1277 = tpu.memref_slice %arg6[%scan3A_649, %dma_start3A_1276] : memref<3x80xi32, #tpu.memory_space<vmem>> -> memref<1x80xi32, #tpu.memory_space<vmem>>
      %dma_start3A_1278 = tpu.memref_squeeze %dma_start3A_1277 : memref<1x80xi32, #tpu.memory_space<vmem>> -> memref<80xi32, #tpu.memory_space<vmem>>
      %dma_start3A_1279 = tpu.memref_slice %arg3[%add3A_1275] : memref<320000xi32, #tpu.memory_space<hbm>> -> memref<80xi32, #tpu.memory_space<hbm>>
      %dma_start3A_1280 = arith.constant 0 : i32
      %dma_start3A_1281 = tpu.memref_slice %arg6[%scan3A_649, %dma_start3A_1280] : memref<3x80xi32, #tpu.memory_space<vmem>> -> memref<1x80xi32, #tpu.memory_space<vmem>>
      %dma_start3A_1282 = tpu.memref_squeeze %dma_start3A_1281 : memref<1x80xi32, #tpu.memory_space<vmem>> -> memref<80xi32, #tpu.memory_space<vmem>>
      %dma_start3A_1283 = tpu.memref_slice %arg3[%add3A_1275] : memref<320000xi32, #tpu.memory_space<hbm>> -> memref<80xi32, #tpu.memory_space<hbm>>
      tpu.enqueue_dma source(%dma_start3A_1283 : memref<80xi32, #tpu.memory_space<hbm>>) target(%dma_start3A_1282 : memref<80xi32, #tpu.memory_space<vmem>>) target_semaphore(%arg11 : memref<!tpu.dma_semaphore, #tpu.memory_space<semaphore_mem>>)
      %dma_start3A_1284 = arith.constant 0 : i32
      %dma_start3A_1285 = tpu.memref_slice %arg7[%scan3A_651, %dma_start3A_1284] : memref<6x80xi32, #tpu.memory_space<vmem>> -> memref<1x80xi32, #tpu.memory_space<vmem>>
      %dma_start3A_1286 = tpu.memref_squeeze %dma_start3A_1285 : memref<1x80xi32, #tpu.memory_space<vmem>> -> memref<80xi32, #tpu.memory_space<vmem>>
      %dma_start3A_1287 = tpu.memref_slice %arg4[%add3A_1275] : memref<320000xi32, #tpu.memory_space<hbm>> -> memref<80xi32, #tpu.memory_space<hbm>>
      %dma_start3A_1288 = arith.constant 0 : i32
      %dma_start3A_1289 = tpu.memref_slice %arg7[%scan3A_651, %dma_start3A_1288] : memref<6x80xi32, #tpu.memory_space<vmem>> -> memref<1x80xi32, #tpu.memory_space<vmem>>
      %dma_start3A_1290 = tpu.memref_squeeze %dma_start3A_1289 : memref<1x80xi32, #tpu.memory_space<vmem>> -> memref<80xi32, #tpu.memory_space<vmem>>
      %dma_start3A_1291 = tpu.memref_slice %arg4[%add3A_1275] : memref<320000xi32, #tpu.memory_space<hbm>> -> memref<80xi32, #tpu.memory_space<hbm>>
      tpu.enqueue_dma source(%dma_start3A_1291 : memref<80xi32, #tpu.memory_space<hbm>>) target(%dma_start3A_1290 : memref<80xi32, #tpu.memory_space<vmem>>) target_semaphore(%arg11 : memref<!tpu.dma_semaphore, #tpu.memory_space<semaphore_mem>>)
      %add3A_1292 = arith.constant 1 : i32
      %add3A_1293 = arith.addi %add3A_1210, %add3A_1292 : i32
      %mul3A_1294 = arith.constant 80 : i32
      %mul3A_1295 = arith.muli %add3A_1293, %mul3A_1294 : i32
      %add3A_1296 = arith.addi %mul3A_2, %mul3A_1295 : i32
      %dma_start3A_1297 = arith.constant 0 : i32
      %dma_start3A_1298 = tpu.memref_slice %arg6[%scan3A_652, %dma_start3A_1297] : memref<3x80xi32, #tpu.memory_space<vmem>> -> memref<1x80xi32, #tpu.memory_space<vmem>>
      %dma_start3A_1299 = tpu.memref_squeeze %dma_start3A_1298 : memref<1x80xi32, #tpu.memory_space<vmem>> -> memref<80xi32, #tpu.memory_space<vmem>>
      %dma_start3A_1300 = tpu.memref_slice %arg3[%add3A_1296] : memref<320000xi32, #tpu.memory_space<hbm>> -> memref<80xi32, #tpu.memory_space<hbm>>
      %dma_start3A_1301 = arith.constant 0 : i32
      %dma_start3A_1302 = tpu.memref_slice %arg6[%scan3A_652, %dma_start3A_1301] : memref<3x80xi32, #tpu.memory_space<vmem>> -> memref<1x80xi32, #tpu.memory_space<vmem>>
      %dma_start3A_1303 = tpu.memref_squeeze %dma_start3A_1302 : memref<1x80xi32, #tpu.memory_space<vmem>> -> memref<80xi32, #tpu.memory_space<vmem>>
      %dma_start3A_1304 = tpu.memref_slice %arg3[%add3A_1296] : memref<320000xi32, #tpu.memory_space<hbm>> -> memref<80xi32, #tpu.memory_space<hbm>>
      tpu.enqueue_dma source(%dma_start3A_1304 : memref<80xi32, #tpu.memory_space<hbm>>) target(%dma_start3A_1303 : memref<80xi32, #tpu.memory_space<vmem>>) target_semaphore(%arg12 : memref<!tpu.dma_semaphore, #tpu.memory_space<semaphore_mem>>)
      %dma_start3A_1305 = arith.constant 0 : i32
      %dma_start3A_1306 = tpu.memref_slice %arg7[%scan3A_654, %dma_start3A_1305] : memref<6x80xi32, #tpu.memory_space<vmem>> -> memref<1x80xi32, #tpu.memory_space<vmem>>
      %dma_start3A_1307 = tpu.memref_squeeze %dma_start3A_1306 : memref<1x80xi32, #tpu.memory_space<vmem>> -> memref<80xi32, #tpu.memory_space<vmem>>
      %dma_start3A_1308 = tpu.memref_slice %arg4[%add3A_1296] : memref<320000xi32, #tpu.memory_space<hbm>> -> memref<80xi32, #tpu.memory_space<hbm>>
      %dma_start3A_1309 = arith.constant 0 : i32
      %dma_start3A_1310 = tpu.memref_slice %arg7[%scan3A_654, %dma_start3A_1309] : memref<6x80xi32, #tpu.memory_space<vmem>> -> memref<1x80xi32, #tpu.memory_space<vmem>>
      %dma_start3A_1311 = tpu.memref_squeeze %dma_start3A_1310 : memref<1x80xi32, #tpu.memory_space<vmem>> -> memref<80xi32, #tpu.memory_space<vmem>>
      %dma_start3A_1312 = tpu.memref_slice %arg4[%add3A_1296] : memref<320000xi32, #tpu.memory_space<hbm>> -> memref<80xi32, #tpu.memory_space<hbm>>
      tpu.enqueue_dma source(%dma_start3A_1312 : memref<80xi32, #tpu.memory_space<hbm>>) target(%dma_start3A_1311 : memref<80xi32, #tpu.memory_space<vmem>>) target_semaphore(%arg12 : memref<!tpu.dma_semaphore, #tpu.memory_space<semaphore_mem>>)
      %add3A_1313 = arith.constant 2 : i32
      %add3A_1314 = arith.addi %add3A_1210, %add3A_1313 : i32
      %mul3A_1315 = arith.constant 80 : i32
      %mul3A_1316 = arith.muli %add3A_1314, %mul3A_1315 : i32
      %add3A_1317 = arith.addi %mul3A_2, %mul3A_1316 : i32
      %dma_start3A_1318 = arith.constant 0 : i32
      %dma_start3A_1319 = tpu.memref_slice %arg6[%scan3A_655, %dma_start3A_1318] : memref<3x80xi32, #tpu.memory_space<vmem>> -> memref<1x80xi32, #tpu.memory_space<vmem>>
      %dma_start3A_1320 = tpu.memref_squeeze %dma_start3A_1319 : memref<1x80xi32, #tpu.memory_space<vmem>> -> memref<80xi32, #tpu.memory_space<vmem>>
      %dma_start3A_1321 = tpu.memref_slice %arg3[%add3A_1317] : memref<320000xi32, #tpu.memory_space<hbm>> -> memref<80xi32, #tpu.memory_space<hbm>>
      %dma_start3A_1322 = arith.constant 0 : i32
      %dma_start3A_1323 = tpu.memref_slice %arg6[%scan3A_655, %dma_start3A_1322] : memref<3x80xi32, #tpu.memory_space<vmem>> -> memref<1x80xi32, #tpu.memory_space<vmem>>
      %dma_start3A_1324 = tpu.memref_squeeze %dma_start3A_1323 : memref<1x80xi32, #tpu.memory_space<vmem>> -> memref<80xi32, #tpu.memory_space<vmem>>
      %dma_start3A_1325 = tpu.memref_slice %arg3[%add3A_1317] : memref<320000xi32, #tpu.memory_space<hbm>> -> memref<80xi32, #tpu.memory_space<hbm>>
      tpu.enqueue_dma source(%dma_start3A_1325 : memref<80xi32, #tpu.memory_space<hbm>>) target(%dma_start3A_1324 : memref<80xi32, #tpu.memory_space<vmem>>) target_semaphore(%arg13 : memref<!tpu.dma_semaphore, #tpu.memory_space<semaphore_mem>>)
      %dma_start3A_1326 = arith.constant 0 : i32
      %dma_start3A_1327 = tpu.memref_slice %arg7[%scan3A_657, %dma_start3A_1326] : memref<6x80xi32, #tpu.memory_space<vmem>> -> memref<1x80xi32, #tpu.memory_space<vmem>>
      %dma_start3A_1328 = tpu.memref_squeeze %dma_start3A_1327 : memref<1x80xi32, #tpu.memory_space<vmem>> -> memref<80xi32, #tpu.memory_space<vmem>>
      %dma_start3A_1329 = tpu.memref_slice %arg4[%add3A_1317] : memref<320000xi32, #tpu.memory_space<hbm>> -> memref<80xi32, #tpu.memory_space<hbm>>
      %dma_start3A_1330 = arith.constant 0 : i32
      %dma_start3A_1331 = tpu.memref_slice %arg7[%scan3A_657, %dma_start3A_1330] : memref<6x80xi32, #tpu.memory_space<vmem>> -> memref<1x80xi32, #tpu.memory_space<vmem>>
      %dma_start3A_1332 = tpu.memref_squeeze %dma_start3A_1331 : memref<1x80xi32, #tpu.memory_space<vmem>> -> memref<80xi32, #tpu.memory_space<vmem>>
      %dma_start3A_1333 = tpu.memref_slice %arg4[%add3A_1317] : memref<320000xi32, #tpu.memory_space<hbm>> -> memref<80xi32, #tpu.memory_space<hbm>>
      tpu.enqueue_dma source(%dma_start3A_1333 : memref<80xi32, #tpu.memory_space<hbm>>) target(%dma_start3A_1332 : memref<80xi32, #tpu.memory_space<vmem>>) target_semaphore(%arg13 : memref<!tpu.dma_semaphore, #tpu.memory_space<semaphore_mem>>)
      %dma_wait3A_1334 = arith.constant 0 : i32
      %dma_wait3A_1335 = arith.constant 0 : i32
      %dma_wait3A_1336 = tpu.memref_slice %arg8[%scan3A_650, %dma_wait3A_1334, %dma_wait3A_1335] : memref<3x80x128xf32, #tpu.memory_space<vmem>> -> memref<1x80x128xf32, #tpu.memory_space<vmem>>
      %dma_wait3A_1337 = tpu.memref_squeeze %dma_wait3A_1336 : memref<1x80x128xf32, #tpu.memory_space<vmem>> -> memref<80x128xf32, #tpu.memory_space<vmem>>
      %dma_wait3A_1338 = arith.constant 0 : i32
      %dma_wait3A_1339 = tpu.memref_slice %arg7[%scan3A_658, %dma_wait3A_1338] : memref<6x80xi32, #tpu.memory_space<vmem>> -> memref<1x80xi32, #tpu.memory_space<vmem>>
      %dma_wait3A_1340 = tpu.memref_squeeze %dma_wait3A_1339 : memref<1x80xi32, #tpu.memory_space<vmem>> -> memref<80xi32, #tpu.memory_space<vmem>>
      %dma_wait3A_1341 = arith.constant 0 : i32
      %dma_wait3A_1342 = arith.constant 0 : i32
      %dma_wait3A_1343 = tpu.memref_slice %arg10[%dma_wait3A_1341, %dma_wait3A_1342] : memref<10240x128xf32, #tpu.memory_space<vmem_shared>> -> memref<10240x128xf32, #tpu.memory_space<vmem_shared>>
      tpu.wait_indirect_dma semaphore(%arg17 : memref<!tpu.dma_semaphore, #tpu.memory_space<semaphore_mem>>) src(%dma_wait3A_1337 : memref<80x128xf32, #tpu.memory_space<vmem>>) dst(%dma_wait3A_1343 : memref<10240x128xf32, #tpu.memory_space<vmem_shared>>)
      %dma_wait3A_1344 = arith.constant 0 : i32
      %dma_wait3A_1345 = arith.constant 0 : i32
      %dma_wait3A_1346 = tpu.memref_slice %arg8[%scan3A_653, %dma_wait3A_1344, %dma_wait3A_1345] : memref<3x80x128xf32, #tpu.memory_space<vmem>> -> memref<1x80x128xf32, #tpu.memory_space<vmem>>
      %dma_wait3A_1347 = tpu.memref_squeeze %dma_wait3A_1346 : memref<1x80x128xf32, #tpu.memory_space<vmem>> -> memref<80x128xf32, #tpu.memory_space<vmem>>
      %dma_wait3A_1348 = arith.constant 0 : i32
      %dma_wait3A_1349 = tpu.memref_slice %arg7[%scan3A_659, %dma_wait3A_1348] : memref<6x80xi32, #tpu.memory_space<vmem>> -> memref<1x80xi32, #tpu.memory_space<vmem>>
      %dma_wait3A_1350 = tpu.memref_squeeze %dma_wait3A_1349 : memref<1x80xi32, #tpu.memory_space<vmem>> -> memref<80xi32, #tpu.memory_space<vmem>>
      %dma_wait3A_1351 = arith.constant 0 : i32
      %dma_wait3A_1352 = arith.constant 0 : i32
      %dma_wait3A_1353 = tpu.memref_slice %arg10[%dma_wait3A_1351, %dma_wait3A_1352] : memref<10240x128xf32, #tpu.memory_space<vmem_shared>> -> memref<10240x128xf32, #tpu.memory_space<vmem_shared>>
      tpu.wait_indirect_dma semaphore(%arg18 : memref<!tpu.dma_semaphore, #tpu.memory_space<semaphore_mem>>) src(%dma_wait3A_1347 : memref<80x128xf32, #tpu.memory_space<vmem>>) dst(%dma_wait3A_1353 : memref<10240x128xf32, #tpu.memory_space<vmem_shared>>)
      %dma_wait3A_1354 = arith.constant 0 : i32
      %dma_wait3A_1355 = arith.constant 0 : i32
      %dma_wait3A_1356 = tpu.memref_slice %arg8[%scan3A_656, %dma_wait3A_1354, %dma_wait3A_1355] : memref<3x80x128xf32, #tpu.memory_space<vmem>> -> memref<1x80x128xf32, #tpu.memory_space<vmem>>
      %dma_wait3A_1357 = tpu.memref_squeeze %dma_wait3A_1356 : memref<1x80x128xf32, #tpu.memory_space<vmem>> -> memref<80x128xf32, #tpu.memory_space<vmem>>
      %dma_wait3A_1358 = arith.constant 0 : i32
      %dma_wait3A_1359 = tpu.memref_slice %arg7[%scan3A_660, %dma_wait3A_1358] : memref<6x80xi32, #tpu.memory_space<vmem>> -> memref<1x80xi32, #tpu.memory_space<vmem>>
      %dma_wait3A_1360 = tpu.memref_squeeze %dma_wait3A_1359 : memref<1x80xi32, #tpu.memory_space<vmem>> -> memref<80xi32, #tpu.memory_space<vmem>>
      %dma_wait3A_1361 = arith.constant 0 : i32
      %dma_wait3A_1362 = arith.constant 0 : i32
      %dma_wait3A_1363 = tpu.memref_slice %arg10[%dma_wait3A_1361, %dma_wait3A_1362] : memref<10240x128xf32, #tpu.memory_space<vmem_shared>> -> memref<10240x128xf32, #tpu.memory_space<vmem_shared>>
      tpu.wait_indirect_dma semaphore(%arg19 : memref<!tpu.dma_semaphore, #tpu.memory_space<semaphore_mem>>) src(%dma_wait3A_1357 : memref<80x128xf32, #tpu.memory_space<vmem>>) dst(%dma_wait3A_1363 : memref<10240x128xf32, #tpu.memory_space<vmem_shared>>)
      %dma_wait3A_1364 = arith.constant 0 : i32
      %dma_wait3A_1365 = tpu.memref_slice %arg6[%scan3A_649, %dma_wait3A_1364] : memref<3x80xi32, #tpu.memory_space<vmem>> -> memref<1x80xi32, #tpu.memory_space<vmem>>
      %dma_wait3A_1366 = tpu.memref_squeeze %dma_wait3A_1365 : memref<1x80xi32, #tpu.memory_space<vmem>> -> memref<80xi32, #tpu.memory_space<vmem>>
      %dma_wait3A_1367 = arith.constant 0 : i32
      %dma_wait3A_1368 = tpu.memref_slice %arg3[%dma_wait3A_1367] : memref<320000xi32, #tpu.memory_space<hbm>> -> memref<80xi32, #tpu.memory_space<hbm>>
      %dma_wait3A_1369 = arith.constant 0 : i32
      %dma_wait3A_1370 = tpu.memref_slice %arg6[%scan3A_649, %dma_wait3A_1369] : memref<3x80xi32, #tpu.memory_space<vmem>> -> memref<1x80xi32, #tpu.memory_space<vmem>>
      %dma_wait3A_1371 = tpu.memref_squeeze %dma_wait3A_1370 : memref<1x80xi32, #tpu.memory_space<vmem>> -> memref<80xi32, #tpu.memory_space<vmem>>
      %dma_wait3A_1372 = arith.constant 0 : i32
      %dma_wait3A_1373 = tpu.memref_slice %arg3[%dma_wait3A_1372] : memref<320000xi32, #tpu.memory_space<hbm>> -> memref<80xi32, #tpu.memory_space<hbm>>
      tpu.wait_dma2 semaphore(%arg11 : memref<!tpu.dma_semaphore, #tpu.memory_space<semaphore_mem>>) src(%dma_wait3A_1373 : memref<80xi32, #tpu.memory_space<hbm>>) dst(%dma_wait3A_1371 : memref<80xi32, #tpu.memory_space<vmem>>)
      %dma_wait3A_1374 = arith.constant 0 : i32
      %dma_wait3A_1375 = tpu.memref_slice %arg7[%scan3A_651, %dma_wait3A_1374] : memref<6x80xi32, #tpu.memory_space<vmem>> -> memref<1x80xi32, #tpu.memory_space<vmem>>
      %dma_wait3A_1376 = tpu.memref_squeeze %dma_wait3A_1375 : memref<1x80xi32, #tpu.memory_space<vmem>> -> memref<80xi32, #tpu.memory_space<vmem>>
      %dma_wait3A_1377 = arith.constant 0 : i32
      %dma_wait3A_1378 = tpu.memref_slice %arg3[%dma_wait3A_1377] : memref<320000xi32, #tpu.memory_space<hbm>> -> memref<80xi32, #tpu.memory_space<hbm>>
      %dma_wait3A_1379 = arith.constant 0 : i32
      %dma_wait3A_1380 = tpu.memref_slice %arg7[%scan3A_651, %dma_wait3A_1379] : memref<6x80xi32, #tpu.memory_space<vmem>> -> memref<1x80xi32, #tpu.memory_space<vmem>>
      %dma_wait3A_1381 = tpu.memref_squeeze %dma_wait3A_1380 : memref<1x80xi32, #tpu.memory_space<vmem>> -> memref<80xi32, #tpu.memory_space<vmem>>
      %dma_wait3A_1382 = arith.constant 0 : i32
      %dma_wait3A_1383 = tpu.memref_slice %arg3[%dma_wait3A_1382] : memref<320000xi32, #tpu.memory_space<hbm>> -> memref<80xi32, #tpu.memory_space<hbm>>
      tpu.wait_dma2 semaphore(%arg11 : memref<!tpu.dma_semaphore, #tpu.memory_space<semaphore_mem>>) src(%dma_wait3A_1383 : memref<80xi32, #tpu.memory_space<hbm>>) dst(%dma_wait3A_1381 : memref<80xi32, #tpu.memory_space<vmem>>)
      %dma_start3A_1384 = arith.constant 0 : i32
      %dma_start3A_1385 = arith.constant 0 : i32
      %dma_start3A_1386 = tpu.memref_slice %arg8[%scan3A_650, %dma_start3A_1384, %dma_start3A_1385] : memref<3x80x128xf32, #tpu.memory_space<vmem>> -> memref<1x80x128xf32, #tpu.memory_space<vmem>>
      %dma_start3A_1387 = tpu.memref_squeeze %dma_start3A_1386 : memref<1x80x128xf32, #tpu.memory_space<vmem>> -> memref<80x128xf32, #tpu.memory_space<vmem>>
      %dma_start3A_1388 = arith.constant 0 : i32
      %dma_start3A_1389 = tpu.memref_slice %arg6[%scan3A_649, %dma_start3A_1388] : memref<3x80xi32, #tpu.memory_space<vmem>> -> memref<1x80xi32, #tpu.memory_space<vmem>>
      %dma_start3A_1390 = tpu.memref_squeeze %dma_start3A_1389 : memref<1x80xi32, #tpu.memory_space<vmem>> -> memref<80xi32, #tpu.memory_space<vmem>>
      %dma_start3A_1391 = arith.constant 0 : i32
      %dma_start3A_1392 = arith.constant 0 : i32
      %dma_start3A_1393 = tpu.memref_slice %arg2[%dma_start3A_1391, %dma_start3A_1392] : memref<10000x128xf32, #tpu.memory_space<hbm>> -> memref<10000x128xf32, #tpu.memory_space<hbm>>
      tpu.enqueue_indirect_dma source(%dma_start3A_1393 : memref<10000x128xf32, #tpu.memory_space<hbm>>) target(%dma_start3A_1387 : memref<80x128xf32, #tpu.memory_space<vmem>>) offsets(%dma_start3A_1390 : memref<80xi32, #tpu.memory_space<vmem>>) semaphore(%arg14 : memref<!tpu.dma_semaphore, #tpu.memory_space<semaphore_mem>>)
      %dma_wait3A_1394 = arith.constant 0 : i32
      %dma_wait3A_1395 = tpu.memref_slice %arg6[%scan3A_652, %dma_wait3A_1394] : memref<3x80xi32, #tpu.memory_space<vmem>> -> memref<1x80xi32, #tpu.memory_space<vmem>>
      %dma_wait3A_1396 = tpu.memref_squeeze %dma_wait3A_1395 : memref<1x80xi32, #tpu.memory_space<vmem>> -> memref<80xi32, #tpu.memory_space<vmem>>
      %dma_wait3A_1397 = arith.constant 0 : i32
      %dma_wait3A_1398 = tpu.memref_slice %arg3[%dma_wait3A_1397] : memref<320000xi32, #tpu.memory_space<hbm>> -> memref<80xi32, #tpu.memory_space<hbm>>
      %dma_wait3A_1399 = arith.constant 0 : i32
      %dma_wait3A_1400 = tpu.memref_slice %arg6[%scan3A_652, %dma_wait3A_1399] : memref<3x80xi32, #tpu.memory_space<vmem>> -> memref<1x80xi32, #tpu.memory_space<vmem>>
      %dma_wait3A_1401 = tpu.memref_squeeze %dma_wait3A_1400 : memref<1x80xi32, #tpu.memory_space<vmem>> -> memref<80xi32, #tpu.memory_space<vmem>>
      %dma_wait3A_1402 = arith.constant 0 : i32
      %dma_wait3A_1403 = tpu.memref_slice %arg3[%dma_wait3A_1402] : memref<320000xi32, #tpu.memory_space<hbm>> -> memref<80xi32, #tpu.memory_space<hbm>>
      tpu.wait_dma2 semaphore(%arg12 : memref<!tpu.dma_semaphore, #tpu.memory_space<semaphore_mem>>) src(%dma_wait3A_1403 : memref<80xi32, #tpu.memory_space<hbm>>) dst(%dma_wait3A_1401 : memref<80xi32, #tpu.memory_space<vmem>>)
      %dma_wait3A_1404 = arith.constant 0 : i32
      %dma_wait3A_1405 = tpu.memref_slice %arg7[%scan3A_654, %dma_wait3A_1404] : memref<6x80xi32, #tpu.memory_space<vmem>> -> memref<1x80xi32, #tpu.memory_space<vmem>>
      %dma_wait3A_1406 = tpu.memref_squeeze %dma_wait3A_1405 : memref<1x80xi32, #tpu.memory_space<vmem>> -> memref<80xi32, #tpu.memory_space<vmem>>
      %dma_wait3A_1407 = arith.constant 0 : i32
      %dma_wait3A_1408 = tpu.memref_slice %arg3[%dma_wait3A_1407] : memref<320000xi32, #tpu.memory_space<hbm>> -> memref<80xi32, #tpu.memory_space<hbm>>
      %dma_wait3A_1409 = arith.constant 0 : i32
      %dma_wait3A_1410 = tpu.memref_slice %arg7[%scan3A_654, %dma_wait3A_1409] : memref<6x80xi32, #tpu.memory_space<vmem>> -> memref<1x80xi32, #tpu.memory_space<vmem>>
      %dma_wait3A_1411 = tpu.memref_squeeze %dma_wait3A_1410 : memref<1x80xi32, #tpu.memory_space<vmem>> -> memref<80xi32, #tpu.memory_space<vmem>>
      %dma_wait3A_1412 = arith.constant 0 : i32
      %dma_wait3A_1413 = tpu.memref_slice %arg3[%dma_wait3A_1412] : memref<320000xi32, #tpu.memory_space<hbm>> -> memref<80xi32, #tpu.memory_space<hbm>>
      tpu.wait_dma2 semaphore(%arg12 : memref<!tpu.dma_semaphore, #tpu.memory_space<semaphore_mem>>) src(%dma_wait3A_1413 : memref<80xi32, #tpu.memory_space<hbm>>) dst(%dma_wait3A_1411 : memref<80xi32, #tpu.memory_space<vmem>>)
      %dma_start3A_1414 = arith.constant 0 : i32
      %dma_start3A_1415 = arith.constant 0 : i32
      %dma_start3A_1416 = tpu.memref_slice %arg8[%scan3A_653, %dma_start3A_1414, %dma_start3A_1415] : memref<3x80x128xf32, #tpu.memory_space<vmem>> -> memref<1x80x128xf32, #tpu.memory_space<vmem>>
      %dma_start3A_1417 = tpu.memref_squeeze %dma_start3A_1416 : memref<1x80x128xf32, #tpu.memory_space<vmem>> -> memref<80x128xf32, #tpu.memory_space<vmem>>
      %dma_start3A_1418 = arith.constant 0 : i32
      %dma_start3A_1419 = tpu.memref_slice %arg6[%scan3A_652, %dma_start3A_1418] : memref<3x80xi32, #tpu.memory_space<vmem>> -> memref<1x80xi32, #tpu.memory_space<vmem>>
      %dma_start3A_1420 = tpu.memref_squeeze %dma_start3A_1419 : memref<1x80xi32, #tpu.memory_space<vmem>> -> memref<80xi32, #tpu.memory_space<vmem>>
      %dma_start3A_1421 = arith.constant 0 : i32
      %dma_start3A_1422 = arith.constant 0 : i32
      %dma_start3A_1423 = tpu.memref_slice %arg2[%dma_start3A_1421, %dma_start3A_1422] : memref<10000x128xf32, #tpu.memory_space<hbm>> -> memref<10000x128xf32, #tpu.memory_space<hbm>>
      tpu.enqueue_indirect_dma source(%dma_start3A_1423 : memref<10000x128xf32, #tpu.memory_space<hbm>>) target(%dma_start3A_1417 : memref<80x128xf32, #tpu.memory_space<vmem>>) offsets(%dma_start3A_1420 : memref<80xi32, #tpu.memory_space<vmem>>) semaphore(%arg15 : memref<!tpu.dma_semaphore, #tpu.memory_space<semaphore_mem>>)
      %dma_wait3A_1424 = arith.constant 0 : i32
      %dma_wait3A_1425 = tpu.memref_slice %arg6[%scan3A_655, %dma_wait3A_1424] : memref<3x80xi32, #tpu.memory_space<vmem>> -> memref<1x80xi32, #tpu.memory_space<vmem>>
      %dma_wait3A_1426 = tpu.memref_squeeze %dma_wait3A_1425 : memref<1x80xi32, #tpu.memory_space<vmem>> -> memref<80xi32, #tpu.memory_space<vmem>>
      %dma_wait3A_1427 = arith.constant 0 : i32
      %dma_wait3A_1428 = tpu.memref_slice %arg3[%dma_wait3A_1427] : memref<320000xi32, #tpu.memory_space<hbm>> -> memref<80xi32, #tpu.memory_space<hbm>>
      %dma_wait3A_1429 = arith.constant 0 : i32
      %dma_wait3A_1430 = tpu.memref_slice %arg6[%scan3A_655, %dma_wait3A_1429] : memref<3x80xi32, #tpu.memory_space<vmem>> -> memref<1x80xi32, #tpu.memory_space<vmem>>
      %dma_wait3A_1431 = tpu.memref_squeeze %dma_wait3A_1430 : memref<1x80xi32, #tpu.memory_space<vmem>> -> memref<80xi32, #tpu.memory_space<vmem>>
      %dma_wait3A_1432 = arith.constant 0 : i32
      %dma_wait3A_1433 = tpu.memref_slice %arg3[%dma_wait3A_1432] : memref<320000xi32, #tpu.memory_space<hbm>> -> memref<80xi32, #tpu.memory_space<hbm>>
      tpu.wait_dma2 semaphore(%arg13 : memref<!tpu.dma_semaphore, #tpu.memory_space<semaphore_mem>>) src(%dma_wait3A_1433 : memref<80xi32, #tpu.memory_space<hbm>>) dst(%dma_wait3A_1431 : memref<80xi32, #tpu.memory_space<vmem>>)
      %dma_wait3A_1434 = arith.constant 0 : i32
      %dma_wait3A_1435 = tpu.memref_slice %arg7[%scan3A_657, %dma_wait3A_1434] : memref<6x80xi32, #tpu.memory_space<vmem>> -> memref<1x80xi32, #tpu.memory_space<vmem>>
      %dma_wait3A_1436 = tpu.memref_squeeze %dma_wait3A_1435 : memref<1x80xi32, #tpu.memory_space<vmem>> -> memref<80xi32, #tpu.memory_space<vmem>>
      %dma_wait3A_1437 = arith.constant 0 : i32
      %dma_wait3A_1438 = tpu.memref_slice %arg3[%dma_wait3A_1437] : memref<320000xi32, #tpu.memory_space<hbm>> -> memref<80xi32, #tpu.memory_space<hbm>>
      %dma_wait3A_1439 = arith.constant 0 : i32
      %dma_wait3A_1440 = tpu.memref_slice %arg7[%scan3A_657, %dma_wait3A_1439] : memref<6x80xi32, #tpu.memory_space<vmem>> -> memref<1x80xi32, #tpu.memory_space<vmem>>
      %dma_wait3A_1441 = tpu.memref_squeeze %dma_wait3A_1440 : memref<1x80xi32, #tpu.memory_space<vmem>> -> memref<80xi32, #tpu.memory_space<vmem>>
      %dma_wait3A_1442 = arith.constant 0 : i32
      %dma_wait3A_1443 = tpu.memref_slice %arg3[%dma_wait3A_1442] : memref<320000xi32, #tpu.memory_space<hbm>> -> memref<80xi32, #tpu.memory_space<hbm>>
      tpu.wait_dma2 semaphore(%arg13 : memref<!tpu.dma_semaphore, #tpu.memory_space<semaphore_mem>>) src(%dma_wait3A_1443 : memref<80xi32, #tpu.memory_space<hbm>>) dst(%dma_wait3A_1441 : memref<80xi32, #tpu.memory_space<vmem>>)
      %dma_start3A_1444 = arith.constant 0 : i32
      %dma_start3A_1445 = arith.constant 0 : i32
      %dma_start3A_1446 = tpu.memref_slice %arg8[%scan3A_656, %dma_start3A_1444, %dma_start3A_1445] : memref<3x80x128xf32, #tpu.memory_space<vmem>> -> memref<1x80x128xf32, #tpu.memory_space<vmem>>
      %dma_start3A_1447 = tpu.memref_squeeze %dma_start3A_1446 : memref<1x80x128xf32, #tpu.memory_space<vmem>> -> memref<80x128xf32, #tpu.memory_space<vmem>>
      %dma_start3A_1448 = arith.constant 0 : i32
      %dma_start3A_1449 = tpu.memref_slice %arg6[%scan3A_655, %dma_start3A_1448] : memref<3x80xi32, #tpu.memory_space<vmem>> -> memref<1x80xi32, #tpu.memory_space<vmem>>
      %dma_start3A_1450 = tpu.memref_squeeze %dma_start3A_1449 : memref<1x80xi32, #tpu.memory_space<vmem>> -> memref<80xi32, #tpu.memory_space<vmem>>
      %dma_start3A_1451 = arith.constant 0 : i32
      %dma_start3A_1452 = arith.constant 0 : i32
      %dma_start3A_1453 = tpu.memref_slice %arg2[%dma_start3A_1451, %dma_start3A_1452] : memref<10000x128xf32, #tpu.memory_space<hbm>> -> memref<10000x128xf32, #tpu.memory_space<hbm>>
      tpu.enqueue_indirect_dma source(%dma_start3A_1453 : memref<10000x128xf32, #tpu.memory_space<hbm>>) target(%dma_start3A_1447 : memref<80x128xf32, #tpu.memory_space<vmem>>) offsets(%dma_start3A_1450 : memref<80xi32, #tpu.memory_space<vmem>>) semaphore(%arg16 : memref<!tpu.dma_semaphore, #tpu.memory_space<semaphore_mem>>)
    }
    %scan3A_665 = arith.constant 20 : i32
    %dma_wait3A_666 = arith.constant 0 : i32
    %dma_wait3A_667 = arith.constant 0 : i32
    %dma_wait3A_668 = arith.constant 0 : i32
    %dma_wait3A_669 = arith.constant 0 : i32
    %dma_wait3A_670 = tpu.memref_slice %arg8[%dma_wait3A_667, %dma_wait3A_668, %dma_wait3A_669] : memref<3x80x128xf32, #tpu.memory_space<vmem>> -> memref<1x80x128xf32, #tpu.memory_space<vmem>>
    %dma_wait3A_671 = tpu.memref_squeeze %dma_wait3A_670 : memref<1x80x128xf32, #tpu.memory_space<vmem>> -> memref<80x128xf32, #tpu.memory_space<vmem>>
    %dma_wait3A_672 = arith.constant 0 : i32
    %dma_wait3A_673 = tpu.memref_slice %arg6[%dma_wait3A_666, %dma_wait3A_672] : memref<3x80xi32, #tpu.memory_space<vmem>> -> memref<1x80xi32, #tpu.memory_space<vmem>>
    %dma_wait3A_674 = tpu.memref_squeeze %dma_wait3A_673 : memref<1x80xi32, #tpu.memory_space<vmem>> -> memref<80xi32, #tpu.memory_space<vmem>>
    %dma_wait3A_675 = arith.constant 0 : i32
    %dma_wait3A_676 = arith.constant 0 : i32
    %dma_wait3A_677 = tpu.memref_slice %arg2[%dma_wait3A_675, %dma_wait3A_676] : memref<10000x128xf32, #tpu.memory_space<hbm>> -> memref<10000x128xf32, #tpu.memory_space<hbm>>
    tpu.wait_indirect_dma semaphore(%arg14 : memref<!tpu.dma_semaphore, #tpu.memory_space<semaphore_mem>>) src(%dma_wait3A_677 : memref<10000x128xf32, #tpu.memory_space<hbm>>) dst(%dma_wait3A_671 : memref<80x128xf32, #tpu.memory_space<vmem>>)
    %dma_start3A_678 = arith.constant 0 : i32
    %dma_start3A_679 = arith.constant 0 : i32
    %dma_start3A_680 = arith.constant 0 : i32
    %dma_start3A_681 = arith.constant 0 : i32
    %dma_start3A_682 = tpu.memref_slice %arg8[%dma_start3A_678, %dma_start3A_680, %dma_start3A_681] : memref<3x80x128xf32, #tpu.memory_space<vmem>> -> memref<1x80x128xf32, #tpu.memory_space<vmem>>
    %dma_start3A_683 = tpu.memref_squeeze %dma_start3A_682 : memref<1x80x128xf32, #tpu.memory_space<vmem>> -> memref<80x128xf32, #tpu.memory_space<vmem>>
    %dma_start3A_684 = arith.constant 0 : i32
    %dma_start3A_685 = tpu.memref_slice %arg7[%dma_start3A_679, %dma_start3A_684] : memref<6x80xi32, #tpu.memory_space<vmem>> -> memref<1x80xi32, #tpu.memory_space<vmem>>
    %dma_start3A_686 = tpu.memref_squeeze %dma_start3A_685 : memref<1x80xi32, #tpu.memory_space<vmem>> -> memref<80xi32, #tpu.memory_space<vmem>>
    %dma_start3A_687 = arith.constant 0 : i32
    %dma_start3A_688 = arith.constant 0 : i32
    %dma_start3A_689 = tpu.memref_slice %arg10[%dma_start3A_687, %dma_start3A_688] : memref<10240x128xf32, #tpu.memory_space<vmem_shared>> -> memref<10240x128xf32, #tpu.memory_space<vmem_shared>>
    tpu.enqueue_indirect_dma source(%dma_start3A_683 : memref<80x128xf32, #tpu.memory_space<vmem>>) target(%dma_start3A_689 : memref<10240x128xf32, #tpu.memory_space<vmem_shared>>) offsets(%dma_start3A_686 : memref<80xi32, #tpu.memory_space<vmem>>) semaphore(%arg17 : memref<!tpu.dma_semaphore, #tpu.memory_space<semaphore_mem>>) {add = true}
    %dma_wait3A_690 = arith.constant 1 : i32
    %dma_wait3A_691 = arith.constant 1 : i32
    %dma_wait3A_692 = arith.constant 0 : i32
    %dma_wait3A_693 = arith.constant 0 : i32
    %dma_wait3A_694 = tpu.memref_slice %arg8[%dma_wait3A_691, %dma_wait3A_692, %dma_wait3A_693] : memref<3x80x128xf32, #tpu.memory_space<vmem>> -> memref<1x80x128xf32, #tpu.memory_space<vmem>>
    %dma_wait3A_695 = tpu.memref_squeeze %dma_wait3A_694 : memref<1x80x128xf32, #tpu.memory_space<vmem>> -> memref<80x128xf32, #tpu.memory_space<vmem>>
    %dma_wait3A_696 = arith.constant 0 : i32
    %dma_wait3A_697 = tpu.memref_slice %arg6[%dma_wait3A_690, %dma_wait3A_696] : memref<3x80xi32, #tpu.memory_space<vmem>> -> memref<1x80xi32, #tpu.memory_space<vmem>>
    %dma_wait3A_698 = tpu.memref_squeeze %dma_wait3A_697 : memref<1x80xi32, #tpu.memory_space<vmem>> -> memref<80xi32, #tpu.memory_space<vmem>>
    %dma_wait3A_699 = arith.constant 0 : i32
    %dma_wait3A_700 = arith.constant 0 : i32
    %dma_wait3A_701 = tpu.memref_slice %arg2[%dma_wait3A_699, %dma_wait3A_700] : memref<10000x128xf32, #tpu.memory_space<hbm>> -> memref<10000x128xf32, #tpu.memory_space<hbm>>
    tpu.wait_indirect_dma semaphore(%arg15 : memref<!tpu.dma_semaphore, #tpu.memory_space<semaphore_mem>>) src(%dma_wait3A_701 : memref<10000x128xf32, #tpu.memory_space<hbm>>) dst(%dma_wait3A_695 : memref<80x128xf32, #tpu.memory_space<vmem>>)
    %dma_start3A_702 = arith.constant 1 : i32
    %dma_start3A_703 = arith.constant 1 : i32
    %dma_start3A_704 = arith.constant 0 : i32
    %dma_start3A_705 = arith.constant 0 : i32
    %dma_start3A_706 = tpu.memref_slice %arg8[%dma_start3A_702, %dma_start3A_704, %dma_start3A_705] : memref<3x80x128xf32, #tpu.memory_space<vmem>> -> memref<1x80x128xf32, #tpu.memory_space<vmem>>
    %dma_start3A_707 = tpu.memref_squeeze %dma_start3A_706 : memref<1x80x128xf32, #tpu.memory_space<vmem>> -> memref<80x128xf32, #tpu.memory_space<vmem>>
    %dma_start3A_708 = arith.constant 0 : i32
    %dma_start3A_709 = tpu.memref_slice %arg7[%dma_start3A_703, %dma_start3A_708] : memref<6x80xi32, #tpu.memory_space<vmem>> -> memref<1x80xi32, #tpu.memory_space<vmem>>
    %dma_start3A_710 = tpu.memref_squeeze %dma_start3A_709 : memref<1x80xi32, #tpu.memory_space<vmem>> -> memref<80xi32, #tpu.memory_space<vmem>>
    %dma_start3A_711 = arith.constant 0 : i32
    %dma_start3A_712 = arith.constant 0 : i32
    %dma_start3A_713 = tpu.memref_slice %arg10[%dma_start3A_711, %dma_start3A_712] : memref<10240x128xf32, #tpu.memory_space<vmem_shared>> -> memref<10240x128xf32, #tpu.memory_space<vmem_shared>>
    tpu.enqueue_indirect_dma source(%dma_start3A_707 : memref<80x128xf32, #tpu.memory_space<vmem>>) target(%dma_start3A_713 : memref<10240x128xf32, #tpu.memory_space<vmem_shared>>) offsets(%dma_start3A_710 : memref<80xi32, #tpu.memory_space<vmem>>) semaphore(%arg18 : memref<!tpu.dma_semaphore, #tpu.memory_space<semaphore_mem>>) {add = true}
    %dma_wait3A_714 = arith.constant 2 : i32
    %dma_wait3A_715 = arith.constant 2 : i32
    %dma_wait3A_716 = arith.constant 0 : i32
    %dma_wait3A_717 = arith.constant 0 : i32
    %dma_wait3A_718 = tpu.memref_slice %arg8[%dma_wait3A_715, %dma_wait3A_716, %dma_wait3A_717] : memref<3x80x128xf32, #tpu.memory_space<vmem>> -> memref<1x80x128xf32, #tpu.memory_space<vmem>>
    %dma_wait3A_719 = tpu.memref_squeeze %dma_wait3A_718 : memref<1x80x128xf32, #tpu.memory_space<vmem>> -> memref<80x128xf32, #tpu.memory_space<vmem>>
    %dma_wait3A_720 = arith.constant 0 : i32
    %dma_wait3A_721 = tpu.memref_slice %arg6[%dma_wait3A_714, %dma_wait3A_720] : memref<3x80xi32, #tpu.memory_space<vmem>> -> memref<1x80xi32, #tpu.memory_space<vmem>>
    %dma_wait3A_722 = tpu.memref_squeeze %dma_wait3A_721 : memref<1x80xi32, #tpu.memory_space<vmem>> -> memref<80xi32, #tpu.memory_space<vmem>>
    %dma_wait3A_723 = arith.constant 0 : i32
    %dma_wait3A_724 = arith.constant 0 : i32
    %dma_wait3A_725 = tpu.memref_slice %arg2[%dma_wait3A_723, %dma_wait3A_724] : memref<10000x128xf32, #tpu.memory_space<hbm>> -> memref<10000x128xf32, #tpu.memory_space<hbm>>
    tpu.wait_indirect_dma semaphore(%arg16 : memref<!tpu.dma_semaphore, #tpu.memory_space<semaphore_mem>>) src(%dma_wait3A_725 : memref<10000x128xf32, #tpu.memory_space<hbm>>) dst(%dma_wait3A_719 : memref<80x128xf32, #tpu.memory_space<vmem>>)
    %dma_start3A_726 = arith.constant 2 : i32
    %dma_start3A_727 = arith.constant 2 : i32
    %dma_start3A_728 = arith.constant 0 : i32
    %dma_start3A_729 = arith.constant 0 : i32
    %dma_start3A_730 = tpu.memref_slice %arg8[%dma_start3A_726, %dma_start3A_728, %dma_start3A_729] : memref<3x80x128xf32, #tpu.memory_space<vmem>> -> memref<1x80x128xf32, #tpu.memory_space<vmem>>
    %dma_start3A_731 = tpu.memref_squeeze %dma_start3A_730 : memref<1x80x128xf32, #tpu.memory_space<vmem>> -> memref<80x128xf32, #tpu.memory_space<vmem>>
    %dma_start3A_732 = arith.constant 0 : i32
    %dma_start3A_733 = tpu.memref_slice %arg7[%dma_start3A_727, %dma_start3A_732] : memref<6x80xi32, #tpu.memory_space<vmem>> -> memref<1x80xi32, #tpu.memory_space<vmem>>
    %dma_start3A_734 = tpu.memref_squeeze %dma_start3A_733 : memref<1x80xi32, #tpu.memory_space<vmem>> -> memref<80xi32, #tpu.memory_space<vmem>>
    %dma_start3A_735 = arith.constant 0 : i32
    %dma_start3A_736 = arith.constant 0 : i32
    %dma_start3A_737 = tpu.memref_slice %arg10[%dma_start3A_735, %dma_start3A_736] : memref<10240x128xf32, #tpu.memory_space<vmem_shared>> -> memref<10240x128xf32, #tpu.memory_space<vmem_shared>>
    tpu.enqueue_indirect_dma source(%dma_start3A_731 : memref<80x128xf32, #tpu.memory_space<vmem>>) target(%dma_start3A_737 : memref<10240x128xf32, #tpu.memory_space<vmem_shared>>) offsets(%dma_start3A_734 : memref<80xi32, #tpu.memory_space<vmem>>) semaphore(%arg19 : memref<!tpu.dma_semaphore, #tpu.memory_space<semaphore_mem>>) {add = true}
    %add3A_738 = arith.constant 9840 : i32
    %add3A_739 = arith.addi %mul3A_2, %add3A_738 : i32
    %dma_start3A_740 = arith.constant 0 : i32
    %dma_start3A_741 = arith.constant 0 : i32
    %dma_start3A_742 = tpu.memref_slice %arg6[%dma_start3A_740, %dma_start3A_741] : memref<3x80xi32, #tpu.memory_space<vmem>> -> memref<1x80xi32, #tpu.memory_space<vmem>>
    %dma_start3A_743 = tpu.memref_squeeze %dma_start3A_742 : memref<1x80xi32, #tpu.memory_space<vmem>> -> memref<80xi32, #tpu.memory_space<vmem>>
    %dma_start3A_744 = tpu.memref_slice %arg3[%add3A_739] : memref<320000xi32, #tpu.memory_space<hbm>> -> memref<80xi32, #tpu.memory_space<hbm>>
    %dma_start3A_745 = arith.constant 0 : i32
    %dma_start3A_746 = tpu.memref_slice %arg6[%dma_start3A_740, %dma_start3A_745] : memref<3x80xi32, #tpu.memory_space<vmem>> -> memref<1x80xi32, #tpu.memory_space<vmem>>
    %dma_start3A_747 = tpu.memref_squeeze %dma_start3A_746 : memref<1x80xi32, #tpu.memory_space<vmem>> -> memref<80xi32, #tpu.memory_space<vmem>>
    %dma_start3A_748 = tpu.memref_slice %arg3[%add3A_739] : memref<320000xi32, #tpu.memory_space<hbm>> -> memref<80xi32, #tpu.memory_space<hbm>>
    tpu.enqueue_dma source(%dma_start3A_748 : memref<80xi32, #tpu.memory_space<hbm>>) target(%dma_start3A_747 : memref<80xi32, #tpu.memory_space<vmem>>) target_semaphore(%arg11 : memref<!tpu.dma_semaphore, #tpu.memory_space<semaphore_mem>>)
    %dma_start3A_749 = arith.constant 3 : i32
    %dma_start3A_750 = arith.constant 0 : i32
    %dma_start3A_751 = tpu.memref_slice %arg7[%dma_start3A_749, %dma_start3A_750] : memref<6x80xi32, #tpu.memory_space<vmem>> -> memref<1x80xi32, #tpu.memory_space<vmem>>
    %dma_start3A_752 = tpu.memref_squeeze %dma_start3A_751 : memref<1x80xi32, #tpu.memory_space<vmem>> -> memref<80xi32, #tpu.memory_space<vmem>>
    %dma_start3A_753 = tpu.memref_slice %arg4[%add3A_739] : memref<320000xi32, #tpu.memory_space<hbm>> -> memref<80xi32, #tpu.memory_space<hbm>>
    %dma_start3A_754 = arith.constant 0 : i32
    %dma_start3A_755 = tpu.memref_slice %arg7[%dma_start3A_749, %dma_start3A_754] : memref<6x80xi32, #tpu.memory_space<vmem>> -> memref<1x80xi32, #tpu.memory_space<vmem>>
    %dma_start3A_756 = tpu.memref_squeeze %dma_start3A_755 : memref<1x80xi32, #tpu.memory_space<vmem>> -> memref<80xi32, #tpu.memory_space<vmem>>
    %dma_start3A_757 = tpu.memref_slice %arg4[%add3A_739] : memref<320000xi32, #tpu.memory_space<hbm>> -> memref<80xi32, #tpu.memory_space<hbm>>
    tpu.enqueue_dma source(%dma_start3A_757 : memref<80xi32, #tpu.memory_space<hbm>>) target(%dma_start3A_756 : memref<80xi32, #tpu.memory_space<vmem>>) target_semaphore(%arg11 : memref<!tpu.dma_semaphore, #tpu.memory_space<semaphore_mem>>)
    %add3A_758 = arith.constant 9920 : i32
    %add3A_759 = arith.addi %mul3A_2, %add3A_758 : i32
    %dma_start3A_760 = arith.constant 1 : i32
    %dma_start3A_761 = arith.constant 0 : i32
    %dma_start3A_762 = tpu.memref_slice %arg6[%dma_start3A_760, %dma_start3A_761] : memref<3x80xi32, #tpu.memory_space<vmem>> -> memref<1x80xi32, #tpu.memory_space<vmem>>
    %dma_start3A_763 = tpu.memref_squeeze %dma_start3A_762 : memref<1x80xi32, #tpu.memory_space<vmem>> -> memref<80xi32, #tpu.memory_space<vmem>>
    %dma_start3A_764 = tpu.memref_slice %arg3[%add3A_759] : memref<320000xi32, #tpu.memory_space<hbm>> -> memref<80xi32, #tpu.memory_space<hbm>>
    %dma_start3A_765 = arith.constant 0 : i32
    %dma_start3A_766 = tpu.memref_slice %arg6[%dma_start3A_760, %dma_start3A_765] : memref<3x80xi32, #tpu.memory_space<vmem>> -> memref<1x80xi32, #tpu.memory_space<vmem>>
    %dma_start3A_767 = tpu.memref_squeeze %dma_start3A_766 : memref<1x80xi32, #tpu.memory_space<vmem>> -> memref<80xi32, #tpu.memory_space<vmem>>
    %dma_start3A_768 = tpu.memref_slice %arg3[%add3A_759] : memref<320000xi32, #tpu.memory_space<hbm>> -> memref<80xi32, #tpu.memory_space<hbm>>
    tpu.enqueue_dma source(%dma_start3A_768 : memref<80xi32, #tpu.memory_space<hbm>>) target(%dma_start3A_767 : memref<80xi32, #tpu.memory_space<vmem>>) target_semaphore(%arg12 : memref<!tpu.dma_semaphore, #tpu.memory_space<semaphore_mem>>)
    %dma_start3A_769 = arith.constant 4 : i32
    %dma_start3A_770 = arith.constant 0 : i32
    %dma_start3A_771 = tpu.memref_slice %arg7[%dma_start3A_769, %dma_start3A_770] : memref<6x80xi32, #tpu.memory_space<vmem>> -> memref<1x80xi32, #tpu.memory_space<vmem>>
    %dma_start3A_772 = tpu.memref_squeeze %dma_start3A_771 : memref<1x80xi32, #tpu.memory_space<vmem>> -> memref<80xi32, #tpu.memory_space<vmem>>
    %dma_start3A_773 = tpu.memref_slice %arg4[%add3A_759] : memref<320000xi32, #tpu.memory_space<hbm>> -> memref<80xi32, #tpu.memory_space<hbm>>
    %dma_start3A_774 = arith.constant 0 : i32
    %dma_start3A_775 = tpu.memref_slice %arg7[%dma_start3A_769, %dma_start3A_774] : memref<6x80xi32, #tpu.memory_space<vmem>> -> memref<1x80xi32, #tpu.memory_space<vmem>>
    %dma_start3A_776 = tpu.memref_squeeze %dma_start3A_775 : memref<1x80xi32, #tpu.memory_space<vmem>> -> memref<80xi32, #tpu.memory_space<vmem>>
    %dma_start3A_777 = tpu.memref_slice %arg4[%add3A_759] : memref<320000xi32, #tpu.memory_space<hbm>> -> memref<80xi32, #tpu.memory_space<hbm>>
    tpu.enqueue_dma source(%dma_start3A_777 : memref<80xi32, #tpu.memory_space<hbm>>) target(%dma_start3A_776 : memref<80xi32, #tpu.memory_space<vmem>>) target_semaphore(%arg12 : memref<!tpu.dma_semaphore, #tpu.memory_space<semaphore_mem>>)
    %dma_wait3A_778 = arith.constant 0 : i32
    %dma_wait3A_779 = arith.constant 0 : i32
    %dma_wait3A_780 = arith.constant 0 : i32
    %dma_wait3A_781 = arith.constant 0 : i32
    %dma_wait3A_782 = tpu.memref_slice %arg8[%dma_wait3A_778, %dma_wait3A_780, %dma_wait3A_781] : memref<3x80x128xf32, #tpu.memory_space<vmem>> -> memref<1x80x128xf32, #tpu.memory_space<vmem>>
    %dma_wait3A_783 = tpu.memref_squeeze %dma_wait3A_782 : memref<1x80x128xf32, #tpu.memory_space<vmem>> -> memref<80x128xf32, #tpu.memory_space<vmem>>
    %dma_wait3A_784 = arith.constant 0 : i32
    %dma_wait3A_785 = tpu.memref_slice %arg7[%dma_wait3A_779, %dma_wait3A_784] : memref<6x80xi32, #tpu.memory_space<vmem>> -> memref<1x80xi32, #tpu.memory_space<vmem>>
    %dma_wait3A_786 = tpu.memref_squeeze %dma_wait3A_785 : memref<1x80xi32, #tpu.memory_space<vmem>> -> memref<80xi32, #tpu.memory_space<vmem>>
    %dma_wait3A_787 = arith.constant 0 : i32
    %dma_wait3A_788 = arith.constant 0 : i32
    %dma_wait3A_789 = tpu.memref_slice %arg10[%dma_wait3A_787, %dma_wait3A_788] : memref<10240x128xf32, #tpu.memory_space<vmem_shared>> -> memref<10240x128xf32, #tpu.memory_space<vmem_shared>>
    tpu.wait_indirect_dma semaphore(%arg17 : memref<!tpu.dma_semaphore, #tpu.memory_space<semaphore_mem>>) src(%dma_wait3A_783 : memref<80x128xf32, #tpu.memory_space<vmem>>) dst(%dma_wait3A_789 : memref<10240x128xf32, #tpu.memory_space<vmem_shared>>)
    %dma_wait3A_790 = arith.constant 1 : i32
    %dma_wait3A_791 = arith.constant 1 : i32
    %dma_wait3A_792 = arith.constant 0 : i32
    %dma_wait3A_793 = arith.constant 0 : i32
    %dma_wait3A_794 = tpu.memref_slice %arg8[%dma_wait3A_790, %dma_wait3A_792, %dma_wait3A_793] : memref<3x80x128xf32, #tpu.memory_space<vmem>> -> memref<1x80x128xf32, #tpu.memory_space<vmem>>
    %dma_wait3A_795 = tpu.memref_squeeze %dma_wait3A_794 : memref<1x80x128xf32, #tpu.memory_space<vmem>> -> memref<80x128xf32, #tpu.memory_space<vmem>>
    %dma_wait3A_796 = arith.constant 0 : i32
    %dma_wait3A_797 = tpu.memref_slice %arg7[%dma_wait3A_791, %dma_wait3A_796] : memref<6x80xi32, #tpu.memory_space<vmem>> -> memref<1x80xi32, #tpu.memory_space<vmem>>
    %dma_wait3A_798 = tpu.memref_squeeze %dma_wait3A_797 : memref<1x80xi32, #tpu.memory_space<vmem>> -> memref<80xi32, #tpu.memory_space<vmem>>
    %dma_wait3A_799 = arith.constant 0 : i32
    %dma_wait3A_800 = arith.constant 0 : i32
    %dma_wait3A_801 = tpu.memref_slice %arg10[%dma_wait3A_799, %dma_wait3A_800] : memref<10240x128xf32, #tpu.memory_space<vmem_shared>> -> memref<10240x128xf32, #tpu.memory_space<vmem_shared>>
    tpu.wait_indirect_dma semaphore(%arg18 : memref<!tpu.dma_semaphore, #tpu.memory_space<semaphore_mem>>) src(%dma_wait3A_795 : memref<80x128xf32, #tpu.memory_space<vmem>>) dst(%dma_wait3A_801 : memref<10240x128xf32, #tpu.memory_space<vmem_shared>>)
    %dma_wait3A_802 = arith.constant 2 : i32
    %dma_wait3A_803 = arith.constant 2 : i32
    %dma_wait3A_804 = arith.constant 0 : i32
    %dma_wait3A_805 = arith.constant 0 : i32
    %dma_wait3A_806 = tpu.memref_slice %arg8[%dma_wait3A_802, %dma_wait3A_804, %dma_wait3A_805] : memref<3x80x128xf32, #tpu.memory_space<vmem>> -> memref<1x80x128xf32, #tpu.memory_space<vmem>>
    %dma_wait3A_807 = tpu.memref_squeeze %dma_wait3A_806 : memref<1x80x128xf32, #tpu.memory_space<vmem>> -> memref<80x128xf32, #tpu.memory_space<vmem>>
    %dma_wait3A_808 = arith.constant 0 : i32
    %dma_wait3A_809 = tpu.memref_slice %arg7[%dma_wait3A_803, %dma_wait3A_808] : memref<6x80xi32, #tpu.memory_space<vmem>> -> memref<1x80xi32, #tpu.memory_space<vmem>>
    %dma_wait3A_810 = tpu.memref_squeeze %dma_wait3A_809 : memref<1x80xi32, #tpu.memory_space<vmem>> -> memref<80xi32, #tpu.memory_space<vmem>>
    %dma_wait3A_811 = arith.constant 0 : i32
    %dma_wait3A_812 = arith.constant 0 : i32
    %dma_wait3A_813 = tpu.memref_slice %arg10[%dma_wait3A_811, %dma_wait3A_812] : memref<10240x128xf32, #tpu.memory_space<vmem_shared>> -> memref<10240x128xf32, #tpu.memory_space<vmem_shared>>
    tpu.wait_indirect_dma semaphore(%arg19 : memref<!tpu.dma_semaphore, #tpu.memory_space<semaphore_mem>>) src(%dma_wait3A_807 : memref<80x128xf32, #tpu.memory_space<vmem>>) dst(%dma_wait3A_813 : memref<10240x128xf32, #tpu.memory_space<vmem_shared>>)
    %dma_wait3A_814 = arith.constant 0 : i32
    %dma_wait3A_815 = arith.constant 0 : i32
    %dma_wait3A_816 = tpu.memref_slice %arg6[%dma_wait3A_814, %dma_wait3A_815] : memref<3x80xi32, #tpu.memory_space<vmem>> -> memref<1x80xi32, #tpu.memory_space<vmem>>
    %dma_wait3A_817 = tpu.memref_squeeze %dma_wait3A_816 : memref<1x80xi32, #tpu.memory_space<vmem>> -> memref<80xi32, #tpu.memory_space<vmem>>
    %dma_wait3A_818 = arith.constant 0 : i32
    %dma_wait3A_819 = tpu.memref_slice %arg3[%dma_wait3A_818] : memref<320000xi32, #tpu.memory_space<hbm>> -> memref<80xi32, #tpu.memory_space<hbm>>
    %dma_wait3A_820 = arith.constant 0 : i32
    %dma_wait3A_821 = tpu.memref_slice %arg6[%dma_wait3A_814, %dma_wait3A_820] : memref<3x80xi32, #tpu.memory_space<vmem>> -> memref<1x80xi32, #tpu.memory_space<vmem>>
    %dma_wait3A_822 = tpu.memref_squeeze %dma_wait3A_821 : memref<1x80xi32, #tpu.memory_space<vmem>> -> memref<80xi32, #tpu.memory_space<vmem>>
    %dma_wait3A_823 = arith.constant 0 : i32
    %dma_wait3A_824 = tpu.memref_slice %arg3[%dma_wait3A_823] : memref<320000xi32, #tpu.memory_space<hbm>> -> memref<80xi32, #tpu.memory_space<hbm>>
    tpu.wait_dma2 semaphore(%arg11 : memref<!tpu.dma_semaphore, #tpu.memory_space<semaphore_mem>>) src(%dma_wait3A_824 : memref<80xi32, #tpu.memory_space<hbm>>) dst(%dma_wait3A_822 : memref<80xi32, #tpu.memory_space<vmem>>)
    %dma_wait3A_825 = arith.constant 3 : i32
    %dma_wait3A_826 = arith.constant 0 : i32
    %dma_wait3A_827 = tpu.memref_slice %arg7[%dma_wait3A_825, %dma_wait3A_826] : memref<6x80xi32, #tpu.memory_space<vmem>> -> memref<1x80xi32, #tpu.memory_space<vmem>>
    %dma_wait3A_828 = tpu.memref_squeeze %dma_wait3A_827 : memref<1x80xi32, #tpu.memory_space<vmem>> -> memref<80xi32, #tpu.memory_space<vmem>>
    %dma_wait3A_829 = arith.constant 0 : i32
    %dma_wait3A_830 = tpu.memref_slice %arg3[%dma_wait3A_829] : memref<320000xi32, #tpu.memory_space<hbm>> -> memref<80xi32, #tpu.memory_space<hbm>>
    %dma_wait3A_831 = arith.constant 0 : i32
    %dma_wait3A_832 = tpu.memref_slice %arg7[%dma_wait3A_825, %dma_wait3A_831] : memref<6x80xi32, #tpu.memory_space<vmem>> -> memref<1x80xi32, #tpu.memory_space<vmem>>
    %dma_wait3A_833 = tpu.memref_squeeze %dma_wait3A_832 : memref<1x80xi32, #tpu.memory_space<vmem>> -> memref<80xi32, #tpu.memory_space<vmem>>
    %dma_wait3A_834 = arith.constant 0 : i32
    %dma_wait3A_835 = tpu.memref_slice %arg3[%dma_wait3A_834] : memref<320000xi32, #tpu.memory_space<hbm>> -> memref<80xi32, #tpu.memory_space<hbm>>
    tpu.wait_dma2 semaphore(%arg11 : memref<!tpu.dma_semaphore, #tpu.memory_space<semaphore_mem>>) src(%dma_wait3A_835 : memref<80xi32, #tpu.memory_space<hbm>>) dst(%dma_wait3A_833 : memref<80xi32, #tpu.memory_space<vmem>>)
    %dma_start3A_836 = arith.constant 0 : i32
    %dma_start3A_837 = arith.constant 0 : i32
    %dma_start3A_838 = arith.constant 0 : i32
    %dma_start3A_839 = arith.constant 0 : i32
    %dma_start3A_840 = tpu.memref_slice %arg8[%dma_start3A_837, %dma_start3A_838, %dma_start3A_839] : memref<3x80x128xf32, #tpu.memory_space<vmem>> -> memref<1x80x128xf32, #tpu.memory_space<vmem>>
    %dma_start3A_841 = tpu.memref_squeeze %dma_start3A_840 : memref<1x80x128xf32, #tpu.memory_space<vmem>> -> memref<80x128xf32, #tpu.memory_space<vmem>>
    %dma_start3A_842 = arith.constant 0 : i32
    %dma_start3A_843 = tpu.memref_slice %arg6[%dma_start3A_836, %dma_start3A_842] : memref<3x80xi32, #tpu.memory_space<vmem>> -> memref<1x80xi32, #tpu.memory_space<vmem>>
    %dma_start3A_844 = tpu.memref_squeeze %dma_start3A_843 : memref<1x80xi32, #tpu.memory_space<vmem>> -> memref<80xi32, #tpu.memory_space<vmem>>
    %dma_start3A_845 = arith.constant 0 : i32
    %dma_start3A_846 = arith.constant 0 : i32
    %dma_start3A_847 = tpu.memref_slice %arg2[%dma_start3A_845, %dma_start3A_846] : memref<10000x128xf32, #tpu.memory_space<hbm>> -> memref<10000x128xf32, #tpu.memory_space<hbm>>
    tpu.enqueue_indirect_dma source(%dma_start3A_847 : memref<10000x128xf32, #tpu.memory_space<hbm>>) target(%dma_start3A_841 : memref<80x128xf32, #tpu.memory_space<vmem>>) offsets(%dma_start3A_844 : memref<80xi32, #tpu.memory_space<vmem>>) semaphore(%arg14 : memref<!tpu.dma_semaphore, #tpu.memory_space<semaphore_mem>>)
    %dma_wait3A_848 = arith.constant 1 : i32
    %dma_wait3A_849 = arith.constant 0 : i32
    %dma_wait3A_850 = tpu.memref_slice %arg6[%dma_wait3A_848, %dma_wait3A_849] : memref<3x80xi32, #tpu.memory_space<vmem>> -> memref<1x80xi32, #tpu.memory_space<vmem>>
    %dma_wait3A_851 = tpu.memref_squeeze %dma_wait3A_850 : memref<1x80xi32, #tpu.memory_space<vmem>> -> memref<80xi32, #tpu.memory_space<vmem>>
    %dma_wait3A_852 = arith.constant 0 : i32
    %dma_wait3A_853 = tpu.memref_slice %arg3[%dma_wait3A_852] : memref<320000xi32, #tpu.memory_space<hbm>> -> memref<80xi32, #tpu.memory_space<hbm>>
    %dma_wait3A_854 = arith.constant 0 : i32
    %dma_wait3A_855 = tpu.memref_slice %arg6[%dma_wait3A_848, %dma_wait3A_854] : memref<3x80xi32, #tpu.memory_space<vmem>> -> memref<1x80xi32, #tpu.memory_space<vmem>>
    %dma_wait3A_856 = tpu.memref_squeeze %dma_wait3A_855 : memref<1x80xi32, #tpu.memory_space<vmem>> -> memref<80xi32, #tpu.memory_space<vmem>>
    %dma_wait3A_857 = arith.constant 0 : i32
    %dma_wait3A_858 = tpu.memref_slice %arg3[%dma_wait3A_857] : memref<320000xi32, #tpu.memory_space<hbm>> -> memref<80xi32, #tpu.memory_space<hbm>>
    tpu.wait_dma2 semaphore(%arg12 : memref<!tpu.dma_semaphore, #tpu.memory_space<semaphore_mem>>) src(%dma_wait3A_858 : memref<80xi32, #tpu.memory_space<hbm>>) dst(%dma_wait3A_856 : memref<80xi32, #tpu.memory_space<vmem>>)
    %dma_wait3A_859 = arith.constant 4 : i32
    %dma_wait3A_860 = arith.constant 0 : i32
    %dma_wait3A_861 = tpu.memref_slice %arg7[%dma_wait3A_859, %dma_wait3A_860] : memref<6x80xi32, #tpu.memory_space<vmem>> -> memref<1x80xi32, #tpu.memory_space<vmem>>
    %dma_wait3A_862 = tpu.memref_squeeze %dma_wait3A_861 : memref<1x80xi32, #tpu.memory_space<vmem>> -> memref<80xi32, #tpu.memory_space<vmem>>
    %dma_wait3A_863 = arith.constant 0 : i32
    %dma_wait3A_864 = tpu.memref_slice %arg3[%dma_wait3A_863] : memref<320000xi32, #tpu.memory_space<hbm>> -> memref<80xi32, #tpu.memory_space<hbm>>
    %dma_wait3A_865 = arith.constant 0 : i32
    %dma_wait3A_866 = tpu.memref_slice %arg7[%dma_wait3A_859, %dma_wait3A_865] : memref<6x80xi32, #tpu.memory_space<vmem>> -> memref<1x80xi32, #tpu.memory_space<vmem>>
    %dma_wait3A_867 = tpu.memref_squeeze %dma_wait3A_866 : memref<1x80xi32, #tpu.memory_space<vmem>> -> memref<80xi32, #tpu.memory_space<vmem>>
    %dma_wait3A_868 = arith.constant 0 : i32
    %dma_wait3A_869 = tpu.memref_slice %arg3[%dma_wait3A_868] : memref<320000xi32, #tpu.memory_space<hbm>> -> memref<80xi32, #tpu.memory_space<hbm>>
    tpu.wait_dma2 semaphore(%arg12 : memref<!tpu.dma_semaphore, #tpu.memory_space<semaphore_mem>>) src(%dma_wait3A_869 : memref<80xi32, #tpu.memory_space<hbm>>) dst(%dma_wait3A_867 : memref<80xi32, #tpu.memory_space<vmem>>)
    %dma_start3A_870 = arith.constant 1 : i32
    %dma_start3A_871 = arith.constant 1 : i32
    %dma_start3A_872 = arith.constant 0 : i32
    %dma_start3A_873 = arith.constant 0 : i32
    %dma_start3A_874 = tpu.memref_slice %arg8[%dma_start3A_871, %dma_start3A_872, %dma_start3A_873] : memref<3x80x128xf32, #tpu.memory_space<vmem>> -> memref<1x80x128xf32, #tpu.memory_space<vmem>>
    %dma_start3A_875 = tpu.memref_squeeze %dma_start3A_874 : memref<1x80x128xf32, #tpu.memory_space<vmem>> -> memref<80x128xf32, #tpu.memory_space<vmem>>
    %dma_start3A_876 = arith.constant 0 : i32
    %dma_start3A_877 = tpu.memref_slice %arg6[%dma_start3A_870, %dma_start3A_876] : memref<3x80xi32, #tpu.memory_space<vmem>> -> memref<1x80xi32, #tpu.memory_space<vmem>>
    %dma_start3A_878 = tpu.memref_squeeze %dma_start3A_877 : memref<1x80xi32, #tpu.memory_space<vmem>> -> memref<80xi32, #tpu.memory_space<vmem>>
    %dma_start3A_879 = arith.constant 0 : i32
    %dma_start3A_880 = arith.constant 0 : i32
    %dma_start3A_881 = tpu.memref_slice %arg2[%dma_start3A_879, %dma_start3A_880] : memref<10000x128xf32, #tpu.memory_space<hbm>> -> memref<10000x128xf32, #tpu.memory_space<hbm>>
    tpu.enqueue_indirect_dma source(%dma_start3A_881 : memref<10000x128xf32, #tpu.memory_space<hbm>>) target(%dma_start3A_875 : memref<80x128xf32, #tpu.memory_space<vmem>>) offsets(%dma_start3A_878 : memref<80xi32, #tpu.memory_space<vmem>>) semaphore(%arg15 : memref<!tpu.dma_semaphore, #tpu.memory_space<semaphore_mem>>)
    %dma_wait3A_882 = arith.constant 0 : i32
    %dma_wait3A_883 = arith.constant 0 : i32
    %dma_wait3A_884 = arith.constant 0 : i32
    %dma_wait3A_885 = arith.constant 0 : i32
    %dma_wait3A_886 = tpu.memref_slice %arg8[%dma_wait3A_883, %dma_wait3A_884, %dma_wait3A_885] : memref<3x80x128xf32, #tpu.memory_space<vmem>> -> memref<1x80x128xf32, #tpu.memory_space<vmem>>
    %dma_wait3A_887 = tpu.memref_squeeze %dma_wait3A_886 : memref<1x80x128xf32, #tpu.memory_space<vmem>> -> memref<80x128xf32, #tpu.memory_space<vmem>>
    %dma_wait3A_888 = arith.constant 0 : i32
    %dma_wait3A_889 = tpu.memref_slice %arg6[%dma_wait3A_882, %dma_wait3A_888] : memref<3x80xi32, #tpu.memory_space<vmem>> -> memref<1x80xi32, #tpu.memory_space<vmem>>
    %dma_wait3A_890 = tpu.memref_squeeze %dma_wait3A_889 : memref<1x80xi32, #tpu.memory_space<vmem>> -> memref<80xi32, #tpu.memory_space<vmem>>
    %dma_wait3A_891 = arith.constant 0 : i32
    %dma_wait3A_892 = arith.constant 0 : i32
    %dma_wait3A_893 = tpu.memref_slice %arg2[%dma_wait3A_891, %dma_wait3A_892] : memref<10000x128xf32, #tpu.memory_space<hbm>> -> memref<10000x128xf32, #tpu.memory_space<hbm>>
    tpu.wait_indirect_dma semaphore(%arg14 : memref<!tpu.dma_semaphore, #tpu.memory_space<semaphore_mem>>) src(%dma_wait3A_893 : memref<10000x128xf32, #tpu.memory_space<hbm>>) dst(%dma_wait3A_887 : memref<80x128xf32, #tpu.memory_space<vmem>>)
    %dma_start3A_894 = arith.constant 0 : i32
    %dma_start3A_895 = arith.constant 3 : i32
    %dma_start3A_896 = arith.constant 0 : i32
    %dma_start3A_897 = arith.constant 0 : i32
    %dma_start3A_898 = tpu.memref_slice %arg8[%dma_start3A_894, %dma_start3A_896, %dma_start3A_897] : memref<3x80x128xf32, #tpu.memory_space<vmem>> -> memref<1x80x128xf32, #tpu.memory_space<vmem>>
    %dma_start3A_899 = tpu.memref_squeeze %dma_start3A_898 : memref<1x80x128xf32, #tpu.memory_space<vmem>> -> memref<80x128xf32, #tpu.memory_space<vmem>>
    %dma_start3A_900 = arith.constant 0 : i32
    %dma_start3A_901 = tpu.memref_slice %arg7[%dma_start3A_895, %dma_start3A_900] : memref<6x80xi32, #tpu.memory_space<vmem>> -> memref<1x80xi32, #tpu.memory_space<vmem>>
    %dma_start3A_902 = tpu.memref_squeeze %dma_start3A_901 : memref<1x80xi32, #tpu.memory_space<vmem>> -> memref<80xi32, #tpu.memory_space<vmem>>
    %dma_start3A_903 = arith.constant 0 : i32
    %dma_start3A_904 = arith.constant 0 : i32
    %dma_start3A_905 = tpu.memref_slice %arg10[%dma_start3A_903, %dma_start3A_904] : memref<10240x128xf32, #tpu.memory_space<vmem_shared>> -> memref<10240x128xf32, #tpu.memory_space<vmem_shared>>
    tpu.enqueue_indirect_dma source(%dma_start3A_899 : memref<80x128xf32, #tpu.memory_space<vmem>>) target(%dma_start3A_905 : memref<10240x128xf32, #tpu.memory_space<vmem_shared>>) offsets(%dma_start3A_902 : memref<80xi32, #tpu.memory_space<vmem>>) semaphore(%arg17 : memref<!tpu.dma_semaphore, #tpu.memory_space<semaphore_mem>>) {add = true}
    %dma_wait3A_906 = arith.constant 1 : i32
    %dma_wait3A_907 = arith.constant 1 : i32
    %dma_wait3A_908 = arith.constant 0 : i32
    %dma_wait3A_909 = arith.constant 0 : i32
    %dma_wait3A_910 = tpu.memref_slice %arg8[%dma_wait3A_907, %dma_wait3A_908, %dma_wait3A_909] : memref<3x80x128xf32, #tpu.memory_space<vmem>> -> memref<1x80x128xf32, #tpu.memory_space<vmem>>
    %dma_wait3A_911 = tpu.memref_squeeze %dma_wait3A_910 : memref<1x80x128xf32, #tpu.memory_space<vmem>> -> memref<80x128xf32, #tpu.memory_space<vmem>>
    %dma_wait3A_912 = arith.constant 0 : i32
    %dma_wait3A_913 = tpu.memref_slice %arg6[%dma_wait3A_906, %dma_wait3A_912] : memref<3x80xi32, #tpu.memory_space<vmem>> -> memref<1x80xi32, #tpu.memory_space<vmem>>
    %dma_wait3A_914 = tpu.memref_squeeze %dma_wait3A_913 : memref<1x80xi32, #tpu.memory_space<vmem>> -> memref<80xi32, #tpu.memory_space<vmem>>
    %dma_wait3A_915 = arith.constant 0 : i32
    %dma_wait3A_916 = arith.constant 0 : i32
    %dma_wait3A_917 = tpu.memref_slice %arg2[%dma_wait3A_915, %dma_wait3A_916] : memref<10000x128xf32, #tpu.memory_space<hbm>> -> memref<10000x128xf32, #tpu.memory_space<hbm>>
    tpu.wait_indirect_dma semaphore(%arg15 : memref<!tpu.dma_semaphore, #tpu.memory_space<semaphore_mem>>) src(%dma_wait3A_917 : memref<10000x128xf32, #tpu.memory_space<hbm>>) dst(%dma_wait3A_911 : memref<80x128xf32, #tpu.memory_space<vmem>>)
    %dma_start3A_918 = arith.constant 1 : i32
    %dma_start3A_919 = arith.constant 4 : i32
    %dma_start3A_920 = arith.constant 0 : i32
    %dma_start3A_921 = arith.constant 0 : i32
    %dma_start3A_922 = tpu.memref_slice %arg8[%dma_start3A_918, %dma_start3A_920, %dma_start3A_921] : memref<3x80x128xf32, #tpu.memory_space<vmem>> -> memref<1x80x128xf32, #tpu.memory_space<vmem>>
    %dma_start3A_923 = tpu.memref_squeeze %dma_start3A_922 : memref<1x80x128xf32, #tpu.memory_space<vmem>> -> memref<80x128xf32, #tpu.memory_space<vmem>>
    %dma_start3A_924 = arith.constant 0 : i32
    %dma_start3A_925 = tpu.memref_slice %arg7[%dma_start3A_919, %dma_start3A_924] : memref<6x80xi32, #tpu.memory_space<vmem>> -> memref<1x80xi32, #tpu.memory_space<vmem>>
    %dma_start3A_926 = tpu.memref_squeeze %dma_start3A_925 : memref<1x80xi32, #tpu.memory_space<vmem>> -> memref<80xi32, #tpu.memory_space<vmem>>
    %dma_start3A_927 = arith.constant 0 : i32
    %dma_start3A_928 = arith.constant 0 : i32
    %dma_start3A_929 = tpu.memref_slice %arg10[%dma_start3A_927, %dma_start3A_928] : memref<10240x128xf32, #tpu.memory_space<vmem_shared>> -> memref<10240x128xf32, #tpu.memory_space<vmem_shared>>
    tpu.enqueue_indirect_dma source(%dma_start3A_923 : memref<80x128xf32, #tpu.memory_space<vmem>>) target(%dma_start3A_929 : memref<10240x128xf32, #tpu.memory_space<vmem_shared>>) offsets(%dma_start3A_926 : memref<80xi32, #tpu.memory_space<vmem>>) semaphore(%arg18 : memref<!tpu.dma_semaphore, #tpu.memory_space<semaphore_mem>>) {add = true}
    %dma_wait3A_930 = arith.constant 0 : i32
    %dma_wait3A_931 = arith.constant 3 : i32
    %dma_wait3A_932 = arith.constant 0 : i32
    %dma_wait3A_933 = arith.constant 0 : i32
    %dma_wait3A_934 = tpu.memref_slice %arg8[%dma_wait3A_930, %dma_wait3A_932, %dma_wait3A_933] : memref<3x80x128xf32, #tpu.memory_space<vmem>> -> memref<1x80x128xf32, #tpu.memory_space<vmem>>
    %dma_wait3A_935 = tpu.memref_squeeze %dma_wait3A_934 : memref<1x80x128xf32, #tpu.memory_space<vmem>> -> memref<80x128xf32, #tpu.memory_space<vmem>>
    %dma_wait3A_936 = arith.constant 0 : i32
    %dma_wait3A_937 = tpu.memref_slice %arg7[%dma_wait3A_931, %dma_wait3A_936] : memref<6x80xi32, #tpu.memory_space<vmem>> -> memref<1x80xi32, #tpu.memory_space<vmem>>
    %dma_wait3A_938 = tpu.memref_squeeze %dma_wait3A_937 : memref<1x80xi32, #tpu.memory_space<vmem>> -> memref<80xi32, #tpu.memory_space<vmem>>
    %dma_wait3A_939 = arith.constant 0 : i32
    %dma_wait3A_940 = arith.constant 0 : i32
    %dma_wait3A_941 = tpu.memref_slice %arg10[%dma_wait3A_939, %dma_wait3A_940] : memref<10240x128xf32, #tpu.memory_space<vmem_shared>> -> memref<10240x128xf32, #tpu.memory_space<vmem_shared>>
    tpu.wait_indirect_dma semaphore(%arg17 : memref<!tpu.dma_semaphore, #tpu.memory_space<semaphore_mem>>) src(%dma_wait3A_935 : memref<80x128xf32, #tpu.memory_space<vmem>>) dst(%dma_wait3A_941 : memref<10240x128xf32, #tpu.memory_space<vmem_shared>>)
    %dma_wait3A_942 = arith.constant 1 : i32
    %dma_wait3A_943 = arith.constant 4 : i32
    %dma_wait3A_944 = arith.constant 0 : i32
    %dma_wait3A_945 = arith.constant 0 : i32
    %dma_wait3A_946 = tpu.memref_slice %arg8[%dma_wait3A_942, %dma_wait3A_944, %dma_wait3A_945] : memref<3x80x128xf32, #tpu.memory_space<vmem>> -> memref<1x80x128xf32, #tpu.memory_space<vmem>>
    %dma_wait3A_947 = tpu.memref_squeeze %dma_wait3A_946 : memref<1x80x128xf32, #tpu.memory_space<vmem>> -> memref<80x128xf32, #tpu.memory_space<vmem>>
    %dma_wait3A_948 = arith.constant 0 : i32
    %dma_wait3A_949 = tpu.memref_slice %arg7[%dma_wait3A_943, %dma_wait3A_948] : memref<6x80xi32, #tpu.memory_space<vmem>> -> memref<1x80xi32, #tpu.memory_space<vmem>>
    %dma_wait3A_950 = tpu.memref_squeeze %dma_wait3A_949 : memref<1x80xi32, #tpu.memory_space<vmem>> -> memref<80xi32, #tpu.memory_space<vmem>>
    %dma_wait3A_951 = arith.constant 0 : i32
    %dma_wait3A_952 = arith.constant 0 : i32
    %dma_wait3A_953 = tpu.memref_slice %arg10[%dma_wait3A_951, %dma_wait3A_952] : memref<10240x128xf32, #tpu.memory_space<vmem_shared>> -> memref<10240x128xf32, #tpu.memory_space<vmem_shared>>
    tpu.wait_indirect_dma semaphore(%arg18 : memref<!tpu.dma_semaphore, #tpu.memory_space<semaphore_mem>>) src(%dma_wait3A_947 : memref<80x128xf32, #tpu.memory_space<vmem>>) dst(%dma_wait3A_953 : memref<10240x128xf32, #tpu.memory_space<vmem_shared>>)
    %barrier3A_954 = arith.constant 0 : index
    tpu.barrier barrier_id(%barrier3A_954)
    %mul3A_955 = arith.constant 640 : i32
    %mul3A_956 = arith.muli %arg1, %mul3A_955 : i32
    %mul3A_957 = arith.constant 640 : i32
    %mul3A_958 = arith.muli %arg1, %mul3A_957 : i32
    "tpu.region"() ({
      %run_scoped3A = tpu.sem_alloc : memref<!tpu.dma_semaphore, #tpu.memory_space<semaphore_mem>>
      %dma_start3A_959 = arith.constant 0 : i32
      %dma_start3A_960 = tpu.memref_slice %arg5[%arg0, %mul3A_958, %dma_start3A_959] : memref<2x10240x128xf32, #tpu.memory_space<hbm>> -> memref<1x640x128xf32, #tpu.memory_space<hbm>>
      %dma_start3A_961 = tpu.memref_squeeze %dma_start3A_960 : memref<1x640x128xf32, #tpu.memory_space<hbm>> -> memref<640x128xf32, #tpu.memory_space<hbm>>
      %dma_start3A_962 = arith.constant 0 : i32
      %dma_start3A_963 = tpu.memref_slice %arg10[%mul3A_956, %dma_start3A_962] : memref<10240x128xf32, #tpu.memory_space<vmem_shared>> -> memref<640x128xf32, #tpu.memory_space<vmem_shared>>
      tpu.enqueue_dma source(%dma_start3A_963 : memref<640x128xf32, #tpu.memory_space<vmem_shared>>) target(%dma_start3A_961 : memref<640x128xf32, #tpu.memory_space<hbm>>) target_semaphore(%run_scoped3A : memref<!tpu.dma_semaphore, #tpu.memory_space<semaphore_mem>>)
      %dma_wait3A_964 = arith.constant 0 : i32
      %dma_wait3A_965 = tpu.memref_slice %arg5[%arg0, %mul3A_958, %dma_wait3A_964] : memref<2x10240x128xf32, #tpu.memory_space<hbm>> -> memref<1x640x128xf32, #tpu.memory_space<hbm>>
      %dma_wait3A_966 = tpu.memref_squeeze %dma_wait3A_965 : memref<1x640x128xf32, #tpu.memory_space<hbm>> -> memref<640x128xf32, #tpu.memory_space<hbm>>
      %dma_wait3A_967 = arith.constant 0 : i32
      %dma_wait3A_968 = tpu.memref_slice %arg10[%mul3A_956, %dma_wait3A_967] : memref<10240x128xf32, #tpu.memory_space<vmem_shared>> -> memref<640x128xf32, #tpu.memory_space<vmem_shared>>
      tpu.wait_dma2 semaphore(%run_scoped3A : memref<!tpu.dma_semaphore, #tpu.memory_space<semaphore_mem>>) src(%dma_wait3A_968 : memref<640x128xf32, #tpu.memory_space<vmem_shared>>) dst(%dma_wait3A_966 : memref<640x128xf32, #tpu.memory_space<hbm>>)
      tpu.yield
    }) : () -> ()
    return
  }
}

#map = affine_map<(d0, d1) -> (0, 0)>
#map1 = affine_map<(d0, d1) -> (0)>
#map2 = affine_map<(d0, d1) -> (0, 0, 0)>
module attributes {stable_mosaic.version = 14 : i64} {
  func.func @k(%arg0: i32, %arg1: i32, %arg2: memref<10000x128xf32, #tpu.memory_space<hbm>>, %arg3: memref<320000xi32, #tpu.memory_space<hbm>>, %arg4: memref<320000xi32, #tpu.memory_space<hbm>>, %arg5: memref<2x10240x128xf32, #tpu.memory_space<hbm>>, %arg6: memref<3x80xi32, #tpu.memory_space<vmem>>, %arg7: memref<6x80xi32, #tpu.memory_space<vmem>>, %arg8: memref<3x80x128xf32, #tpu.memory_space<vmem>>, %arg9: memref<16x128xf32, #tpu.memory_space<vmem>>, %arg10: memref<10240x128xf32, #tpu.memory_space<vmem_shared>>, %arg11: memref<!tpu.dma_semaphore, #tpu.memory_space<semaphore_mem>>, %arg12: memref<!tpu.dma_semaphore, #tpu.memory_space<semaphore_mem>>, %arg13: memref<!tpu.dma_semaphore, #tpu.memory_space<semaphore_mem>>, %arg14: memref<!tpu.dma_semaphore, #tpu.memory_space<semaphore_mem>>, %arg15: memref<!tpu.dma_semaphore, #tpu.memory_space<semaphore_mem>>, %arg16: memref<!tpu.dma_semaphore, #tpu.memory_space<semaphore_mem>>, %arg17: memref<!tpu.dma_semaphore, #tpu.memory_space<semaphore_mem>>, %arg18: memref<!tpu.dma_semaphore, #tpu.memory_space<semaphore_mem>>, %arg19: memref<!tpu.dma_semaphore, #tpu.memory_space<semaphore_mem>>) attributes {dimension_semantics = [#tpu.dimension_semantics<core_parallel>, #tpu.dimension_semantics<subcore_parallel>], iteration_bounds = array<i64: 2, 16>, scalar_prefetch = 0 : i64, scratch_operands = 14 : i64, tpu.core_type = #tpu.core_type<sc_vector_subcore>, window_params = [{transform_indices = #map}, {transform_indices = #map1}, {transform_indices = #map1}, {transform_indices = #map2}]} {
    %mul3A = arith.constant 16 : i32
    %mul3A_0 = arith.muli %arg0, %mul3A : i32
    %add3A = arith.addi %mul3A_0, %arg1 : i32
    %mul3A_1 = arith.constant 10000 : i32
    %mul3A_2 = arith.muli %add3A, %mul3A_1 : i32
    %scan3A = arith.constant 0 : i32
    %scan3A_3 = arith.constant 0 : i32
    %scan3A_4 = arith.constant 128 : i32
    %scan3A_5 = arith.addi %scan3A_3, %scan3A_4 : i32
    %scan3A_6 = arith.constant 1 : i32
    scf.for %scan3A_959 = %scan3A_3 to %scan3A_5 step %scan3A_6  : i32 {
      %broadcast_in_dim3A = arith.constant 0.000000e+00 : f32
      %broadcast_in_dim3A_960 = vector.broadcast %broadcast_in_dim3A : f32 to vector<16xf32>
      %jit3A = arith.constant 8 : i32
      %div3A = arith.divsi %scan3A_959, %jit3A : i32
      %sign3A = arith.constant 0 : i32
      %sign3A_961 = arith.cmpi sgt, %scan3A_959, %sign3A : i32
      %sign3A_962 = arith.extui %sign3A_961 : i1 to i32
      %sign3A_963 = arith.constant 0 : i32
      %sign3A_964 = arith.cmpi slt, %scan3A_959, %sign3A_963 : i32
      %sign3A_965 = arith.extui %sign3A_964 : i1 to i32
      %sign3A_966 = arith.subi %sign3A_962, %sign3A_965 : i32
      %sign3A_967 = arith.constant 0 : i32
      %sign3A_968 = arith.cmpi sgt, %jit3A, %sign3A_967 : i32
      %sign3A_969 = arith.extui %sign3A_968 : i1 to i32
      %sign3A_970 = arith.constant 0 : i32
      %sign3A_971 = arith.cmpi slt, %jit3A, %sign3A_970 : i32
      %sign3A_972 = arith.extui %sign3A_971 : i1 to i32
      %sign3A_973 = arith.subi %sign3A_969, %sign3A_972 : i32
      %ne3A = arith.cmpi ne, %sign3A_966, %sign3A_973 : i32
      %rem3A = arith.remsi %scan3A_959, %jit3A : i32
      %ne3A_974 = arith.constant 0 : i32
      %ne3A_975 = arith.cmpi ne, %rem3A, %ne3A_974 : i32
      %and3A = arith.andi %ne3A, %ne3A_975 : i1
      %sub3A = arith.constant 1 : i32
      %sub3A_976 = arith.subi %div3A, %sub3A : i32
      %select_n3A = arith.select %and3A, %sub3A_976, %div3A : i32
      %jit3A_977 = arith.constant 8 : i32
      %eq3A = arith.constant 0 : i32
      %eq3A_978 = arith.cmpi eq, %jit3A_977, %eq3A : i32
      %jit3A_979 = arith.constant 1 : i32
      %select_n3A_980 = arith.select %eq3A_978, %jit3A_979, %jit3A_977 : i32
      %rem3A_981 = arith.remsi %scan3A_959, %select_n3A_980 : i32
      %ne3A_982 = arith.constant 0 : i32
      %ne3A_983 = arith.cmpi ne, %rem3A_981, %ne3A_982 : i32
      %lt3A = arith.constant 0 : i32
      %lt3A_984 = arith.cmpi slt, %rem3A_981, %lt3A : i32
      %lt3A_985 = arith.constant 0 : i32
      %lt3A_986 = arith.cmpi slt, %select_n3A_980, %lt3A_985 : i32
      %ne3A_987 = arith.xori %lt3A_984, %lt3A_986 : i1
      %and3A_988 = arith.andi %ne3A_987, %ne3A_983 : i1
      %add3A_989 = arith.addi %rem3A_981, %select_n3A_980 : i32
      %select_n3A_990 = arith.select %and3A_988, %add3A_989, %rem3A_981 : i32
      %mul3A_991 = arith.constant 16 : i32
      %mul3A_992 = arith.muli %select_n3A_990, %mul3A_991 : i32
      %swap3A = arith.index_cast %select_n3A : i32 to index
      %swap3A_993 = arith.index_cast %mul3A_992 : i32 to index
      %swap3A_994 = tpu.vector_load %arg9[%swap3A, %swap3A_993] {strides = array<i32>} : memref<16x128xf32, #tpu.memory_space<vmem>>, vector<1x16xf32>,
      %swap3A_995 = vector.shape_cast %swap3A_994 : vector<1x16xf32> to vector<16xf32>
      %swap3A_996 = vector.shape_cast %broadcast_in_dim3A_960 : vector<16xf32> to vector<1x16xf32>
      tpu.vector_store %arg9[%swap3A, %swap3A_993], %swap3A_996 {strides = array<i32>} : memref<16x128xf32, #tpu.memory_space<vmem>>, vector<1x16xf32>,
    }
    %scan3A_7 = arith.constant 128 : i32
    %mul3A_8 = arith.constant 640 : i32
    %mul3A_9 = arith.muli %arg1, %mul3A_8 : i32
    %add3A_10 = arith.constant 0 : i32
    %add3A_11 = arith.addi %mul3A_9, %add3A_10 : i32
    %dma_start3A = arith.constant 0 : i32
    %dma_start3A_12 = tpu.memref_slice %arg10[%add3A_11, %dma_start3A] : memref<10240x128xf32, #tpu.memory_space<vmem_shared>> -> memref<16x128xf32, #tpu.memory_space<vmem_shared>>
    %dma_start3A_13 = arith.constant 0 : i32
    %dma_start3A_14 = tpu.memref_slice %arg10[%add3A_11, %dma_start3A_13] : memref<10240x128xf32, #tpu.memory_space<vmem_shared>> -> memref<16x128xf32, #tpu.memory_space<vmem_shared>>
    tpu.enqueue_dma source(%arg9 : memref<16x128xf32, #tpu.memory_space<vmem>>) target(%dma_start3A_14 : memref<16x128xf32, #tpu.memory_space<vmem_shared>>) target_semaphore(%arg17 : memref<!tpu.dma_semaphore, #tpu.memory_space<semaphore_mem>>)
    %mul3A_15 = arith.constant 640 : i32
    %mul3A_16 = arith.muli %arg1, %mul3A_15 : i32
    %add3A_17 = arith.constant 16 : i32
    %add3A_18 = arith.addi %mul3A_16, %add3A_17 : i32
    %dma_start3A_19 = arith.constant 0 : i32
    %dma_start3A_20 = tpu.memref_slice %arg10[%add3A_18, %dma_start3A_19] : memref<10240x128xf32, #tpu.memory_space<vmem_shared>> -> memref<16x128xf32, #tpu.memory_space<vmem_shared>>
    %dma_start3A_21 = arith.constant 0 : i32
    %dma_start3A_22 = tpu.memref_slice %arg10[%add3A_18, %dma_start3A_21] : memref<10240x128xf32, #tpu.memory_space<vmem_shared>> -> memref<16x128xf32, #tpu.memory_space<vmem_shared>>
    tpu.enqueue_dma source(%arg9 : memref<16x128xf32, #tpu.memory_space<vmem>>) target(%dma_start3A_22 : memref<16x128xf32, #tpu.memory_space<vmem_shared>>) target_semaphore(%arg17 : memref<!tpu.dma_semaphore, #tpu.memory_space<semaphore_mem>>)
    %mul3A_23 = arith.constant 640 : i32
    %mul3A_24 = arith.muli %arg1, %mul3A_23 : i32
    %add3A_25 = arith.constant 32 : i32
    %add3A_26 = arith.addi %mul3A_24, %add3A_25 : i32
    %dma_start3A_27 = arith.constant 0 : i32
    %dma_start3A_28 = tpu.memref_slice %arg10[%add3A_26, %dma_start3A_27] : memref<10240x128xf32, #tpu.memory_space<vmem_shared>> -> memref<16x128xf32, #tpu.memory_space<vmem_shared>>
    %dma_start3A_29 = arith.constant 0 : i32
    %dma_start3A_30 = tpu.memref_slice %arg10[%add3A_26, %dma_start3A_29] : memref<10240x128xf32, #tpu.memory_space<vmem_shared>> -> memref<16x128xf32, #tpu.memory_space<vmem_shared>>
    tpu.enqueue_dma source(%arg9 : memref<16x128xf32, #tpu.memory_space<vmem>>) target(%dma_start3A_30 : memref<16x128xf32, #tpu.memory_space<vmem_shared>>) target_semaphore(%arg17 : memref<!tpu.dma_semaphore, #tpu.memory_space<semaphore_mem>>)
    %mul3A_31 = arith.constant 640 : i32
    %mul3A_32 = arith.muli %arg1, %mul3A_31 : i32
    %add3A_33 = arith.constant 48 : i32
    %add3A_34 = arith.addi %mul3A_32, %add3A_33 : i32
    %dma_start3A_35 = arith.constant 0 : i32
    %dma_start3A_36 = tpu.memref_slice %arg10[%add3A_34, %dma_start3A_35] : memref<10240x128xf32, #tpu.memory_space<vmem_shared>> -> memref<16x128xf32, #tpu.memory_space<vmem_shared>>
    %dma_start3A_37 = arith.constant 0 : i32
    %dma_start3A_38 = tpu.memref_slice %arg10[%add3A_34, %dma_start3A_37] : memref<10240x128xf32, #tpu.memory_space<vmem_shared>> -> memref<16x128xf32, #tpu.memory_space<vmem_shared>>
    tpu.enqueue_dma source(%arg9 : memref<16x128xf32, #tpu.memory_space<vmem>>) target(%dma_start3A_38 : memref<16x128xf32, #tpu.memory_space<vmem_shared>>) target_semaphore(%arg17 : memref<!tpu.dma_semaphore, #tpu.memory_space<semaphore_mem>>)
    %mul3A_39 = arith.constant 640 : i32
    %mul3A_40 = arith.muli %arg1, %mul3A_39 : i32
    %add3A_41 = arith.constant 64 : i32
    %add3A_42 = arith.addi %mul3A_40, %add3A_41 : i32
    %dma_start3A_43 = arith.constant 0 : i32
    %dma_start3A_44 = tpu.memref_slice %arg10[%add3A_42, %dma_start3A_43] : memref<10240x128xf32, #tpu.memory_space<vmem_shared>> -> memref<16x128xf32, #tpu.memory_space<vmem_shared>>
    %dma_start3A_45 = arith.constant 0 : i32
    %dma_start3A_46 = tpu.memref_slice %arg10[%add3A_42, %dma_start3A_45] : memref<10240x128xf32, #tpu.memory_space<vmem_shared>> -> memref<16x128xf32, #tpu.memory_space<vmem_shared>>
    tpu.enqueue_dma source(%arg9 : memref<16x128xf32, #tpu.memory_space<vmem>>) target(%dma_start3A_46 : memref<16x128xf32, #tpu.memory_space<vmem_shared>>) target_semaphore(%arg17 : memref<!tpu.dma_semaphore, #tpu.memory_space<semaphore_mem>>)
    %mul3A_47 = arith.constant 640 : i32
    %mul3A_48 = arith.muli %arg1, %mul3A_47 : i32
    %add3A_49 = arith.constant 80 : i32
    %add3A_50 = arith.addi %mul3A_48, %add3A_49 : i32
    %dma_start3A_51 = arith.constant 0 : i32
    %dma_start3A_52 = tpu.memref_slice %arg10[%add3A_50, %dma_start3A_51] : memref<10240x128xf32, #tpu.memory_space<vmem_shared>> -> memref<16x128xf32, #tpu.memory_space<vmem_shared>>
    %dma_start3A_53 = arith.constant 0 : i32
    %dma_start3A_54 = tpu.memref_slice %arg10[%add3A_50, %dma_start3A_53] : memref<10240x128xf32, #tpu.memory_space<vmem_shared>> -> memref<16x128xf32, #tpu.memory_space<vmem_shared>>
    tpu.enqueue_dma source(%arg9 : memref<16x128xf32, #tpu.memory_space<vmem>>) target(%dma_start3A_54 : memref<16x128xf32, #tpu.memory_space<vmem_shared>>) target_semaphore(%arg17 : memref<!tpu.dma_semaphore, #tpu.memory_space<semaphore_mem>>)
    %mul3A_55 = arith.constant 640 : i32
    %mul3A_56 = arith.muli %arg1, %mul3A_55 : i32
    %add3A_57 = arith.constant 96 : i32
    %add3A_58 = arith.addi %mul3A_56, %add3A_57 : i32
    %dma_start3A_59 = arith.constant 0 : i32
    %dma_start3A_60 = tpu.memref_slice %arg10[%add3A_58, %dma_start3A_59] : memref<10240x128xf32, #tpu.memory_space<vmem_shared>> -> memref<16x128xf32, #tpu.memory_space<vmem_shared>>
    %dma_start3A_61 = arith.constant 0 : i32
    %dma_start3A_62 = tpu.memref_slice %arg10[%add3A_58, %dma_start3A_61] : memref<10240x128xf32, #tpu.memory_space<vmem_shared>> -> memref<16x128xf32, #tpu.memory_space<vmem_shared>>
    tpu.enqueue_dma source(%arg9 : memref<16x128xf32, #tpu.memory_space<vmem>>) target(%dma_start3A_62 : memref<16x128xf32, #tpu.memory_space<vmem_shared>>) target_semaphore(%arg17 : memref<!tpu.dma_semaphore, #tpu.memory_space<semaphore_mem>>)
    %mul3A_63 = arith.constant 640 : i32
    %mul3A_64 = arith.muli %arg1, %mul3A_63 : i32
    %add3A_65 = arith.constant 112 : i32
    %add3A_66 = arith.addi %mul3A_64, %add3A_65 : i32
    %dma_start3A_67 = arith.constant 0 : i32
    %dma_start3A_68 = tpu.memref_slice %arg10[%add3A_66, %dma_start3A_67] : memref<10240x128xf32, #tpu.memory_space<vmem_shared>> -> memref<16x128xf32, #tpu.memory_space<vmem_shared>>
    %dma_start3A_69 = arith.constant 0 : i32
    %dma_start3A_70 = tpu.memref_slice %arg10[%add3A_66, %dma_start3A_69] : memref<10240x128xf32, #tpu.memory_space<vmem_shared>> -> memref<16x128xf32, #tpu.memory_space<vmem_shared>>
    tpu.enqueue_dma source(%arg9 : memref<16x128xf32, #tpu.memory_space<vmem>>) target(%dma_start3A_70 : memref<16x128xf32, #tpu.memory_space<vmem_shared>>) target_semaphore(%arg17 : memref<!tpu.dma_semaphore, #tpu.memory_space<semaphore_mem>>)
    %mul3A_71 = arith.constant 640 : i32
    %mul3A_72 = arith.muli %arg1, %mul3A_71 : i32
    %add3A_73 = arith.constant 128 : i32
    %add3A_74 = arith.addi %mul3A_72, %add3A_73 : i32
    %dma_start3A_75 = arith.constant 0 : i32
    %dma_start3A_76 = tpu.memref_slice %arg10[%add3A_74, %dma_start3A_75] : memref<10240x128xf32, #tpu.memory_space<vmem_shared>> -> memref<16x128xf32, #tpu.memory_space<vmem_shared>>
    %dma_start3A_77 = arith.constant 0 : i32
    %dma_start3A_78 = tpu.memref_slice %arg10[%add3A_74, %dma_start3A_77] : memref<10240x128xf32, #tpu.memory_space<vmem_shared>> -> memref<16x128xf32, #tpu.memory_space<vmem_shared>>
    tpu.enqueue_dma source(%arg9 : memref<16x128xf32, #tpu.memory_space<vmem>>) target(%dma_start3A_78 : memref<16x128xf32, #tpu.memory_space<vmem_shared>>) target_semaphore(%arg17 : memref<!tpu.dma_semaphore, #tpu.memory_space<semaphore_mem>>)
    %mul3A_79 = arith.constant 640 : i32
    %mul3A_80 = arith.muli %arg1, %mul3A_79 : i32
    %add3A_81 = arith.constant 144 : i32
    %add3A_82 = arith.addi %mul3A_80, %add3A_81 : i32
    %dma_start3A_83 = arith.constant 0 : i32
    %dma_start3A_84 = tpu.memref_slice %arg10[%add3A_82, %dma_start3A_83] : memref<10240x128xf32, #tpu.memory_space<vmem_shared>> -> memref<16x128xf32, #tpu.memory_space<vmem_shared>>
    %dma_start3A_85 = arith.constant 0 : i32
    %dma_start3A_86 = tpu.memref_slice %arg10[%add3A_82, %dma_start3A_85] : memref<10240x128xf32, #tpu.memory_space<vmem_shared>> -> memref<16x128xf32, #tpu.memory_space<vmem_shared>>
    tpu.enqueue_dma source(%arg9 : memref<16x128xf32, #tpu.memory_space<vmem>>) target(%dma_start3A_86 : memref<16x128xf32, #tpu.memory_space<vmem_shared>>) target_semaphore(%arg17 : memref<!tpu.dma_semaphore, #tpu.memory_space<semaphore_mem>>)
    %mul3A_87 = arith.constant 640 : i32
    %mul3A_88 = arith.muli %arg1, %mul3A_87 : i32
    %add3A_89 = arith.constant 160 : i32
    %add3A_90 = arith.addi %mul3A_88, %add3A_89 : i32
    %dma_start3A_91 = arith.constant 0 : i32
    %dma_start3A_92 = tpu.memref_slice %arg10[%add3A_90, %dma_start3A_91] : memref<10240x128xf32, #tpu.memory_space<vmem_shared>> -> memref<16x128xf32, #tpu.memory_space<vmem_shared>>
    %dma_start3A_93 = arith.constant 0 : i32
    %dma_start3A_94 = tpu.memref_slice %arg10[%add3A_90, %dma_start3A_93] : memref<10240x128xf32, #tpu.memory_space<vmem_shared>> -> memref<16x128xf32, #tpu.memory_space<vmem_shared>>
    tpu.enqueue_dma source(%arg9 : memref<16x128xf32, #tpu.memory_space<vmem>>) target(%dma_start3A_94 : memref<16x128xf32, #tpu.memory_space<vmem_shared>>) target_semaphore(%arg17 : memref<!tpu.dma_semaphore, #tpu.memory_space<semaphore_mem>>)
    %mul3A_95 = arith.constant 640 : i32
    %mul3A_96 = arith.muli %arg1, %mul3A_95 : i32
    %add3A_97 = arith.constant 176 : i32
    %add3A_98 = arith.addi %mul3A_96, %add3A_97 : i32
    %dma_start3A_99 = arith.constant 0 : i32
    %dma_start3A_100 = tpu.memref_slice %arg10[%add3A_98, %dma_start3A_99] : memref<10240x128xf32, #tpu.memory_space<vmem_shared>> -> memref<16x128xf32, #tpu.memory_space<vmem_shared>>
    %dma_start3A_101 = arith.constant 0 : i32
    %dma_start3A_102 = tpu.memref_slice %arg10[%add3A_98, %dma_start3A_101] : memref<10240x128xf32, #tpu.memory_space<vmem_shared>> -> memref<16x128xf32, #tpu.memory_space<vmem_shared>>
    tpu.enqueue_dma source(%arg9 : memref<16x128xf32, #tpu.memory_space<vmem>>) target(%dma_start3A_102 : memref<16x128xf32, #tpu.memory_space<vmem_shared>>) target_semaphore(%arg17 : memref<!tpu.dma_semaphore, #tpu.memory_space<semaphore_mem>>)
    %mul3A_103 = arith.constant 640 : i32
    %mul3A_104 = arith.muli %arg1, %mul3A_103 : i32
    %add3A_105 = arith.constant 192 : i32
    %add3A_106 = arith.addi %mul3A_104, %add3A_105 : i32
    %dma_start3A_107 = arith.constant 0 : i32
    %dma_start3A_108 = tpu.memref_slice %arg10[%add3A_106, %dma_start3A_107] : memref<10240x128xf32, #tpu.memory_space<vmem_shared>> -> memref<16x128xf32, #tpu.memory_space<vmem_shared>>
    %dma_start3A_109 = arith.constant 0 : i32
    %dma_start3A_110 = tpu.memref_slice %arg10[%add3A_106, %dma_start3A_109] : memref<10240x128xf32, #tpu.memory_space<vmem_shared>> -> memref<16x128xf32, #tpu.memory_space<vmem_shared>>
    tpu.enqueue_dma source(%arg9 : memref<16x128xf32, #tpu.memory_space<vmem>>) target(%dma_start3A_110 : memref<16x128xf32, #tpu.memory_space<vmem_shared>>) target_semaphore(%arg17 : memref<!tpu.dma_semaphore, #tpu.memory_space<semaphore_mem>>)
    %mul3A_111 = arith.constant 640 : i32
    %mul3A_112 = arith.muli %arg1, %mul3A_111 : i32
    %add3A_113 = arith.constant 208 : i32
    %add3A_114 = arith.addi %mul3A_112, %add3A_113 : i32
    %dma_start3A_115 = arith.constant 0 : i32
    %dma_start3A_116 = tpu.memref_slice %arg10[%add3A_114, %dma_start3A_115] : memref<10240x128xf32, #tpu.memory_space<vmem_shared>> -> memref<16x128xf32, #tpu.memory_space<vmem_shared>>
    %dma_start3A_117 = arith.constant 0 : i32
    %dma_start3A_118 = tpu.memref_slice %arg10[%add3A_114, %dma_start3A_117] : memref<10240x128xf32, #tpu.memory_space<vmem_shared>> -> memref<16x128xf32, #tpu.memory_space<vmem_shared>>
    tpu.enqueue_dma source(%arg9 : memref<16x128xf32, #tpu.memory_space<vmem>>) target(%dma_start3A_118 : memref<16x128xf32, #tpu.memory_space<vmem_shared>>) target_semaphore(%arg17 : memref<!tpu.dma_semaphore, #tpu.memory_space<semaphore_mem>>)
    %mul3A_119 = arith.constant 640 : i32
    %mul3A_120 = arith.muli %arg1, %mul3A_119 : i32
    %add3A_121 = arith.constant 224 : i32
    %add3A_122 = arith.addi %mul3A_120, %add3A_121 : i32
    %dma_start3A_123 = arith.constant 0 : i32
    %dma_start3A_124 = tpu.memref_slice %arg10[%add3A_122, %dma_start3A_123] : memref<10240x128xf32, #tpu.memory_space<vmem_shared>> -> memref<16x128xf32, #tpu.memory_space<vmem_shared>>
    %dma_start3A_125 = arith.constant 0 : i32
    %dma_start3A_126 = tpu.memref_slice %arg10[%add3A_122, %dma_start3A_125] : memref<10240x128xf32, #tpu.memory_space<vmem_shared>> -> memref<16x128xf32, #tpu.memory_space<vmem_shared>>
    tpu.enqueue_dma source(%arg9 : memref<16x128xf32, #tpu.memory_space<vmem>>) target(%dma_start3A_126 : memref<16x128xf32, #tpu.memory_space<vmem_shared>>) target_semaphore(%arg17 : memref<!tpu.dma_semaphore, #tpu.memory_space<semaphore_mem>>)
    %mul3A_127 = arith.constant 640 : i32
    %mul3A_128 = arith.muli %arg1, %mul3A_127 : i32
    %add3A_129 = arith.constant 240 : i32
    %add3A_130 = arith.addi %mul3A_128, %add3A_129 : i32
    %dma_start3A_131 = arith.constant 0 : i32
    %dma_start3A_132 = tpu.memref_slice %arg10[%add3A_130, %dma_start3A_131] : memref<10240x128xf32, #tpu.memory_space<vmem_shared>> -> memref<16x128xf32, #tpu.memory_space<vmem_shared>>
    %dma_start3A_133 = arith.constant 0 : i32
    %dma_start3A_134 = tpu.memref_slice %arg10[%add3A_130, %dma_start3A_133] : memref<10240x128xf32, #tpu.memory_space<vmem_shared>> -> memref<16x128xf32, #tpu.memory_space<vmem_shared>>
    tpu.enqueue_dma source(%arg9 : memref<16x128xf32, #tpu.memory_space<vmem>>) target(%dma_start3A_134 : memref<16x128xf32, #tpu.memory_space<vmem_shared>>) target_semaphore(%arg17 : memref<!tpu.dma_semaphore, #tpu.memory_space<semaphore_mem>>)
    %mul3A_135 = arith.constant 640 : i32
    %mul3A_136 = arith.muli %arg1, %mul3A_135 : i32
    %add3A_137 = arith.constant 256 : i32
    %add3A_138 = arith.addi %mul3A_136, %add3A_137 : i32
    %dma_start3A_139 = arith.constant 0 : i32
    %dma_start3A_140 = tpu.memref_slice %arg10[%add3A_138, %dma_start3A_139] : memref<10240x128xf32, #tpu.memory_space<vmem_shared>> -> memref<16x128xf32, #tpu.memory_space<vmem_shared>>
    %dma_start3A_141 = arith.constant 0 : i32
    %dma_start3A_142 = tpu.memref_slice %arg10[%add3A_138, %dma_start3A_141] : memref<10240x128xf32, #tpu.memory_space<vmem_shared>> -> memref<16x128xf32, #tpu.memory_space<vmem_shared>>
    tpu.enqueue_dma source(%arg9 : memref<16x128xf32, #tpu.memory_space<vmem>>) target(%dma_start3A_142 : memref<16x128xf32, #tpu.memory_space<vmem_shared>>) target_semaphore(%arg17 : memref<!tpu.dma_semaphore, #tpu.memory_space<semaphore_mem>>)
    %mul3A_143 = arith.constant 640 : i32
    %mul3A_144 = arith.muli %arg1, %mul3A_143 : i32
    %add3A_145 = arith.constant 272 : i32
    %add3A_146 = arith.addi %mul3A_144, %add3A_145 : i32
    %dma_start3A_147 = arith.constant 0 : i32
    %dma_start3A_148 = tpu.memref_slice %arg10[%add3A_146, %dma_start3A_147] : memref<10240x128xf32, #tpu.memory_space<vmem_shared>> -> memref<16x128xf32, #tpu.memory_space<vmem_shared>>
    %dma_start3A_149 = arith.constant 0 : i32
    %dma_start3A_150 = tpu.memref_slice %arg10[%add3A_146, %dma_start3A_149] : memref<10240x128xf32, #tpu.memory_space<vmem_shared>> -> memref<16x128xf32, #tpu.memory_space<vmem_shared>>
    tpu.enqueue_dma source(%arg9 : memref<16x128xf32, #tpu.memory_space<vmem>>) target(%dma_start3A_150 : memref<16x128xf32, #tpu.memory_space<vmem_shared>>) target_semaphore(%arg17 : memref<!tpu.dma_semaphore, #tpu.memory_space<semaphore_mem>>)
    %mul3A_151 = arith.constant 640 : i32
    %mul3A_152 = arith.muli %arg1, %mul3A_151 : i32
    %add3A_153 = arith.constant 288 : i32
    %add3A_154 = arith.addi %mul3A_152, %add3A_153 : i32
    %dma_start3A_155 = arith.constant 0 : i32
    %dma_start3A_156 = tpu.memref_slice %arg10[%add3A_154, %dma_start3A_155] : memref<10240x128xf32, #tpu.memory_space<vmem_shared>> -> memref<16x128xf32, #tpu.memory_space<vmem_shared>>
    %dma_start3A_157 = arith.constant 0 : i32
    %dma_start3A_158 = tpu.memref_slice %arg10[%add3A_154, %dma_start3A_157] : memref<10240x128xf32, #tpu.memory_space<vmem_shared>> -> memref<16x128xf32, #tpu.memory_space<vmem_shared>>
    tpu.enqueue_dma source(%arg9 : memref<16x128xf32, #tpu.memory_space<vmem>>) target(%dma_start3A_158 : memref<16x128xf32, #tpu.memory_space<vmem_shared>>) target_semaphore(%arg17 : memref<!tpu.dma_semaphore, #tpu.memory_space<semaphore_mem>>)
    %mul3A_159 = arith.constant 640 : i32
    %mul3A_160 = arith.muli %arg1, %mul3A_159 : i32
    %add3A_161 = arith.constant 304 : i32
    %add3A_162 = arith.addi %mul3A_160, %add3A_161 : i32
    %dma_start3A_163 = arith.constant 0 : i32
    %dma_start3A_164 = tpu.memref_slice %arg10[%add3A_162, %dma_start3A_163] : memref<10240x128xf32, #tpu.memory_space<vmem_shared>> -> memref<16x128xf32, #tpu.memory_space<vmem_shared>>
    %dma_start3A_165 = arith.constant 0 : i32
    %dma_start3A_166 = tpu.memref_slice %arg10[%add3A_162, %dma_start3A_165] : memref<10240x128xf32, #tpu.memory_space<vmem_shared>> -> memref<16x128xf32, #tpu.memory_space<vmem_shared>>
    tpu.enqueue_dma source(%arg9 : memref<16x128xf32, #tpu.memory_space<vmem>>) target(%dma_start3A_166 : memref<16x128xf32, #tpu.memory_space<vmem_shared>>) target_semaphore(%arg17 : memref<!tpu.dma_semaphore, #tpu.memory_space<semaphore_mem>>)
    %mul3A_167 = arith.constant 640 : i32
    %mul3A_168 = arith.muli %arg1, %mul3A_167 : i32
    %add3A_169 = arith.constant 320 : i32
    %add3A_170 = arith.addi %mul3A_168, %add3A_169 : i32
    %dma_start3A_171 = arith.constant 0 : i32
    %dma_start3A_172 = tpu.memref_slice %arg10[%add3A_170, %dma_start3A_171] : memref<10240x128xf32, #tpu.memory_space<vmem_shared>> -> memref<16x128xf32, #tpu.memory_space<vmem_shared>>
    %dma_start3A_173 = arith.constant 0 : i32
    %dma_start3A_174 = tpu.memref_slice %arg10[%add3A_170, %dma_start3A_173] : memref<10240x128xf32, #tpu.memory_space<vmem_shared>> -> memref<16x128xf32, #tpu.memory_space<vmem_shared>>
    tpu.enqueue_dma source(%arg9 : memref<16x128xf32, #tpu.memory_space<vmem>>) target(%dma_start3A_174 : memref<16x128xf32, #tpu.memory_space<vmem_shared>>) target_semaphore(%arg17 : memref<!tpu.dma_semaphore, #tpu.memory_space<semaphore_mem>>)
    %mul3A_175 = arith.constant 640 : i32
    %mul3A_176 = arith.muli %arg1, %mul3A_175 : i32
    %add3A_177 = arith.constant 336 : i32
    %add3A_178 = arith.addi %mul3A_176, %add3A_177 : i32
    %dma_start3A_179 = arith.constant 0 : i32
    %dma_start3A_180 = tpu.memref_slice %arg10[%add3A_178, %dma_start3A_179] : memref<10240x128xf32, #tpu.memory_space<vmem_shared>> -> memref<16x128xf32, #tpu.memory_space<vmem_shared>>
    %dma_start3A_181 = arith.constant 0 : i32
    %dma_start3A_182 = tpu.memref_slice %arg10[%add3A_178, %dma_start3A_181] : memref<10240x128xf32, #tpu.memory_space<vmem_shared>> -> memref<16x128xf32, #tpu.memory_space<vmem_shared>>
    tpu.enqueue_dma source(%arg9 : memref<16x128xf32, #tpu.memory_space<vmem>>) target(%dma_start3A_182 : memref<16x128xf32, #tpu.memory_space<vmem_shared>>) target_semaphore(%arg17 : memref<!tpu.dma_semaphore, #tpu.memory_space<semaphore_mem>>)
    %mul3A_183 = arith.constant 640 : i32
    %mul3A_184 = arith.muli %arg1, %mul3A_183 : i32
    %add3A_185 = arith.constant 352 : i32
    %add3A_186 = arith.addi %mul3A_184, %add3A_185 : i32
    %dma_start3A_187 = arith.constant 0 : i32
    %dma_start3A_188 = tpu.memref_slice %arg10[%add3A_186, %dma_start3A_187] : memref<10240x128xf32, #tpu.memory_space<vmem_shared>> -> memref<16x128xf32, #tpu.memory_space<vmem_shared>>
    %dma_start3A_189 = arith.constant 0 : i32
    %dma_start3A_190 = tpu.memref_slice %arg10[%add3A_186, %dma_start3A_189] : memref<10240x128xf32, #tpu.memory_space<vmem_shared>> -> memref<16x128xf32, #tpu.memory_space<vmem_shared>>
    tpu.enqueue_dma source(%arg9 : memref<16x128xf32, #tpu.memory_space<vmem>>) target(%dma_start3A_190 : memref<16x128xf32, #tpu.memory_space<vmem_shared>>) target_semaphore(%arg17 : memref<!tpu.dma_semaphore, #tpu.memory_space<semaphore_mem>>)
    %mul3A_191 = arith.constant 640 : i32
    %mul3A_192 = arith.muli %arg1, %mul3A_191 : i32
    %add3A_193 = arith.constant 368 : i32
    %add3A_194 = arith.addi %mul3A_192, %add3A_193 : i32
    %dma_start3A_195 = arith.constant 0 : i32
    %dma_start3A_196 = tpu.memref_slice %arg10[%add3A_194, %dma_start3A_195] : memref<10240x128xf32, #tpu.memory_space<vmem_shared>> -> memref<16x128xf32, #tpu.memory_space<vmem_shared>>
    %dma_start3A_197 = arith.constant 0 : i32
    %dma_start3A_198 = tpu.memref_slice %arg10[%add3A_194, %dma_start3A_197] : memref<10240x128xf32, #tpu.memory_space<vmem_shared>> -> memref<16x128xf32, #tpu.memory_space<vmem_shared>>
    tpu.enqueue_dma source(%arg9 : memref<16x128xf32, #tpu.memory_space<vmem>>) target(%dma_start3A_198 : memref<16x128xf32, #tpu.memory_space<vmem_shared>>) target_semaphore(%arg17 : memref<!tpu.dma_semaphore, #tpu.memory_space<semaphore_mem>>)
    %mul3A_199 = arith.constant 640 : i32
    %mul3A_200 = arith.muli %arg1, %mul3A_199 : i32
    %add3A_201 = arith.constant 384 : i32
    %add3A_202 = arith.addi %mul3A_200, %add3A_201 : i32
    %dma_start3A_203 = arith.constant 0 : i32
    %dma_start3A_204 = tpu.memref_slice %arg10[%add3A_202, %dma_start3A_203] : memref<10240x128xf32, #tpu.memory_space<vmem_shared>> -> memref<16x128xf32, #tpu.memory_space<vmem_shared>>
    %dma_start3A_205 = arith.constant 0 : i32
    %dma_start3A_206 = tpu.memref_slice %arg10[%add3A_202, %dma_start3A_205] : memref<10240x128xf32, #tpu.memory_space<vmem_shared>> -> memref<16x128xf32, #tpu.memory_space<vmem_shared>>
    tpu.enqueue_dma source(%arg9 : memref<16x128xf32, #tpu.memory_space<vmem>>) target(%dma_start3A_206 : memref<16x128xf32, #tpu.memory_space<vmem_shared>>) target_semaphore(%arg17 : memref<!tpu.dma_semaphore, #tpu.memory_space<semaphore_mem>>)
    %mul3A_207 = arith.constant 640 : i32
    %mul3A_208 = arith.muli %arg1, %mul3A_207 : i32
    %add3A_209 = arith.constant 400 : i32
    %add3A_210 = arith.addi %mul3A_208, %add3A_209 : i32
    %dma_start3A_211 = arith.constant 0 : i32
    %dma_start3A_212 = tpu.memref_slice %arg10[%add3A_210, %dma_start3A_211] : memref<10240x128xf32, #tpu.memory_space<vmem_shared>> -> memref<16x128xf32, #tpu.memory_space<vmem_shared>>
    %dma_start3A_213 = arith.constant 0 : i32
    %dma_start3A_214 = tpu.memref_slice %arg10[%add3A_210, %dma_start3A_213] : memref<10240x128xf32, #tpu.memory_space<vmem_shared>> -> memref<16x128xf32, #tpu.memory_space<vmem_shared>>
    tpu.enqueue_dma source(%arg9 : memref<16x128xf32, #tpu.memory_space<vmem>>) target(%dma_start3A_214 : memref<16x128xf32, #tpu.memory_space<vmem_shared>>) target_semaphore(%arg17 : memref<!tpu.dma_semaphore, #tpu.memory_space<semaphore_mem>>)
    %mul3A_215 = arith.constant 640 : i32
    %mul3A_216 = arith.muli %arg1, %mul3A_215 : i32
    %add3A_217 = arith.constant 416 : i32
    %add3A_218 = arith.addi %mul3A_216, %add3A_217 : i32
    %dma_start3A_219 = arith.constant 0 : i32
    %dma_start3A_220 = tpu.memref_slice %arg10[%add3A_218, %dma_start3A_219] : memref<10240x128xf32, #tpu.memory_space<vmem_shared>> -> memref<16x128xf32, #tpu.memory_space<vmem_shared>>
    %dma_start3A_221 = arith.constant 0 : i32
    %dma_start3A_222 = tpu.memref_slice %arg10[%add3A_218, %dma_start3A_221] : memref<10240x128xf32, #tpu.memory_space<vmem_shared>> -> memref<16x128xf32, #tpu.memory_space<vmem_shared>>
    tpu.enqueue_dma source(%arg9 : memref<16x128xf32, #tpu.memory_space<vmem>>) target(%dma_start3A_222 : memref<16x128xf32, #tpu.memory_space<vmem_shared>>) target_semaphore(%arg17 : memref<!tpu.dma_semaphore, #tpu.memory_space<semaphore_mem>>)
    %mul3A_223 = arith.constant 640 : i32
    %mul3A_224 = arith.muli %arg1, %mul3A_223 : i32
    %add3A_225 = arith.constant 432 : i32
    %add3A_226 = arith.addi %mul3A_224, %add3A_225 : i32
    %dma_start3A_227 = arith.constant 0 : i32
    %dma_start3A_228 = tpu.memref_slice %arg10[%add3A_226, %dma_start3A_227] : memref<10240x128xf32, #tpu.memory_space<vmem_shared>> -> memref<16x128xf32, #tpu.memory_space<vmem_shared>>
    %dma_start3A_229 = arith.constant 0 : i32
    %dma_start3A_230 = tpu.memref_slice %arg10[%add3A_226, %dma_start3A_229] : memref<10240x128xf32, #tpu.memory_space<vmem_shared>> -> memref<16x128xf32, #tpu.memory_space<vmem_shared>>
    tpu.enqueue_dma source(%arg9 : memref<16x128xf32, #tpu.memory_space<vmem>>) target(%dma_start3A_230 : memref<16x128xf32, #tpu.memory_space<vmem_shared>>) target_semaphore(%arg17 : memref<!tpu.dma_semaphore, #tpu.memory_space<semaphore_mem>>)
    %mul3A_231 = arith.constant 640 : i32
    %mul3A_232 = arith.muli %arg1, %mul3A_231 : i32
    %add3A_233 = arith.constant 448 : i32
    %add3A_234 = arith.addi %mul3A_232, %add3A_233 : i32
    %dma_start3A_235 = arith.constant 0 : i32
    %dma_start3A_236 = tpu.memref_slice %arg10[%add3A_234, %dma_start3A_235] : memref<10240x128xf32, #tpu.memory_space<vmem_shared>> -> memref<16x128xf32, #tpu.memory_space<vmem_shared>>
    %dma_start3A_237 = arith.constant 0 : i32
    %dma_start3A_238 = tpu.memref_slice %arg10[%add3A_234, %dma_start3A_237] : memref<10240x128xf32, #tpu.memory_space<vmem_shared>> -> memref<16x128xf32, #tpu.memory_space<vmem_shared>>
    tpu.enqueue_dma source(%arg9 : memref<16x128xf32, #tpu.memory_space<vmem>>) target(%dma_start3A_238 : memref<16x128xf32, #tpu.memory_space<vmem_shared>>) target_semaphore(%arg17 : memref<!tpu.dma_semaphore, #tpu.memory_space<semaphore_mem>>)
    %mul3A_239 = arith.constant 640 : i32
    %mul3A_240 = arith.muli %arg1, %mul3A_239 : i32
    %add3A_241 = arith.constant 464 : i32
    %add3A_242 = arith.addi %mul3A_240, %add3A_241 : i32
    %dma_start3A_243 = arith.constant 0 : i32
    %dma_start3A_244 = tpu.memref_slice %arg10[%add3A_242, %dma_start3A_243] : memref<10240x128xf32, #tpu.memory_space<vmem_shared>> -> memref<16x128xf32, #tpu.memory_space<vmem_shared>>
    %dma_start3A_245 = arith.constant 0 : i32
    %dma_start3A_246 = tpu.memref_slice %arg10[%add3A_242, %dma_start3A_245] : memref<10240x128xf32, #tpu.memory_space<vmem_shared>> -> memref<16x128xf32, #tpu.memory_space<vmem_shared>>
    tpu.enqueue_dma source(%arg9 : memref<16x128xf32, #tpu.memory_space<vmem>>) target(%dma_start3A_246 : memref<16x128xf32, #tpu.memory_space<vmem_shared>>) target_semaphore(%arg17 : memref<!tpu.dma_semaphore, #tpu.memory_space<semaphore_mem>>)
    %mul3A_247 = arith.constant 640 : i32
    %mul3A_248 = arith.muli %arg1, %mul3A_247 : i32
    %add3A_249 = arith.constant 480 : i32
    %add3A_250 = arith.addi %mul3A_248, %add3A_249 : i32
    %dma_start3A_251 = arith.constant 0 : i32
    %dma_start3A_252 = tpu.memref_slice %arg10[%add3A_250, %dma_start3A_251] : memref<10240x128xf32, #tpu.memory_space<vmem_shared>> -> memref<16x128xf32, #tpu.memory_space<vmem_shared>>
    %dma_start3A_253 = arith.constant 0 : i32
    %dma_start3A_254 = tpu.memref_slice %arg10[%add3A_250, %dma_start3A_253] : memref<10240x128xf32, #tpu.memory_space<vmem_shared>> -> memref<16x128xf32, #tpu.memory_space<vmem_shared>>
    tpu.enqueue_dma source(%arg9 : memref<16x128xf32, #tpu.memory_space<vmem>>) target(%dma_start3A_254 : memref<16x128xf32, #tpu.memory_space<vmem_shared>>) target_semaphore(%arg17 : memref<!tpu.dma_semaphore, #tpu.memory_space<semaphore_mem>>)
    %mul3A_255 = arith.constant 640 : i32
    %mul3A_256 = arith.muli %arg1, %mul3A_255 : i32
    %add3A_257 = arith.constant 496 : i32
    %add3A_258 = arith.addi %mul3A_256, %add3A_257 : i32
    %dma_start3A_259 = arith.constant 0 : i32
    %dma_start3A_260 = tpu.memref_slice %arg10[%add3A_258, %dma_start3A_259] : memref<10240x128xf32, #tpu.memory_space<vmem_shared>> -> memref<16x128xf32, #tpu.memory_space<vmem_shared>>
    %dma_start3A_261 = arith.constant 0 : i32
    %dma_start3A_262 = tpu.memref_slice %arg10[%add3A_258, %dma_start3A_261] : memref<10240x128xf32, #tpu.memory_space<vmem_shared>> -> memref<16x128xf32, #tpu.memory_space<vmem_shared>>
    tpu.enqueue_dma source(%arg9 : memref<16x128xf32, #tpu.memory_space<vmem>>) target(%dma_start3A_262 : memref<16x128xf32, #tpu.memory_space<vmem_shared>>) target_semaphore(%arg17 : memref<!tpu.dma_semaphore, #tpu.memory_space<semaphore_mem>>)
    %mul3A_263 = arith.constant 640 : i32
    %mul3A_264 = arith.muli %arg1, %mul3A_263 : i32
    %add3A_265 = arith.constant 512 : i32
    %add3A_266 = arith.addi %mul3A_264, %add3A_265 : i32
    %dma_start3A_267 = arith.constant 0 : i32
    %dma_start3A_268 = tpu.memref_slice %arg10[%add3A_266, %dma_start3A_267] : memref<10240x128xf32, #tpu.memory_space<vmem_shared>> -> memref<16x128xf32, #tpu.memory_space<vmem_shared>>
    %dma_start3A_269 = arith.constant 0 : i32
    %dma_start3A_270 = tpu.memref_slice %arg10[%add3A_266, %dma_start3A_269] : memref<10240x128xf32, #tpu.memory_space<vmem_shared>> -> memref<16x128xf32, #tpu.memory_space<vmem_shared>>
    tpu.enqueue_dma source(%arg9 : memref<16x128xf32, #tpu.memory_space<vmem>>) target(%dma_start3A_270 : memref<16x128xf32, #tpu.memory_space<vmem_shared>>) target_semaphore(%arg17 : memref<!tpu.dma_semaphore, #tpu.memory_space<semaphore_mem>>)
    %mul3A_271 = arith.constant 640 : i32
    %mul3A_272 = arith.muli %arg1, %mul3A_271 : i32
    %add3A_273 = arith.constant 528 : i32
    %add3A_274 = arith.addi %mul3A_272, %add3A_273 : i32
    %dma_start3A_275 = arith.constant 0 : i32
    %dma_start3A_276 = tpu.memref_slice %arg10[%add3A_274, %dma_start3A_275] : memref<10240x128xf32, #tpu.memory_space<vmem_shared>> -> memref<16x128xf32, #tpu.memory_space<vmem_shared>>
    %dma_start3A_277 = arith.constant 0 : i32
    %dma_start3A_278 = tpu.memref_slice %arg10[%add3A_274, %dma_start3A_277] : memref<10240x128xf32, #tpu.memory_space<vmem_shared>> -> memref<16x128xf32, #tpu.memory_space<vmem_shared>>
    tpu.enqueue_dma source(%arg9 : memref<16x128xf32, #tpu.memory_space<vmem>>) target(%dma_start3A_278 : memref<16x128xf32, #tpu.memory_space<vmem_shared>>) target_semaphore(%arg17 : memref<!tpu.dma_semaphore, #tpu.memory_space<semaphore_mem>>)
    %mul3A_279 = arith.constant 640 : i32
    %mul3A_280 = arith.muli %arg1, %mul3A_279 : i32
    %add3A_281 = arith.constant 544 : i32
    %add3A_282 = arith.addi %mul3A_280, %add3A_281 : i32
    %dma_start3A_283 = arith.constant 0 : i32
    %dma_start3A_284 = tpu.memref_slice %arg10[%add3A_282, %dma_start3A_283] : memref<10240x128xf32, #tpu.memory_space<vmem_shared>> -> memref<16x128xf32, #tpu.memory_space<vmem_shared>>
    %dma_start3A_285 = arith.constant 0 : i32
    %dma_start3A_286 = tpu.memref_slice %arg10[%add3A_282, %dma_start3A_285] : memref<10240x128xf32, #tpu.memory_space<vmem_shared>> -> memref<16x128xf32, #tpu.memory_space<vmem_shared>>
    tpu.enqueue_dma source(%arg9 : memref<16x128xf32, #tpu.memory_space<vmem>>) target(%dma_start3A_286 : memref<16x128xf32, #tpu.memory_space<vmem_shared>>) target_semaphore(%arg17 : memref<!tpu.dma_semaphore, #tpu.memory_space<semaphore_mem>>)
    %mul3A_287 = arith.constant 640 : i32
    %mul3A_288 = arith.muli %arg1, %mul3A_287 : i32
    %add3A_289 = arith.constant 560 : i32
    %add3A_290 = arith.addi %mul3A_288, %add3A_289 : i32
    %dma_start3A_291 = arith.constant 0 : i32
    %dma_start3A_292 = tpu.memref_slice %arg10[%add3A_290, %dma_start3A_291] : memref<10240x128xf32, #tpu.memory_space<vmem_shared>> -> memref<16x128xf32, #tpu.memory_space<vmem_shared>>
    %dma_start3A_293 = arith.constant 0 : i32
    %dma_start3A_294 = tpu.memref_slice %arg10[%add3A_290, %dma_start3A_293] : memref<10240x128xf32, #tpu.memory_space<vmem_shared>> -> memref<16x128xf32, #tpu.memory_space<vmem_shared>>
    tpu.enqueue_dma source(%arg9 : memref<16x128xf32, #tpu.memory_space<vmem>>) target(%dma_start3A_294 : memref<16x128xf32, #tpu.memory_space<vmem_shared>>) target_semaphore(%arg17 : memref<!tpu.dma_semaphore, #tpu.memory_space<semaphore_mem>>)
    %mul3A_295 = arith.constant 640 : i32
    %mul3A_296 = arith.muli %arg1, %mul3A_295 : i32
    %add3A_297 = arith.constant 576 : i32
    %add3A_298 = arith.addi %mul3A_296, %add3A_297 : i32
    %dma_start3A_299 = arith.constant 0 : i32
    %dma_start3A_300 = tpu.memref_slice %arg10[%add3A_298, %dma_start3A_299] : memref<10240x128xf32, #tpu.memory_space<vmem_shared>> -> memref<16x128xf32, #tpu.memory_space<vmem_shared>>
    %dma_start3A_301 = arith.constant 0 : i32
    %dma_start3A_302 = tpu.memref_slice %arg10[%add3A_298, %dma_start3A_301] : memref<10240x128xf32, #tpu.memory_space<vmem_shared>> -> memref<16x128xf32, #tpu.memory_space<vmem_shared>>
    tpu.enqueue_dma source(%arg9 : memref<16x128xf32, #tpu.memory_space<vmem>>) target(%dma_start3A_302 : memref<16x128xf32, #tpu.memory_space<vmem_shared>>) target_semaphore(%arg17 : memref<!tpu.dma_semaphore, #tpu.memory_space<semaphore_mem>>)
    %mul3A_303 = arith.constant 640 : i32
    %mul3A_304 = arith.muli %arg1, %mul3A_303 : i32
    %add3A_305 = arith.constant 592 : i32
    %add3A_306 = arith.addi %mul3A_304, %add3A_305 : i32
    %dma_start3A_307 = arith.constant 0 : i32
    %dma_start3A_308 = tpu.memref_slice %arg10[%add3A_306, %dma_start3A_307] : memref<10240x128xf32, #tpu.memory_space<vmem_shared>> -> memref<16x128xf32, #tpu.memory_space<vmem_shared>>
    %dma_start3A_309 = arith.constant 0 : i32
    %dma_start3A_310 = tpu.memref_slice %arg10[%add3A_306, %dma_start3A_309] : memref<10240x128xf32, #tpu.memory_space<vmem_shared>> -> memref<16x128xf32, #tpu.memory_space<vmem_shared>>
    tpu.enqueue_dma source(%arg9 : memref<16x128xf32, #tpu.memory_space<vmem>>) target(%dma_start3A_310 : memref<16x128xf32, #tpu.memory_space<vmem_shared>>) target_semaphore(%arg17 : memref<!tpu.dma_semaphore, #tpu.memory_space<semaphore_mem>>)
    %mul3A_311 = arith.constant 640 : i32
    %mul3A_312 = arith.muli %arg1, %mul3A_311 : i32
    %add3A_313 = arith.constant 608 : i32
    %add3A_314 = arith.addi %mul3A_312, %add3A_313 : i32
    %dma_start3A_315 = arith.constant 0 : i32
    %dma_start3A_316 = tpu.memref_slice %arg10[%add3A_314, %dma_start3A_315] : memref<10240x128xf32, #tpu.memory_space<vmem_shared>> -> memref<16x128xf32, #tpu.memory_space<vmem_shared>>
    %dma_start3A_317 = arith.constant 0 : i32
    %dma_start3A_318 = tpu.memref_slice %arg10[%add3A_314, %dma_start3A_317] : memref<10240x128xf32, #tpu.memory_space<vmem_shared>> -> memref<16x128xf32, #tpu.memory_space<vmem_shared>>
    tpu.enqueue_dma source(%arg9 : memref<16x128xf32, #tpu.memory_space<vmem>>) target(%dma_start3A_318 : memref<16x128xf32, #tpu.memory_space<vmem_shared>>) target_semaphore(%arg17 : memref<!tpu.dma_semaphore, #tpu.memory_space<semaphore_mem>>)
    %mul3A_319 = arith.constant 640 : i32
    %mul3A_320 = arith.muli %arg1, %mul3A_319 : i32
    %add3A_321 = arith.constant 624 : i32
    %add3A_322 = arith.addi %mul3A_320, %add3A_321 : i32
    %dma_start3A_323 = arith.constant 0 : i32
    %dma_start3A_324 = tpu.memref_slice %arg10[%add3A_322, %dma_start3A_323] : memref<10240x128xf32, #tpu.memory_space<vmem_shared>> -> memref<16x128xf32, #tpu.memory_space<vmem_shared>>
    %dma_start3A_325 = arith.constant 0 : i32
    %dma_start3A_326 = tpu.memref_slice %arg10[%add3A_322, %dma_start3A_325] : memref<10240x128xf32, #tpu.memory_space<vmem_shared>> -> memref<16x128xf32, #tpu.memory_space<vmem_shared>>
    tpu.enqueue_dma source(%arg9 : memref<16x128xf32, #tpu.memory_space<vmem>>) target(%dma_start3A_326 : memref<16x128xf32, #tpu.memory_space<vmem_shared>>) target_semaphore(%arg17 : memref<!tpu.dma_semaphore, #tpu.memory_space<semaphore_mem>>)
    %add3A_327 = arith.constant 0 : i32
    %add3A_328 = arith.addi %mul3A_2, %add3A_327 : i32
    %dma_start3A_329 = arith.constant 0 : i32
    %dma_start3A_330 = arith.constant 0 : i32
    %dma_start3A_331 = tpu.memref_slice %arg6[%dma_start3A_329, %dma_start3A_330] : memref<3x80xi32, #tpu.memory_space<vmem>> -> memref<1x80xi32, #tpu.memory_space<vmem>>
    %dma_start3A_332 = tpu.memref_squeeze %dma_start3A_331 : memref<1x80xi32, #tpu.memory_space<vmem>> -> memref<80xi32, #tpu.memory_space<vmem>>
    %dma_start3A_333 = tpu.memref_slice %arg3[%add3A_328] : memref<320000xi32, #tpu.memory_space<hbm>> -> memref<80xi32, #tpu.memory_space<hbm>>
    %dma_start3A_334 = arith.constant 0 : i32
    %dma_start3A_335 = tpu.memref_slice %arg6[%dma_start3A_329, %dma_start3A_334] : memref<3x80xi32, #tpu.memory_space<vmem>> -> memref<1x80xi32, #tpu.memory_space<vmem>>
    %dma_start3A_336 = tpu.memref_squeeze %dma_start3A_335 : memref<1x80xi32, #tpu.memory_space<vmem>> -> memref<80xi32, #tpu.memory_space<vmem>>
    %dma_start3A_337 = tpu.memref_slice %arg3[%add3A_328] : memref<320000xi32, #tpu.memory_space<hbm>> -> memref<80xi32, #tpu.memory_space<hbm>>
    tpu.enqueue_dma source(%dma_start3A_337 : memref<80xi32, #tpu.memory_space<hbm>>) target(%dma_start3A_336 : memref<80xi32, #tpu.memory_space<vmem>>) target_semaphore(%arg11 : memref<!tpu.dma_semaphore, #tpu.memory_space<semaphore_mem>>)
    %dma_start3A_338 = arith.constant 0 : i32
    %dma_start3A_339 = arith.constant 0 : i32
    %dma_start3A_340 = tpu.memref_slice %arg7[%dma_start3A_338, %dma_start3A_339] : memref<6x80xi32, #tpu.memory_space<vmem>> -> memref<1x80xi32, #tpu.memory_space<vmem>>
    %dma_start3A_341 = tpu.memref_squeeze %dma_start3A_340 : memref<1x80xi32, #tpu.memory_space<vmem>> -> memref<80xi32, #tpu.memory_space<vmem>>
    %dma_start3A_342 = tpu.memref_slice %arg4[%add3A_328] : memref<320000xi32, #tpu.memory_space<hbm>> -> memref<80xi32, #tpu.memory_space<hbm>>
    %dma_start3A_343 = arith.constant 0 : i32
    %dma_start3A_344 = tpu.memref_slice %arg7[%dma_start3A_338, %dma_start3A_343] : memref<6x80xi32, #tpu.memory_space<vmem>> -> memref<1x80xi32, #tpu.memory_space<vmem>>
    %dma_start3A_345 = tpu.memref_squeeze %dma_start3A_344 : memref<1x80xi32, #tpu.memory_space<vmem>> -> memref<80xi32, #tpu.memory_space<vmem>>
    %dma_start3A_346 = tpu.memref_slice %arg4[%add3A_328] : memref<320000xi32, #tpu.memory_space<hbm>> -> memref<80xi32, #tpu.memory_space<hbm>>
    tpu.enqueue_dma source(%dma_start3A_346 : memref<80xi32, #tpu.memory_space<hbm>>) target(%dma_start3A_345 : memref<80xi32, #tpu.memory_space<vmem>>) target_semaphore(%arg11 : memref<!tpu.dma_semaphore, #tpu.memory_space<semaphore_mem>>)
    %add3A_347 = arith.constant 80 : i32
    %add3A_348 = arith.addi %mul3A_2, %add3A_347 : i32
    %dma_start3A_349 = arith.constant 1 : i32
    %dma_start3A_350 = arith.constant 0 : i32
    %dma_start3A_351 = tpu.memref_slice %arg6[%dma_start3A_349, %dma_start3A_350] : memref<3x80xi32, #tpu.memory_space<vmem>> -> memref<1x80xi32, #tpu.memory_space<vmem>>
    %dma_start3A_352 = tpu.memref_squeeze %dma_start3A_351 : memref<1x80xi32, #tpu.memory_space<vmem>> -> memref<80xi32, #tpu.memory_space<vmem>>
    %dma_start3A_353 = tpu.memref_slice %arg3[%add3A_348] : memref<320000xi32, #tpu.memory_space<hbm>> -> memref<80xi32, #tpu.memory_space<hbm>>
    %dma_start3A_354 = arith.constant 0 : i32
    %dma_start3A_355 = tpu.memref_slice %arg6[%dma_start3A_349, %dma_start3A_354] : memref<3x80xi32, #tpu.memory_space<vmem>> -> memref<1x80xi32, #tpu.memory_space<vmem>>
    %dma_start3A_356 = tpu.memref_squeeze %dma_start3A_355 : memref<1x80xi32, #tpu.memory_space<vmem>> -> memref<80xi32, #tpu.memory_space<vmem>>
    %dma_start3A_357 = tpu.memref_slice %arg3[%add3A_348] : memref<320000xi32, #tpu.memory_space<hbm>> -> memref<80xi32, #tpu.memory_space<hbm>>
    tpu.enqueue_dma source(%dma_start3A_357 : memref<80xi32, #tpu.memory_space<hbm>>) target(%dma_start3A_356 : memref<80xi32, #tpu.memory_space<vmem>>) target_semaphore(%arg12 : memref<!tpu.dma_semaphore, #tpu.memory_space<semaphore_mem>>)
    %dma_start3A_358 = arith.constant 1 : i32
    %dma_start3A_359 = arith.constant 0 : i32
    %dma_start3A_360 = tpu.memref_slice %arg7[%dma_start3A_358, %dma_start3A_359] : memref<6x80xi32, #tpu.memory_space<vmem>> -> memref<1x80xi32, #tpu.memory_space<vmem>>
    %dma_start3A_361 = tpu.memref_squeeze %dma_start3A_360 : memref<1x80xi32, #tpu.memory_space<vmem>> -> memref<80xi32, #tpu.memory_space<vmem>>
    %dma_start3A_362 = tpu.memref_slice %arg4[%add3A_348] : memref<320000xi32, #tpu.memory_space<hbm>> -> memref<80xi32, #tpu.memory_space<hbm>>
    %dma_start3A_363 = arith.constant 0 : i32
    %dma_start3A_364 = tpu.memref_slice %arg7[%dma_start3A_358, %dma_start3A_363] : memref<6x80xi32, #tpu.memory_space<vmem>> -> memref<1x80xi32, #tpu.memory_space<vmem>>
    %dma_start3A_365 = tpu.memref_squeeze %dma_start3A_364 : memref<1x80xi32, #tpu.memory_space<vmem>> -> memref<80xi32, #tpu.memory_space<vmem>>
    %dma_start3A_366 = tpu.memref_slice %arg4[%add3A_348] : memref<320000xi32, #tpu.memory_space<hbm>> -> memref<80xi32, #tpu.memory_space<hbm>>
    tpu.enqueue_dma source(%dma_start3A_366 : memref<80xi32, #tpu.memory_space<hbm>>) target(%dma_start3A_365 : memref<80xi32, #tpu.memory_space<vmem>>) target_semaphore(%arg12 : memref<!tpu.dma_semaphore, #tpu.memory_space<semaphore_mem>>)
    %add3A_367 = arith.constant 160 : i32
    %add3A_368 = arith.addi %mul3A_2, %add3A_367 : i32
    %dma_start3A_369 = arith.constant 2 : i32
    %dma_start3A_370 = arith.constant 0 : i32
    %dma_start3A_371 = tpu.memref_slice %arg6[%dma_start3A_369, %dma_start3A_370] : memref<3x80xi32, #tpu.memory_space<vmem>> -> memref<1x80xi32, #tpu.memory_space<vmem>>
    %dma_start3A_372 = tpu.memref_squeeze %dma_start3A_371 : memref<1x80xi32, #tpu.memory_space<vmem>> -> memref<80xi32, #tpu.memory_space<vmem>>
    %dma_start3A_373 = tpu.memref_slice %arg3[%add3A_368] : memref<320000xi32, #tpu.memory_space<hbm>> -> memref<80xi32, #tpu.memory_space<hbm>>
    %dma_start3A_374 = arith.constant 0 : i32
    %dma_start3A_375 = tpu.memref_slice %arg6[%dma_start3A_369, %dma_start3A_374] : memref<3x80xi32, #tpu.memory_space<vmem>> -> memref<1x80xi32, #tpu.memory_space<vmem>>
    %dma_start3A_376 = tpu.memref_squeeze %dma_start3A_375 : memref<1x80xi32, #tpu.memory_space<vmem>> -> memref<80xi32, #tpu.memory_space<vmem>>
    %dma_start3A_377 = tpu.memref_slice %arg3[%add3A_368] : memref<320000xi32, #tpu.memory_space<hbm>> -> memref<80xi32, #tpu.memory_space<hbm>>
    tpu.enqueue_dma source(%dma_start3A_377 : memref<80xi32, #tpu.memory_space<hbm>>) target(%dma_start3A_376 : memref<80xi32, #tpu.memory_space<vmem>>) target_semaphore(%arg13 : memref<!tpu.dma_semaphore, #tpu.memory_space<semaphore_mem>>)
    %dma_start3A_378 = arith.constant 2 : i32
    %dma_start3A_379 = arith.constant 0 : i32
    %dma_start3A_380 = tpu.memref_slice %arg7[%dma_start3A_378, %dma_start3A_379] : memref<6x80xi32, #tpu.memory_space<vmem>> -> memref<1x80xi32, #tpu.memory_space<vmem>>
    %dma_start3A_381 = tpu.memref_squeeze %dma_start3A_380 : memref<1x80xi32, #tpu.memory_space<vmem>> -> memref<80xi32, #tpu.memory_space<vmem>>
    %dma_start3A_382 = tpu.memref_slice %arg4[%add3A_368] : memref<320000xi32, #tpu.memory_space<hbm>> -> memref<80xi32, #tpu.memory_space<hbm>>
    %dma_start3A_383 = arith.constant 0 : i32
    %dma_start3A_384 = tpu.memref_slice %arg7[%dma_start3A_378, %dma_start3A_383] : memref<6x80xi32, #tpu.memory_space<vmem>> -> memref<1x80xi32, #tpu.memory_space<vmem>>
    %dma_start3A_385 = tpu.memref_squeeze %dma_start3A_384 : memref<1x80xi32, #tpu.memory_space<vmem>> -> memref<80xi32, #tpu.memory_space<vmem>>
    %dma_start3A_386 = tpu.memref_slice %arg4[%add3A_368] : memref<320000xi32, #tpu.memory_space<hbm>> -> memref<80xi32, #tpu.memory_space<hbm>>
    tpu.enqueue_dma source(%dma_start3A_386 : memref<80xi32, #tpu.memory_space<hbm>>) target(%dma_start3A_385 : memref<80xi32, #tpu.memory_space<vmem>>) target_semaphore(%arg13 : memref<!tpu.dma_semaphore, #tpu.memory_space<semaphore_mem>>)
    %dma_wait3A = arith.constant 0 : i32
    %dma_wait3A_387 = arith.constant 0 : i32
    %dma_wait3A_388 = tpu.memref_slice %arg6[%dma_wait3A, %dma_wait3A_387] : memref<3x80xi32, #tpu.memory_space<vmem>> -> memref<1x80xi32, #tpu.memory_space<vmem>>
    %dma_wait3A_389 = tpu.memref_squeeze %dma_wait3A_388 : memref<1x80xi32, #tpu.memory_space<vmem>> -> memref<80xi32, #tpu.memory_space<vmem>>
    %dma_wait3A_390 = arith.constant 0 : i32
    %dma_wait3A_391 = tpu.memref_slice %arg3[%dma_wait3A_390] : memref<320000xi32, #tpu.memory_space<hbm>> -> memref<80xi32, #tpu.memory_space<hbm>>
    %dma_wait3A_392 = arith.constant 0 : i32
    %dma_wait3A_393 = tpu.memref_slice %arg6[%dma_wait3A, %dma_wait3A_392] : memref<3x80xi32, #tpu.memory_space<vmem>> -> memref<1x80xi32, #tpu.memory_space<vmem>>
    %dma_wait3A_394 = tpu.memref_squeeze %dma_wait3A_393 : memref<1x80xi32, #tpu.memory_space<vmem>> -> memref<80xi32, #tpu.memory_space<vmem>>
    %dma_wait3A_395 = arith.constant 0 : i32
    %dma_wait3A_396 = tpu.memref_slice %arg3[%dma_wait3A_395] : memref<320000xi32, #tpu.memory_space<hbm>> -> memref<80xi32, #tpu.memory_space<hbm>>
    tpu.wait_dma2 semaphore(%arg11 : memref<!tpu.dma_semaphore, #tpu.memory_space<semaphore_mem>>) src(%dma_wait3A_396 : memref<80xi32, #tpu.memory_space<hbm>>) dst(%dma_wait3A_394 : memref<80xi32, #tpu.memory_space<vmem>>)
    %dma_wait3A_397 = arith.constant 0 : i32
    %dma_wait3A_398 = arith.constant 0 : i32
    %dma_wait3A_399 = tpu.memref_slice %arg7[%dma_wait3A_397, %dma_wait3A_398] : memref<6x80xi32, #tpu.memory_space<vmem>> -> memref<1x80xi32, #tpu.memory_space<vmem>>
    %dma_wait3A_400 = tpu.memref_squeeze %dma_wait3A_399 : memref<1x80xi32, #tpu.memory_space<vmem>> -> memref<80xi32, #tpu.memory_space<vmem>>
    %dma_wait3A_401 = arith.constant 0 : i32
    %dma_wait3A_402 = tpu.memref_slice %arg3[%dma_wait3A_401] : memref<320000xi32, #tpu.memory_space<hbm>> -> memref<80xi32, #tpu.memory_space<hbm>>
    %dma_wait3A_403 = arith.constant 0 : i32
    %dma_wait3A_404 = tpu.memref_slice %arg7[%dma_wait3A_397, %dma_wait3A_403] : memref<6x80xi32, #tpu.memory_space<vmem>> -> memref<1x80xi32, #tpu.memory_space<vmem>>
    %dma_wait3A_405 = tpu.memref_squeeze %dma_wait3A_404 : memref<1x80xi32, #tpu.memory_space<vmem>> -> memref<80xi32, #tpu.memory_space<vmem>>
    %dma_wait3A_406 = arith.constant 0 : i32
    %dma_wait3A_407 = tpu.memref_slice %arg3[%dma_wait3A_406] : memref<320000xi32, #tpu.memory_space<hbm>> -> memref<80xi32, #tpu.memory_space<hbm>>
    tpu.wait_dma2 semaphore(%arg11 : memref<!tpu.dma_semaphore, #tpu.memory_space<semaphore_mem>>) src(%dma_wait3A_407 : memref<80xi32, #tpu.memory_space<hbm>>) dst(%dma_wait3A_405 : memref<80xi32, #tpu.memory_space<vmem>>)
    %dma_start3A_408 = arith.constant 0 : i32
    %dma_start3A_409 = arith.constant 0 : i32
    %dma_start3A_410 = arith.constant 0 : i32
    %dma_start3A_411 = arith.constant 0 : i32
    %dma_start3A_412 = tpu.memref_slice %arg8[%dma_start3A_409, %dma_start3A_410, %dma_start3A_411] : memref<3x80x128xf32, #tpu.memory_space<vmem>> -> memref<1x80x128xf32, #tpu.memory_space<vmem>>
    %dma_start3A_413 = tpu.memref_squeeze %dma_start3A_412 : memref<1x80x128xf32, #tpu.memory_space<vmem>> -> memref<80x128xf32, #tpu.memory_space<vmem>>
    %dma_start3A_414 = arith.constant 0 : i32
    %dma_start3A_415 = tpu.memref_slice %arg6[%dma_start3A_408, %dma_start3A_414] : memref<3x80xi32, #tpu.memory_space<vmem>> -> memref<1x80xi32, #tpu.memory_space<vmem>>
    %dma_start3A_416 = tpu.memref_squeeze %dma_start3A_415 : memref<1x80xi32, #tpu.memory_space<vmem>> -> memref<80xi32, #tpu.memory_space<vmem>>
    %dma_start3A_417 = arith.constant 0 : i32
    %dma_start3A_418 = arith.constant 0 : i32
    %dma_start3A_419 = tpu.memref_slice %arg2[%dma_start3A_417, %dma_start3A_418] : memref<10000x128xf32, #tpu.memory_space<hbm>> -> memref<10000x128xf32, #tpu.memory_space<hbm>>
    tpu.enqueue_indirect_dma source(%dma_start3A_419 : memref<10000x128xf32, #tpu.memory_space<hbm>>) target(%dma_start3A_413 : memref<80x128xf32, #tpu.memory_space<vmem>>) offsets(%dma_start3A_416 : memref<80xi32, #tpu.memory_space<vmem>>) semaphore(%arg14 : memref<!tpu.dma_semaphore, #tpu.memory_space<semaphore_mem>>)
    %dma_wait3A_420 = arith.constant 1 : i32
    %dma_wait3A_421 = arith.constant 0 : i32
    %dma_wait3A_422 = tpu.memref_slice %arg6[%dma_wait3A_420, %dma_wait3A_421] : memref<3x80xi32, #tpu.memory_space<vmem>> -> memref<1x80xi32, #tpu.memory_space<vmem>>
    %dma_wait3A_423 = tpu.memref_squeeze %dma_wait3A_422 : memref<1x80xi32, #tpu.memory_space<vmem>> -> memref<80xi32, #tpu.memory_space<vmem>>
    %dma_wait3A_424 = arith.constant 0 : i32
    %dma_wait3A_425 = tpu.memref_slice %arg3[%dma_wait3A_424] : memref<320000xi32, #tpu.memory_space<hbm>> -> memref<80xi32, #tpu.memory_space<hbm>>
    %dma_wait3A_426 = arith.constant 0 : i32
    %dma_wait3A_427 = tpu.memref_slice %arg6[%dma_wait3A_420, %dma_wait3A_426] : memref<3x80xi32, #tpu.memory_space<vmem>> -> memref<1x80xi32, #tpu.memory_space<vmem>>
    %dma_wait3A_428 = tpu.memref_squeeze %dma_wait3A_427 : memref<1x80xi32, #tpu.memory_space<vmem>> -> memref<80xi32, #tpu.memory_space<vmem>>
    %dma_wait3A_429 = arith.constant 0 : i32
    %dma_wait3A_430 = tpu.memref_slice %arg3[%dma_wait3A_429] : memref<320000xi32, #tpu.memory_space<hbm>> -> memref<80xi32, #tpu.memory_space<hbm>>
    tpu.wait_dma2 semaphore(%arg12 : memref<!tpu.dma_semaphore, #tpu.memory_space<semaphore_mem>>) src(%dma_wait3A_430 : memref<80xi32, #tpu.memory_space<hbm>>) dst(%dma_wait3A_428 : memref<80xi32, #tpu.memory_space<vmem>>)
    %dma_wait3A_431 = arith.constant 1 : i32
    %dma_wait3A_432 = arith.constant 0 : i32
    %dma_wait3A_433 = tpu.memref_slice %arg7[%dma_wait3A_431, %dma_wait3A_432] : memref<6x80xi32, #tpu.memory_space<vmem>> -> memref<1x80xi32, #tpu.memory_space<vmem>>
    %dma_wait3A_434 = tpu.memref_squeeze %dma_wait3A_433 : memref<1x80xi32, #tpu.memory_space<vmem>> -> memref<80xi32, #tpu.memory_space<vmem>>
    %dma_wait3A_435 = arith.constant 0 : i32
    %dma_wait3A_436 = tpu.memref_slice %arg3[%dma_wait3A_435] : memref<320000xi32, #tpu.memory_space<hbm>> -> memref<80xi32, #tpu.memory_space<hbm>>
    %dma_wait3A_437 = arith.constant 0 : i32
    %dma_wait3A_438 = tpu.memref_slice %arg7[%dma_wait3A_431, %dma_wait3A_437] : memref<6x80xi32, #tpu.memory_space<vmem>> -> memref<1x80xi32, #tpu.memory_space<vmem>>
    %dma_wait3A_439 = tpu.memref_squeeze %dma_wait3A_438 : memref<1x80xi32, #tpu.memory_space<vmem>> -> memref<80xi32, #tpu.memory_space<vmem>>
    %dma_wait3A_440 = arith.constant 0 : i32
    %dma_wait3A_441 = tpu.memref_slice %arg3[%dma_wait3A_440] : memref<320000xi32, #tpu.memory_space<hbm>> -> memref<80xi32, #tpu.memory_space<hbm>>
    tpu.wait_dma2 semaphore(%arg12 : memref<!tpu.dma_semaphore, #tpu.memory_space<semaphore_mem>>) src(%dma_wait3A_441 : memref<80xi32, #tpu.memory_space<hbm>>) dst(%dma_wait3A_439 : memref<80xi32, #tpu.memory_space<vmem>>)
    %dma_start3A_442 = arith.constant 1 : i32
    %dma_start3A_443 = arith.constant 1 : i32
    %dma_start3A_444 = arith.constant 0 : i32
    %dma_start3A_445 = arith.constant 0 : i32
    %dma_start3A_446 = tpu.memref_slice %arg8[%dma_start3A_443, %dma_start3A_444, %dma_start3A_445] : memref<3x80x128xf32, #tpu.memory_space<vmem>> -> memref<1x80x128xf32, #tpu.memory_space<vmem>>
    %dma_start3A_447 = tpu.memref_squeeze %dma_start3A_446 : memref<1x80x128xf32, #tpu.memory_space<vmem>> -> memref<80x128xf32, #tpu.memory_space<vmem>>
    %dma_start3A_448 = arith.constant 0 : i32
    %dma_start3A_449 = tpu.memref_slice %arg6[%dma_start3A_442, %dma_start3A_448] : memref<3x80xi32, #tpu.memory_space<vmem>> -> memref<1x80xi32, #tpu.memory_space<vmem>>
    %dma_start3A_450 = tpu.memref_squeeze %dma_start3A_449 : memref<1x80xi32, #tpu.memory_space<vmem>> -> memref<80xi32, #tpu.memory_space<vmem>>
    %dma_start3A_451 = arith.constant 0 : i32
    %dma_start3A_452 = arith.constant 0 : i32
    %dma_start3A_453 = tpu.memref_slice %arg2[%dma_start3A_451, %dma_start3A_452] : memref<10000x128xf32, #tpu.memory_space<hbm>> -> memref<10000x128xf32, #tpu.memory_space<hbm>>
    tpu.enqueue_indirect_dma source(%dma_start3A_453 : memref<10000x128xf32, #tpu.memory_space<hbm>>) target(%dma_start3A_447 : memref<80x128xf32, #tpu.memory_space<vmem>>) offsets(%dma_start3A_450 : memref<80xi32, #tpu.memory_space<vmem>>) semaphore(%arg15 : memref<!tpu.dma_semaphore, #tpu.memory_space<semaphore_mem>>)
    %dma_wait3A_454 = arith.constant 2 : i32
    %dma_wait3A_455 = arith.constant 0 : i32
    %dma_wait3A_456 = tpu.memref_slice %arg6[%dma_wait3A_454, %dma_wait3A_455] : memref<3x80xi32, #tpu.memory_space<vmem>> -> memref<1x80xi32, #tpu.memory_space<vmem>>
    %dma_wait3A_457 = tpu.memref_squeeze %dma_wait3A_456 : memref<1x80xi32, #tpu.memory_space<vmem>> -> memref<80xi32, #tpu.memory_space<vmem>>
    %dma_wait3A_458 = arith.constant 0 : i32
    %dma_wait3A_459 = tpu.memref_slice %arg3[%dma_wait3A_458] : memref<320000xi32, #tpu.memory_space<hbm>> -> memref<80xi32, #tpu.memory_space<hbm>>
    %dma_wait3A_460 = arith.constant 0 : i32
    %dma_wait3A_461 = tpu.memref_slice %arg6[%dma_wait3A_454, %dma_wait3A_460] : memref<3x80xi32, #tpu.memory_space<vmem>> -> memref<1x80xi32, #tpu.memory_space<vmem>>
    %dma_wait3A_462 = tpu.memref_squeeze %dma_wait3A_461 : memref<1x80xi32, #tpu.memory_space<vmem>> -> memref<80xi32, #tpu.memory_space<vmem>>
    %dma_wait3A_463 = arith.constant 0 : i32
    %dma_wait3A_464 = tpu.memref_slice %arg3[%dma_wait3A_463] : memref<320000xi32, #tpu.memory_space<hbm>> -> memref<80xi32, #tpu.memory_space<hbm>>
    tpu.wait_dma2 semaphore(%arg13 : memref<!tpu.dma_semaphore, #tpu.memory_space<semaphore_mem>>) src(%dma_wait3A_464 : memref<80xi32, #tpu.memory_space<hbm>>) dst(%dma_wait3A_462 : memref<80xi32, #tpu.memory_space<vmem>>)
    %dma_wait3A_465 = arith.constant 2 : i32
    %dma_wait3A_466 = arith.constant 0 : i32
    %dma_wait3A_467 = tpu.memref_slice %arg7[%dma_wait3A_465, %dma_wait3A_466] : memref<6x80xi32, #tpu.memory_space<vmem>> -> memref<1x80xi32, #tpu.memory_space<vmem>>
    %dma_wait3A_468 = tpu.memref_squeeze %dma_wait3A_467 : memref<1x80xi32, #tpu.memory_space<vmem>> -> memref<80xi32, #tpu.memory_space<vmem>>
    %dma_wait3A_469 = arith.constant 0 : i32
    %dma_wait3A_470 = tpu.memref_slice %arg3[%dma_wait3A_469] : memref<320000xi32, #tpu.memory_space<hbm>> -> memref<80xi32, #tpu.memory_space<hbm>>
    %dma_wait3A_471 = arith.constant 0 : i32
    %dma_wait3A_472 = tpu.memref_slice %arg7[%dma_wait3A_465, %dma_wait3A_471] : memref<6x80xi32, #tpu.memory_space<vmem>> -> memref<1x80xi32, #tpu.memory_space<vmem>>
    %dma_wait3A_473 = tpu.memref_squeeze %dma_wait3A_472 : memref<1x80xi32, #tpu.memory_space<vmem>> -> memref<80xi32, #tpu.memory_space<vmem>>
    %dma_wait3A_474 = arith.constant 0 : i32
    %dma_wait3A_475 = tpu.memref_slice %arg3[%dma_wait3A_474] : memref<320000xi32, #tpu.memory_space<hbm>> -> memref<80xi32, #tpu.memory_space<hbm>>
    tpu.wait_dma2 semaphore(%arg13 : memref<!tpu.dma_semaphore, #tpu.memory_space<semaphore_mem>>) src(%dma_wait3A_475 : memref<80xi32, #tpu.memory_space<hbm>>) dst(%dma_wait3A_473 : memref<80xi32, #tpu.memory_space<vmem>>)
    %dma_start3A_476 = arith.constant 2 : i32
    %dma_start3A_477 = arith.constant 2 : i32
    %dma_start3A_478 = arith.constant 0 : i32
    %dma_start3A_479 = arith.constant 0 : i32
    %dma_start3A_480 = tpu.memref_slice %arg8[%dma_start3A_477, %dma_start3A_478, %dma_start3A_479] : memref<3x80x128xf32, #tpu.memory_space<vmem>> -> memref<1x80x128xf32, #tpu.memory_space<vmem>>
    %dma_start3A_481 = tpu.memref_squeeze %dma_start3A_480 : memref<1x80x128xf32, #tpu.memory_space<vmem>> -> memref<80x128xf32, #tpu.memory_space<vmem>>
    %dma_start3A_482 = arith.constant 0 : i32
    %dma_start3A_483 = tpu.memref_slice %arg6[%dma_start3A_476, %dma_start3A_482] : memref<3x80xi32, #tpu.memory_space<vmem>> -> memref<1x80xi32, #tpu.memory_space<vmem>>
    %dma_start3A_484 = tpu.memref_squeeze %dma_start3A_483 : memref<1x80xi32, #tpu.memory_space<vmem>> -> memref<80xi32, #tpu.memory_space<vmem>>
    %dma_start3A_485 = arith.constant 0 : i32
    %dma_start3A_486 = arith.constant 0 : i32
    %dma_start3A_487 = tpu.memref_slice %arg2[%dma_start3A_485, %dma_start3A_486] : memref<10000x128xf32, #tpu.memory_space<hbm>> -> memref<10000x128xf32, #tpu.memory_space<hbm>>
    tpu.enqueue_indirect_dma source(%dma_start3A_487 : memref<10000x128xf32, #tpu.memory_space<hbm>>) target(%dma_start3A_481 : memref<80x128xf32, #tpu.memory_space<vmem>>) offsets(%dma_start3A_484 : memref<80xi32, #tpu.memory_space<vmem>>) semaphore(%arg16 : memref<!tpu.dma_semaphore, #tpu.memory_space<semaphore_mem>>)
    %dma_wait3A_488 = arith.constant 0 : i32
    %dma_wait3A_489 = tpu.memref_slice %arg10[%add3A_11, %dma_wait3A_488] : memref<10240x128xf32, #tpu.memory_space<vmem_shared>> -> memref<16x128xf32, #tpu.memory_space<vmem_shared>>
    %dma_wait3A_490 = arith.constant 0 : i32
    %dma_wait3A_491 = tpu.memref_slice %arg10[%add3A_11, %dma_wait3A_490] : memref<10240x128xf32, #tpu.memory_space<vmem_shared>> -> memref<16x128xf32, #tpu.memory_space<vmem_shared>>
    tpu.wait_dma2 semaphore(%arg17 : memref<!tpu.dma_semaphore, #tpu.memory_space<semaphore_mem>>) src(%arg9 : memref<16x128xf32, #tpu.memory_space<vmem>>) dst(%dma_wait3A_491 : memref<16x128xf32, #tpu.memory_space<vmem_shared>>)
    %dma_wait3A_492 = arith.constant 0 : i32
    %dma_wait3A_493 = tpu.memref_slice %arg10[%add3A_18, %dma_wait3A_492] : memref<10240x128xf32, #tpu.memory_space<vmem_shared>> -> memref<16x128xf32, #tpu.memory_space<vmem_shared>>
    %dma_wait3A_494 = arith.constant 0 : i32
    %dma_wait3A_495 = tpu.memref_slice %arg10[%add3A_18, %dma_wait3A_494] : memref<10240x128xf32, #tpu.memory_space<vmem_shared>> -> memref<16x128xf32, #tpu.memory_space<vmem_shared>>
    tpu.wait_dma2 semaphore(%arg17 : memref<!tpu.dma_semaphore, #tpu.memory_space<semaphore_mem>>) src(%arg9 : memref<16x128xf32, #tpu.memory_space<vmem>>) dst(%dma_wait3A_495 : memref<16x128xf32, #tpu.memory_space<vmem_shared>>)
    %dma_wait3A_496 = arith.constant 0 : i32
    %dma_wait3A_497 = tpu.memref_slice %arg10[%add3A_26, %dma_wait3A_496] : memref<10240x128xf32, #tpu.memory_space<vmem_shared>> -> memref<16x128xf32, #tpu.memory_space<vmem_shared>>
    %dma_wait3A_498 = arith.constant 0 : i32
    %dma_wait3A_499 = tpu.memref_slice %arg10[%add3A_26, %dma_wait3A_498] : memref<10240x128xf32, #tpu.memory_space<vmem_shared>> -> memref<16x128xf32, #tpu.memory_space<vmem_shared>>
    tpu.wait_dma2 semaphore(%arg17 : memref<!tpu.dma_semaphore, #tpu.memory_space<semaphore_mem>>) src(%arg9 : memref<16x128xf32, #tpu.memory_space<vmem>>) dst(%dma_wait3A_499 : memref<16x128xf32, #tpu.memory_space<vmem_shared>>)
    %dma_wait3A_500 = arith.constant 0 : i32
    %dma_wait3A_501 = tpu.memref_slice %arg10[%add3A_34, %dma_wait3A_500] : memref<10240x128xf32, #tpu.memory_space<vmem_shared>> -> memref<16x128xf32, #tpu.memory_space<vmem_shared>>
    %dma_wait3A_502 = arith.constant 0 : i32
    %dma_wait3A_503 = tpu.memref_slice %arg10[%add3A_34, %dma_wait3A_502] : memref<10240x128xf32, #tpu.memory_space<vmem_shared>> -> memref<16x128xf32, #tpu.memory_space<vmem_shared>>
    tpu.wait_dma2 semaphore(%arg17 : memref<!tpu.dma_semaphore, #tpu.memory_space<semaphore_mem>>) src(%arg9 : memref<16x128xf32, #tpu.memory_space<vmem>>) dst(%dma_wait3A_503 : memref<16x128xf32, #tpu.memory_space<vmem_shared>>)
    %dma_wait3A_504 = arith.constant 0 : i32
    %dma_wait3A_505 = tpu.memref_slice %arg10[%add3A_42, %dma_wait3A_504] : memref<10240x128xf32, #tpu.memory_space<vmem_shared>> -> memref<16x128xf32, #tpu.memory_space<vmem_shared>>
    %dma_wait3A_506 = arith.constant 0 : i32
    %dma_wait3A_507 = tpu.memref_slice %arg10[%add3A_42, %dma_wait3A_506] : memref<10240x128xf32, #tpu.memory_space<vmem_shared>> -> memref<16x128xf32, #tpu.memory_space<vmem_shared>>
    tpu.wait_dma2 semaphore(%arg17 : memref<!tpu.dma_semaphore, #tpu.memory_space<semaphore_mem>>) src(%arg9 : memref<16x128xf32, #tpu.memory_space<vmem>>) dst(%dma_wait3A_507 : memref<16x128xf32, #tpu.memory_space<vmem_shared>>)
    %dma_wait3A_508 = arith.constant 0 : i32
    %dma_wait3A_509 = tpu.memref_slice %arg10[%add3A_50, %dma_wait3A_508] : memref<10240x128xf32, #tpu.memory_space<vmem_shared>> -> memref<16x128xf32, #tpu.memory_space<vmem_shared>>
    %dma_wait3A_510 = arith.constant 0 : i32
    %dma_wait3A_511 = tpu.memref_slice %arg10[%add3A_50, %dma_wait3A_510] : memref<10240x128xf32, #tpu.memory_space<vmem_shared>> -> memref<16x128xf32, #tpu.memory_space<vmem_shared>>
    tpu.wait_dma2 semaphore(%arg17 : memref<!tpu.dma_semaphore, #tpu.memory_space<semaphore_mem>>) src(%arg9 : memref<16x128xf32, #tpu.memory_space<vmem>>) dst(%dma_wait3A_511 : memref<16x128xf32, #tpu.memory_space<vmem_shared>>)
    %dma_wait3A_512 = arith.constant 0 : i32
    %dma_wait3A_513 = tpu.memref_slice %arg10[%add3A_58, %dma_wait3A_512] : memref<10240x128xf32, #tpu.memory_space<vmem_shared>> -> memref<16x128xf32, #tpu.memory_space<vmem_shared>>
    %dma_wait3A_514 = arith.constant 0 : i32
    %dma_wait3A_515 = tpu.memref_slice %arg10[%add3A_58, %dma_wait3A_514] : memref<10240x128xf32, #tpu.memory_space<vmem_shared>> -> memref<16x128xf32, #tpu.memory_space<vmem_shared>>
    tpu.wait_dma2 semaphore(%arg17 : memref<!tpu.dma_semaphore, #tpu.memory_space<semaphore_mem>>) src(%arg9 : memref<16x128xf32, #tpu.memory_space<vmem>>) dst(%dma_wait3A_515 : memref<16x128xf32, #tpu.memory_space<vmem_shared>>)
    %dma_wait3A_516 = arith.constant 0 : i32
    %dma_wait3A_517 = tpu.memref_slice %arg10[%add3A_66, %dma_wait3A_516] : memref<10240x128xf32, #tpu.memory_space<vmem_shared>> -> memref<16x128xf32, #tpu.memory_space<vmem_shared>>
    %dma_wait3A_518 = arith.constant 0 : i32
    %dma_wait3A_519 = tpu.memref_slice %arg10[%add3A_66, %dma_wait3A_518] : memref<10240x128xf32, #tpu.memory_space<vmem_shared>> -> memref<16x128xf32, #tpu.memory_space<vmem_shared>>
    tpu.wait_dma2 semaphore(%arg17 : memref<!tpu.dma_semaphore, #tpu.memory_space<semaphore_mem>>) src(%arg9 : memref<16x128xf32, #tpu.memory_space<vmem>>) dst(%dma_wait3A_519 : memref<16x128xf32, #tpu.memory_space<vmem_shared>>)
    %dma_wait3A_520 = arith.constant 0 : i32
    %dma_wait3A_521 = tpu.memref_slice %arg10[%add3A_74, %dma_wait3A_520] : memref<10240x128xf32, #tpu.memory_space<vmem_shared>> -> memref<16x128xf32, #tpu.memory_space<vmem_shared>>
    %dma_wait3A_522 = arith.constant 0 : i32
    %dma_wait3A_523 = tpu.memref_slice %arg10[%add3A_74, %dma_wait3A_522] : memref<10240x128xf32, #tpu.memory_space<vmem_shared>> -> memref<16x128xf32, #tpu.memory_space<vmem_shared>>
    tpu.wait_dma2 semaphore(%arg17 : memref<!tpu.dma_semaphore, #tpu.memory_space<semaphore_mem>>) src(%arg9 : memref<16x128xf32, #tpu.memory_space<vmem>>) dst(%dma_wait3A_523 : memref<16x128xf32, #tpu.memory_space<vmem_shared>>)
    %dma_wait3A_524 = arith.constant 0 : i32
    %dma_wait3A_525 = tpu.memref_slice %arg10[%add3A_82, %dma_wait3A_524] : memref<10240x128xf32, #tpu.memory_space<vmem_shared>> -> memref<16x128xf32, #tpu.memory_space<vmem_shared>>
    %dma_wait3A_526 = arith.constant 0 : i32
    %dma_wait3A_527 = tpu.memref_slice %arg10[%add3A_82, %dma_wait3A_526] : memref<10240x128xf32, #tpu.memory_space<vmem_shared>> -> memref<16x128xf32, #tpu.memory_space<vmem_shared>>
    tpu.wait_dma2 semaphore(%arg17 : memref<!tpu.dma_semaphore, #tpu.memory_space<semaphore_mem>>) src(%arg9 : memref<16x128xf32, #tpu.memory_space<vmem>>) dst(%dma_wait3A_527 : memref<16x128xf32, #tpu.memory_space<vmem_shared>>)
    %dma_wait3A_528 = arith.constant 0 : i32
    %dma_wait3A_529 = tpu.memref_slice %arg10[%add3A_90, %dma_wait3A_528] : memref<10240x128xf32, #tpu.memory_space<vmem_shared>> -> memref<16x128xf32, #tpu.memory_space<vmem_shared>>
    %dma_wait3A_530 = arith.constant 0 : i32
    %dma_wait3A_531 = tpu.memref_slice %arg10[%add3A_90, %dma_wait3A_530] : memref<10240x128xf32, #tpu.memory_space<vmem_shared>> -> memref<16x128xf32, #tpu.memory_space<vmem_shared>>
    tpu.wait_dma2 semaphore(%arg17 : memref<!tpu.dma_semaphore, #tpu.memory_space<semaphore_mem>>) src(%arg9 : memref<16x128xf32, #tpu.memory_space<vmem>>) dst(%dma_wait3A_531 : memref<16x128xf32, #tpu.memory_space<vmem_shared>>)
    %dma_wait3A_532 = arith.constant 0 : i32
    %dma_wait3A_533 = tpu.memref_slice %arg10[%add3A_98, %dma_wait3A_532] : memref<10240x128xf32, #tpu.memory_space<vmem_shared>> -> memref<16x128xf32, #tpu.memory_space<vmem_shared>>
    %dma_wait3A_534 = arith.constant 0 : i32
    %dma_wait3A_535 = tpu.memref_slice %arg10[%add3A_98, %dma_wait3A_534] : memref<10240x128xf32, #tpu.memory_space<vmem_shared>> -> memref<16x128xf32, #tpu.memory_space<vmem_shared>>
    tpu.wait_dma2 semaphore(%arg17 : memref<!tpu.dma_semaphore, #tpu.memory_space<semaphore_mem>>) src(%arg9 : memref<16x128xf32, #tpu.memory_space<vmem>>) dst(%dma_wait3A_535 : memref<16x128xf32, #tpu.memory_space<vmem_shared>>)
    %dma_wait3A_536 = arith.constant 0 : i32
    %dma_wait3A_537 = tpu.memref_slice %arg10[%add3A_106, %dma_wait3A_536] : memref<10240x128xf32, #tpu.memory_space<vmem_shared>> -> memref<16x128xf32, #tpu.memory_space<vmem_shared>>
    %dma_wait3A_538 = arith.constant 0 : i32
    %dma_wait3A_539 = tpu.memref_slice %arg10[%add3A_106, %dma_wait3A_538] : memref<10240x128xf32, #tpu.memory_space<vmem_shared>> -> memref<16x128xf32, #tpu.memory_space<vmem_shared>>
    tpu.wait_dma2 semaphore(%arg17 : memref<!tpu.dma_semaphore, #tpu.memory_space<semaphore_mem>>) src(%arg9 : memref<16x128xf32, #tpu.memory_space<vmem>>) dst(%dma_wait3A_539 : memref<16x128xf32, #tpu.memory_space<vmem_shared>>)
    %dma_wait3A_540 = arith.constant 0 : i32
    %dma_wait3A_541 = tpu.memref_slice %arg10[%add3A_114, %dma_wait3A_540] : memref<10240x128xf32, #tpu.memory_space<vmem_shared>> -> memref<16x128xf32, #tpu.memory_space<vmem_shared>>
    %dma_wait3A_542 = arith.constant 0 : i32
    %dma_wait3A_543 = tpu.memref_slice %arg10[%add3A_114, %dma_wait3A_542] : memref<10240x128xf32, #tpu.memory_space<vmem_shared>> -> memref<16x128xf32, #tpu.memory_space<vmem_shared>>
    tpu.wait_dma2 semaphore(%arg17 : memref<!tpu.dma_semaphore, #tpu.memory_space<semaphore_mem>>) src(%arg9 : memref<16x128xf32, #tpu.memory_space<vmem>>) dst(%dma_wait3A_543 : memref<16x128xf32, #tpu.memory_space<vmem_shared>>)
    %dma_wait3A_544 = arith.constant 0 : i32
    %dma_wait3A_545 = tpu.memref_slice %arg10[%add3A_122, %dma_wait3A_544] : memref<10240x128xf32, #tpu.memory_space<vmem_shared>> -> memref<16x128xf32, #tpu.memory_space<vmem_shared>>
    %dma_wait3A_546 = arith.constant 0 : i32
    %dma_wait3A_547 = tpu.memref_slice %arg10[%add3A_122, %dma_wait3A_546] : memref<10240x128xf32, #tpu.memory_space<vmem_shared>> -> memref<16x128xf32, #tpu.memory_space<vmem_shared>>
    tpu.wait_dma2 semaphore(%arg17 : memref<!tpu.dma_semaphore, #tpu.memory_space<semaphore_mem>>) src(%arg9 : memref<16x128xf32, #tpu.memory_space<vmem>>) dst(%dma_wait3A_547 : memref<16x128xf32, #tpu.memory_space<vmem_shared>>)
    %dma_wait3A_548 = arith.constant 0 : i32
    %dma_wait3A_549 = tpu.memref_slice %arg10[%add3A_130, %dma_wait3A_548] : memref<10240x128xf32, #tpu.memory_space<vmem_shared>> -> memref<16x128xf32, #tpu.memory_space<vmem_shared>>
    %dma_wait3A_550 = arith.constant 0 : i32
    %dma_wait3A_551 = tpu.memref_slice %arg10[%add3A_130, %dma_wait3A_550] : memref<10240x128xf32, #tpu.memory_space<vmem_shared>> -> memref<16x128xf32, #tpu.memory_space<vmem_shared>>
    tpu.wait_dma2 semaphore(%arg17 : memref<!tpu.dma_semaphore, #tpu.memory_space<semaphore_mem>>) src(%arg9 : memref<16x128xf32, #tpu.memory_space<vmem>>) dst(%dma_wait3A_551 : memref<16x128xf32, #tpu.memory_space<vmem_shared>>)
    %dma_wait3A_552 = arith.constant 0 : i32
    %dma_wait3A_553 = tpu.memref_slice %arg10[%add3A_138, %dma_wait3A_552] : memref<10240x128xf32, #tpu.memory_space<vmem_shared>> -> memref<16x128xf32, #tpu.memory_space<vmem_shared>>
    %dma_wait3A_554 = arith.constant 0 : i32
    %dma_wait3A_555 = tpu.memref_slice %arg10[%add3A_138, %dma_wait3A_554] : memref<10240x128xf32, #tpu.memory_space<vmem_shared>> -> memref<16x128xf32, #tpu.memory_space<vmem_shared>>
    tpu.wait_dma2 semaphore(%arg17 : memref<!tpu.dma_semaphore, #tpu.memory_space<semaphore_mem>>) src(%arg9 : memref<16x128xf32, #tpu.memory_space<vmem>>) dst(%dma_wait3A_555 : memref<16x128xf32, #tpu.memory_space<vmem_shared>>)
    %dma_wait3A_556 = arith.constant 0 : i32
    %dma_wait3A_557 = tpu.memref_slice %arg10[%add3A_146, %dma_wait3A_556] : memref<10240x128xf32, #tpu.memory_space<vmem_shared>> -> memref<16x128xf32, #tpu.memory_space<vmem_shared>>
    %dma_wait3A_558 = arith.constant 0 : i32
    %dma_wait3A_559 = tpu.memref_slice %arg10[%add3A_146, %dma_wait3A_558] : memref<10240x128xf32, #tpu.memory_space<vmem_shared>> -> memref<16x128xf32, #tpu.memory_space<vmem_shared>>
    tpu.wait_dma2 semaphore(%arg17 : memref<!tpu.dma_semaphore, #tpu.memory_space<semaphore_mem>>) src(%arg9 : memref<16x128xf32, #tpu.memory_space<vmem>>) dst(%dma_wait3A_559 : memref<16x128xf32, #tpu.memory_space<vmem_shared>>)
    %dma_wait3A_560 = arith.constant 0 : i32
    %dma_wait3A_561 = tpu.memref_slice %arg10[%add3A_154, %dma_wait3A_560] : memref<10240x128xf32, #tpu.memory_space<vmem_shared>> -> memref<16x128xf32, #tpu.memory_space<vmem_shared>>
    %dma_wait3A_562 = arith.constant 0 : i32
    %dma_wait3A_563 = tpu.memref_slice %arg10[%add3A_154, %dma_wait3A_562] : memref<10240x128xf32, #tpu.memory_space<vmem_shared>> -> memref<16x128xf32, #tpu.memory_space<vmem_shared>>
    tpu.wait_dma2 semaphore(%arg17 : memref<!tpu.dma_semaphore, #tpu.memory_space<semaphore_mem>>) src(%arg9 : memref<16x128xf32, #tpu.memory_space<vmem>>) dst(%dma_wait3A_563 : memref<16x128xf32, #tpu.memory_space<vmem_shared>>)
    %dma_wait3A_564 = arith.constant 0 : i32
    %dma_wait3A_565 = tpu.memref_slice %arg10[%add3A_162, %dma_wait3A_564] : memref<10240x128xf32, #tpu.memory_space<vmem_shared>> -> memref<16x128xf32, #tpu.memory_space<vmem_shared>>
    %dma_wait3A_566 = arith.constant 0 : i32
    %dma_wait3A_567 = tpu.memref_slice %arg10[%add3A_162, %dma_wait3A_566] : memref<10240x128xf32, #tpu.memory_space<vmem_shared>> -> memref<16x128xf32, #tpu.memory_space<vmem_shared>>
    tpu.wait_dma2 semaphore(%arg17 : memref<!tpu.dma_semaphore, #tpu.memory_space<semaphore_mem>>) src(%arg9 : memref<16x128xf32, #tpu.memory_space<vmem>>) dst(%dma_wait3A_567 : memref<16x128xf32, #tpu.memory_space<vmem_shared>>)
    %dma_wait3A_568 = arith.constant 0 : i32
    %dma_wait3A_569 = tpu.memref_slice %arg10[%add3A_170, %dma_wait3A_568] : memref<10240x128xf32, #tpu.memory_space<vmem_shared>> -> memref<16x128xf32, #tpu.memory_space<vmem_shared>>
    %dma_wait3A_570 = arith.constant 0 : i32
    %dma_wait3A_571 = tpu.memref_slice %arg10[%add3A_170, %dma_wait3A_570] : memref<10240x128xf32, #tpu.memory_space<vmem_shared>> -> memref<16x128xf32, #tpu.memory_space<vmem_shared>>
    tpu.wait_dma2 semaphore(%arg17 : memref<!tpu.dma_semaphore, #tpu.memory_space<semaphore_mem>>) src(%arg9 : memref<16x128xf32, #tpu.memory_space<vmem>>) dst(%dma_wait3A_571 : memref<16x128xf32, #tpu.memory_space<vmem_shared>>)
    %dma_wait3A_572 = arith.constant 0 : i32
    %dma_wait3A_573 = tpu.memref_slice %arg10[%add3A_178, %dma_wait3A_572] : memref<10240x128xf32, #tpu.memory_space<vmem_shared>> -> memref<16x128xf32, #tpu.memory_space<vmem_shared>>
    %dma_wait3A_574 = arith.constant 0 : i32
    %dma_wait3A_575 = tpu.memref_slice %arg10[%add3A_178, %dma_wait3A_574] : memref<10240x128xf32, #tpu.memory_space<vmem_shared>> -> memref<16x128xf32, #tpu.memory_space<vmem_shared>>
    tpu.wait_dma2 semaphore(%arg17 : memref<!tpu.dma_semaphore, #tpu.memory_space<semaphore_mem>>) src(%arg9 : memref<16x128xf32, #tpu.memory_space<vmem>>) dst(%dma_wait3A_575 : memref<16x128xf32, #tpu.memory_space<vmem_shared>>)
    %dma_wait3A_576 = arith.constant 0 : i32
    %dma_wait3A_577 = tpu.memref_slice %arg10[%add3A_186, %dma_wait3A_576] : memref<10240x128xf32, #tpu.memory_space<vmem_shared>> -> memref<16x128xf32, #tpu.memory_space<vmem_shared>>
    %dma_wait3A_578 = arith.constant 0 : i32
    %dma_wait3A_579 = tpu.memref_slice %arg10[%add3A_186, %dma_wait3A_578] : memref<10240x128xf32, #tpu.memory_space<vmem_shared>> -> memref<16x128xf32, #tpu.memory_space<vmem_shared>>
    tpu.wait_dma2 semaphore(%arg17 : memref<!tpu.dma_semaphore, #tpu.memory_space<semaphore_mem>>) src(%arg9 : memref<16x128xf32, #tpu.memory_space<vmem>>) dst(%dma_wait3A_579 : memref<16x128xf32, #tpu.memory_space<vmem_shared>>)
    %dma_wait3A_580 = arith.constant 0 : i32
    %dma_wait3A_581 = tpu.memref_slice %arg10[%add3A_194, %dma_wait3A_580] : memref<10240x128xf32, #tpu.memory_space<vmem_shared>> -> memref<16x128xf32, #tpu.memory_space<vmem_shared>>
    %dma_wait3A_582 = arith.constant 0 : i32
    %dma_wait3A_583 = tpu.memref_slice %arg10[%add3A_194, %dma_wait3A_582] : memref<10240x128xf32, #tpu.memory_space<vmem_shared>> -> memref<16x128xf32, #tpu.memory_space<vmem_shared>>
    tpu.wait_dma2 semaphore(%arg17 : memref<!tpu.dma_semaphore, #tpu.memory_space<semaphore_mem>>) src(%arg9 : memref<16x128xf32, #tpu.memory_space<vmem>>) dst(%dma_wait3A_583 : memref<16x128xf32, #tpu.memory_space<vmem_shared>>)
    %dma_wait3A_584 = arith.constant 0 : i32
    %dma_wait3A_585 = tpu.memref_slice %arg10[%add3A_202, %dma_wait3A_584] : memref<10240x128xf32, #tpu.memory_space<vmem_shared>> -> memref<16x128xf32, #tpu.memory_space<vmem_shared>>
    %dma_wait3A_586 = arith.constant 0 : i32
    %dma_wait3A_587 = tpu.memref_slice %arg10[%add3A_202, %dma_wait3A_586] : memref<10240x128xf32, #tpu.memory_space<vmem_shared>> -> memref<16x128xf32, #tpu.memory_space<vmem_shared>>
    tpu.wait_dma2 semaphore(%arg17 : memref<!tpu.dma_semaphore, #tpu.memory_space<semaphore_mem>>) src(%arg9 : memref<16x128xf32, #tpu.memory_space<vmem>>) dst(%dma_wait3A_587 : memref<16x128xf32, #tpu.memory_space<vmem_shared>>)
    %dma_wait3A_588 = arith.constant 0 : i32
    %dma_wait3A_589 = tpu.memref_slice %arg10[%add3A_210, %dma_wait3A_588] : memref<10240x128xf32, #tpu.memory_space<vmem_shared>> -> memref<16x128xf32, #tpu.memory_space<vmem_shared>>
    %dma_wait3A_590 = arith.constant 0 : i32
    %dma_wait3A_591 = tpu.memref_slice %arg10[%add3A_210, %dma_wait3A_590] : memref<10240x128xf32, #tpu.memory_space<vmem_shared>> -> memref<16x128xf32, #tpu.memory_space<vmem_shared>>
    tpu.wait_dma2 semaphore(%arg17 : memref<!tpu.dma_semaphore, #tpu.memory_space<semaphore_mem>>) src(%arg9 : memref<16x128xf32, #tpu.memory_space<vmem>>) dst(%dma_wait3A_591 : memref<16x128xf32, #tpu.memory_space<vmem_shared>>)
    %dma_wait3A_592 = arith.constant 0 : i32
    %dma_wait3A_593 = tpu.memref_slice %arg10[%add3A_218, %dma_wait3A_592] : memref<10240x128xf32, #tpu.memory_space<vmem_shared>> -> memref<16x128xf32, #tpu.memory_space<vmem_shared>>
    %dma_wait3A_594 = arith.constant 0 : i32
    %dma_wait3A_595 = tpu.memref_slice %arg10[%add3A_218, %dma_wait3A_594] : memref<10240x128xf32, #tpu.memory_space<vmem_shared>> -> memref<16x128xf32, #tpu.memory_space<vmem_shared>>
    tpu.wait_dma2 semaphore(%arg17 : memref<!tpu.dma_semaphore, #tpu.memory_space<semaphore_mem>>) src(%arg9 : memref<16x128xf32, #tpu.memory_space<vmem>>) dst(%dma_wait3A_595 : memref<16x128xf32, #tpu.memory_space<vmem_shared>>)
    %dma_wait3A_596 = arith.constant 0 : i32
    %dma_wait3A_597 = tpu.memref_slice %arg10[%add3A_226, %dma_wait3A_596] : memref<10240x128xf32, #tpu.memory_space<vmem_shared>> -> memref<16x128xf32, #tpu.memory_space<vmem_shared>>
    %dma_wait3A_598 = arith.constant 0 : i32
    %dma_wait3A_599 = tpu.memref_slice %arg10[%add3A_226, %dma_wait3A_598] : memref<10240x128xf32, #tpu.memory_space<vmem_shared>> -> memref<16x128xf32, #tpu.memory_space<vmem_shared>>
    tpu.wait_dma2 semaphore(%arg17 : memref<!tpu.dma_semaphore, #tpu.memory_space<semaphore_mem>>) src(%arg9 : memref<16x128xf32, #tpu.memory_space<vmem>>) dst(%dma_wait3A_599 : memref<16x128xf32, #tpu.memory_space<vmem_shared>>)
    %dma_wait3A_600 = arith.constant 0 : i32
    %dma_wait3A_601 = tpu.memref_slice %arg10[%add3A_234, %dma_wait3A_600] : memref<10240x128xf32, #tpu.memory_space<vmem_shared>> -> memref<16x128xf32, #tpu.memory_space<vmem_shared>>
    %dma_wait3A_602 = arith.constant 0 : i32
    %dma_wait3A_603 = tpu.memref_slice %arg10[%add3A_234, %dma_wait3A_602] : memref<10240x128xf32, #tpu.memory_space<vmem_shared>> -> memref<16x128xf32, #tpu.memory_space<vmem_shared>>
    tpu.wait_dma2 semaphore(%arg17 : memref<!tpu.dma_semaphore, #tpu.memory_space<semaphore_mem>>) src(%arg9 : memref<16x128xf32, #tpu.memory_space<vmem>>) dst(%dma_wait3A_603 : memref<16x128xf32, #tpu.memory_space<vmem_shared>>)
    %dma_wait3A_604 = arith.constant 0 : i32
    %dma_wait3A_605 = tpu.memref_slice %arg10[%add3A_242, %dma_wait3A_604] : memref<10240x128xf32, #tpu.memory_space<vmem_shared>> -> memref<16x128xf32, #tpu.memory_space<vmem_shared>>
    %dma_wait3A_606 = arith.constant 0 : i32
    %dma_wait3A_607 = tpu.memref_slice %arg10[%add3A_242, %dma_wait3A_606] : memref<10240x128xf32, #tpu.memory_space<vmem_shared>> -> memref<16x128xf32, #tpu.memory_space<vmem_shared>>
    tpu.wait_dma2 semaphore(%arg17 : memref<!tpu.dma_semaphore, #tpu.memory_space<semaphore_mem>>) src(%arg9 : memref<16x128xf32, #tpu.memory_space<vmem>>) dst(%dma_wait3A_607 : memref<16x128xf32, #tpu.memory_space<vmem_shared>>)
    %dma_wait3A_608 = arith.constant 0 : i32
    %dma_wait3A_609 = tpu.memref_slice %arg10[%add3A_250, %dma_wait3A_608] : memref<10240x128xf32, #tpu.memory_space<vmem_shared>> -> memref<16x128xf32, #tpu.memory_space<vmem_shared>>
    %dma_wait3A_610 = arith.constant 0 : i32
    %dma_wait3A_611 = tpu.memref_slice %arg10[%add3A_250, %dma_wait3A_610] : memref<10240x128xf32, #tpu.memory_space<vmem_shared>> -> memref<16x128xf32, #tpu.memory_space<vmem_shared>>
    tpu.wait_dma2 semaphore(%arg17 : memref<!tpu.dma_semaphore, #tpu.memory_space<semaphore_mem>>) src(%arg9 : memref<16x128xf32, #tpu.memory_space<vmem>>) dst(%dma_wait3A_611 : memref<16x128xf32, #tpu.memory_space<vmem_shared>>)
    %dma_wait3A_612 = arith.constant 0 : i32
    %dma_wait3A_613 = tpu.memref_slice %arg10[%add3A_258, %dma_wait3A_612] : memref<10240x128xf32, #tpu.memory_space<vmem_shared>> -> memref<16x128xf32, #tpu.memory_space<vmem_shared>>
    %dma_wait3A_614 = arith.constant 0 : i32
    %dma_wait3A_615 = tpu.memref_slice %arg10[%add3A_258, %dma_wait3A_614] : memref<10240x128xf32, #tpu.memory_space<vmem_shared>> -> memref<16x128xf32, #tpu.memory_space<vmem_shared>>
    tpu.wait_dma2 semaphore(%arg17 : memref<!tpu.dma_semaphore, #tpu.memory_space<semaphore_mem>>) src(%arg9 : memref<16x128xf32, #tpu.memory_space<vmem>>) dst(%dma_wait3A_615 : memref<16x128xf32, #tpu.memory_space<vmem_shared>>)
    %dma_wait3A_616 = arith.constant 0 : i32
    %dma_wait3A_617 = tpu.memref_slice %arg10[%add3A_266, %dma_wait3A_616] : memref<10240x128xf32, #tpu.memory_space<vmem_shared>> -> memref<16x128xf32, #tpu.memory_space<vmem_shared>>
    %dma_wait3A_618 = arith.constant 0 : i32
    %dma_wait3A_619 = tpu.memref_slice %arg10[%add3A_266, %dma_wait3A_618] : memref<10240x128xf32, #tpu.memory_space<vmem_shared>> -> memref<16x128xf32, #tpu.memory_space<vmem_shared>>
    tpu.wait_dma2 semaphore(%arg17 : memref<!tpu.dma_semaphore, #tpu.memory_space<semaphore_mem>>) src(%arg9 : memref<16x128xf32, #tpu.memory_space<vmem>>) dst(%dma_wait3A_619 : memref<16x128xf32, #tpu.memory_space<vmem_shared>>)
    %dma_wait3A_620 = arith.constant 0 : i32
    %dma_wait3A_621 = tpu.memref_slice %arg10[%add3A_274, %dma_wait3A_620] : memref<10240x128xf32, #tpu.memory_space<vmem_shared>> -> memref<16x128xf32, #tpu.memory_space<vmem_shared>>
    %dma_wait3A_622 = arith.constant 0 : i32
    %dma_wait3A_623 = tpu.memref_slice %arg10[%add3A_274, %dma_wait3A_622] : memref<10240x128xf32, #tpu.memory_space<vmem_shared>> -> memref<16x128xf32, #tpu.memory_space<vmem_shared>>
    tpu.wait_dma2 semaphore(%arg17 : memref<!tpu.dma_semaphore, #tpu.memory_space<semaphore_mem>>) src(%arg9 : memref<16x128xf32, #tpu.memory_space<vmem>>) dst(%dma_wait3A_623 : memref<16x128xf32, #tpu.memory_space<vmem_shared>>)
    %dma_wait3A_624 = arith.constant 0 : i32
    %dma_wait3A_625 = tpu.memref_slice %arg10[%add3A_282, %dma_wait3A_624] : memref<10240x128xf32, #tpu.memory_space<vmem_shared>> -> memref<16x128xf32, #tpu.memory_space<vmem_shared>>
    %dma_wait3A_626 = arith.constant 0 : i32
    %dma_wait3A_627 = tpu.memref_slice %arg10[%add3A_282, %dma_wait3A_626] : memref<10240x128xf32, #tpu.memory_space<vmem_shared>> -> memref<16x128xf32, #tpu.memory_space<vmem_shared>>
    tpu.wait_dma2 semaphore(%arg17 : memref<!tpu.dma_semaphore, #tpu.memory_space<semaphore_mem>>) src(%arg9 : memref<16x128xf32, #tpu.memory_space<vmem>>) dst(%dma_wait3A_627 : memref<16x128xf32, #tpu.memory_space<vmem_shared>>)
    %dma_wait3A_628 = arith.constant 0 : i32
    %dma_wait3A_629 = tpu.memref_slice %arg10[%add3A_290, %dma_wait3A_628] : memref<10240x128xf32, #tpu.memory_space<vmem_shared>> -> memref<16x128xf32, #tpu.memory_space<vmem_shared>>
    %dma_wait3A_630 = arith.constant 0 : i32
    %dma_wait3A_631 = tpu.memref_slice %arg10[%add3A_290, %dma_wait3A_630] : memref<10240x128xf32, #tpu.memory_space<vmem_shared>> -> memref<16x128xf32, #tpu.memory_space<vmem_shared>>
    tpu.wait_dma2 semaphore(%arg17 : memref<!tpu.dma_semaphore, #tpu.memory_space<semaphore_mem>>) src(%arg9 : memref<16x128xf32, #tpu.memory_space<vmem>>) dst(%dma_wait3A_631 : memref<16x128xf32, #tpu.memory_space<vmem_shared>>)
    %dma_wait3A_632 = arith.constant 0 : i32
    %dma_wait3A_633 = tpu.memref_slice %arg10[%add3A_298, %dma_wait3A_632] : memref<10240x128xf32, #tpu.memory_space<vmem_shared>> -> memref<16x128xf32, #tpu.memory_space<vmem_shared>>
    %dma_wait3A_634 = arith.constant 0 : i32
    %dma_wait3A_635 = tpu.memref_slice %arg10[%add3A_298, %dma_wait3A_634] : memref<10240x128xf32, #tpu.memory_space<vmem_shared>> -> memref<16x128xf32, #tpu.memory_space<vmem_shared>>
    tpu.wait_dma2 semaphore(%arg17 : memref<!tpu.dma_semaphore, #tpu.memory_space<semaphore_mem>>) src(%arg9 : memref<16x128xf32, #tpu.memory_space<vmem>>) dst(%dma_wait3A_635 : memref<16x128xf32, #tpu.memory_space<vmem_shared>>)
    %dma_wait3A_636 = arith.constant 0 : i32
    %dma_wait3A_637 = tpu.memref_slice %arg10[%add3A_306, %dma_wait3A_636] : memref<10240x128xf32, #tpu.memory_space<vmem_shared>> -> memref<16x128xf32, #tpu.memory_space<vmem_shared>>
    %dma_wait3A_638 = arith.constant 0 : i32
    %dma_wait3A_639 = tpu.memref_slice %arg10[%add3A_306, %dma_wait3A_638] : memref<10240x128xf32, #tpu.memory_space<vmem_shared>> -> memref<16x128xf32, #tpu.memory_space<vmem_shared>>
    tpu.wait_dma2 semaphore(%arg17 : memref<!tpu.dma_semaphore, #tpu.memory_space<semaphore_mem>>) src(%arg9 : memref<16x128xf32, #tpu.memory_space<vmem>>) dst(%dma_wait3A_639 : memref<16x128xf32, #tpu.memory_space<vmem_shared>>)
    %dma_wait3A_640 = arith.constant 0 : i32
    %dma_wait3A_641 = tpu.memref_slice %arg10[%add3A_314, %dma_wait3A_640] : memref<10240x128xf32, #tpu.memory_space<vmem_shared>> -> memref<16x128xf32, #tpu.memory_space<vmem_shared>>
    %dma_wait3A_642 = arith.constant 0 : i32
    %dma_wait3A_643 = tpu.memref_slice %arg10[%add3A_314, %dma_wait3A_642] : memref<10240x128xf32, #tpu.memory_space<vmem_shared>> -> memref<16x128xf32, #tpu.memory_space<vmem_shared>>
    tpu.wait_dma2 semaphore(%arg17 : memref<!tpu.dma_semaphore, #tpu.memory_space<semaphore_mem>>) src(%arg9 : memref<16x128xf32, #tpu.memory_space<vmem>>) dst(%dma_wait3A_643 : memref<16x128xf32, #tpu.memory_space<vmem_shared>>)
    %dma_wait3A_644 = arith.constant 0 : i32
    %dma_wait3A_645 = tpu.memref_slice %arg10[%add3A_322, %dma_wait3A_644] : memref<10240x128xf32, #tpu.memory_space<vmem_shared>> -> memref<16x128xf32, #tpu.memory_space<vmem_shared>>
    %dma_wait3A_646 = arith.constant 0 : i32
    %dma_wait3A_647 = tpu.memref_slice %arg10[%add3A_322, %dma_wait3A_646] : memref<10240x128xf32, #tpu.memory_space<vmem_shared>> -> memref<16x128xf32, #tpu.memory_space<vmem_shared>>
    tpu.wait_dma2 semaphore(%arg17 : memref<!tpu.dma_semaphore, #tpu.memory_space<semaphore_mem>>) src(%arg9 : memref<16x128xf32, #tpu.memory_space<vmem>>) dst(%dma_wait3A_647 : memref<16x128xf32, #tpu.memory_space<vmem_shared>>)
    %barrier3A = arith.constant 0 : index
    tpu.barrier barrier_id(%barrier3A)
    %scan3A_648 = arith.constant 0 : i32
    %scan3A_649 = arith.constant 0 : i32
    %scan3A_650 = arith.constant 0 : i32
    %scan3A_651 = arith.constant 0 : i32
    %scan3A_652 = arith.constant 1 : i32
    %scan3A_653 = arith.constant 1 : i32
    %scan3A_654 = arith.constant 1 : i32
    %scan3A_655 = arith.constant 2 : i32
    %scan3A_656 = arith.constant 2 : i32
    %scan3A_657 = arith.constant 2 : i32
    %scan3A_658 = arith.constant 3 : i32
    %scan3A_659 = arith.constant 4 : i32
    %scan3A_660 = arith.constant 5 : i32
    %scan3A_661 = arith.constant 0 : i32
    %scan3A_662 = arith.constant 20 : i32
    %scan3A_663 = arith.addi %scan3A_661, %scan3A_662 : i32
    %scan3A_664 = arith.constant 1 : i32
    scf.for %scan3A_959 = %scan3A_661 to %scan3A_663 step %scan3A_664  : i32 {
      %mul3A_960 = arith.constant 6 : i32
      %mul3A_961 = arith.muli %scan3A_959, %mul3A_960 : i32
      %add3A_962 = arith.constant 3 : i32
      %add3A_963 = arith.addi %mul3A_961, %add3A_962 : i32
      %dma_wait3A_964 = arith.constant 0 : i32
      %dma_wait3A_965 = arith.constant 0 : i32
      %dma_wait3A_966 = tpu.memref_slice %arg8[%scan3A_650, %dma_wait3A_964, %dma_wait3A_965] : memref<3x80x128xf32, #tpu.memory_space<vmem>> -> memref<1x80x128xf32, #tpu.memory_space<vmem>>
      %dma_wait3A_967 = tpu.memref_squeeze %dma_wait3A_966 : memref<1x80x128xf32, #tpu.memory_space<vmem>> -> memref<80x128xf32, #tpu.memory_space<vmem>>
      %dma_wait3A_968 = arith.constant 0 : i32
      %dma_wait3A_969 = tpu.memref_slice %arg6[%scan3A_649, %dma_wait3A_968] : memref<3x80xi32, #tpu.memory_space<vmem>> -> memref<1x80xi32, #tpu.memory_space<vmem>>
      %dma_wait3A_970 = tpu.memref_squeeze %dma_wait3A_969 : memref<1x80xi32, #tpu.memory_space<vmem>> -> memref<80xi32, #tpu.memory_space<vmem>>
      %dma_wait3A_971 = arith.constant 0 : i32
      %dma_wait3A_972 = arith.constant 0 : i32
      %dma_wait3A_973 = tpu.memref_slice %arg2[%dma_wait3A_971, %dma_wait3A_972] : memref<10000x128xf32, #tpu.memory_space<hbm>> -> memref<10000x128xf32, #tpu.memory_space<hbm>>
      tpu.wait_indirect_dma semaphore(%arg14 : memref<!tpu.dma_semaphore, #tpu.memory_space<semaphore_mem>>) src(%dma_wait3A_973 : memref<10000x128xf32, #tpu.memory_space<hbm>>) dst(%dma_wait3A_967 : memref<80x128xf32, #tpu.memory_space<vmem>>)
      %dma_start3A_974 = arith.constant 0 : i32
      %dma_start3A_975 = arith.constant 0 : i32
      %dma_start3A_976 = tpu.memref_slice %arg8[%scan3A_650, %dma_start3A_974, %dma_start3A_975] : memref<3x80x128xf32, #tpu.memory_space<vmem>> -> memref<1x80x128xf32, #tpu.memory_space<vmem>>
      %dma_start3A_977 = tpu.memref_squeeze %dma_start3A_976 : memref<1x80x128xf32, #tpu.memory_space<vmem>> -> memref<80x128xf32, #tpu.memory_space<vmem>>
      %dma_start3A_978 = arith.constant 0 : i32
      %dma_start3A_979 = tpu.memref_slice %arg7[%scan3A_651, %dma_start3A_978] : memref<6x80xi32, #tpu.memory_space<vmem>> -> memref<1x80xi32, #tpu.memory_space<vmem>>
      %dma_start3A_980 = tpu.memref_squeeze %dma_start3A_979 : memref<1x80xi32, #tpu.memory_space<vmem>> -> memref<80xi32, #tpu.memory_space<vmem>>
      %dma_start3A_981 = arith.constant 0 : i32
      %dma_start3A_982 = arith.constant 0 : i32
      %dma_start3A_983 = tpu.memref_slice %arg10[%dma_start3A_981, %dma_start3A_982] : memref<10240x128xf32, #tpu.memory_space<vmem_shared>> -> memref<10240x128xf32, #tpu.memory_space<vmem_shared>>
      tpu.enqueue_indirect_dma source(%dma_start3A_977 : memref<80x128xf32, #tpu.memory_space<vmem>>) target(%dma_start3A_983 : memref<10240x128xf32, #tpu.memory_space<vmem_shared>>) offsets(%dma_start3A_980 : memref<80xi32, #tpu.memory_space<vmem>>) semaphore(%arg17 : memref<!tpu.dma_semaphore, #tpu.memory_space<semaphore_mem>>) {add = true}
      %dma_wait3A_984 = arith.constant 0 : i32
      %dma_wait3A_985 = arith.constant 0 : i32
      %dma_wait3A_986 = tpu.memref_slice %arg8[%scan3A_653, %dma_wait3A_984, %dma_wait3A_985] : memref<3x80x128xf32, #tpu.memory_space<vmem>> -> memref<1x80x128xf32, #tpu.memory_space<vmem>>
      %dma_wait3A_987 = tpu.memref_squeeze %dma_wait3A_986 : memref<1x80x128xf32, #tpu.memory_space<vmem>> -> memref<80x128xf32, #tpu.memory_space<vmem>>
      %dma_wait3A_988 = arith.constant 0 : i32
      %dma_wait3A_989 = tpu.memref_slice %arg6[%scan3A_652, %dma_wait3A_988] : memref<3x80xi32, #tpu.memory_space<vmem>> -> memref<1x80xi32, #tpu.memory_space<vmem>>
      %dma_wait3A_990 = tpu.memref_squeeze %dma_wait3A_989 : memref<1x80xi32, #tpu.memory_space<vmem>> -> memref<80xi32, #tpu.memory_space<vmem>>
      %dma_wait3A_991 = arith.constant 0 : i32
      %dma_wait3A_992 = arith.constant 0 : i32
      %dma_wait3A_993 = tpu.memref_slice %arg2[%dma_wait3A_991, %dma_wait3A_992] : memref<10000x128xf32, #tpu.memory_space<hbm>> -> memref<10000x128xf32, #tpu.memory_space<hbm>>
      tpu.wait_indirect_dma semaphore(%arg15 : memref<!tpu.dma_semaphore, #tpu.memory_space<semaphore_mem>>) src(%dma_wait3A_993 : memref<10000x128xf32, #tpu.memory_space<hbm>>) dst(%dma_wait3A_987 : memref<80x128xf32, #tpu.memory_space<vmem>>)
      %dma_start3A_994 = arith.constant 0 : i32
      %dma_start3A_995 = arith.constant 0 : i32
      %dma_start3A_996 = tpu.memref_slice %arg8[%scan3A_653, %dma_start3A_994, %dma_start3A_995] : memref<3x80x128xf32, #tpu.memory_space<vmem>> -> memref<1x80x128xf32, #tpu.memory_space<vmem>>
      %dma_start3A_997 = tpu.memref_squeeze %dma_start3A_996 : memref<1x80x128xf32, #tpu.memory_space<vmem>> -> memref<80x128xf32, #tpu.memory_space<vmem>>
      %dma_start3A_998 = arith.constant 0 : i32
      %dma_start3A_999 = tpu.memref_slice %arg7[%scan3A_654, %dma_start3A_998] : memref<6x80xi32, #tpu.memory_space<vmem>> -> memref<1x80xi32, #tpu.memory_space<vmem>>
      %dma_start3A_1000 = tpu.memref_squeeze %dma_start3A_999 : memref<1x80xi32, #tpu.memory_space<vmem>> -> memref<80xi32, #tpu.memory_space<vmem>>
      %dma_start3A_1001 = arith.constant 0 : i32
      %dma_start3A_1002 = arith.constant 0 : i32
      %dma_start3A_1003 = tpu.memref_slice %arg10[%dma_start3A_1001, %dma_start3A_1002] : memref<10240x128xf32, #tpu.memory_space<vmem_shared>> -> memref<10240x128xf32, #tpu.memory_space<vmem_shared>>
      tpu.enqueue_indirect_dma source(%dma_start3A_997 : memref<80x128xf32, #tpu.memory_space<vmem>>) target(%dma_start3A_1003 : memref<10240x128xf32, #tpu.memory_space<vmem_shared>>) offsets(%dma_start3A_1000 : memref<80xi32, #tpu.memory_space<vmem>>) semaphore(%arg18 : memref<!tpu.dma_semaphore, #tpu.memory_space<semaphore_mem>>) {add = true}
      %dma_wait3A_1004 = arith.constant 0 : i32
      %dma_wait3A_1005 = arith.constant 0 : i32
      %dma_wait3A_1006 = tpu.memref_slice %arg8[%scan3A_656, %dma_wait3A_1004, %dma_wait3A_1005] : memref<3x80x128xf32, #tpu.memory_space<vmem>> -> memref<1x80x128xf32, #tpu.memory_space<vmem>>
      %dma_wait3A_1007 = tpu.memref_squeeze %dma_wait3A_1006 : memref<1x80x128xf32, #tpu.memory_space<vmem>> -> memref<80x128xf32, #tpu.memory_space<vmem>>
      %dma_wait3A_1008 = arith.constant 0 : i32
      %dma_wait3A_1009 = tpu.memref_slice %arg6[%scan3A_655, %dma_wait3A_1008] : memref<3x80xi32, #tpu.memory_space<vmem>> -> memref<1x80xi32, #tpu.memory_space<vmem>>
      %dma_wait3A_1010 = tpu.memref_squeeze %dma_wait3A_1009 : memref<1x80xi32, #tpu.memory_space<vmem>> -> memref<80xi32, #tpu.memory_space<vmem>>
      %dma_wait3A_1011 = arith.constant 0 : i32
      %dma_wait3A_1012 = arith.constant 0 : i32
      %dma_wait3A_1013 = tpu.memref_slice %arg2[%dma_wait3A_1011, %dma_wait3A_1012] : memref<10000x128xf32, #tpu.memory_space<hbm>> -> memref<10000x128xf32, #tpu.memory_space<hbm>>
      tpu.wait_indirect_dma semaphore(%arg16 : memref<!tpu.dma_semaphore, #tpu.memory_space<semaphore_mem>>) src(%dma_wait3A_1013 : memref<10000x128xf32, #tpu.memory_space<hbm>>) dst(%dma_wait3A_1007 : memref<80x128xf32, #tpu.memory_space<vmem>>)
      %dma_start3A_1014 = arith.constant 0 : i32
      %dma_start3A_1015 = arith.constant 0 : i32
      %dma_start3A_1016 = tpu.memref_slice %arg8[%scan3A_656, %dma_start3A_1014, %dma_start3A_1015] : memref<3x80x128xf32, #tpu.memory_space<vmem>> -> memref<1x80x128xf32, #tpu.memory_space<vmem>>
      %dma_start3A_1017 = tpu.memref_squeeze %dma_start3A_1016 : memref<1x80x128xf32, #tpu.memory_space<vmem>> -> memref<80x128xf32, #tpu.memory_space<vmem>>
      %dma_start3A_1018 = arith.constant 0 : i32
      %dma_start3A_1019 = tpu.memref_slice %arg7[%scan3A_657, %dma_start3A_1018] : memref<6x80xi32, #tpu.memory_space<vmem>> -> memref<1x80xi32, #tpu.memory_space<vmem>>
      %dma_start3A_1020 = tpu.memref_squeeze %dma_start3A_1019 : memref<1x80xi32, #tpu.memory_space<vmem>> -> memref<80xi32, #tpu.memory_space<vmem>>
      %dma_start3A_1021 = arith.constant 0 : i32
      %dma_start3A_1022 = arith.constant 0 : i32
      %dma_start3A_1023 = tpu.memref_slice %arg10[%dma_start3A_1021, %dma_start3A_1022] : memref<10240x128xf32, #tpu.memory_space<vmem_shared>> -> memref<10240x128xf32, #tpu.memory_space<vmem_shared>>
      tpu.enqueue_indirect_dma source(%dma_start3A_1017 : memref<80x128xf32, #tpu.memory_space<vmem>>) target(%dma_start3A_1023 : memref<10240x128xf32, #tpu.memory_space<vmem_shared>>) offsets(%dma_start3A_1020 : memref<80xi32, #tpu.memory_space<vmem>>) semaphore(%arg19 : memref<!tpu.dma_semaphore, #tpu.memory_space<semaphore_mem>>) {add = true}
      %add3A_1024 = arith.constant 0 : i32
      %add3A_1025 = arith.addi %add3A_963, %add3A_1024 : i32
      %mul3A_1026 = arith.constant 80 : i32
      %mul3A_1027 = arith.muli %add3A_1025, %mul3A_1026 : i32
      %add3A_1028 = arith.addi %mul3A_2, %mul3A_1027 : i32
      %dma_start3A_1029 = arith.constant 0 : i32
      %dma_start3A_1030 = tpu.memref_slice %arg6[%scan3A_649, %dma_start3A_1029] : memref<3x80xi32, #tpu.memory_space<vmem>> -> memref<1x80xi32, #tpu.memory_space<vmem>>
      %dma_start3A_1031 = tpu.memref_squeeze %dma_start3A_1030 : memref<1x80xi32, #tpu.memory_space<vmem>> -> memref<80xi32, #tpu.memory_space<vmem>>
      %dma_start3A_1032 = tpu.memref_slice %arg3[%add3A_1028] : memref<320000xi32, #tpu.memory_space<hbm>> -> memref<80xi32, #tpu.memory_space<hbm>>
      %dma_start3A_1033 = arith.constant 0 : i32
      %dma_start3A_1034 = tpu.memref_slice %arg6[%scan3A_649, %dma_start3A_1033] : memref<3x80xi32, #tpu.memory_space<vmem>> -> memref<1x80xi32, #tpu.memory_space<vmem>>
      %dma_start3A_1035 = tpu.memref_squeeze %dma_start3A_1034 : memref<1x80xi32, #tpu.memory_space<vmem>> -> memref<80xi32, #tpu.memory_space<vmem>>
      %dma_start3A_1036 = tpu.memref_slice %arg3[%add3A_1028] : memref<320000xi32, #tpu.memory_space<hbm>> -> memref<80xi32, #tpu.memory_space<hbm>>
      tpu.enqueue_dma source(%dma_start3A_1036 : memref<80xi32, #tpu.memory_space<hbm>>) target(%dma_start3A_1035 : memref<80xi32, #tpu.memory_space<vmem>>) target_semaphore(%arg11 : memref<!tpu.dma_semaphore, #tpu.memory_space<semaphore_mem>>)
      %dma_start3A_1037 = arith.constant 0 : i32
      %dma_start3A_1038 = tpu.memref_slice %arg7[%scan3A_658, %dma_start3A_1037] : memref<6x80xi32, #tpu.memory_space<vmem>> -> memref<1x80xi32, #tpu.memory_space<vmem>>
      %dma_start3A_1039 = tpu.memref_squeeze %dma_start3A_1038 : memref<1x80xi32, #tpu.memory_space<vmem>> -> memref<80xi32, #tpu.memory_space<vmem>>
      %dma_start3A_1040 = tpu.memref_slice %arg4[%add3A_1028] : memref<320000xi32, #tpu.memory_space<hbm>> -> memref<80xi32, #tpu.memory_space<hbm>>
      %dma_start3A_1041 = arith.constant 0 : i32
      %dma_start3A_1042 = tpu.memref_slice %arg7[%scan3A_658, %dma_start3A_1041] : memref<6x80xi32, #tpu.memory_space<vmem>> -> memref<1x80xi32, #tpu.memory_space<vmem>>
      %dma_start3A_1043 = tpu.memref_squeeze %dma_start3A_1042 : memref<1x80xi32, #tpu.memory_space<vmem>> -> memref<80xi32, #tpu.memory_space<vmem>>
      %dma_start3A_1044 = tpu.memref_slice %arg4[%add3A_1028] : memref<320000xi32, #tpu.memory_space<hbm>> -> memref<80xi32, #tpu.memory_space<hbm>>
      tpu.enqueue_dma source(%dma_start3A_1044 : memref<80xi32, #tpu.memory_space<hbm>>) target(%dma_start3A_1043 : memref<80xi32, #tpu.memory_space<vmem>>) target_semaphore(%arg11 : memref<!tpu.dma_semaphore, #tpu.memory_space<semaphore_mem>>)
      %add3A_1045 = arith.constant 1 : i32
      %add3A_1046 = arith.addi %add3A_963, %add3A_1045 : i32
      %mul3A_1047 = arith.constant 80 : i32
      %mul3A_1048 = arith.muli %add3A_1046, %mul3A_1047 : i32
      %add3A_1049 = arith.addi %mul3A_2, %mul3A_1048 : i32
      %dma_start3A_1050 = arith.constant 0 : i32
      %dma_start3A_1051 = tpu.memref_slice %arg6[%scan3A_652, %dma_start3A_1050] : memref<3x80xi32, #tpu.memory_space<vmem>> -> memref<1x80xi32, #tpu.memory_space<vmem>>
      %dma_start3A_1052 = tpu.memref_squeeze %dma_start3A_1051 : memref<1x80xi32, #tpu.memory_space<vmem>> -> memref<80xi32, #tpu.memory_space<vmem>>
      %dma_start3A_1053 = tpu.memref_slice %arg3[%add3A_1049] : memref<320000xi32, #tpu.memory_space<hbm>> -> memref<80xi32, #tpu.memory_space<hbm>>
      %dma_start3A_1054 = arith.constant 0 : i32
      %dma_start3A_1055 = tpu.memref_slice %arg6[%scan3A_652, %dma_start3A_1054] : memref<3x80xi32, #tpu.memory_space<vmem>> -> memref<1x80xi32, #tpu.memory_space<vmem>>
      %dma_start3A_1056 = tpu.memref_squeeze %dma_start3A_1055 : memref<1x80xi32, #tpu.memory_space<vmem>> -> memref<80xi32, #tpu.memory_space<vmem>>
      %dma_start3A_1057 = tpu.memref_slice %arg3[%add3A_1049] : memref<320000xi32, #tpu.memory_space<hbm>> -> memref<80xi32, #tpu.memory_space<hbm>>
      tpu.enqueue_dma source(%dma_start3A_1057 : memref<80xi32, #tpu.memory_space<hbm>>) target(%dma_start3A_1056 : memref<80xi32, #tpu.memory_space<vmem>>) target_semaphore(%arg12 : memref<!tpu.dma_semaphore, #tpu.memory_space<semaphore_mem>>)
      %dma_start3A_1058 = arith.constant 0 : i32
      %dma_start3A_1059 = tpu.memref_slice %arg7[%scan3A_659, %dma_start3A_1058] : memref<6x80xi32, #tpu.memory_space<vmem>> -> memref<1x80xi32, #tpu.memory_space<vmem>>
      %dma_start3A_1060 = tpu.memref_squeeze %dma_start3A_1059 : memref<1x80xi32, #tpu.memory_space<vmem>> -> memref<80xi32, #tpu.memory_space<vmem>>
      %dma_start3A_1061 = tpu.memref_slice %arg4[%add3A_1049] : memref<320000xi32, #tpu.memory_space<hbm>> -> memref<80xi32, #tpu.memory_space<hbm>>
      %dma_start3A_1062 = arith.constant 0 : i32
      %dma_start3A_1063 = tpu.memref_slice %arg7[%scan3A_659, %dma_start3A_1062] : memref<6x80xi32, #tpu.memory_space<vmem>> -> memref<1x80xi32, #tpu.memory_space<vmem>>
      %dma_start3A_1064 = tpu.memref_squeeze %dma_start3A_1063 : memref<1x80xi32, #tpu.memory_space<vmem>> -> memref<80xi32, #tpu.memory_space<vmem>>
      %dma_start3A_1065 = tpu.memref_slice %arg4[%add3A_1049] : memref<320000xi32, #tpu.memory_space<hbm>> -> memref<80xi32, #tpu.memory_space<hbm>>
      tpu.enqueue_dma source(%dma_start3A_1065 : memref<80xi32, #tpu.memory_space<hbm>>) target(%dma_start3A_1064 : memref<80xi32, #tpu.memory_space<vmem>>) target_semaphore(%arg12 : memref<!tpu.dma_semaphore, #tpu.memory_space<semaphore_mem>>)
      %add3A_1066 = arith.constant 2 : i32
      %add3A_1067 = arith.addi %add3A_963, %add3A_1066 : i32
      %mul3A_1068 = arith.constant 80 : i32
      %mul3A_1069 = arith.muli %add3A_1067, %mul3A_1068 : i32
      %add3A_1070 = arith.addi %mul3A_2, %mul3A_1069 : i32
      %dma_start3A_1071 = arith.constant 0 : i32
      %dma_start3A_1072 = tpu.memref_slice %arg6[%scan3A_655, %dma_start3A_1071] : memref<3x80xi32, #tpu.memory_space<vmem>> -> memref<1x80xi32, #tpu.memory_space<vmem>>
      %dma_start3A_1073 = tpu.memref_squeeze %dma_start3A_1072 : memref<1x80xi32, #tpu.memory_space<vmem>> -> memref<80xi32, #tpu.memory_space<vmem>>
      %dma_start3A_1074 = tpu.memref_slice %arg3[%add3A_1070] : memref<320000xi32, #tpu.memory_space<hbm>> -> memref<80xi32, #tpu.memory_space<hbm>>
      %dma_start3A_1075 = arith.constant 0 : i32
      %dma_start3A_1076 = tpu.memref_slice %arg6[%scan3A_655, %dma_start3A_1075] : memref<3x80xi32, #tpu.memory_space<vmem>> -> memref<1x80xi32, #tpu.memory_space<vmem>>
      %dma_start3A_1077 = tpu.memref_squeeze %dma_start3A_1076 : memref<1x80xi32, #tpu.memory_space<vmem>> -> memref<80xi32, #tpu.memory_space<vmem>>
      %dma_start3A_1078 = tpu.memref_slice %arg3[%add3A_1070] : memref<320000xi32, #tpu.memory_space<hbm>> -> memref<80xi32, #tpu.memory_space<hbm>>
      tpu.enqueue_dma source(%dma_start3A_1078 : memref<80xi32, #tpu.memory_space<hbm>>) target(%dma_start3A_1077 : memref<80xi32, #tpu.memory_space<vmem>>) target_semaphore(%arg13 : memref<!tpu.dma_semaphore, #tpu.memory_space<semaphore_mem>>)
      %dma_start3A_1079 = arith.constant 0 : i32
      %dma_start3A_1080 = tpu.memref_slice %arg7[%scan3A_660, %dma_start3A_1079] : memref<6x80xi32, #tpu.memory_space<vmem>> -> memref<1x80xi32, #tpu.memory_space<vmem>>
      %dma_start3A_1081 = tpu.memref_squeeze %dma_start3A_1080 : memref<1x80xi32, #tpu.memory_space<vmem>> -> memref<80xi32, #tpu.memory_space<vmem>>
      %dma_start3A_1082 = tpu.memref_slice %arg4[%add3A_1070] : memref<320000xi32, #tpu.memory_space<hbm>> -> memref<80xi32, #tpu.memory_space<hbm>>
      %dma_start3A_1083 = arith.constant 0 : i32
      %dma_start3A_1084 = tpu.memref_slice %arg7[%scan3A_660, %dma_start3A_1083] : memref<6x80xi32, #tpu.memory_space<vmem>> -> memref<1x80xi32, #tpu.memory_space<vmem>>
      %dma_start3A_1085 = tpu.memref_squeeze %dma_start3A_1084 : memref<1x80xi32, #tpu.memory_space<vmem>> -> memref<80xi32, #tpu.memory_space<vmem>>
      %dma_start3A_1086 = tpu.memref_slice %arg4[%add3A_1070] : memref<320000xi32, #tpu.memory_space<hbm>> -> memref<80xi32, #tpu.memory_space<hbm>>
      tpu.enqueue_dma source(%dma_start3A_1086 : memref<80xi32, #tpu.memory_space<hbm>>) target(%dma_start3A_1085 : memref<80xi32, #tpu.memory_space<vmem>>) target_semaphore(%arg13 : memref<!tpu.dma_semaphore, #tpu.memory_space<semaphore_mem>>)
      %dma_wait3A_1087 = arith.constant 0 : i32
      %dma_wait3A_1088 = arith.constant 0 : i32
      %dma_wait3A_1089 = tpu.memref_slice %arg8[%scan3A_650, %dma_wait3A_1087, %dma_wait3A_1088] : memref<3x80x128xf32, #tpu.memory_space<vmem>> -> memref<1x80x128xf32, #tpu.memory_space<vmem>>
      %dma_wait3A_1090 = tpu.memref_squeeze %dma_wait3A_1089 : memref<1x80x128xf32, #tpu.memory_space<vmem>> -> memref<80x128xf32, #tpu.memory_space<vmem>>
      %dma_wait3A_1091 = arith.constant 0 : i32
      %dma_wait3A_1092 = tpu.memref_slice %arg7[%scan3A_651, %dma_wait3A_1091] : memref<6x80xi32, #tpu.memory_space<vmem>> -> memref<1x80xi32, #tpu.memory_space<vmem>>
      %dma_wait3A_1093 = tpu.memref_squeeze %dma_wait3A_1092 : memref<1x80xi32, #tpu.memory_space<vmem>> -> memref<80xi32, #tpu.memory_space<vmem>>
      %dma_wait3A_1094 = arith.constant 0 : i32
      %dma_wait3A_1095 = arith.constant 0 : i32
      %dma_wait3A_1096 = tpu.memref_slice %arg10[%dma_wait3A_1094, %dma_wait3A_1095] : memref<10240x128xf32, #tpu.memory_space<vmem_shared>> -> memref<10240x128xf32, #tpu.memory_space<vmem_shared>>
      tpu.wait_indirect_dma semaphore(%arg17 : memref<!tpu.dma_semaphore, #tpu.memory_space<semaphore_mem>>) src(%dma_wait3A_1090 : memref<80x128xf32, #tpu.memory_space<vmem>>) dst(%dma_wait3A_1096 : memref<10240x128xf32, #tpu.memory_space<vmem_shared>>)
      %dma_wait3A_1097 = arith.constant 0 : i32
      %dma_wait3A_1098 = arith.constant 0 : i32
      %dma_wait3A_1099 = tpu.memref_slice %arg8[%scan3A_653, %dma_wait3A_1097, %dma_wait3A_1098] : memref<3x80x128xf32, #tpu.memory_space<vmem>> -> memref<1x80x128xf32, #tpu.memory_space<vmem>>
      %dma_wait3A_1100 = tpu.memref_squeeze %dma_wait3A_1099 : memref<1x80x128xf32, #tpu.memory_space<vmem>> -> memref<80x128xf32, #tpu.memory_space<vmem>>
      %dma_wait3A_1101 = arith.constant 0 : i32
      %dma_wait3A_1102 = tpu.memref_slice %arg7[%scan3A_654, %dma_wait3A_1101] : memref<6x80xi32, #tpu.memory_space<vmem>> -> memref<1x80xi32, #tpu.memory_space<vmem>>
      %dma_wait3A_1103 = tpu.memref_squeeze %dma_wait3A_1102 : memref<1x80xi32, #tpu.memory_space<vmem>> -> memref<80xi32, #tpu.memory_space<vmem>>
      %dma_wait3A_1104 = arith.constant 0 : i32
      %dma_wait3A_1105 = arith.constant 0 : i32
      %dma_wait3A_1106 = tpu.memref_slice %arg10[%dma_wait3A_1104, %dma_wait3A_1105] : memref<10240x128xf32, #tpu.memory_space<vmem_shared>> -> memref<10240x128xf32, #tpu.memory_space<vmem_shared>>
      tpu.wait_indirect_dma semaphore(%arg18 : memref<!tpu.dma_semaphore, #tpu.memory_space<semaphore_mem>>) src(%dma_wait3A_1100 : memref<80x128xf32, #tpu.memory_space<vmem>>) dst(%dma_wait3A_1106 : memref<10240x128xf32, #tpu.memory_space<vmem_shared>>)
      %dma_wait3A_1107 = arith.constant 0 : i32
      %dma_wait3A_1108 = arith.constant 0 : i32
      %dma_wait3A_1109 = tpu.memref_slice %arg8[%scan3A_656, %dma_wait3A_1107, %dma_wait3A_1108] : memref<3x80x128xf32, #tpu.memory_space<vmem>> -> memref<1x80x128xf32, #tpu.memory_space<vmem>>
      %dma_wait3A_1110 = tpu.memref_squeeze %dma_wait3A_1109 : memref<1x80x128xf32, #tpu.memory_space<vmem>> -> memref<80x128xf32, #tpu.memory_space<vmem>>
      %dma_wait3A_1111 = arith.constant 0 : i32
      %dma_wait3A_1112 = tpu.memref_slice %arg7[%scan3A_657, %dma_wait3A_1111] : memref<6x80xi32, #tpu.memory_space<vmem>> -> memref<1x80xi32, #tpu.memory_space<vmem>>
      %dma_wait3A_1113 = tpu.memref_squeeze %dma_wait3A_1112 : memref<1x80xi32, #tpu.memory_space<vmem>> -> memref<80xi32, #tpu.memory_space<vmem>>
      %dma_wait3A_1114 = arith.constant 0 : i32
      %dma_wait3A_1115 = arith.constant 0 : i32
      %dma_wait3A_1116 = tpu.memref_slice %arg10[%dma_wait3A_1114, %dma_wait3A_1115] : memref<10240x128xf32, #tpu.memory_space<vmem_shared>> -> memref<10240x128xf32, #tpu.memory_space<vmem_shared>>
      tpu.wait_indirect_dma semaphore(%arg19 : memref<!tpu.dma_semaphore, #tpu.memory_space<semaphore_mem>>) src(%dma_wait3A_1110 : memref<80x128xf32, #tpu.memory_space<vmem>>) dst(%dma_wait3A_1116 : memref<10240x128xf32, #tpu.memory_space<vmem_shared>>)
      %dma_wait3A_1117 = arith.constant 0 : i32
      %dma_wait3A_1118 = tpu.memref_slice %arg6[%scan3A_649, %dma_wait3A_1117] : memref<3x80xi32, #tpu.memory_space<vmem>> -> memref<1x80xi32, #tpu.memory_space<vmem>>
      %dma_wait3A_1119 = tpu.memref_squeeze %dma_wait3A_1118 : memref<1x80xi32, #tpu.memory_space<vmem>> -> memref<80xi32, #tpu.memory_space<vmem>>
      %dma_wait3A_1120 = arith.constant 0 : i32
      %dma_wait3A_1121 = tpu.memref_slice %arg3[%dma_wait3A_1120] : memref<320000xi32, #tpu.memory_space<hbm>> -> memref<80xi32, #tpu.memory_space<hbm>>
      %dma_wait3A_1122 = arith.constant 0 : i32
      %dma_wait3A_1123 = tpu.memref_slice %arg6[%scan3A_649, %dma_wait3A_1122] : memref<3x80xi32, #tpu.memory_space<vmem>> -> memref<1x80xi32, #tpu.memory_space<vmem>>
      %dma_wait3A_1124 = tpu.memref_squeeze %dma_wait3A_1123 : memref<1x80xi32, #tpu.memory_space<vmem>> -> memref<80xi32, #tpu.memory_space<vmem>>
      %dma_wait3A_1125 = arith.constant 0 : i32
      %dma_wait3A_1126 = tpu.memref_slice %arg3[%dma_wait3A_1125] : memref<320000xi32, #tpu.memory_space<hbm>> -> memref<80xi32, #tpu.memory_space<hbm>>
      tpu.wait_dma2 semaphore(%arg11 : memref<!tpu.dma_semaphore, #tpu.memory_space<semaphore_mem>>) src(%dma_wait3A_1126 : memref<80xi32, #tpu.memory_space<hbm>>) dst(%dma_wait3A_1124 : memref<80xi32, #tpu.memory_space<vmem>>)
      %dma_wait3A_1127 = arith.constant 0 : i32
      %dma_wait3A_1128 = tpu.memref_slice %arg7[%scan3A_658, %dma_wait3A_1127] : memref<6x80xi32, #tpu.memory_space<vmem>> -> memref<1x80xi32, #tpu.memory_space<vmem>>
      %dma_wait3A_1129 = tpu.memref_squeeze %dma_wait3A_1128 : memref<1x80xi32, #tpu.memory_space<vmem>> -> memref<80xi32, #tpu.memory_space<vmem>>
      %dma_wait3A_1130 = arith.constant 0 : i32
      %dma_wait3A_1131 = tpu.memref_slice %arg3[%dma_wait3A_1130] : memref<320000xi32, #tpu.memory_space<hbm>> -> memref<80xi32, #tpu.memory_space<hbm>>
      %dma_wait3A_1132 = arith.constant 0 : i32
      %dma_wait3A_1133 = tpu.memref_slice %arg7[%scan3A_658, %dma_wait3A_1132] : memref<6x80xi32, #tpu.memory_space<vmem>> -> memref<1x80xi32, #tpu.memory_space<vmem>>
      %dma_wait3A_1134 = tpu.memref_squeeze %dma_wait3A_1133 : memref<1x80xi32, #tpu.memory_space<vmem>> -> memref<80xi32, #tpu.memory_space<vmem>>
      %dma_wait3A_1135 = arith.constant 0 : i32
      %dma_wait3A_1136 = tpu.memref_slice %arg3[%dma_wait3A_1135] : memref<320000xi32, #tpu.memory_space<hbm>> -> memref<80xi32, #tpu.memory_space<hbm>>
      tpu.wait_dma2 semaphore(%arg11 : memref<!tpu.dma_semaphore, #tpu.memory_space<semaphore_mem>>) src(%dma_wait3A_1136 : memref<80xi32, #tpu.memory_space<hbm>>) dst(%dma_wait3A_1134 : memref<80xi32, #tpu.memory_space<vmem>>)
      %dma_start3A_1137 = arith.constant 0 : i32
      %dma_start3A_1138 = arith.constant 0 : i32
      %dma_start3A_1139 = tpu.memref_slice %arg8[%scan3A_650, %dma_start3A_1137, %dma_start3A_1138] : memref<3x80x128xf32, #tpu.memory_space<vmem>> -> memref<1x80x128xf32, #tpu.memory_space<vmem>>
      %dma_start3A_1140 = tpu.memref_squeeze %dma_start3A_1139 : memref<1x80x128xf32, #tpu.memory_space<vmem>> -> memref<80x128xf32, #tpu.memory_space<vmem>>
      %dma_start3A_1141 = arith.constant 0 : i32
      %dma_start3A_1142 = tpu.memref_slice %arg6[%scan3A_649, %dma_start3A_1141] : memref<3x80xi32, #tpu.memory_space<vmem>> -> memref<1x80xi32, #tpu.memory_space<vmem>>
      %dma_start3A_1143 = tpu.memref_squeeze %dma_start3A_1142 : memref<1x80xi32, #tpu.memory_space<vmem>> -> memref<80xi32, #tpu.memory_space<vmem>>
      %dma_start3A_1144 = arith.constant 0 : i32
      %dma_start3A_1145 = arith.constant 0 : i32
      %dma_start3A_1146 = tpu.memref_slice %arg2[%dma_start3A_1144, %dma_start3A_1145] : memref<10000x128xf32, #tpu.memory_space<hbm>> -> memref<10000x128xf32, #tpu.memory_space<hbm>>
      tpu.enqueue_indirect_dma source(%dma_start3A_1146 : memref<10000x128xf32, #tpu.memory_space<hbm>>) target(%dma_start3A_1140 : memref<80x128xf32, #tpu.memory_space<vmem>>) offsets(%dma_start3A_1143 : memref<80xi32, #tpu.memory_space<vmem>>) semaphore(%arg14 : memref<!tpu.dma_semaphore, #tpu.memory_space<semaphore_mem>>)
      %dma_wait3A_1147 = arith.constant 0 : i32
      %dma_wait3A_1148 = tpu.memref_slice %arg6[%scan3A_652, %dma_wait3A_1147] : memref<3x80xi32, #tpu.memory_space<vmem>> -> memref<1x80xi32, #tpu.memory_space<vmem>>
      %dma_wait3A_1149 = tpu.memref_squeeze %dma_wait3A_1148 : memref<1x80xi32, #tpu.memory_space<vmem>> -> memref<80xi32, #tpu.memory_space<vmem>>
      %dma_wait3A_1150 = arith.constant 0 : i32
      %dma_wait3A_1151 = tpu.memref_slice %arg3[%dma_wait3A_1150] : memref<320000xi32, #tpu.memory_space<hbm>> -> memref<80xi32, #tpu.memory_space<hbm>>
      %dma_wait3A_1152 = arith.constant 0 : i32
      %dma_wait3A_1153 = tpu.memref_slice %arg6[%scan3A_652, %dma_wait3A_1152] : memref<3x80xi32, #tpu.memory_space<vmem>> -> memref<1x80xi32, #tpu.memory_space<vmem>>
      %dma_wait3A_1154 = tpu.memref_squeeze %dma_wait3A_1153 : memref<1x80xi32, #tpu.memory_space<vmem>> -> memref<80xi32, #tpu.memory_space<vmem>>
      %dma_wait3A_1155 = arith.constant 0 : i32
      %dma_wait3A_1156 = tpu.memref_slice %arg3[%dma_wait3A_1155] : memref<320000xi32, #tpu.memory_space<hbm>> -> memref<80xi32, #tpu.memory_space<hbm>>
      tpu.wait_dma2 semaphore(%arg12 : memref<!tpu.dma_semaphore, #tpu.memory_space<semaphore_mem>>) src(%dma_wait3A_1156 : memref<80xi32, #tpu.memory_space<hbm>>) dst(%dma_wait3A_1154 : memref<80xi32, #tpu.memory_space<vmem>>)
      %dma_wait3A_1157 = arith.constant 0 : i32
      %dma_wait3A_1158 = tpu.memref_slice %arg7[%scan3A_659, %dma_wait3A_1157] : memref<6x80xi32, #tpu.memory_space<vmem>> -> memref<1x80xi32, #tpu.memory_space<vmem>>
      %dma_wait3A_1159 = tpu.memref_squeeze %dma_wait3A_1158 : memref<1x80xi32, #tpu.memory_space<vmem>> -> memref<80xi32, #tpu.memory_space<vmem>>
      %dma_wait3A_1160 = arith.constant 0 : i32
      %dma_wait3A_1161 = tpu.memref_slice %arg3[%dma_wait3A_1160] : memref<320000xi32, #tpu.memory_space<hbm>> -> memref<80xi32, #tpu.memory_space<hbm>>
      %dma_wait3A_1162 = arith.constant 0 : i32
      %dma_wait3A_1163 = tpu.memref_slice %arg7[%scan3A_659, %dma_wait3A_1162] : memref<6x80xi32, #tpu.memory_space<vmem>> -> memref<1x80xi32, #tpu.memory_space<vmem>>
      %dma_wait3A_1164 = tpu.memref_squeeze %dma_wait3A_1163 : memref<1x80xi32, #tpu.memory_space<vmem>> -> memref<80xi32, #tpu.memory_space<vmem>>
      %dma_wait3A_1165 = arith.constant 0 : i32
      %dma_wait3A_1166 = tpu.memref_slice %arg3[%dma_wait3A_1165] : memref<320000xi32, #tpu.memory_space<hbm>> -> memref<80xi32, #tpu.memory_space<hbm>>
      tpu.wait_dma2 semaphore(%arg12 : memref<!tpu.dma_semaphore, #tpu.memory_space<semaphore_mem>>) src(%dma_wait3A_1166 : memref<80xi32, #tpu.memory_space<hbm>>) dst(%dma_wait3A_1164 : memref<80xi32, #tpu.memory_space<vmem>>)
      %dma_start3A_1167 = arith.constant 0 : i32
      %dma_start3A_1168 = arith.constant 0 : i32
      %dma_start3A_1169 = tpu.memref_slice %arg8[%scan3A_653, %dma_start3A_1167, %dma_start3A_1168] : memref<3x80x128xf32, #tpu.memory_space<vmem>> -> memref<1x80x128xf32, #tpu.memory_space<vmem>>
      %dma_start3A_1170 = tpu.memref_squeeze %dma_start3A_1169 : memref<1x80x128xf32, #tpu.memory_space<vmem>> -> memref<80x128xf32, #tpu.memory_space<vmem>>
      %dma_start3A_1171 = arith.constant 0 : i32
      %dma_start3A_1172 = tpu.memref_slice %arg6[%scan3A_652, %dma_start3A_1171] : memref<3x80xi32, #tpu.memory_space<vmem>> -> memref<1x80xi32, #tpu.memory_space<vmem>>
      %dma_start3A_1173 = tpu.memref_squeeze %dma_start3A_1172 : memref<1x80xi32, #tpu.memory_space<vmem>> -> memref<80xi32, #tpu.memory_space<vmem>>
      %dma_start3A_1174 = arith.constant 0 : i32
      %dma_start3A_1175 = arith.constant 0 : i32
      %dma_start3A_1176 = tpu.memref_slice %arg2[%dma_start3A_1174, %dma_start3A_1175] : memref<10000x128xf32, #tpu.memory_space<hbm>> -> memref<10000x128xf32, #tpu.memory_space<hbm>>
      tpu.enqueue_indirect_dma source(%dma_start3A_1176 : memref<10000x128xf32, #tpu.memory_space<hbm>>) target(%dma_start3A_1170 : memref<80x128xf32, #tpu.memory_space<vmem>>) offsets(%dma_start3A_1173 : memref<80xi32, #tpu.memory_space<vmem>>) semaphore(%arg15 : memref<!tpu.dma_semaphore, #tpu.memory_space<semaphore_mem>>)
      %dma_wait3A_1177 = arith.constant 0 : i32
      %dma_wait3A_1178 = tpu.memref_slice %arg6[%scan3A_655, %dma_wait3A_1177] : memref<3x80xi32, #tpu.memory_space<vmem>> -> memref<1x80xi32, #tpu.memory_space<vmem>>
      %dma_wait3A_1179 = tpu.memref_squeeze %dma_wait3A_1178 : memref<1x80xi32, #tpu.memory_space<vmem>> -> memref<80xi32, #tpu.memory_space<vmem>>
      %dma_wait3A_1180 = arith.constant 0 : i32
      %dma_wait3A_1181 = tpu.memref_slice %arg3[%dma_wait3A_1180] : memref<320000xi32, #tpu.memory_space<hbm>> -> memref<80xi32, #tpu.memory_space<hbm>>
      %dma_wait3A_1182 = arith.constant 0 : i32
      %dma_wait3A_1183 = tpu.memref_slice %arg6[%scan3A_655, %dma_wait3A_1182] : memref<3x80xi32, #tpu.memory_space<vmem>> -> memref<1x80xi32, #tpu.memory_space<vmem>>
      %dma_wait3A_1184 = tpu.memref_squeeze %dma_wait3A_1183 : memref<1x80xi32, #tpu.memory_space<vmem>> -> memref<80xi32, #tpu.memory_space<vmem>>
      %dma_wait3A_1185 = arith.constant 0 : i32
      %dma_wait3A_1186 = tpu.memref_slice %arg3[%dma_wait3A_1185] : memref<320000xi32, #tpu.memory_space<hbm>> -> memref<80xi32, #tpu.memory_space<hbm>>
      tpu.wait_dma2 semaphore(%arg13 : memref<!tpu.dma_semaphore, #tpu.memory_space<semaphore_mem>>) src(%dma_wait3A_1186 : memref<80xi32, #tpu.memory_space<hbm>>) dst(%dma_wait3A_1184 : memref<80xi32, #tpu.memory_space<vmem>>)
      %dma_wait3A_1187 = arith.constant 0 : i32
      %dma_wait3A_1188 = tpu.memref_slice %arg7[%scan3A_660, %dma_wait3A_1187] : memref<6x80xi32, #tpu.memory_space<vmem>> -> memref<1x80xi32, #tpu.memory_space<vmem>>
      %dma_wait3A_1189 = tpu.memref_squeeze %dma_wait3A_1188 : memref<1x80xi32, #tpu.memory_space<vmem>> -> memref<80xi32, #tpu.memory_space<vmem>>
      %dma_wait3A_1190 = arith.constant 0 : i32
      %dma_wait3A_1191 = tpu.memref_slice %arg3[%dma_wait3A_1190] : memref<320000xi32, #tpu.memory_space<hbm>> -> memref<80xi32, #tpu.memory_space<hbm>>
      %dma_wait3A_1192 = arith.constant 0 : i32
      %dma_wait3A_1193 = tpu.memref_slice %arg7[%scan3A_660, %dma_wait3A_1192] : memref<6x80xi32, #tpu.memory_space<vmem>> -> memref<1x80xi32, #tpu.memory_space<vmem>>
      %dma_wait3A_1194 = tpu.memref_squeeze %dma_wait3A_1193 : memref<1x80xi32, #tpu.memory_space<vmem>> -> memref<80xi32, #tpu.memory_space<vmem>>
      %dma_wait3A_1195 = arith.constant 0 : i32
      %dma_wait3A_1196 = tpu.memref_slice %arg3[%dma_wait3A_1195] : memref<320000xi32, #tpu.memory_space<hbm>> -> memref<80xi32, #tpu.memory_space<hbm>>
      tpu.wait_dma2 semaphore(%arg13 : memref<!tpu.dma_semaphore, #tpu.memory_space<semaphore_mem>>) src(%dma_wait3A_1196 : memref<80xi32, #tpu.memory_space<hbm>>) dst(%dma_wait3A_1194 : memref<80xi32, #tpu.memory_space<vmem>>)
      %dma_start3A_1197 = arith.constant 0 : i32
      %dma_start3A_1198 = arith.constant 0 : i32
      %dma_start3A_1199 = tpu.memref_slice %arg8[%scan3A_656, %dma_start3A_1197, %dma_start3A_1198] : memref<3x80x128xf32, #tpu.memory_space<vmem>> -> memref<1x80x128xf32, #tpu.memory_space<vmem>>
      %dma_start3A_1200 = tpu.memref_squeeze %dma_start3A_1199 : memref<1x80x128xf32, #tpu.memory_space<vmem>> -> memref<80x128xf32, #tpu.memory_space<vmem>>
      %dma_start3A_1201 = arith.constant 0 : i32
      %dma_start3A_1202 = tpu.memref_slice %arg6[%scan3A_655, %dma_start3A_1201] : memref<3x80xi32, #tpu.memory_space<vmem>> -> memref<1x80xi32, #tpu.memory_space<vmem>>
      %dma_start3A_1203 = tpu.memref_squeeze %dma_start3A_1202 : memref<1x80xi32, #tpu.memory_space<vmem>> -> memref<80xi32, #tpu.memory_space<vmem>>
      %dma_start3A_1204 = arith.constant 0 : i32
      %dma_start3A_1205 = arith.constant 0 : i32
      %dma_start3A_1206 = tpu.memref_slice %arg2[%dma_start3A_1204, %dma_start3A_1205] : memref<10000x128xf32, #tpu.memory_space<hbm>> -> memref<10000x128xf32, #tpu.memory_space<hbm>>
      tpu.enqueue_indirect_dma source(%dma_start3A_1206 : memref<10000x128xf32, #tpu.memory_space<hbm>>) target(%dma_start3A_1200 : memref<80x128xf32, #tpu.memory_space<vmem>>) offsets(%dma_start3A_1203 : memref<80xi32, #tpu.memory_space<vmem>>) semaphore(%arg16 : memref<!tpu.dma_semaphore, #tpu.memory_space<semaphore_mem>>)
      %add3A_1207 = arith.constant 3 : i32
      %add3A_1208 = arith.addi %mul3A_961, %add3A_1207 : i32
      %add3A_1209 = arith.constant 6 : i32
      %add3A_1210 = arith.addi %mul3A_961, %add3A_1209 : i32
      %dma_wait3A_1211 = arith.constant 0 : i32
      %dma_wait3A_1212 = arith.constant 0 : i32
      %dma_wait3A_1213 = tpu.memref_slice %arg8[%scan3A_650, %dma_wait3A_1211, %dma_wait3A_1212] : memref<3x80x128xf32, #tpu.memory_space<vmem>> -> memref<1x80x128xf32, #tpu.memory_space<vmem>>
      %dma_wait3A_1214 = tpu.memref_squeeze %dma_wait3A_1213 : memref<1x80x128xf32, #tpu.memory_space<vmem>> -> memref<80x128xf32, #tpu.memory_space<vmem>>
      %dma_wait3A_1215 = arith.constant 0 : i32
      %dma_wait3A_1216 = tpu.memref_slice %arg6[%scan3A_649, %dma_wait3A_1215] : memref<3x80xi32, #tpu.memory_space<vmem>> -> memref<1x80xi32, #tpu.memory_space<vmem>>
      %dma_wait3A_1217 = tpu.memref_squeeze %dma_wait3A_1216 : memref<1x80xi32, #tpu.memory_space<vmem>> -> memref<80xi32, #tpu.memory_space<vmem>>
      %dma_wait3A_1218 = arith.constant 0 : i32
      %dma_wait3A_1219 = arith.constant 0 : i32
      %dma_wait3A_1220 = tpu.memref_slice %arg2[%dma_wait3A_1218, %dma_wait3A_1219] : memref<10000x128xf32, #tpu.memory_space<hbm>> -> memref<10000x128xf32, #tpu.memory_space<hbm>>
      tpu.wait_indirect_dma semaphore(%arg14 : memref<!tpu.dma_semaphore, #tpu.memory_space<semaphore_mem>>) src(%dma_wait3A_1220 : memref<10000x128xf32, #tpu.memory_space<hbm>>) dst(%dma_wait3A_1214 : memref<80x128xf32, #tpu.memory_space<vmem>>)
      %dma_start3A_1221 = arith.constant 0 : i32
      %dma_start3A_1222 = arith.constant 0 : i32
      %dma_start3A_1223 = tpu.memref_slice %arg8[%scan3A_650, %dma_start3A_1221, %dma_start3A_1222] : memref<3x80x128xf32, #tpu.memory_space<vmem>> -> memref<1x80x128xf32, #tpu.memory_space<vmem>>
      %dma_start3A_1224 = tpu.memref_squeeze %dma_start3A_1223 : memref<1x80x128xf32, #tpu.memory_space<vmem>> -> memref<80x128xf32, #tpu.memory_space<vmem>>
      %dma_start3A_1225 = arith.constant 0 : i32
      %dma_start3A_1226 = tpu.memref_slice %arg7[%scan3A_658, %dma_start3A_1225] : memref<6x80xi32, #tpu.memory_space<vmem>> -> memref<1x80xi32, #tpu.memory_space<vmem>>
      %dma_start3A_1227 = tpu.memref_squeeze %dma_start3A_1226 : memref<1x80xi32, #tpu.memory_space<vmem>> -> memref<80xi32, #tpu.memory_space<vmem>>
      %dma_start3A_1228 = arith.constant 0 : i32
      %dma_start3A_1229 = arith.constant 0 : i32
      %dma_start3A_1230 = tpu.memref_slice %arg10[%dma_start3A_1228, %dma_start3A_1229] : memref<10240x128xf32, #tpu.memory_space<vmem_shared>> -> memref<10240x128xf32, #tpu.memory_space<vmem_shared>>
      tpu.enqueue_indirect_dma source(%dma_start3A_1224 : memref<80x128xf32, #tpu.memory_space<vmem>>) target(%dma_start3A_1230 : memref<10240x128xf32, #tpu.memory_space<vmem_shared>>) offsets(%dma_start3A_1227 : memref<80xi32, #tpu.memory_space<vmem>>) semaphore(%arg17 : memref<!tpu.dma_semaphore, #tpu.memory_space<semaphore_mem>>) {add = true}
      %dma_wait3A_1231 = arith.constant 0 : i32
      %dma_wait3A_1232 = arith.constant 0 : i32
      %dma_wait3A_1233 = tpu.memref_slice %arg8[%scan3A_653, %dma_wait3A_1231, %dma_wait3A_1232] : memref<3x80x128xf32, #tpu.memory_space<vmem>> -> memref<1x80x128xf32, #tpu.memory_space<vmem>>
      %dma_wait3A_1234 = tpu.memref_squeeze %dma_wait3A_1233 : memref<1x80x128xf32, #tpu.memory_space<vmem>> -> memref<80x128xf32, #tpu.memory_space<vmem>>
      %dma_wait3A_1235 = arith.constant 0 : i32
      %dma_wait3A_1236 = tpu.memref_slice %arg6[%scan3A_652, %dma_wait3A_1235] : memref<3x80xi32, #tpu.memory_space<vmem>> -> memref<1x80xi32, #tpu.memory_space<vmem>>
      %dma_wait3A_1237 = tpu.memref_squeeze %dma_wait3A_1236 : memref<1x80xi32, #tpu.memory_space<vmem>> -> memref<80xi32, #tpu.memory_space<vmem>>
      %dma_wait3A_1238 = arith.constant 0 : i32
      %dma_wait3A_1239 = arith.constant 0 : i32
      %dma_wait3A_1240 = tpu.memref_slice %arg2[%dma_wait3A_1238, %dma_wait3A_1239] : memref<10000x128xf32, #tpu.memory_space<hbm>> -> memref<10000x128xf32, #tpu.memory_space<hbm>>
      tpu.wait_indirect_dma semaphore(%arg15 : memref<!tpu.dma_semaphore, #tpu.memory_space<semaphore_mem>>) src(%dma_wait3A_1240 : memref<10000x128xf32, #tpu.memory_space<hbm>>) dst(%dma_wait3A_1234 : memref<80x128xf32, #tpu.memory_space<vmem>>)
      %dma_start3A_1241 = arith.constant 0 : i32
      %dma_start3A_1242 = arith.constant 0 : i32
      %dma_start3A_1243 = tpu.memref_slice %arg8[%scan3A_653, %dma_start3A_1241, %dma_start3A_1242] : memref<3x80x128xf32, #tpu.memory_space<vmem>> -> memref<1x80x128xf32, #tpu.memory_space<vmem>>
      %dma_start3A_1244 = tpu.memref_squeeze %dma_start3A_1243 : memref<1x80x128xf32, #tpu.memory_space<vmem>> -> memref<80x128xf32, #tpu.memory_space<vmem>>
      %dma_start3A_1245 = arith.constant 0 : i32
      %dma_start3A_1246 = tpu.memref_slice %arg7[%scan3A_659, %dma_start3A_1245] : memref<6x80xi32, #tpu.memory_space<vmem>> -> memref<1x80xi32, #tpu.memory_space<vmem>>
      %dma_start3A_1247 = tpu.memref_squeeze %dma_start3A_1246 : memref<1x80xi32, #tpu.memory_space<vmem>> -> memref<80xi32, #tpu.memory_space<vmem>>
      %dma_start3A_1248 = arith.constant 0 : i32
      %dma_start3A_1249 = arith.constant 0 : i32
      %dma_start3A_1250 = tpu.memref_slice %arg10[%dma_start3A_1248, %dma_start3A_1249] : memref<10240x128xf32, #tpu.memory_space<vmem_shared>> -> memref<10240x128xf32, #tpu.memory_space<vmem_shared>>
      tpu.enqueue_indirect_dma source(%dma_start3A_1244 : memref<80x128xf32, #tpu.memory_space<vmem>>) target(%dma_start3A_1250 : memref<10240x128xf32, #tpu.memory_space<vmem_shared>>) offsets(%dma_start3A_1247 : memref<80xi32, #tpu.memory_space<vmem>>) semaphore(%arg18 : memref<!tpu.dma_semaphore, #tpu.memory_space<semaphore_mem>>) {add = true}
      %dma_wait3A_1251 = arith.constant 0 : i32
      %dma_wait3A_1252 = arith.constant 0 : i32
      %dma_wait3A_1253 = tpu.memref_slice %arg8[%scan3A_656, %dma_wait3A_1251, %dma_wait3A_1252] : memref<3x80x128xf32, #tpu.memory_space<vmem>> -> memref<1x80x128xf32, #tpu.memory_space<vmem>>
      %dma_wait3A_1254 = tpu.memref_squeeze %dma_wait3A_1253 : memref<1x80x128xf32, #tpu.memory_space<vmem>> -> memref<80x128xf32, #tpu.memory_space<vmem>>
      %dma_wait3A_1255 = arith.constant 0 : i32
      %dma_wait3A_1256 = tpu.memref_slice %arg6[%scan3A_655, %dma_wait3A_1255] : memref<3x80xi32, #tpu.memory_space<vmem>> -> memref<1x80xi32, #tpu.memory_space<vmem>>
      %dma_wait3A_1257 = tpu.memref_squeeze %dma_wait3A_1256 : memref<1x80xi32, #tpu.memory_space<vmem>> -> memref<80xi32, #tpu.memory_space<vmem>>
      %dma_wait3A_1258 = arith.constant 0 : i32
      %dma_wait3A_1259 = arith.constant 0 : i32
      %dma_wait3A_1260 = tpu.memref_slice %arg2[%dma_wait3A_1258, %dma_wait3A_1259] : memref<10000x128xf32, #tpu.memory_space<hbm>> -> memref<10000x128xf32, #tpu.memory_space<hbm>>
      tpu.wait_indirect_dma semaphore(%arg16 : memref<!tpu.dma_semaphore, #tpu.memory_space<semaphore_mem>>) src(%dma_wait3A_1260 : memref<10000x128xf32, #tpu.memory_space<hbm>>) dst(%dma_wait3A_1254 : memref<80x128xf32, #tpu.memory_space<vmem>>)
      %dma_start3A_1261 = arith.constant 0 : i32
      %dma_start3A_1262 = arith.constant 0 : i32
      %dma_start3A_1263 = tpu.memref_slice %arg8[%scan3A_656, %dma_start3A_1261, %dma_start3A_1262] : memref<3x80x128xf32, #tpu.memory_space<vmem>> -> memref<1x80x128xf32, #tpu.memory_space<vmem>>
      %dma_start3A_1264 = tpu.memref_squeeze %dma_start3A_1263 : memref<1x80x128xf32, #tpu.memory_space<vmem>> -> memref<80x128xf32, #tpu.memory_space<vmem>>
      %dma_start3A_1265 = arith.constant 0 : i32
      %dma_start3A_1266 = tpu.memref_slice %arg7[%scan3A_660, %dma_start3A_1265] : memref<6x80xi32, #tpu.memory_space<vmem>> -> memref<1x80xi32, #tpu.memory_space<vmem>>
      %dma_start3A_1267 = tpu.memref_squeeze %dma_start3A_1266 : memref<1x80xi32, #tpu.memory_space<vmem>> -> memref<80xi32, #tpu.memory_space<vmem>>
      %dma_start3A_1268 = arith.constant 0 : i32
      %dma_start3A_1269 = arith.constant 0 : i32
      %dma_start3A_1270 = tpu.memref_slice %arg10[%dma_start3A_1268, %dma_start3A_1269] : memref<10240x128xf32, #tpu.memory_space<vmem_shared>> -> memref<10240x128xf32, #tpu.memory_space<vmem_shared>>
      tpu.enqueue_indirect_dma source(%dma_start3A_1264 : memref<80x128xf32, #tpu.memory_space<vmem>>) target(%dma_start3A_1270 : memref<10240x128xf32, #tpu.memory_space<vmem_shared>>) offsets(%dma_start3A_1267 : memref<80xi32, #tpu.memory_space<vmem>>) semaphore(%arg19 : memref<!tpu.dma_semaphore, #tpu.memory_space<semaphore_mem>>) {add = true}
      %add3A_1271 = arith.constant 0 : i32
      %add3A_1272 = arith.addi %add3A_1210, %add3A_1271 : i32
      %mul3A_1273 = arith.constant 80 : i32
      %mul3A_1274 = arith.muli %add3A_1272, %mul3A_1273 : i32
      %add3A_1275 = arith.addi %mul3A_2, %mul3A_1274 : i32
      %dma_start3A_1276 = arith.constant 0 : i32
      %dma_start3A_1277 = tpu.memref_slice %arg6[%scan3A_649, %dma_start3A_1276] : memref<3x80xi32, #tpu.memory_space<vmem>> -> memref<1x80xi32, #tpu.memory_space<vmem>>
      %dma_start3A_1278 = tpu.memref_squeeze %dma_start3A_1277 : memref<1x80xi32, #tpu.memory_space<vmem>> -> memref<80xi32, #tpu.memory_space<vmem>>
      %dma_start3A_1279 = tpu.memref_slice %arg3[%add3A_1275] : memref<320000xi32, #tpu.memory_space<hbm>> -> memref<80xi32, #tpu.memory_space<hbm>>
      %dma_start3A_1280 = arith.constant 0 : i32
      %dma_start3A_1281 = tpu.memref_slice %arg6[%scan3A_649, %dma_start3A_1280] : memref<3x80xi32, #tpu.memory_space<vmem>> -> memref<1x80xi32, #tpu.memory_space<vmem>>
      %dma_start3A_1282 = tpu.memref_squeeze %dma_start3A_1281 : memref<1x80xi32, #tpu.memory_space<vmem>> -> memref<80xi32, #tpu.memory_space<vmem>>
      %dma_start3A_1283 = tpu.memref_slice %arg3[%add3A_1275] : memref<320000xi32, #tpu.memory_space<hbm>> -> memref<80xi32, #tpu.memory_space<hbm>>
      tpu.enqueue_dma source(%dma_start3A_1283 : memref<80xi32, #tpu.memory_space<hbm>>) target(%dma_start3A_1282 : memref<80xi32, #tpu.memory_space<vmem>>) target_semaphore(%arg11 : memref<!tpu.dma_semaphore, #tpu.memory_space<semaphore_mem>>)
      %dma_start3A_1284 = arith.constant 0 : i32
      %dma_start3A_1285 = tpu.memref_slice %arg7[%scan3A_651, %dma_start3A_1284] : memref<6x80xi32, #tpu.memory_space<vmem>> -> memref<1x80xi32, #tpu.memory_space<vmem>>
      %dma_start3A_1286 = tpu.memref_squeeze %dma_start3A_1285 : memref<1x80xi32, #tpu.memory_space<vmem>> -> memref<80xi32, #tpu.memory_space<vmem>>
      %dma_start3A_1287 = tpu.memref_slice %arg4[%add3A_1275] : memref<320000xi32, #tpu.memory_space<hbm>> -> memref<80xi32, #tpu.memory_space<hbm>>
      %dma_start3A_1288 = arith.constant 0 : i32
      %dma_start3A_1289 = tpu.memref_slice %arg7[%scan3A_651, %dma_start3A_1288] : memref<6x80xi32, #tpu.memory_space<vmem>> -> memref<1x80xi32, #tpu.memory_space<vmem>>
      %dma_start3A_1290 = tpu.memref_squeeze %dma_start3A_1289 : memref<1x80xi32, #tpu.memory_space<vmem>> -> memref<80xi32, #tpu.memory_space<vmem>>
      %dma_start3A_1291 = tpu.memref_slice %arg4[%add3A_1275] : memref<320000xi32, #tpu.memory_space<hbm>> -> memref<80xi32, #tpu.memory_space<hbm>>
      tpu.enqueue_dma source(%dma_start3A_1291 : memref<80xi32, #tpu.memory_space<hbm>>) target(%dma_start3A_1290 : memref<80xi32, #tpu.memory_space<vmem>>) target_semaphore(%arg11 : memref<!tpu.dma_semaphore, #tpu.memory_space<semaphore_mem>>)
      %add3A_1292 = arith.constant 1 : i32
      %add3A_1293 = arith.addi %add3A_1210, %add3A_1292 : i32
      %mul3A_1294 = arith.constant 80 : i32
      %mul3A_1295 = arith.muli %add3A_1293, %mul3A_1294 : i32
      %add3A_1296 = arith.addi %mul3A_2, %mul3A_1295 : i32
      %dma_start3A_1297 = arith.constant 0 : i32
      %dma_start3A_1298 = tpu.memref_slice %arg6[%scan3A_652, %dma_start3A_1297] : memref<3x80xi32, #tpu.memory_space<vmem>> -> memref<1x80xi32, #tpu.memory_space<vmem>>
      %dma_start3A_1299 = tpu.memref_squeeze %dma_start3A_1298 : memref<1x80xi32, #tpu.memory_space<vmem>> -> memref<80xi32, #tpu.memory_space<vmem>>
      %dma_start3A_1300 = tpu.memref_slice %arg3[%add3A_1296] : memref<320000xi32, #tpu.memory_space<hbm>> -> memref<80xi32, #tpu.memory_space<hbm>>
      %dma_start3A_1301 = arith.constant 0 : i32
      %dma_start3A_1302 = tpu.memref_slice %arg6[%scan3A_652, %dma_start3A_1301] : memref<3x80xi32, #tpu.memory_space<vmem>> -> memref<1x80xi32, #tpu.memory_space<vmem>>
      %dma_start3A_1303 = tpu.memref_squeeze %dma_start3A_1302 : memref<1x80xi32, #tpu.memory_space<vmem>> -> memref<80xi32, #tpu.memory_space<vmem>>
      %dma_start3A_1304 = tpu.memref_slice %arg3[%add3A_1296] : memref<320000xi32, #tpu.memory_space<hbm>> -> memref<80xi32, #tpu.memory_space<hbm>>
      tpu.enqueue_dma source(%dma_start3A_1304 : memref<80xi32, #tpu.memory_space<hbm>>) target(%dma_start3A_1303 : memref<80xi32, #tpu.memory_space<vmem>>) target_semaphore(%arg12 : memref<!tpu.dma_semaphore, #tpu.memory_space<semaphore_mem>>)
      %dma_start3A_1305 = arith.constant 0 : i32
      %dma_start3A_1306 = tpu.memref_slice %arg7[%scan3A_654, %dma_start3A_1305] : memref<6x80xi32, #tpu.memory_space<vmem>> -> memref<1x80xi32, #tpu.memory_space<vmem>>
      %dma_start3A_1307 = tpu.memref_squeeze %dma_start3A_1306 : memref<1x80xi32, #tpu.memory_space<vmem>> -> memref<80xi32, #tpu.memory_space<vmem>>
      %dma_start3A_1308 = tpu.memref_slice %arg4[%add3A_1296] : memref<320000xi32, #tpu.memory_space<hbm>> -> memref<80xi32, #tpu.memory_space<hbm>>
      %dma_start3A_1309 = arith.constant 0 : i32
      %dma_start3A_1310 = tpu.memref_slice %arg7[%scan3A_654, %dma_start3A_1309] : memref<6x80xi32, #tpu.memory_space<vmem>> -> memref<1x80xi32, #tpu.memory_space<vmem>>
      %dma_start3A_1311 = tpu.memref_squeeze %dma_start3A_1310 : memref<1x80xi32, #tpu.memory_space<vmem>> -> memref<80xi32, #tpu.memory_space<vmem>>
      %dma_start3A_1312 = tpu.memref_slice %arg4[%add3A_1296] : memref<320000xi32, #tpu.memory_space<hbm>> -> memref<80xi32, #tpu.memory_space<hbm>>
      tpu.enqueue_dma source(%dma_start3A_1312 : memref<80xi32, #tpu.memory_space<hbm>>) target(%dma_start3A_1311 : memref<80xi32, #tpu.memory_space<vmem>>) target_semaphore(%arg12 : memref<!tpu.dma_semaphore, #tpu.memory_space<semaphore_mem>>)
      %add3A_1313 = arith.constant 2 : i32
      %add3A_1314 = arith.addi %add3A_1210, %add3A_1313 : i32
      %mul3A_1315 = arith.constant 80 : i32
      %mul3A_1316 = arith.muli %add3A_1314, %mul3A_1315 : i32
      %add3A_1317 = arith.addi %mul3A_2, %mul3A_1316 : i32
      %dma_start3A_1318 = arith.constant 0 : i32
      %dma_start3A_1319 = tpu.memref_slice %arg6[%scan3A_655, %dma_start3A_1318] : memref<3x80xi32, #tpu.memory_space<vmem>> -> memref<1x80xi32, #tpu.memory_space<vmem>>
      %dma_start3A_1320 = tpu.memref_squeeze %dma_start3A_1319 : memref<1x80xi32, #tpu.memory_space<vmem>> -> memref<80xi32, #tpu.memory_space<vmem>>
      %dma_start3A_1321 = tpu.memref_slice %arg3[%add3A_1317] : memref<320000xi32, #tpu.memory_space<hbm>> -> memref<80xi32, #tpu.memory_space<hbm>>
      %dma_start3A_1322 = arith.constant 0 : i32
      %dma_start3A_1323 = tpu.memref_slice %arg6[%scan3A_655, %dma_start3A_1322] : memref<3x80xi32, #tpu.memory_space<vmem>> -> memref<1x80xi32, #tpu.memory_space<vmem>>
      %dma_start3A_1324 = tpu.memref_squeeze %dma_start3A_1323 : memref<1x80xi32, #tpu.memory_space<vmem>> -> memref<80xi32, #tpu.memory_space<vmem>>
      %dma_start3A_1325 = tpu.memref_slice %arg3[%add3A_1317] : memref<320000xi32, #tpu.memory_space<hbm>> -> memref<80xi32, #tpu.memory_space<hbm>>
      tpu.enqueue_dma source(%dma_start3A_1325 : memref<80xi32, #tpu.memory_space<hbm>>) target(%dma_start3A_1324 : memref<80xi32, #tpu.memory_space<vmem>>) target_semaphore(%arg13 : memref<!tpu.dma_semaphore, #tpu.memory_space<semaphore_mem>>)
      %dma_start3A_1326 = arith.constant 0 : i32
      %dma_start3A_1327 = tpu.memref_slice %arg7[%scan3A_657, %dma_start3A_1326] : memref<6x80xi32, #tpu.memory_space<vmem>> -> memref<1x80xi32, #tpu.memory_space<vmem>>
      %dma_start3A_1328 = tpu.memref_squeeze %dma_start3A_1327 : memref<1x80xi32, #tpu.memory_space<vmem>> -> memref<80xi32, #tpu.memory_space<vmem>>
      %dma_start3A_1329 = tpu.memref_slice %arg4[%add3A_1317] : memref<320000xi32, #tpu.memory_space<hbm>> -> memref<80xi32, #tpu.memory_space<hbm>>
      %dma_start3A_1330 = arith.constant 0 : i32
      %dma_start3A_1331 = tpu.memref_slice %arg7[%scan3A_657, %dma_start3A_1330] : memref<6x80xi32, #tpu.memory_space<vmem>> -> memref<1x80xi32, #tpu.memory_space<vmem>>
      %dma_start3A_1332 = tpu.memref_squeeze %dma_start3A_1331 : memref<1x80xi32, #tpu.memory_space<vmem>> -> memref<80xi32, #tpu.memory_space<vmem>>
      %dma_start3A_1333 = tpu.memref_slice %arg4[%add3A_1317] : memref<320000xi32, #tpu.memory_space<hbm>> -> memref<80xi32, #tpu.memory_space<hbm>>
      tpu.enqueue_dma source(%dma_start3A_1333 : memref<80xi32, #tpu.memory_space<hbm>>) target(%dma_start3A_1332 : memref<80xi32, #tpu.memory_space<vmem>>) target_semaphore(%arg13 : memref<!tpu.dma_semaphore, #tpu.memory_space<semaphore_mem>>)
      %dma_wait3A_1334 = arith.constant 0 : i32
      %dma_wait3A_1335 = arith.constant 0 : i32
      %dma_wait3A_1336 = tpu.memref_slice %arg8[%scan3A_650, %dma_wait3A_1334, %dma_wait3A_1335] : memref<3x80x128xf32, #tpu.memory_space<vmem>> -> memref<1x80x128xf32, #tpu.memory_space<vmem>>
      %dma_wait3A_1337 = tpu.memref_squeeze %dma_wait3A_1336 : memref<1x80x128xf32, #tpu.memory_space<vmem>> -> memref<80x128xf32, #tpu.memory_space<vmem>>
      %dma_wait3A_1338 = arith.constant 0 : i32
      %dma_wait3A_1339 = tpu.memref_slice %arg7[%scan3A_658, %dma_wait3A_1338] : memref<6x80xi32, #tpu.memory_space<vmem>> -> memref<1x80xi32, #tpu.memory_space<vmem>>
      %dma_wait3A_1340 = tpu.memref_squeeze %dma_wait3A_1339 : memref<1x80xi32, #tpu.memory_space<vmem>> -> memref<80xi32, #tpu.memory_space<vmem>>
      %dma_wait3A_1341 = arith.constant 0 : i32
      %dma_wait3A_1342 = arith.constant 0 : i32
      %dma_wait3A_1343 = tpu.memref_slice %arg10[%dma_wait3A_1341, %dma_wait3A_1342] : memref<10240x128xf32, #tpu.memory_space<vmem_shared>> -> memref<10240x128xf32, #tpu.memory_space<vmem_shared>>
      tpu.wait_indirect_dma semaphore(%arg17 : memref<!tpu.dma_semaphore, #tpu.memory_space<semaphore_mem>>) src(%dma_wait3A_1337 : memref<80x128xf32, #tpu.memory_space<vmem>>) dst(%dma_wait3A_1343 : memref<10240x128xf32, #tpu.memory_space<vmem_shared>>)
      %dma_wait3A_1344 = arith.constant 0 : i32
      %dma_wait3A_1345 = arith.constant 0 : i32
      %dma_wait3A_1346 = tpu.memref_slice %arg8[%scan3A_653, %dma_wait3A_1344, %dma_wait3A_1345] : memref<3x80x128xf32, #tpu.memory_space<vmem>> -> memref<1x80x128xf32, #tpu.memory_space<vmem>>
      %dma_wait3A_1347 = tpu.memref_squeeze %dma_wait3A_1346 : memref<1x80x128xf32, #tpu.memory_space<vmem>> -> memref<80x128xf32, #tpu.memory_space<vmem>>
      %dma_wait3A_1348 = arith.constant 0 : i32
      %dma_wait3A_1349 = tpu.memref_slice %arg7[%scan3A_659, %dma_wait3A_1348] : memref<6x80xi32, #tpu.memory_space<vmem>> -> memref<1x80xi32, #tpu.memory_space<vmem>>
      %dma_wait3A_1350 = tpu.memref_squeeze %dma_wait3A_1349 : memref<1x80xi32, #tpu.memory_space<vmem>> -> memref<80xi32, #tpu.memory_space<vmem>>
      %dma_wait3A_1351 = arith.constant 0 : i32
      %dma_wait3A_1352 = arith.constant 0 : i32
      %dma_wait3A_1353 = tpu.memref_slice %arg10[%dma_wait3A_1351, %dma_wait3A_1352] : memref<10240x128xf32, #tpu.memory_space<vmem_shared>> -> memref<10240x128xf32, #tpu.memory_space<vmem_shared>>
      tpu.wait_indirect_dma semaphore(%arg18 : memref<!tpu.dma_semaphore, #tpu.memory_space<semaphore_mem>>) src(%dma_wait3A_1347 : memref<80x128xf32, #tpu.memory_space<vmem>>) dst(%dma_wait3A_1353 : memref<10240x128xf32, #tpu.memory_space<vmem_shared>>)
      %dma_wait3A_1354 = arith.constant 0 : i32
      %dma_wait3A_1355 = arith.constant 0 : i32
      %dma_wait3A_1356 = tpu.memref_slice %arg8[%scan3A_656, %dma_wait3A_1354, %dma_wait3A_1355] : memref<3x80x128xf32, #tpu.memory_space<vmem>> -> memref<1x80x128xf32, #tpu.memory_space<vmem>>
      %dma_wait3A_1357 = tpu.memref_squeeze %dma_wait3A_1356 : memref<1x80x128xf32, #tpu.memory_space<vmem>> -> memref<80x128xf32, #tpu.memory_space<vmem>>
      %dma_wait3A_1358 = arith.constant 0 : i32
      %dma_wait3A_1359 = tpu.memref_slice %arg7[%scan3A_660, %dma_wait3A_1358] : memref<6x80xi32, #tpu.memory_space<vmem>> -> memref<1x80xi32, #tpu.memory_space<vmem>>
      %dma_wait3A_1360 = tpu.memref_squeeze %dma_wait3A_1359 : memref<1x80xi32, #tpu.memory_space<vmem>> -> memref<80xi32, #tpu.memory_space<vmem>>
      %dma_wait3A_1361 = arith.constant 0 : i32
      %dma_wait3A_1362 = arith.constant 0 : i32
      %dma_wait3A_1363 = tpu.memref_slice %arg10[%dma_wait3A_1361, %dma_wait3A_1362] : memref<10240x128xf32, #tpu.memory_space<vmem_shared>> -> memref<10240x128xf32, #tpu.memory_space<vmem_shared>>
      tpu.wait_indirect_dma semaphore(%arg19 : memref<!tpu.dma_semaphore, #tpu.memory_space<semaphore_mem>>) src(%dma_wait3A_1357 : memref<80x128xf32, #tpu.memory_space<vmem>>) dst(%dma_wait3A_1363 : memref<10240x128xf32, #tpu.memory_space<vmem_shared>>)
      %dma_wait3A_1364 = arith.constant 0 : i32
      %dma_wait3A_1365 = tpu.memref_slice %arg6[%scan3A_649, %dma_wait3A_1364] : memref<3x80xi32, #tpu.memory_space<vmem>> -> memref<1x80xi32, #tpu.memory_space<vmem>>
      %dma_wait3A_1366 = tpu.memref_squeeze %dma_wait3A_1365 : memref<1x80xi32, #tpu.memory_space<vmem>> -> memref<80xi32, #tpu.memory_space<vmem>>
      %dma_wait3A_1367 = arith.constant 0 : i32
      %dma_wait3A_1368 = tpu.memref_slice %arg3[%dma_wait3A_1367] : memref<320000xi32, #tpu.memory_space<hbm>> -> memref<80xi32, #tpu.memory_space<hbm>>
      %dma_wait3A_1369 = arith.constant 0 : i32
      %dma_wait3A_1370 = tpu.memref_slice %arg6[%scan3A_649, %dma_wait3A_1369] : memref<3x80xi32, #tpu.memory_space<vmem>> -> memref<1x80xi32, #tpu.memory_space<vmem>>
      %dma_wait3A_1371 = tpu.memref_squeeze %dma_wait3A_1370 : memref<1x80xi32, #tpu.memory_space<vmem>> -> memref<80xi32, #tpu.memory_space<vmem>>
      %dma_wait3A_1372 = arith.constant 0 : i32
      %dma_wait3A_1373 = tpu.memref_slice %arg3[%dma_wait3A_1372] : memref<320000xi32, #tpu.memory_space<hbm>> -> memref<80xi32, #tpu.memory_space<hbm>>
      tpu.wait_dma2 semaphore(%arg11 : memref<!tpu.dma_semaphore, #tpu.memory_space<semaphore_mem>>) src(%dma_wait3A_1373 : memref<80xi32, #tpu.memory_space<hbm>>) dst(%dma_wait3A_1371 : memref<80xi32, #tpu.memory_space<vmem>>)
      %dma_wait3A_1374 = arith.constant 0 : i32
      %dma_wait3A_1375 = tpu.memref_slice %arg7[%scan3A_651, %dma_wait3A_1374] : memref<6x80xi32, #tpu.memory_space<vmem>> -> memref<1x80xi32, #tpu.memory_space<vmem>>
      %dma_wait3A_1376 = tpu.memref_squeeze %dma_wait3A_1375 : memref<1x80xi32, #tpu.memory_space<vmem>> -> memref<80xi32, #tpu.memory_space<vmem>>
      %dma_wait3A_1377 = arith.constant 0 : i32
      %dma_wait3A_1378 = tpu.memref_slice %arg3[%dma_wait3A_1377] : memref<320000xi32, #tpu.memory_space<hbm>> -> memref<80xi32, #tpu.memory_space<hbm>>
      %dma_wait3A_1379 = arith.constant 0 : i32
      %dma_wait3A_1380 = tpu.memref_slice %arg7[%scan3A_651, %dma_wait3A_1379] : memref<6x80xi32, #tpu.memory_space<vmem>> -> memref<1x80xi32, #tpu.memory_space<vmem>>
      %dma_wait3A_1381 = tpu.memref_squeeze %dma_wait3A_1380 : memref<1x80xi32, #tpu.memory_space<vmem>> -> memref<80xi32, #tpu.memory_space<vmem>>
      %dma_wait3A_1382 = arith.constant 0 : i32
      %dma_wait3A_1383 = tpu.memref_slice %arg3[%dma_wait3A_1382] : memref<320000xi32, #tpu.memory_space<hbm>> -> memref<80xi32, #tpu.memory_space<hbm>>
      tpu.wait_dma2 semaphore(%arg11 : memref<!tpu.dma_semaphore, #tpu.memory_space<semaphore_mem>>) src(%dma_wait3A_1383 : memref<80xi32, #tpu.memory_space<hbm>>) dst(%dma_wait3A_1381 : memref<80xi32, #tpu.memory_space<vmem>>)
      %dma_start3A_1384 = arith.constant 0 : i32
      %dma_start3A_1385 = arith.constant 0 : i32
      %dma_start3A_1386 = tpu.memref_slice %arg8[%scan3A_650, %dma_start3A_1384, %dma_start3A_1385] : memref<3x80x128xf32, #tpu.memory_space<vmem>> -> memref<1x80x128xf32, #tpu.memory_space<vmem>>
      %dma_start3A_1387 = tpu.memref_squeeze %dma_start3A_1386 : memref<1x80x128xf32, #tpu.memory_space<vmem>> -> memref<80x128xf32, #tpu.memory_space<vmem>>
      %dma_start3A_1388 = arith.constant 0 : i32
      %dma_start3A_1389 = tpu.memref_slice %arg6[%scan3A_649, %dma_start3A_1388] : memref<3x80xi32, #tpu.memory_space<vmem>> -> memref<1x80xi32, #tpu.memory_space<vmem>>
      %dma_start3A_1390 = tpu.memref_squeeze %dma_start3A_1389 : memref<1x80xi32, #tpu.memory_space<vmem>> -> memref<80xi32, #tpu.memory_space<vmem>>
      %dma_start3A_1391 = arith.constant 0 : i32
      %dma_start3A_1392 = arith.constant 0 : i32
      %dma_start3A_1393 = tpu.memref_slice %arg2[%dma_start3A_1391, %dma_start3A_1392] : memref<10000x128xf32, #tpu.memory_space<hbm>> -> memref<10000x128xf32, #tpu.memory_space<hbm>>
      tpu.enqueue_indirect_dma source(%dma_start3A_1393 : memref<10000x128xf32, #tpu.memory_space<hbm>>) target(%dma_start3A_1387 : memref<80x128xf32, #tpu.memory_space<vmem>>) offsets(%dma_start3A_1390 : memref<80xi32, #tpu.memory_space<vmem>>) semaphore(%arg14 : memref<!tpu.dma_semaphore, #tpu.memory_space<semaphore_mem>>)
      %dma_wait3A_1394 = arith.constant 0 : i32
      %dma_wait3A_1395 = tpu.memref_slice %arg6[%scan3A_652, %dma_wait3A_1394] : memref<3x80xi32, #tpu.memory_space<vmem>> -> memref<1x80xi32, #tpu.memory_space<vmem>>
      %dma_wait3A_1396 = tpu.memref_squeeze %dma_wait3A_1395 : memref<1x80xi32, #tpu.memory_space<vmem>> -> memref<80xi32, #tpu.memory_space<vmem>>
      %dma_wait3A_1397 = arith.constant 0 : i32
      %dma_wait3A_1398 = tpu.memref_slice %arg3[%dma_wait3A_1397] : memref<320000xi32, #tpu.memory_space<hbm>> -> memref<80xi32, #tpu.memory_space<hbm>>
      %dma_wait3A_1399 = arith.constant 0 : i32
      %dma_wait3A_1400 = tpu.memref_slice %arg6[%scan3A_652, %dma_wait3A_1399] : memref<3x80xi32, #tpu.memory_space<vmem>> -> memref<1x80xi32, #tpu.memory_space<vmem>>
      %dma_wait3A_1401 = tpu.memref_squeeze %dma_wait3A_1400 : memref<1x80xi32, #tpu.memory_space<vmem>> -> memref<80xi32, #tpu.memory_space<vmem>>
      %dma_wait3A_1402 = arith.constant 0 : i32
      %dma_wait3A_1403 = tpu.memref_slice %arg3[%dma_wait3A_1402] : memref<320000xi32, #tpu.memory_space<hbm>> -> memref<80xi32, #tpu.memory_space<hbm>>
      tpu.wait_dma2 semaphore(%arg12 : memref<!tpu.dma_semaphore, #tpu.memory_space<semaphore_mem>>) src(%dma_wait3A_1403 : memref<80xi32, #tpu.memory_space<hbm>>) dst(%dma_wait3A_1401 : memref<80xi32, #tpu.memory_space<vmem>>)
      %dma_wait3A_1404 = arith.constant 0 : i32
      %dma_wait3A_1405 = tpu.memref_slice %arg7[%scan3A_654, %dma_wait3A_1404] : memref<6x80xi32, #tpu.memory_space<vmem>> -> memref<1x80xi32, #tpu.memory_space<vmem>>
      %dma_wait3A_1406 = tpu.memref_squeeze %dma_wait3A_1405 : memref<1x80xi32, #tpu.memory_space<vmem>> -> memref<80xi32, #tpu.memory_space<vmem>>
      %dma_wait3A_1407 = arith.constant 0 : i32
      %dma_wait3A_1408 = tpu.memref_slice %arg3[%dma_wait3A_1407] : memref<320000xi32, #tpu.memory_space<hbm>> -> memref<80xi32, #tpu.memory_space<hbm>>
      %dma_wait3A_1409 = arith.constant 0 : i32
      %dma_wait3A_1410 = tpu.memref_slice %arg7[%scan3A_654, %dma_wait3A_1409] : memref<6x80xi32, #tpu.memory_space<vmem>> -> memref<1x80xi32, #tpu.memory_space<vmem>>
      %dma_wait3A_1411 = tpu.memref_squeeze %dma_wait3A_1410 : memref<1x80xi32, #tpu.memory_space<vmem>> -> memref<80xi32, #tpu.memory_space<vmem>>
      %dma_wait3A_1412 = arith.constant 0 : i32
      %dma_wait3A_1413 = tpu.memref_slice %arg3[%dma_wait3A_1412] : memref<320000xi32, #tpu.memory_space<hbm>> -> memref<80xi32, #tpu.memory_space<hbm>>
      tpu.wait_dma2 semaphore(%arg12 : memref<!tpu.dma_semaphore, #tpu.memory_space<semaphore_mem>>) src(%dma_wait3A_1413 : memref<80xi32, #tpu.memory_space<hbm>>) dst(%dma_wait3A_1411 : memref<80xi32, #tpu.memory_space<vmem>>)
      %dma_start3A_1414 = arith.constant 0 : i32
      %dma_start3A_1415 = arith.constant 0 : i32
      %dma_start3A_1416 = tpu.memref_slice %arg8[%scan3A_653, %dma_start3A_1414, %dma_start3A_1415] : memref<3x80x128xf32, #tpu.memory_space<vmem>> -> memref<1x80x128xf32, #tpu.memory_space<vmem>>
      %dma_start3A_1417 = tpu.memref_squeeze %dma_start3A_1416 : memref<1x80x128xf32, #tpu.memory_space<vmem>> -> memref<80x128xf32, #tpu.memory_space<vmem>>
      %dma_start3A_1418 = arith.constant 0 : i32
      %dma_start3A_1419 = tpu.memref_slice %arg6[%scan3A_652, %dma_start3A_1418] : memref<3x80xi32, #tpu.memory_space<vmem>> -> memref<1x80xi32, #tpu.memory_space<vmem>>
      %dma_start3A_1420 = tpu.memref_squeeze %dma_start3A_1419 : memref<1x80xi32, #tpu.memory_space<vmem>> -> memref<80xi32, #tpu.memory_space<vmem>>
      %dma_start3A_1421 = arith.constant 0 : i32
      %dma_start3A_1422 = arith.constant 0 : i32
      %dma_start3A_1423 = tpu.memref_slice %arg2[%dma_start3A_1421, %dma_start3A_1422] : memref<10000x128xf32, #tpu.memory_space<hbm>> -> memref<10000x128xf32, #tpu.memory_space<hbm>>
      tpu.enqueue_indirect_dma source(%dma_start3A_1423 : memref<10000x128xf32, #tpu.memory_space<hbm>>) target(%dma_start3A_1417 : memref<80x128xf32, #tpu.memory_space<vmem>>) offsets(%dma_start3A_1420 : memref<80xi32, #tpu.memory_space<vmem>>) semaphore(%arg15 : memref<!tpu.dma_semaphore, #tpu.memory_space<semaphore_mem>>)
      %dma_wait3A_1424 = arith.constant 0 : i32
      %dma_wait3A_1425 = tpu.memref_slice %arg6[%scan3A_655, %dma_wait3A_1424] : memref<3x80xi32, #tpu.memory_space<vmem>> -> memref<1x80xi32, #tpu.memory_space<vmem>>
      %dma_wait3A_1426 = tpu.memref_squeeze %dma_wait3A_1425 : memref<1x80xi32, #tpu.memory_space<vmem>> -> memref<80xi32, #tpu.memory_space<vmem>>
      %dma_wait3A_1427 = arith.constant 0 : i32
      %dma_wait3A_1428 = tpu.memref_slice %arg3[%dma_wait3A_1427] : memref<320000xi32, #tpu.memory_space<hbm>> -> memref<80xi32, #tpu.memory_space<hbm>>
      %dma_wait3A_1429 = arith.constant 0 : i32
      %dma_wait3A_1430 = tpu.memref_slice %arg6[%scan3A_655, %dma_wait3A_1429] : memref<3x80xi32, #tpu.memory_space<vmem>> -> memref<1x80xi32, #tpu.memory_space<vmem>>
      %dma_wait3A_1431 = tpu.memref_squeeze %dma_wait3A_1430 : memref<1x80xi32, #tpu.memory_space<vmem>> -> memref<80xi32, #tpu.memory_space<vmem>>
      %dma_wait3A_1432 = arith.constant 0 : i32
      %dma_wait3A_1433 = tpu.memref_slice %arg3[%dma_wait3A_1432] : memref<320000xi32, #tpu.memory_space<hbm>> -> memref<80xi32, #tpu.memory_space<hbm>>
      tpu.wait_dma2 semaphore(%arg13 : memref<!tpu.dma_semaphore, #tpu.memory_space<semaphore_mem>>) src(%dma_wait3A_1433 : memref<80xi32, #tpu.memory_space<hbm>>) dst(%dma_wait3A_1431 : memref<80xi32, #tpu.memory_space<vmem>>)
      %dma_wait3A_1434 = arith.constant 0 : i32
      %dma_wait3A_1435 = tpu.memref_slice %arg7[%scan3A_657, %dma_wait3A_1434] : memref<6x80xi32, #tpu.memory_space<vmem>> -> memref<1x80xi32, #tpu.memory_space<vmem>>
      %dma_wait3A_1436 = tpu.memref_squeeze %dma_wait3A_1435 : memref<1x80xi32, #tpu.memory_space<vmem>> -> memref<80xi32, #tpu.memory_space<vmem>>
      %dma_wait3A_1437 = arith.constant 0 : i32
      %dma_wait3A_1438 = tpu.memref_slice %arg3[%dma_wait3A_1437] : memref<320000xi32, #tpu.memory_space<hbm>> -> memref<80xi32, #tpu.memory_space<hbm>>
      %dma_wait3A_1439 = arith.constant 0 : i32
      %dma_wait3A_1440 = tpu.memref_slice %arg7[%scan3A_657, %dma_wait3A_1439] : memref<6x80xi32, #tpu.memory_space<vmem>> -> memref<1x80xi32, #tpu.memory_space<vmem>>
      %dma_wait3A_1441 = tpu.memref_squeeze %dma_wait3A_1440 : memref<1x80xi32, #tpu.memory_space<vmem>> -> memref<80xi32, #tpu.memory_space<vmem>>
      %dma_wait3A_1442 = arith.constant 0 : i32
      %dma_wait3A_1443 = tpu.memref_slice %arg3[%dma_wait3A_1442] : memref<320000xi32, #tpu.memory_space<hbm>> -> memref<80xi32, #tpu.memory_space<hbm>>
      tpu.wait_dma2 semaphore(%arg13 : memref<!tpu.dma_semaphore, #tpu.memory_space<semaphore_mem>>) src(%dma_wait3A_1443 : memref<80xi32, #tpu.memory_space<hbm>>) dst(%dma_wait3A_1441 : memref<80xi32, #tpu.memory_space<vmem>>)
      %dma_start3A_1444 = arith.constant 0 : i32
      %dma_start3A_1445 = arith.constant 0 : i32
      %dma_start3A_1446 = tpu.memref_slice %arg8[%scan3A_656, %dma_start3A_1444, %dma_start3A_1445] : memref<3x80x128xf32, #tpu.memory_space<vmem>> -> memref<1x80x128xf32, #tpu.memory_space<vmem>>
      %dma_start3A_1447 = tpu.memref_squeeze %dma_start3A_1446 : memref<1x80x128xf32, #tpu.memory_space<vmem>> -> memref<80x128xf32, #tpu.memory_space<vmem>>
      %dma_start3A_1448 = arith.constant 0 : i32
      %dma_start3A_1449 = tpu.memref_slice %arg6[%scan3A_655, %dma_start3A_1448] : memref<3x80xi32, #tpu.memory_space<vmem>> -> memref<1x80xi32, #tpu.memory_space<vmem>>
      %dma_start3A_1450 = tpu.memref_squeeze %dma_start3A_1449 : memref<1x80xi32, #tpu.memory_space<vmem>> -> memref<80xi32, #tpu.memory_space<vmem>>
      %dma_start3A_1451 = arith.constant 0 : i32
      %dma_start3A_1452 = arith.constant 0 : i32
      %dma_start3A_1453 = tpu.memref_slice %arg2[%dma_start3A_1451, %dma_start3A_1452] : memref<10000x128xf32, #tpu.memory_space<hbm>> -> memref<10000x128xf32, #tpu.memory_space<hbm>>
      tpu.enqueue_indirect_dma source(%dma_start3A_1453 : memref<10000x128xf32, #tpu.memory_space<hbm>>) target(%dma_start3A_1447 : memref<80x128xf32, #tpu.memory_space<vmem>>) offsets(%dma_start3A_1450 : memref<80xi32, #tpu.memory_space<vmem>>) semaphore(%arg16 : memref<!tpu.dma_semaphore, #tpu.memory_space<semaphore_mem>>)
    }
    %scan3A_665 = arith.constant 20 : i32
    %dma_wait3A_666 = arith.constant 0 : i32
    %dma_wait3A_667 = arith.constant 0 : i32
    %dma_wait3A_668 = arith.constant 0 : i32
    %dma_wait3A_669 = arith.constant 0 : i32
    %dma_wait3A_670 = tpu.memref_slice %arg8[%dma_wait3A_667, %dma_wait3A_668, %dma_wait3A_669] : memref<3x80x128xf32, #tpu.memory_space<vmem>> -> memref<1x80x128xf32, #tpu.memory_space<vmem>>
    %dma_wait3A_671 = tpu.memref_squeeze %dma_wait3A_670 : memref<1x80x128xf32, #tpu.memory_space<vmem>> -> memref<80x128xf32, #tpu.memory_space<vmem>>
    %dma_wait3A_672 = arith.constant 0 : i32
    %dma_wait3A_673 = tpu.memref_slice %arg6[%dma_wait3A_666, %dma_wait3A_672] : memref<3x80xi32, #tpu.memory_space<vmem>> -> memref<1x80xi32, #tpu.memory_space<vmem>>
    %dma_wait3A_674 = tpu.memref_squeeze %dma_wait3A_673 : memref<1x80xi32, #tpu.memory_space<vmem>> -> memref<80xi32, #tpu.memory_space<vmem>>
    %dma_wait3A_675 = arith.constant 0 : i32
    %dma_wait3A_676 = arith.constant 0 : i32
    %dma_wait3A_677 = tpu.memref_slice %arg2[%dma_wait3A_675, %dma_wait3A_676] : memref<10000x128xf32, #tpu.memory_space<hbm>> -> memref<10000x128xf32, #tpu.memory_space<hbm>>
    tpu.wait_indirect_dma semaphore(%arg14 : memref<!tpu.dma_semaphore, #tpu.memory_space<semaphore_mem>>) src(%dma_wait3A_677 : memref<10000x128xf32, #tpu.memory_space<hbm>>) dst(%dma_wait3A_671 : memref<80x128xf32, #tpu.memory_space<vmem>>)
    %dma_start3A_678 = arith.constant 0 : i32
    %dma_start3A_679 = arith.constant 0 : i32
    %dma_start3A_680 = arith.constant 0 : i32
    %dma_start3A_681 = arith.constant 0 : i32
    %dma_start3A_682 = tpu.memref_slice %arg8[%dma_start3A_678, %dma_start3A_680, %dma_start3A_681] : memref<3x80x128xf32, #tpu.memory_space<vmem>> -> memref<1x80x128xf32, #tpu.memory_space<vmem>>
    %dma_start3A_683 = tpu.memref_squeeze %dma_start3A_682 : memref<1x80x128xf32, #tpu.memory_space<vmem>> -> memref<80x128xf32, #tpu.memory_space<vmem>>
    %dma_start3A_684 = arith.constant 0 : i32
    %dma_start3A_685 = tpu.memref_slice %arg7[%dma_start3A_679, %dma_start3A_684] : memref<6x80xi32, #tpu.memory_space<vmem>> -> memref<1x80xi32, #tpu.memory_space<vmem>>
    %dma_start3A_686 = tpu.memref_squeeze %dma_start3A_685 : memref<1x80xi32, #tpu.memory_space<vmem>> -> memref<80xi32, #tpu.memory_space<vmem>>
    %dma_start3A_687 = arith.constant 0 : i32
    %dma_start3A_688 = arith.constant 0 : i32
    %dma_start3A_689 = tpu.memref_slice %arg10[%dma_start3A_687, %dma_start3A_688] : memref<10240x128xf32, #tpu.memory_space<vmem_shared>> -> memref<10240x128xf32, #tpu.memory_space<vmem_shared>>
    tpu.enqueue_indirect_dma source(%dma_start3A_683 : memref<80x128xf32, #tpu.memory_space<vmem>>) target(%dma_start3A_689 : memref<10240x128xf32, #tpu.memory_space<vmem_shared>>) offsets(%dma_start3A_686 : memref<80xi32, #tpu.memory_space<vmem>>) semaphore(%arg17 : memref<!tpu.dma_semaphore, #tpu.memory_space<semaphore_mem>>) {add = true}
    %dma_wait3A_690 = arith.constant 1 : i32
    %dma_wait3A_691 = arith.constant 1 : i32
    %dma_wait3A_692 = arith.constant 0 : i32
    %dma_wait3A_693 = arith.constant 0 : i32
    %dma_wait3A_694 = tpu.memref_slice %arg8[%dma_wait3A_691, %dma_wait3A_692, %dma_wait3A_693] : memref<3x80x128xf32, #tpu.memory_space<vmem>> -> memref<1x80x128xf32, #tpu.memory_space<vmem>>
    %dma_wait3A_695 = tpu.memref_squeeze %dma_wait3A_694 : memref<1x80x128xf32, #tpu.memory_space<vmem>> -> memref<80x128xf32, #tpu.memory_space<vmem>>
    %dma_wait3A_696 = arith.constant 0 : i32
    %dma_wait3A_697 = tpu.memref_slice %arg6[%dma_wait3A_690, %dma_wait3A_696] : memref<3x80xi32, #tpu.memory_space<vmem>> -> memref<1x80xi32, #tpu.memory_space<vmem>>
    %dma_wait3A_698 = tpu.memref_squeeze %dma_wait3A_697 : memref<1x80xi32, #tpu.memory_space<vmem>> -> memref<80xi32, #tpu.memory_space<vmem>>
    %dma_wait3A_699 = arith.constant 0 : i32
    %dma_wait3A_700 = arith.constant 0 : i32
    %dma_wait3A_701 = tpu.memref_slice %arg2[%dma_wait3A_699, %dma_wait3A_700] : memref<10000x128xf32, #tpu.memory_space<hbm>> -> memref<10000x128xf32, #tpu.memory_space<hbm>>
    tpu.wait_indirect_dma semaphore(%arg15 : memref<!tpu.dma_semaphore, #tpu.memory_space<semaphore_mem>>) src(%dma_wait3A_701 : memref<10000x128xf32, #tpu.memory_space<hbm>>) dst(%dma_wait3A_695 : memref<80x128xf32, #tpu.memory_space<vmem>>)
    %dma_start3A_702 = arith.constant 1 : i32
    %dma_start3A_703 = arith.constant 1 : i32
    %dma_start3A_704 = arith.constant 0 : i32
    %dma_start3A_705 = arith.constant 0 : i32
    %dma_start3A_706 = tpu.memref_slice %arg8[%dma_start3A_702, %dma_start3A_704, %dma_start3A_705] : memref<3x80x128xf32, #tpu.memory_space<vmem>> -> memref<1x80x128xf32, #tpu.memory_space<vmem>>
    %dma_start3A_707 = tpu.memref_squeeze %dma_start3A_706 : memref<1x80x128xf32, #tpu.memory_space<vmem>> -> memref<80x128xf32, #tpu.memory_space<vmem>>
    %dma_start3A_708 = arith.constant 0 : i32
    %dma_start3A_709 = tpu.memref_slice %arg7[%dma_start3A_703, %dma_start3A_708] : memref<6x80xi32, #tpu.memory_space<vmem>> -> memref<1x80xi32, #tpu.memory_space<vmem>>
    %dma_start3A_710 = tpu.memref_squeeze %dma_start3A_709 : memref<1x80xi32, #tpu.memory_space<vmem>> -> memref<80xi32, #tpu.memory_space<vmem>>
    %dma_start3A_711 = arith.constant 0 : i32
    %dma_start3A_712 = arith.constant 0 : i32
    %dma_start3A_713 = tpu.memref_slice %arg10[%dma_start3A_711, %dma_start3A_712] : memref<10240x128xf32, #tpu.memory_space<vmem_shared>> -> memref<10240x128xf32, #tpu.memory_space<vmem_shared>>
    tpu.enqueue_indirect_dma source(%dma_start3A_707 : memref<80x128xf32, #tpu.memory_space<vmem>>) target(%dma_start3A_713 : memref<10240x128xf32, #tpu.memory_space<vmem_shared>>) offsets(%dma_start3A_710 : memref<80xi32, #tpu.memory_space<vmem>>) semaphore(%arg18 : memref<!tpu.dma_semaphore, #tpu.memory_space<semaphore_mem>>) {add = true}
    %dma_wait3A_714 = arith.constant 2 : i32
    %dma_wait3A_715 = arith.constant 2 : i32
    %dma_wait3A_716 = arith.constant 0 : i32
    %dma_wait3A_717 = arith.constant 0 : i32
    %dma_wait3A_718 = tpu.memref_slice %arg8[%dma_wait3A_715, %dma_wait3A_716, %dma_wait3A_717] : memref<3x80x128xf32, #tpu.memory_space<vmem>> -> memref<1x80x128xf32, #tpu.memory_space<vmem>>
    %dma_wait3A_719 = tpu.memref_squeeze %dma_wait3A_718 : memref<1x80x128xf32, #tpu.memory_space<vmem>> -> memref<80x128xf32, #tpu.memory_space<vmem>>
    %dma_wait3A_720 = arith.constant 0 : i32
    %dma_wait3A_721 = tpu.memref_slice %arg6[%dma_wait3A_714, %dma_wait3A_720] : memref<3x80xi32, #tpu.memory_space<vmem>> -> memref<1x80xi32, #tpu.memory_space<vmem>>
    %dma_wait3A_722 = tpu.memref_squeeze %dma_wait3A_721 : memref<1x80xi32, #tpu.memory_space<vmem>> -> memref<80xi32, #tpu.memory_space<vmem>>
    %dma_wait3A_723 = arith.constant 0 : i32
    %dma_wait3A_724 = arith.constant 0 : i32
    %dma_wait3A_725 = tpu.memref_slice %arg2[%dma_wait3A_723, %dma_wait3A_724] : memref<10000x128xf32, #tpu.memory_space<hbm>> -> memref<10000x128xf32, #tpu.memory_space<hbm>>
    tpu.wait_indirect_dma semaphore(%arg16 : memref<!tpu.dma_semaphore, #tpu.memory_space<semaphore_mem>>) src(%dma_wait3A_725 : memref<10000x128xf32, #tpu.memory_space<hbm>>) dst(%dma_wait3A_719 : memref<80x128xf32, #tpu.memory_space<vmem>>)
    %dma_start3A_726 = arith.constant 2 : i32
    %dma_start3A_727 = arith.constant 2 : i32
    %dma_start3A_728 = arith.constant 0 : i32
    %dma_start3A_729 = arith.constant 0 : i32
    %dma_start3A_730 = tpu.memref_slice %arg8[%dma_start3A_726, %dma_start3A_728, %dma_start3A_729] : memref<3x80x128xf32, #tpu.memory_space<vmem>> -> memref<1x80x128xf32, #tpu.memory_space<vmem>>
    %dma_start3A_731 = tpu.memref_squeeze %dma_start3A_730 : memref<1x80x128xf32, #tpu.memory_space<vmem>> -> memref<80x128xf32, #tpu.memory_space<vmem>>
    %dma_start3A_732 = arith.constant 0 : i32
    %dma_start3A_733 = tpu.memref_slice %arg7[%dma_start3A_727, %dma_start3A_732] : memref<6x80xi32, #tpu.memory_space<vmem>> -> memref<1x80xi32, #tpu.memory_space<vmem>>
    %dma_start3A_734 = tpu.memref_squeeze %dma_start3A_733 : memref<1x80xi32, #tpu.memory_space<vmem>> -> memref<80xi32, #tpu.memory_space<vmem>>
    %dma_start3A_735 = arith.constant 0 : i32
    %dma_start3A_736 = arith.constant 0 : i32
    %dma_start3A_737 = tpu.memref_slice %arg10[%dma_start3A_735, %dma_start3A_736] : memref<10240x128xf32, #tpu.memory_space<vmem_shared>> -> memref<10240x128xf32, #tpu.memory_space<vmem_shared>>
    tpu.enqueue_indirect_dma source(%dma_start3A_731 : memref<80x128xf32, #tpu.memory_space<vmem>>) target(%dma_start3A_737 : memref<10240x128xf32, #tpu.memory_space<vmem_shared>>) offsets(%dma_start3A_734 : memref<80xi32, #tpu.memory_space<vmem>>) semaphore(%arg19 : memref<!tpu.dma_semaphore, #tpu.memory_space<semaphore_mem>>) {add = true}
    %add3A_738 = arith.constant 9840 : i32
    %add3A_739 = arith.addi %mul3A_2, %add3A_738 : i32
    %dma_start3A_740 = arith.constant 0 : i32
    %dma_start3A_741 = arith.constant 0 : i32
    %dma_start3A_742 = tpu.memref_slice %arg6[%dma_start3A_740, %dma_start3A_741] : memref<3x80xi32, #tpu.memory_space<vmem>> -> memref<1x80xi32, #tpu.memory_space<vmem>>
    %dma_start3A_743 = tpu.memref_squeeze %dma_start3A_742 : memref<1x80xi32, #tpu.memory_space<vmem>> -> memref<80xi32, #tpu.memory_space<vmem>>
    %dma_start3A_744 = tpu.memref_slice %arg3[%add3A_739] : memref<320000xi32, #tpu.memory_space<hbm>> -> memref<80xi32, #tpu.memory_space<hbm>>
    %dma_start3A_745 = arith.constant 0 : i32
    %dma_start3A_746 = tpu.memref_slice %arg6[%dma_start3A_740, %dma_start3A_745] : memref<3x80xi32, #tpu.memory_space<vmem>> -> memref<1x80xi32, #tpu.memory_space<vmem>>
    %dma_start3A_747 = tpu.memref_squeeze %dma_start3A_746 : memref<1x80xi32, #tpu.memory_space<vmem>> -> memref<80xi32, #tpu.memory_space<vmem>>
    %dma_start3A_748 = tpu.memref_slice %arg3[%add3A_739] : memref<320000xi32, #tpu.memory_space<hbm>> -> memref<80xi32, #tpu.memory_space<hbm>>
    tpu.enqueue_dma source(%dma_start3A_748 : memref<80xi32, #tpu.memory_space<hbm>>) target(%dma_start3A_747 : memref<80xi32, #tpu.memory_space<vmem>>) target_semaphore(%arg11 : memref<!tpu.dma_semaphore, #tpu.memory_space<semaphore_mem>>)
    %dma_start3A_749 = arith.constant 3 : i32
    %dma_start3A_750 = arith.constant 0 : i32
    %dma_start3A_751 = tpu.memref_slice %arg7[%dma_start3A_749, %dma_start3A_750] : memref<6x80xi32, #tpu.memory_space<vmem>> -> memref<1x80xi32, #tpu.memory_space<vmem>>
    %dma_start3A_752 = tpu.memref_squeeze %dma_start3A_751 : memref<1x80xi32, #tpu.memory_space<vmem>> -> memref<80xi32, #tpu.memory_space<vmem>>
    %dma_start3A_753 = tpu.memref_slice %arg4[%add3A_739] : memref<320000xi32, #tpu.memory_space<hbm>> -> memref<80xi32, #tpu.memory_space<hbm>>
    %dma_start3A_754 = arith.constant 0 : i32
    %dma_start3A_755 = tpu.memref_slice %arg7[%dma_start3A_749, %dma_start3A_754] : memref<6x80xi32, #tpu.memory_space<vmem>> -> memref<1x80xi32, #tpu.memory_space<vmem>>
    %dma_start3A_756 = tpu.memref_squeeze %dma_start3A_755 : memref<1x80xi32, #tpu.memory_space<vmem>> -> memref<80xi32, #tpu.memory_space<vmem>>
    %dma_start3A_757 = tpu.memref_slice %arg4[%add3A_739] : memref<320000xi32, #tpu.memory_space<hbm>> -> memref<80xi32, #tpu.memory_space<hbm>>
    tpu.enqueue_dma source(%dma_start3A_757 : memref<80xi32, #tpu.memory_space<hbm>>) target(%dma_start3A_756 : memref<80xi32, #tpu.memory_space<vmem>>) target_semaphore(%arg11 : memref<!tpu.dma_semaphore, #tpu.memory_space<semaphore_mem>>)
    %add3A_758 = arith.constant 9920 : i32
    %add3A_759 = arith.addi %mul3A_2, %add3A_758 : i32
    %dma_start3A_760 = arith.constant 1 : i32
    %dma_start3A_761 = arith.constant 0 : i32
    %dma_start3A_762 = tpu.memref_slice %arg6[%dma_start3A_760, %dma_start3A_761] : memref<3x80xi32, #tpu.memory_space<vmem>> -> memref<1x80xi32, #tpu.memory_space<vmem>>
    %dma_start3A_763 = tpu.memref_squeeze %dma_start3A_762 : memref<1x80xi32, #tpu.memory_space<vmem>> -> memref<80xi32, #tpu.memory_space<vmem>>
    %dma_start3A_764 = tpu.memref_slice %arg3[%add3A_759] : memref<320000xi32, #tpu.memory_space<hbm>> -> memref<80xi32, #tpu.memory_space<hbm>>
    %dma_start3A_765 = arith.constant 0 : i32
    %dma_start3A_766 = tpu.memref_slice %arg6[%dma_start3A_760, %dma_start3A_765] : memref<3x80xi32, #tpu.memory_space<vmem>> -> memref<1x80xi32, #tpu.memory_space<vmem>>
    %dma_start3A_767 = tpu.memref_squeeze %dma_start3A_766 : memref<1x80xi32, #tpu.memory_space<vmem>> -> memref<80xi32, #tpu.memory_space<vmem>>
    %dma_start3A_768 = tpu.memref_slice %arg3[%add3A_759] : memref<320000xi32, #tpu.memory_space<hbm>> -> memref<80xi32, #tpu.memory_space<hbm>>
    tpu.enqueue_dma source(%dma_start3A_768 : memref<80xi32, #tpu.memory_space<hbm>>) target(%dma_start3A_767 : memref<80xi32, #tpu.memory_space<vmem>>) target_semaphore(%arg12 : memref<!tpu.dma_semaphore, #tpu.memory_space<semaphore_mem>>)
    %dma_start3A_769 = arith.constant 4 : i32
    %dma_start3A_770 = arith.constant 0 : i32
    %dma_start3A_771 = tpu.memref_slice %arg7[%dma_start3A_769, %dma_start3A_770] : memref<6x80xi32, #tpu.memory_space<vmem>> -> memref<1x80xi32, #tpu.memory_space<vmem>>
    %dma_start3A_772 = tpu.memref_squeeze %dma_start3A_771 : memref<1x80xi32, #tpu.memory_space<vmem>> -> memref<80xi32, #tpu.memory_space<vmem>>
    %dma_start3A_773 = tpu.memref_slice %arg4[%add3A_759] : memref<320000xi32, #tpu.memory_space<hbm>> -> memref<80xi32, #tpu.memory_space<hbm>>
    %dma_start3A_774 = arith.constant 0 : i32
    %dma_start3A_775 = tpu.memref_slice %arg7[%dma_start3A_769, %dma_start3A_774] : memref<6x80xi32, #tpu.memory_space<vmem>> -> memref<1x80xi32, #tpu.memory_space<vmem>>
    %dma_start3A_776 = tpu.memref_squeeze %dma_start3A_775 : memref<1x80xi32, #tpu.memory_space<vmem>> -> memref<80xi32, #tpu.memory_space<vmem>>
    %dma_start3A_777 = tpu.memref_slice %arg4[%add3A_759] : memref<320000xi32, #tpu.memory_space<hbm>> -> memref<80xi32, #tpu.memory_space<hbm>>
    tpu.enqueue_dma source(%dma_start3A_777 : memref<80xi32, #tpu.memory_space<hbm>>) target(%dma_start3A_776 : memref<80xi32, #tpu.memory_space<vmem>>) target_semaphore(%arg12 : memref<!tpu.dma_semaphore, #tpu.memory_space<semaphore_mem>>)
    %dma_wait3A_778 = arith.constant 0 : i32
    %dma_wait3A_779 = arith.constant 0 : i32
    %dma_wait3A_780 = arith.constant 0 : i32
    %dma_wait3A_781 = arith.constant 0 : i32
    %dma_wait3A_782 = tpu.memref_slice %arg8[%dma_wait3A_778, %dma_wait3A_780, %dma_wait3A_781] : memref<3x80x128xf32, #tpu.memory_space<vmem>> -> memref<1x80x128xf32, #tpu.memory_space<vmem>>
    %dma_wait3A_783 = tpu.memref_squeeze %dma_wait3A_782 : memref<1x80x128xf32, #tpu.memory_space<vmem>> -> memref<80x128xf32, #tpu.memory_space<vmem>>
    %dma_wait3A_784 = arith.constant 0 : i32
    %dma_wait3A_785 = tpu.memref_slice %arg7[%dma_wait3A_779, %dma_wait3A_784] : memref<6x80xi32, #tpu.memory_space<vmem>> -> memref<1x80xi32, #tpu.memory_space<vmem>>
    %dma_wait3A_786 = tpu.memref_squeeze %dma_wait3A_785 : memref<1x80xi32, #tpu.memory_space<vmem>> -> memref<80xi32, #tpu.memory_space<vmem>>
    %dma_wait3A_787 = arith.constant 0 : i32
    %dma_wait3A_788 = arith.constant 0 : i32
    %dma_wait3A_789 = tpu.memref_slice %arg10[%dma_wait3A_787, %dma_wait3A_788] : memref<10240x128xf32, #tpu.memory_space<vmem_shared>> -> memref<10240x128xf32, #tpu.memory_space<vmem_shared>>
    tpu.wait_indirect_dma semaphore(%arg17 : memref<!tpu.dma_semaphore, #tpu.memory_space<semaphore_mem>>) src(%dma_wait3A_783 : memref<80x128xf32, #tpu.memory_space<vmem>>) dst(%dma_wait3A_789 : memref<10240x128xf32, #tpu.memory_space<vmem_shared>>)
    %dma_wait3A_790 = arith.constant 1 : i32
    %dma_wait3A_791 = arith.constant 1 : i32
    %dma_wait3A_792 = arith.constant 0 : i32
    %dma_wait3A_793 = arith.constant 0 : i32
    %dma_wait3A_794 = tpu.memref_slice %arg8[%dma_wait3A_790, %dma_wait3A_792, %dma_wait3A_793] : memref<3x80x128xf32, #tpu.memory_space<vmem>> -> memref<1x80x128xf32, #tpu.memory_space<vmem>>
    %dma_wait3A_795 = tpu.memref_squeeze %dma_wait3A_794 : memref<1x80x128xf32, #tpu.memory_space<vmem>> -> memref<80x128xf32, #tpu.memory_space<vmem>>
    %dma_wait3A_796 = arith.constant 0 : i32
    %dma_wait3A_797 = tpu.memref_slice %arg7[%dma_wait3A_791, %dma_wait3A_796] : memref<6x80xi32, #tpu.memory_space<vmem>> -> memref<1x80xi32, #tpu.memory_space<vmem>>
    %dma_wait3A_798 = tpu.memref_squeeze %dma_wait3A_797 : memref<1x80xi32, #tpu.memory_space<vmem>> -> memref<80xi32, #tpu.memory_space<vmem>>
    %dma_wait3A_799 = arith.constant 0 : i32
    %dma_wait3A_800 = arith.constant 0 : i32
    %dma_wait3A_801 = tpu.memref_slice %arg10[%dma_wait3A_799, %dma_wait3A_800] : memref<10240x128xf32, #tpu.memory_space<vmem_shared>> -> memref<10240x128xf32, #tpu.memory_space<vmem_shared>>
    tpu.wait_indirect_dma semaphore(%arg18 : memref<!tpu.dma_semaphore, #tpu.memory_space<semaphore_mem>>) src(%dma_wait3A_795 : memref<80x128xf32, #tpu.memory_space<vmem>>) dst(%dma_wait3A_801 : memref<10240x128xf32, #tpu.memory_space<vmem_shared>>)
    %dma_wait3A_802 = arith.constant 2 : i32
    %dma_wait3A_803 = arith.constant 2 : i32
    %dma_wait3A_804 = arith.constant 0 : i32
    %dma_wait3A_805 = arith.constant 0 : i32
    %dma_wait3A_806 = tpu.memref_slice %arg8[%dma_wait3A_802, %dma_wait3A_804, %dma_wait3A_805] : memref<3x80x128xf32, #tpu.memory_space<vmem>> -> memref<1x80x128xf32, #tpu.memory_space<vmem>>
    %dma_wait3A_807 = tpu.memref_squeeze %dma_wait3A_806 : memref<1x80x128xf32, #tpu.memory_space<vmem>> -> memref<80x128xf32, #tpu.memory_space<vmem>>
    %dma_wait3A_808 = arith.constant 0 : i32
    %dma_wait3A_809 = tpu.memref_slice %arg7[%dma_wait3A_803, %dma_wait3A_808] : memref<6x80xi32, #tpu.memory_space<vmem>> -> memref<1x80xi32, #tpu.memory_space<vmem>>
    %dma_wait3A_810 = tpu.memref_squeeze %dma_wait3A_809 : memref<1x80xi32, #tpu.memory_space<vmem>> -> memref<80xi32, #tpu.memory_space<vmem>>
    %dma_wait3A_811 = arith.constant 0 : i32
    %dma_wait3A_812 = arith.constant 0 : i32
    %dma_wait3A_813 = tpu.memref_slice %arg10[%dma_wait3A_811, %dma_wait3A_812] : memref<10240x128xf32, #tpu.memory_space<vmem_shared>> -> memref<10240x128xf32, #tpu.memory_space<vmem_shared>>
    tpu.wait_indirect_dma semaphore(%arg19 : memref<!tpu.dma_semaphore, #tpu.memory_space<semaphore_mem>>) src(%dma_wait3A_807 : memref<80x128xf32, #tpu.memory_space<vmem>>) dst(%dma_wait3A_813 : memref<10240x128xf32, #tpu.memory_space<vmem_shared>>)
    %dma_wait3A_814 = arith.constant 0 : i32
    %dma_wait3A_815 = arith.constant 0 : i32
    %dma_wait3A_816 = tpu.memref_slice %arg6[%dma_wait3A_814, %dma_wait3A_815] : memref<3x80xi32, #tpu.memory_space<vmem>> -> memref<1x80xi32, #tpu.memory_space<vmem>>
    %dma_wait3A_817 = tpu.memref_squeeze %dma_wait3A_816 : memref<1x80xi32, #tpu.memory_space<vmem>> -> memref<80xi32, #tpu.memory_space<vmem>>
    %dma_wait3A_818 = arith.constant 0 : i32
    %dma_wait3A_819 = tpu.memref_slice %arg3[%dma_wait3A_818] : memref<320000xi32, #tpu.memory_space<hbm>> -> memref<80xi32, #tpu.memory_space<hbm>>
    %dma_wait3A_820 = arith.constant 0 : i32
    %dma_wait3A_821 = tpu.memref_slice %arg6[%dma_wait3A_814, %dma_wait3A_820] : memref<3x80xi32, #tpu.memory_space<vmem>> -> memref<1x80xi32, #tpu.memory_space<vmem>>
    %dma_wait3A_822 = tpu.memref_squeeze %dma_wait3A_821 : memref<1x80xi32, #tpu.memory_space<vmem>> -> memref<80xi32, #tpu.memory_space<vmem>>
    %dma_wait3A_823 = arith.constant 0 : i32
    %dma_wait3A_824 = tpu.memref_slice %arg3[%dma_wait3A_823] : memref<320000xi32, #tpu.memory_space<hbm>> -> memref<80xi32, #tpu.memory_space<hbm>>
    tpu.wait_dma2 semaphore(%arg11 : memref<!tpu.dma_semaphore, #tpu.memory_space<semaphore_mem>>) src(%dma_wait3A_824 : memref<80xi32, #tpu.memory_space<hbm>>) dst(%dma_wait3A_822 : memref<80xi32, #tpu.memory_space<vmem>>)
    %dma_wait3A_825 = arith.constant 3 : i32
    %dma_wait3A_826 = arith.constant 0 : i32
    %dma_wait3A_827 = tpu.memref_slice %arg7[%dma_wait3A_825, %dma_wait3A_826] : memref<6x80xi32, #tpu.memory_space<vmem>> -> memref<1x80xi32, #tpu.memory_space<vmem>>
    %dma_wait3A_828 = tpu.memref_squeeze %dma_wait3A_827 : memref<1x80xi32, #tpu.memory_space<vmem>> -> memref<80xi32, #tpu.memory_space<vmem>>
    %dma_wait3A_829 = arith.constant 0 : i32
    %dma_wait3A_830 = tpu.memref_slice %arg3[%dma_wait3A_829] : memref<320000xi32, #tpu.memory_space<hbm>> -> memref<80xi32, #tpu.memory_space<hbm>>
    %dma_wait3A_831 = arith.constant 0 : i32
    %dma_wait3A_832 = tpu.memref_slice %arg7[%dma_wait3A_825, %dma_wait3A_831] : memref<6x80xi32, #tpu.memory_space<vmem>> -> memref<1x80xi32, #tpu.memory_space<vmem>>
    %dma_wait3A_833 = tpu.memref_squeeze %dma_wait3A_832 : memref<1x80xi32, #tpu.memory_space<vmem>> -> memref<80xi32, #tpu.memory_space<vmem>>
    %dma_wait3A_834 = arith.constant 0 : i32
    %dma_wait3A_835 = tpu.memref_slice %arg3[%dma_wait3A_834] : memref<320000xi32, #tpu.memory_space<hbm>> -> memref<80xi32, #tpu.memory_space<hbm>>
    tpu.wait_dma2 semaphore(%arg11 : memref<!tpu.dma_semaphore, #tpu.memory_space<semaphore_mem>>) src(%dma_wait3A_835 : memref<80xi32, #tpu.memory_space<hbm>>) dst(%dma_wait3A_833 : memref<80xi32, #tpu.memory_space<vmem>>)
    %dma_start3A_836 = arith.constant 0 : i32
    %dma_start3A_837 = arith.constant 0 : i32
    %dma_start3A_838 = arith.constant 0 : i32
    %dma_start3A_839 = arith.constant 0 : i32
    %dma_start3A_840 = tpu.memref_slice %arg8[%dma_start3A_837, %dma_start3A_838, %dma_start3A_839] : memref<3x80x128xf32, #tpu.memory_space<vmem>> -> memref<1x80x128xf32, #tpu.memory_space<vmem>>
    %dma_start3A_841 = tpu.memref_squeeze %dma_start3A_840 : memref<1x80x128xf32, #tpu.memory_space<vmem>> -> memref<80x128xf32, #tpu.memory_space<vmem>>
    %dma_start3A_842 = arith.constant 0 : i32
    %dma_start3A_843 = tpu.memref_slice %arg6[%dma_start3A_836, %dma_start3A_842] : memref<3x80xi32, #tpu.memory_space<vmem>> -> memref<1x80xi32, #tpu.memory_space<vmem>>
    %dma_start3A_844 = tpu.memref_squeeze %dma_start3A_843 : memref<1x80xi32, #tpu.memory_space<vmem>> -> memref<80xi32, #tpu.memory_space<vmem>>
    %dma_start3A_845 = arith.constant 0 : i32
    %dma_start3A_846 = arith.constant 0 : i32
    %dma_start3A_847 = tpu.memref_slice %arg2[%dma_start3A_845, %dma_start3A_846] : memref<10000x128xf32, #tpu.memory_space<hbm>> -> memref<10000x128xf32, #tpu.memory_space<hbm>>
    tpu.enqueue_indirect_dma source(%dma_start3A_847 : memref<10000x128xf32, #tpu.memory_space<hbm>>) target(%dma_start3A_841 : memref<80x128xf32, #tpu.memory_space<vmem>>) offsets(%dma_start3A_844 : memref<80xi32, #tpu.memory_space<vmem>>) semaphore(%arg14 : memref<!tpu.dma_semaphore, #tpu.memory_space<semaphore_mem>>)
    %dma_wait3A_848 = arith.constant 1 : i32
    %dma_wait3A_849 = arith.constant 0 : i32
    %dma_wait3A_850 = tpu.memref_slice %arg6[%dma_wait3A_848, %dma_wait3A_849] : memref<3x80xi32, #tpu.memory_space<vmem>> -> memref<1x80xi32, #tpu.memory_space<vmem>>
    %dma_wait3A_851 = tpu.memref_squeeze %dma_wait3A_850 : memref<1x80xi32, #tpu.memory_space<vmem>> -> memref<80xi32, #tpu.memory_space<vmem>>
    %dma_wait3A_852 = arith.constant 0 : i32
    %dma_wait3A_853 = tpu.memref_slice %arg3[%dma_wait3A_852] : memref<320000xi32, #tpu.memory_space<hbm>> -> memref<80xi32, #tpu.memory_space<hbm>>
    %dma_wait3A_854 = arith.constant 0 : i32
    %dma_wait3A_855 = tpu.memref_slice %arg6[%dma_wait3A_848, %dma_wait3A_854] : memref<3x80xi32, #tpu.memory_space<vmem>> -> memref<1x80xi32, #tpu.memory_space<vmem>>
    %dma_wait3A_856 = tpu.memref_squeeze %dma_wait3A_855 : memref<1x80xi32, #tpu.memory_space<vmem>> -> memref<80xi32, #tpu.memory_space<vmem>>
    %dma_wait3A_857 = arith.constant 0 : i32
    %dma_wait3A_858 = tpu.memref_slice %arg3[%dma_wait3A_857] : memref<320000xi32, #tpu.memory_space<hbm>> -> memref<80xi32, #tpu.memory_space<hbm>>
    tpu.wait_dma2 semaphore(%arg12 : memref<!tpu.dma_semaphore, #tpu.memory_space<semaphore_mem>>) src(%dma_wait3A_858 : memref<80xi32, #tpu.memory_space<hbm>>) dst(%dma_wait3A_856 : memref<80xi32, #tpu.memory_space<vmem>>)
    %dma_wait3A_859 = arith.constant 4 : i32
    %dma_wait3A_860 = arith.constant 0 : i32
    %dma_wait3A_861 = tpu.memref_slice %arg7[%dma_wait3A_859, %dma_wait3A_860] : memref<6x80xi32, #tpu.memory_space<vmem>> -> memref<1x80xi32, #tpu.memory_space<vmem>>
    %dma_wait3A_862 = tpu.memref_squeeze %dma_wait3A_861 : memref<1x80xi32, #tpu.memory_space<vmem>> -> memref<80xi32, #tpu.memory_space<vmem>>
    %dma_wait3A_863 = arith.constant 0 : i32
    %dma_wait3A_864 = tpu.memref_slice %arg3[%dma_wait3A_863] : memref<320000xi32, #tpu.memory_space<hbm>> -> memref<80xi32, #tpu.memory_space<hbm>>
    %dma_wait3A_865 = arith.constant 0 : i32
    %dma_wait3A_866 = tpu.memref_slice %arg7[%dma_wait3A_859, %dma_wait3A_865] : memref<6x80xi32, #tpu.memory_space<vmem>> -> memref<1x80xi32, #tpu.memory_space<vmem>>
    %dma_wait3A_867 = tpu.memref_squeeze %dma_wait3A_866 : memref<1x80xi32, #tpu.memory_space<vmem>> -> memref<80xi32, #tpu.memory_space<vmem>>
    %dma_wait3A_868 = arith.constant 0 : i32
    %dma_wait3A_869 = tpu.memref_slice %arg3[%dma_wait3A_868] : memref<320000xi32, #tpu.memory_space<hbm>> -> memref<80xi32, #tpu.memory_space<hbm>>
    tpu.wait_dma2 semaphore(%arg12 : memref<!tpu.dma_semaphore, #tpu.memory_space<semaphore_mem>>) src(%dma_wait3A_869 : memref<80xi32, #tpu.memory_space<hbm>>) dst(%dma_wait3A_867 : memref<80xi32, #tpu.memory_space<vmem>>)
    %dma_start3A_870 = arith.constant 1 : i32
    %dma_start3A_871 = arith.constant 1 : i32
    %dma_start3A_872 = arith.constant 0 : i32
    %dma_start3A_873 = arith.constant 0 : i32
    %dma_start3A_874 = tpu.memref_slice %arg8[%dma_start3A_871, %dma_start3A_872, %dma_start3A_873] : memref<3x80x128xf32, #tpu.memory_space<vmem>> -> memref<1x80x128xf32, #tpu.memory_space<vmem>>
    %dma_start3A_875 = tpu.memref_squeeze %dma_start3A_874 : memref<1x80x128xf32, #tpu.memory_space<vmem>> -> memref<80x128xf32, #tpu.memory_space<vmem>>
    %dma_start3A_876 = arith.constant 0 : i32
    %dma_start3A_877 = tpu.memref_slice %arg6[%dma_start3A_870, %dma_start3A_876] : memref<3x80xi32, #tpu.memory_space<vmem>> -> memref<1x80xi32, #tpu.memory_space<vmem>>
    %dma_start3A_878 = tpu.memref_squeeze %dma_start3A_877 : memref<1x80xi32, #tpu.memory_space<vmem>> -> memref<80xi32, #tpu.memory_space<vmem>>
    %dma_start3A_879 = arith.constant 0 : i32
    %dma_start3A_880 = arith.constant 0 : i32
    %dma_start3A_881 = tpu.memref_slice %arg2[%dma_start3A_879, %dma_start3A_880] : memref<10000x128xf32, #tpu.memory_space<hbm>> -> memref<10000x128xf32, #tpu.memory_space<hbm>>
    tpu.enqueue_indirect_dma source(%dma_start3A_881 : memref<10000x128xf32, #tpu.memory_space<hbm>>) target(%dma_start3A_875 : memref<80x128xf32, #tpu.memory_space<vmem>>) offsets(%dma_start3A_878 : memref<80xi32, #tpu.memory_space<vmem>>) semaphore(%arg15 : memref<!tpu.dma_semaphore, #tpu.memory_space<semaphore_mem>>)
    %dma_wait3A_882 = arith.constant 0 : i32
    %dma_wait3A_883 = arith.constant 0 : i32
    %dma_wait3A_884 = arith.constant 0 : i32
    %dma_wait3A_885 = arith.constant 0 : i32
    %dma_wait3A_886 = tpu.memref_slice %arg8[%dma_wait3A_883, %dma_wait3A_884, %dma_wait3A_885] : memref<3x80x128xf32, #tpu.memory_space<vmem>> -> memref<1x80x128xf32, #tpu.memory_space<vmem>>
    %dma_wait3A_887 = tpu.memref_squeeze %dma_wait3A_886 : memref<1x80x128xf32, #tpu.memory_space<vmem>> -> memref<80x128xf32, #tpu.memory_space<vmem>>
    %dma_wait3A_888 = arith.constant 0 : i32
    %dma_wait3A_889 = tpu.memref_slice %arg6[%dma_wait3A_882, %dma_wait3A_888] : memref<3x80xi32, #tpu.memory_space<vmem>> -> memref<1x80xi32, #tpu.memory_space<vmem>>
    %dma_wait3A_890 = tpu.memref_squeeze %dma_wait3A_889 : memref<1x80xi32, #tpu.memory_space<vmem>> -> memref<80xi32, #tpu.memory_space<vmem>>
    %dma_wait3A_891 = arith.constant 0 : i32
    %dma_wait3A_892 = arith.constant 0 : i32
    %dma_wait3A_893 = tpu.memref_slice %arg2[%dma_wait3A_891, %dma_wait3A_892] : memref<10000x128xf32, #tpu.memory_space<hbm>> -> memref<10000x128xf32, #tpu.memory_space<hbm>>
    tpu.wait_indirect_dma semaphore(%arg14 : memref<!tpu.dma_semaphore, #tpu.memory_space<semaphore_mem>>) src(%dma_wait3A_893 : memref<10000x128xf32, #tpu.memory_space<hbm>>) dst(%dma_wait3A_887 : memref<80x128xf32, #tpu.memory_space<vmem>>)
    %dma_start3A_894 = arith.constant 0 : i32
    %dma_start3A_895 = arith.constant 3 : i32
    %dma_start3A_896 = arith.constant 0 : i32
    %dma_start3A_897 = arith.constant 0 : i32
    %dma_start3A_898 = tpu.memref_slice %arg8[%dma_start3A_894, %dma_start3A_896, %dma_start3A_897] : memref<3x80x128xf32, #tpu.memory_space<vmem>> -> memref<1x80x128xf32, #tpu.memory_space<vmem>>
    %dma_start3A_899 = tpu.memref_squeeze %dma_start3A_898 : memref<1x80x128xf32, #tpu.memory_space<vmem>> -> memref<80x128xf32, #tpu.memory_space<vmem>>
    %dma_start3A_900 = arith.constant 0 : i32
    %dma_start3A_901 = tpu.memref_slice %arg7[%dma_start3A_895, %dma_start3A_900] : memref<6x80xi32, #tpu.memory_space<vmem>> -> memref<1x80xi32, #tpu.memory_space<vmem>>
    %dma_start3A_902 = tpu.memref_squeeze %dma_start3A_901 : memref<1x80xi32, #tpu.memory_space<vmem>> -> memref<80xi32, #tpu.memory_space<vmem>>
    %dma_start3A_903 = arith.constant 0 : i32
    %dma_start3A_904 = arith.constant 0 : i32
    %dma_start3A_905 = tpu.memref_slice %arg10[%dma_start3A_903, %dma_start3A_904] : memref<10240x128xf32, #tpu.memory_space<vmem_shared>> -> memref<10240x128xf32, #tpu.memory_space<vmem_shared>>
    tpu.enqueue_indirect_dma source(%dma_start3A_899 : memref<80x128xf32, #tpu.memory_space<vmem>>) target(%dma_start3A_905 : memref<10240x128xf32, #tpu.memory_space<vmem_shared>>) offsets(%dma_start3A_902 : memref<80xi32, #tpu.memory_space<vmem>>) semaphore(%arg17 : memref<!tpu.dma_semaphore, #tpu.memory_space<semaphore_mem>>) {add = true}
    %dma_wait3A_906 = arith.constant 1 : i32
    %dma_wait3A_907 = arith.constant 1 : i32
    %dma_wait3A_908 = arith.constant 0 : i32
    %dma_wait3A_909 = arith.constant 0 : i32
    %dma_wait3A_910 = tpu.memref_slice %arg8[%dma_wait3A_907, %dma_wait3A_908, %dma_wait3A_909] : memref<3x80x128xf32, #tpu.memory_space<vmem>> -> memref<1x80x128xf32, #tpu.memory_space<vmem>>
    %dma_wait3A_911 = tpu.memref_squeeze %dma_wait3A_910 : memref<1x80x128xf32, #tpu.memory_space<vmem>> -> memref<80x128xf32, #tpu.memory_space<vmem>>
    %dma_wait3A_912 = arith.constant 0 : i32
    %dma_wait3A_913 = tpu.memref_slice %arg6[%dma_wait3A_906, %dma_wait3A_912] : memref<3x80xi32, #tpu.memory_space<vmem>> -> memref<1x80xi32, #tpu.memory_space<vmem>>
    %dma_wait3A_914 = tpu.memref_squeeze %dma_wait3A_913 : memref<1x80xi32, #tpu.memory_space<vmem>> -> memref<80xi32, #tpu.memory_space<vmem>>
    %dma_wait3A_915 = arith.constant 0 : i32
    %dma_wait3A_916 = arith.constant 0 : i32
    %dma_wait3A_917 = tpu.memref_slice %arg2[%dma_wait3A_915, %dma_wait3A_916] : memref<10000x128xf32, #tpu.memory_space<hbm>> -> memref<10000x128xf32, #tpu.memory_space<hbm>>
    tpu.wait_indirect_dma semaphore(%arg15 : memref<!tpu.dma_semaphore, #tpu.memory_space<semaphore_mem>>) src(%dma_wait3A_917 : memref<10000x128xf32, #tpu.memory_space<hbm>>) dst(%dma_wait3A_911 : memref<80x128xf32, #tpu.memory_space<vmem>>)
    %dma_start3A_918 = arith.constant 1 : i32
    %dma_start3A_919 = arith.constant 4 : i32
    %dma_start3A_920 = arith.constant 0 : i32
    %dma_start3A_921 = arith.constant 0 : i32
    %dma_start3A_922 = tpu.memref_slice %arg8[%dma_start3A_918, %dma_start3A_920, %dma_start3A_921] : memref<3x80x128xf32, #tpu.memory_space<vmem>> -> memref<1x80x128xf32, #tpu.memory_space<vmem>>
    %dma_start3A_923 = tpu.memref_squeeze %dma_start3A_922 : memref<1x80x128xf32, #tpu.memory_space<vmem>> -> memref<80x128xf32, #tpu.memory_space<vmem>>
    %dma_start3A_924 = arith.constant 0 : i32
    %dma_start3A_925 = tpu.memref_slice %arg7[%dma_start3A_919, %dma_start3A_924] : memref<6x80xi32, #tpu.memory_space<vmem>> -> memref<1x80xi32, #tpu.memory_space<vmem>>
    %dma_start3A_926 = tpu.memref_squeeze %dma_start3A_925 : memref<1x80xi32, #tpu.memory_space<vmem>> -> memref<80xi32, #tpu.memory_space<vmem>>
    %dma_start3A_927 = arith.constant 0 : i32
    %dma_start3A_928 = arith.constant 0 : i32
    %dma_start3A_929 = tpu.memref_slice %arg10[%dma_start3A_927, %dma_start3A_928] : memref<10240x128xf32, #tpu.memory_space<vmem_shared>> -> memref<10240x128xf32, #tpu.memory_space<vmem_shared>>
    tpu.enqueue_indirect_dma source(%dma_start3A_923 : memref<80x128xf32, #tpu.memory_space<vmem>>) target(%dma_start3A_929 : memref<10240x128xf32, #tpu.memory_space<vmem_shared>>) offsets(%dma_start3A_926 : memref<80xi32, #tpu.memory_space<vmem>>) semaphore(%arg18 : memref<!tpu.dma_semaphore, #tpu.memory_space<semaphore_mem>>) {add = true}
    %dma_wait3A_930 = arith.constant 0 : i32
    %dma_wait3A_931 = arith.constant 3 : i32
    %dma_wait3A_932 = arith.constant 0 : i32
    %dma_wait3A_933 = arith.constant 0 : i32
    %dma_wait3A_934 = tpu.memref_slice %arg8[%dma_wait3A_930, %dma_wait3A_932, %dma_wait3A_933] : memref<3x80x128xf32, #tpu.memory_space<vmem>> -> memref<1x80x128xf32, #tpu.memory_space<vmem>>
    %dma_wait3A_935 = tpu.memref_squeeze %dma_wait3A_934 : memref<1x80x128xf32, #tpu.memory_space<vmem>> -> memref<80x128xf32, #tpu.memory_space<vmem>>
    %dma_wait3A_936 = arith.constant 0 : i32
    %dma_wait3A_937 = tpu.memref_slice %arg7[%dma_wait3A_931, %dma_wait3A_936] : memref<6x80xi32, #tpu.memory_space<vmem>> -> memref<1x80xi32, #tpu.memory_space<vmem>>
    %dma_wait3A_938 = tpu.memref_squeeze %dma_wait3A_937 : memref<1x80xi32, #tpu.memory_space<vmem>> -> memref<80xi32, #tpu.memory_space<vmem>>
    %dma_wait3A_939 = arith.constant 0 : i32
    %dma_wait3A_940 = arith.constant 0 : i32
    %dma_wait3A_941 = tpu.memref_slice %arg10[%dma_wait3A_939, %dma_wait3A_940] : memref<10240x128xf32, #tpu.memory_space<vmem_shared>> -> memref<10240x128xf32, #tpu.memory_space<vmem_shared>>
    tpu.wait_indirect_dma semaphore(%arg17 : memref<!tpu.dma_semaphore, #tpu.memory_space<semaphore_mem>>) src(%dma_wait3A_935 : memref<80x128xf32, #tpu.memory_space<vmem>>) dst(%dma_wait3A_941 : memref<10240x128xf32, #tpu.memory_space<vmem_shared>>)
    %dma_wait3A_942 = arith.constant 1 : i32
    %dma_wait3A_943 = arith.constant 4 : i32
    %dma_wait3A_944 = arith.constant 0 : i32
    %dma_wait3A_945 = arith.constant 0 : i32
    %dma_wait3A_946 = tpu.memref_slice %arg8[%dma_wait3A_942, %dma_wait3A_944, %dma_wait3A_945] : memref<3x80x128xf32, #tpu.memory_space<vmem>> -> memref<1x80x128xf32, #tpu.memory_space<vmem>>
    %dma_wait3A_947 = tpu.memref_squeeze %dma_wait3A_946 : memref<1x80x128xf32, #tpu.memory_space<vmem>> -> memref<80x128xf32, #tpu.memory_space<vmem>>
    %dma_wait3A_948 = arith.constant 0 : i32
    %dma_wait3A_949 = tpu.memref_slice %arg7[%dma_wait3A_943, %dma_wait3A_948] : memref<6x80xi32, #tpu.memory_space<vmem>> -> memref<1x80xi32, #tpu.memory_space<vmem>>
    %dma_wait3A_950 = tpu.memref_squeeze %dma_wait3A_949 : memref<1x80xi32, #tpu.memory_space<vmem>> -> memref<80xi32, #tpu.memory_space<vmem>>
    %dma_wait3A_951 = arith.constant 0 : i32
    %dma_wait3A_952 = arith.constant 0 : i32
    %dma_wait3A_953 = tpu.memref_slice %arg10[%dma_wait3A_951, %dma_wait3A_952] : memref<10240x128xf32, #tpu.memory_space<vmem_shared>> -> memref<10240x128xf32, #tpu.memory_space<vmem_shared>>
    tpu.wait_indirect_dma semaphore(%arg18 : memref<!tpu.dma_semaphore, #tpu.memory_space<semaphore_mem>>) src(%dma_wait3A_947 : memref<80x128xf32, #tpu.memory_space<vmem>>) dst(%dma_wait3A_953 : memref<10240x128xf32, #tpu.memory_space<vmem_shared>>)
    %barrier3A_954 = arith.constant 0 : index
    tpu.barrier barrier_id(%barrier3A_954)
    %mul3A_955 = arith.constant 640 : i32
    %mul3A_956 = arith.muli %arg1, %mul3A_955 : i32
    %mul3A_957 = arith.constant 640 : i32
    %mul3A_958 = arith.muli %arg1, %mul3A_957 : i32
    "tpu.region"() ({
      %run_scoped3A = tpu.sem_alloc : memref<!tpu.dma_semaphore, #tpu.memory_space<semaphore_mem>>
      %dma_start3A_959 = arith.constant 0 : i32
      %dma_start3A_960 = tpu.memref_slice %arg5[%arg0, %mul3A_958, %dma_start3A_959] : memref<2x10240x128xf32, #tpu.memory_space<hbm>> -> memref<1x640x128xf32, #tpu.memory_space<hbm>>
      %dma_start3A_961 = tpu.memref_squeeze %dma_start3A_960 : memref<1x640x128xf32, #tpu.memory_space<hbm>> -> memref<640x128xf32, #tpu.memory_space<hbm>>
      %dma_start3A_962 = arith.constant 0 : i32
      %dma_start3A_963 = tpu.memref_slice %arg10[%mul3A_956, %dma_start3A_962] : memref<10240x128xf32, #tpu.memory_space<vmem_shared>> -> memref<640x128xf32, #tpu.memory_space<vmem_shared>>
      tpu.enqueue_dma source(%dma_start3A_963 : memref<640x128xf32, #tpu.memory_space<vmem_shared>>) target(%dma_start3A_961 : memref<640x128xf32, #tpu.memory_space<hbm>>) target_semaphore(%run_scoped3A : memref<!tpu.dma_semaphore, #tpu.memory_space<semaphore_mem>>)
      %dma_wait3A_964 = arith.constant 0 : i32
      %dma_wait3A_965 = tpu.memref_slice %arg5[%arg0, %mul3A_958, %dma_wait3A_964] : memref<2x10240x128xf32, #tpu.memory_space<hbm>> -> memref<1x640x128xf32, #tpu.memory_space<hbm>>
      %dma_wait3A_966 = tpu.memref_squeeze %dma_wait3A_965 : memref<1x640x128xf32, #tpu.memory_space<hbm>> -> memref<640x128xf32, #tpu.memory_space<hbm>>
      %dma_wait3A_967 = arith.constant 0 : i32
      %dma_wait3A_968 = tpu.memref_slice %arg10[%mul3A_956, %dma_wait3A_967] : memref<10240x128xf32, #tpu.memory_space<vmem_shared>> -> memref<640x128xf32, #tpu.memory_space<vmem_shared>>
      tpu.wait_dma2 semaphore(%run_scoped3A : memref<!tpu.dma_semaphore, #tpu.memory_space<semaphore_mem>>) src(%dma_wait3A_968 : memref<640x128xf32, #tpu.memory_space<vmem_shared>>) dst(%dma_wait3A_966 : memref<640x128xf32, #tpu.memory_space<hbm>>)
      tpu.yield
    }) : () -> ()
    return
  }
}

module attributes {stable_mosaic.version = 14 : i64} {
  func.func @_dense_body(%arg0: memref<10000x128xf32, #tpu.memory_space<vmem>>, %arg1: memref<2x10240x128xf32, #tpu.memory_space<vmem>>, %arg2: memref<128x128xf32, #tpu.memory_space<vmem>>, %arg3: memref<1x128xf32, #tpu.memory_space<vmem>>, %arg4: memref<1x128xf32, #tpu.memory_space<vmem>>, %arg5: memref<1x128xf32, #tpu.memory_space<vmem>>, %arg6: memref<1x128xf32, #tpu.memory_space<vmem>>, %arg7: memref<128x128xf32, #tpu.memory_space<vmem>>, %arg8: memref<1x128xf32, #tpu.memory_space<vmem>>, %arg9: memref<10000x128xf32, #tpu.memory_space<vmem>>) attributes {dimension_semantics = [], scalar_prefetch = 0 : i64, scratch_operands = 0 : i64, tpu.core_type = #tpu.core_type<tc>} {
    %get3A = arith.constant 0 : index
    %get3A_0 = arith.constant 0 : index
    %get3A_1 = vector.load %arg0[%get3A, %get3A_0] : memref<10000x128xf32, #tpu.memory_space<vmem>>, vector<10000x128xf32>
    %get3A_2 = arith.constant 0 : index
    %get3A_3 = arith.constant 0 : index
    %get3A_4 = arith.constant 0 : index
    %get3A_5 = vector.load %arg1[%get3A_2, %get3A_3, %get3A_4] : memref<2x10240x128xf32, #tpu.memory_space<vmem>>, vector<1x10000x128xf32>
    %get3A_6 = vector.shape_cast %get3A_5 : vector<1x10000x128xf32> to vector<10000x128xf32>
    %add3A = arith.addf %get3A_1, %get3A_6 : vector<10000x128xf32>
    %get3A_7 = arith.constant 1 : index
    %get3A_8 = arith.constant 0 : index
    %get3A_9 = arith.constant 0 : index
    %get3A_10 = vector.load %arg1[%get3A_7, %get3A_8, %get3A_9] : memref<2x10240x128xf32, #tpu.memory_space<vmem>>, vector<1x10000x128xf32>
    %get3A_11 = vector.shape_cast %get3A_10 : vector<1x10000x128xf32> to vector<10000x128xf32>
    %add3A_12 = arith.addf %add3A, %get3A_11 : vector<10000x128xf32>
    %get3A_13 = arith.constant 0 : index
    %get3A_14 = arith.constant 0 : index
    %get3A_15 = vector.load %arg2[%get3A_13, %get3A_14] : memref<128x128xf32, #tpu.memory_space<vmem>>, vector<128x128xf32>
    %dot_general3A = arith.constant dense<0.000000e+00> : vector<10000x128xf32>
    %dot_general3A_16 = tpu.matmul %add3A_12, %get3A_15, %dot_general3A {dimension_numbers = #tpu.dot_dimension_numbers<[1], [0], [0], [1], [0, 0, 1, 1], [], []>, transpose_lhs_hint = false} : vector<10000x128xf32>, vector<128x128xf32>, vector<10000x128xf32> -> vector<10000x128xf32>
    %get3A_17 = arith.constant 0 : index
    %get3A_18 = arith.constant 0 : index
    %get3A_19 = vector.load %arg3[%get3A_17, %get3A_18] : memref<1x128xf32, #tpu.memory_space<vmem>>, vector<1x128xf32>
    %add3A_20 = vector.broadcast %get3A_19 : vector<1x128xf32> to vector<10000x128xf32>
    %add3A_21 = arith.addf %dot_general3A_16, %add3A_20 : vector<10000x128xf32>
    %reduce_sum3A = arith.constant dense<0.000000e+00> : vector<128xf32>
    %reduce_sum3A_22 = vector.multi_reduction <add>, %add3A_21, %reduce_sum3A [0] : vector<10000x128xf32> to vector<128xf32>
    %broadcast_in_dim3A = vector.shape_cast %reduce_sum3A_22 : vector<128xf32> to vector<1x128xf32>
    %div3A = arith.constant 1.000000e+04 : f32
    %div3A_23 = vector.broadcast %div3A : f32 to vector<1x128xf32>
    %div3A_24 = arith.divf %broadcast_in_dim3A, %div3A_23 : vector<1x128xf32>
    %get3A_25 = arith.constant 0 : index
    %get3A_26 = arith.constant 0 : index
    %get3A_27 = vector.load %arg4[%get3A_25, %get3A_26] : memref<1x128xf32, #tpu.memory_space<vmem>>, vector<1x128xf32>
    %mul3A = arith.mulf %get3A_27, %div3A_24 : vector<1x128xf32>
    %sub3A = vector.broadcast %mul3A : vector<1x128xf32> to vector<10000x128xf32>
    %sub3A_28 = arith.subf %add3A_21, %sub3A : vector<10000x128xf32>
    %mul3A_29 = arith.mulf %sub3A_28, %sub3A_28 : vector<10000x128xf32>
    %reduce_sum3A_30 = arith.constant dense<0.000000e+00> : vector<128xf32>
    %reduce_sum3A_31 = vector.multi_reduction <add>, %mul3A_29, %reduce_sum3A_30 [0] : vector<10000x128xf32> to vector<128xf32>
    %broadcast_in_dim3A_32 = vector.shape_cast %reduce_sum3A_31 : vector<128xf32> to vector<1x128xf32>
    %div3A_33 = arith.constant 1.000000e+04 : f32
    %div3A_34 = vector.broadcast %div3A_33 : f32 to vector<1x128xf32>
    %div3A_35 = arith.divf %broadcast_in_dim3A_32, %div3A_34 : vector<1x128xf32>
    %get3A_36 = arith.constant 0 : index
    %get3A_37 = arith.constant 0 : index
    %get3A_38 = vector.load %arg5[%get3A_36, %get3A_37] : memref<1x128xf32, #tpu.memory_space<vmem>>, vector<1x128xf32>
    %mul3A_39 = vector.broadcast %get3A_38 : vector<1x128xf32> to vector<10000x128xf32>
    %mul3A_40 = arith.mulf %mul3A_39, %sub3A_28 : vector<10000x128xf32>
    %add3A_41 = arith.constant 9.99999974E-6 : f32
    %add3A_42 = vector.broadcast %add3A_41 : f32 to vector<1x128xf32>
    %add3A_43 = arith.addf %div3A_35, %add3A_42 : vector<1x128xf32>
    %sqrt3A = math.sqrt %add3A_43 : vector<1x128xf32>
    %div3A_44 = vector.broadcast %sqrt3A : vector<1x128xf32> to vector<10000x128xf32>
    %div3A_45 = arith.divf %mul3A_40, %div3A_44 : vector<10000x128xf32>
    %get3A_46 = arith.constant 0 : index
    %get3A_47 = arith.constant 0 : index
    %get3A_48 = vector.load %arg6[%get3A_46, %get3A_47] : memref<1x128xf32, #tpu.memory_space<vmem>>, vector<1x128xf32>
    %add3A_49 = vector.broadcast %get3A_48 : vector<1x128xf32> to vector<10000x128xf32>
    %add3A_50 = arith.addf %div3A_45, %add3A_49 : vector<10000x128xf32>
    %max3A = arith.constant 0.000000e+00 : f32
    %max3A_51 = vector.broadcast %max3A : f32 to vector<10000x128xf32>
    %max3A_52 = arith.maximumf %add3A_50, %max3A_51 : vector<10000x128xf32>
    %get3A_53 = arith.constant 0 : index
    %get3A_54 = arith.constant 0 : index
    %get3A_55 = vector.load %arg7[%get3A_53, %get3A_54] : memref<128x128xf32, #tpu.memory_space<vmem>>, vector<128x128xf32>
    %dot_general3A_56 = arith.constant dense<0.000000e+00> : vector<10000x128xf32>
    %dot_general3A_57 = tpu.matmul %max3A_52, %get3A_55, %dot_general3A_56 {dimension_numbers = #tpu.dot_dimension_numbers<[1], [0], [0], [1], [0, 0, 1, 1], [], []>, transpose_lhs_hint = false} : vector<10000x128xf32>, vector<128x128xf32>, vector<10000x128xf32> -> vector<10000x128xf32>
    %get3A_58 = arith.constant 0 : index
    %get3A_59 = arith.constant 0 : index
    %get3A_60 = vector.load %arg8[%get3A_58, %get3A_59] : memref<1x128xf32, #tpu.memory_space<vmem>>, vector<1x128xf32>
    %add3A_61 = vector.broadcast %get3A_60 : vector<1x128xf32> to vector<10000x128xf32>
    %add3A_62 = arith.addf %dot_general3A_57, %add3A_61 : vector<10000x128xf32>
    %max3A_63 = arith.constant 0.000000e+00 : f32
    %max3A_64 = vector.broadcast %max3A_63 : f32 to vector<10000x128xf32>
    %max3A_65 = arith.maximumf %add3A_62, %max3A_64 : vector<10000x128xf32>
    %swap3A = arith.constant 0 : index
    %swap3A_66 = arith.constant 0 : index
    %swap3A_67 = vector.load %arg9[%swap3A, %swap3A_66] : memref<10000x128xf32, #tpu.memory_space<vmem>>, vector<10000x128xf32>
    tpu.vector_store %arg9[%swap3A, %swap3A_66], %max3A_65 {strides = array<i32>} : memref<10000x128xf32, #tpu.memory_space<vmem>>, vector<10000x128xf32>,
    return
  }
}

module attributes {stable_mosaic.version = 14 : i64} {
  func.func @_dense_body(%arg0: memref<10000x128xf32, #tpu.memory_space<vmem>>, %arg1: memref<2x10240x128xf32, #tpu.memory_space<vmem>>, %arg2: memref<128x128xf32, #tpu.memory_space<vmem>>, %arg3: memref<1x128xf32, #tpu.memory_space<vmem>>, %arg4: memref<1x128xf32, #tpu.memory_space<vmem>>, %arg5: memref<1x128xf32, #tpu.memory_space<vmem>>, %arg6: memref<1x128xf32, #tpu.memory_space<vmem>>, %arg7: memref<128x128xf32, #tpu.memory_space<vmem>>, %arg8: memref<1x128xf32, #tpu.memory_space<vmem>>, %arg9: memref<10000x128xf32, #tpu.memory_space<vmem>>) attributes {dimension_semantics = [], scalar_prefetch = 0 : i64, scratch_operands = 0 : i64, tpu.core_type = #tpu.core_type<tc>} {
    %get3A = arith.constant 0 : index
    %get3A_0 = arith.constant 0 : index
    %get3A_1 = vector.load %arg0[%get3A, %get3A_0] : memref<10000x128xf32, #tpu.memory_space<vmem>>, vector<10000x128xf32>
    %get3A_2 = arith.constant 0 : index
    %get3A_3 = arith.constant 0 : index
    %get3A_4 = arith.constant 0 : index
    %get3A_5 = vector.load %arg1[%get3A_2, %get3A_3, %get3A_4] : memref<2x10240x128xf32, #tpu.memory_space<vmem>>, vector<1x10000x128xf32>
    %get3A_6 = vector.shape_cast %get3A_5 : vector<1x10000x128xf32> to vector<10000x128xf32>
    %add3A = arith.addf %get3A_1, %get3A_6 : vector<10000x128xf32>
    %get3A_7 = arith.constant 1 : index
    %get3A_8 = arith.constant 0 : index
    %get3A_9 = arith.constant 0 : index
    %get3A_10 = vector.load %arg1[%get3A_7, %get3A_8, %get3A_9] : memref<2x10240x128xf32, #tpu.memory_space<vmem>>, vector<1x10000x128xf32>
    %get3A_11 = vector.shape_cast %get3A_10 : vector<1x10000x128xf32> to vector<10000x128xf32>
    %add3A_12 = arith.addf %add3A, %get3A_11 : vector<10000x128xf32>
    %get3A_13 = arith.constant 0 : index
    %get3A_14 = arith.constant 0 : index
    %get3A_15 = vector.load %arg2[%get3A_13, %get3A_14] : memref<128x128xf32, #tpu.memory_space<vmem>>, vector<128x128xf32>
    %dot_general3A = arith.constant dense<0.000000e+00> : vector<10000x128xf32>
    %dot_general3A_16 = tpu.matmul %add3A_12, %get3A_15, %dot_general3A {dimension_numbers = #tpu.dot_dimension_numbers<[1], [0], [0], [1], [0, 0, 1, 1], [], []>, transpose_lhs_hint = false} : vector<10000x128xf32>, vector<128x128xf32>, vector<10000x128xf32> -> vector<10000x128xf32>
    %get3A_17 = arith.constant 0 : index
    %get3A_18 = arith.constant 0 : index
    %get3A_19 = vector.load %arg3[%get3A_17, %get3A_18] : memref<1x128xf32, #tpu.memory_space<vmem>>, vector<1x128xf32>
    %add3A_20 = vector.broadcast %get3A_19 : vector<1x128xf32> to vector<10000x128xf32>
    %add3A_21 = arith.addf %dot_general3A_16, %add3A_20 : vector<10000x128xf32>
    %reduce_sum3A = arith.constant dense<0.000000e+00> : vector<128xf32>
    %reduce_sum3A_22 = vector.multi_reduction <add>, %add3A_21, %reduce_sum3A [0] : vector<10000x128xf32> to vector<128xf32>
    %broadcast_in_dim3A = vector.shape_cast %reduce_sum3A_22 : vector<128xf32> to vector<1x128xf32>
    %div3A = arith.constant 1.000000e+04 : f32
    %div3A_23 = vector.broadcast %div3A : f32 to vector<1x128xf32>
    %div3A_24 = arith.divf %broadcast_in_dim3A, %div3A_23 : vector<1x128xf32>
    %get3A_25 = arith.constant 0 : index
    %get3A_26 = arith.constant 0 : index
    %get3A_27 = vector.load %arg4[%get3A_25, %get3A_26] : memref<1x128xf32, #tpu.memory_space<vmem>>, vector<1x128xf32>
    %mul3A = arith.mulf %get3A_27, %div3A_24 : vector<1x128xf32>
    %sub3A = vector.broadcast %mul3A : vector<1x128xf32> to vector<10000x128xf32>
    %sub3A_28 = arith.subf %add3A_21, %sub3A : vector<10000x128xf32>
    %mul3A_29 = arith.mulf %sub3A_28, %sub3A_28 : vector<10000x128xf32>
    %reduce_sum3A_30 = arith.constant dense<0.000000e+00> : vector<128xf32>
    %reduce_sum3A_31 = vector.multi_reduction <add>, %mul3A_29, %reduce_sum3A_30 [0] : vector<10000x128xf32> to vector<128xf32>
    %broadcast_in_dim3A_32 = vector.shape_cast %reduce_sum3A_31 : vector<128xf32> to vector<1x128xf32>
    %div3A_33 = arith.constant 1.000000e+04 : f32
    %div3A_34 = vector.broadcast %div3A_33 : f32 to vector<1x128xf32>
    %div3A_35 = arith.divf %broadcast_in_dim3A_32, %div3A_34 : vector<1x128xf32>
    %get3A_36 = arith.constant 0 : index
    %get3A_37 = arith.constant 0 : index
    %get3A_38 = vector.load %arg5[%get3A_36, %get3A_37] : memref<1x128xf32, #tpu.memory_space<vmem>>, vector<1x128xf32>
    %mul3A_39 = vector.broadcast %get3A_38 : vector<1x128xf32> to vector<10000x128xf32>
    %mul3A_40 = arith.mulf %mul3A_39, %sub3A_28 : vector<10000x128xf32>
    %add3A_41 = arith.constant 9.99999974E-6 : f32
    %add3A_42 = vector.broadcast %add3A_41 : f32 to vector<1x128xf32>
    %add3A_43 = arith.addf %div3A_35, %add3A_42 : vector<1x128xf32>
    %sqrt3A = math.sqrt %add3A_43 : vector<1x128xf32>
    %div3A_44 = vector.broadcast %sqrt3A : vector<1x128xf32> to vector<10000x128xf32>
    %div3A_45 = arith.divf %mul3A_40, %div3A_44 : vector<10000x128xf32>
    %get3A_46 = arith.constant 0 : index
    %get3A_47 = arith.constant 0 : index
    %get3A_48 = vector.load %arg6[%get3A_46, %get3A_47] : memref<1x128xf32, #tpu.memory_space<vmem>>, vector<1x128xf32>
    %add3A_49 = vector.broadcast %get3A_48 : vector<1x128xf32> to vector<10000x128xf32>
    %add3A_50 = arith.addf %div3A_45, %add3A_49 : vector<10000x128xf32>
    %max3A = arith.constant 0.000000e+00 : f32
    %max3A_51 = vector.broadcast %max3A : f32 to vector<10000x128xf32>
    %max3A_52 = arith.maximumf %add3A_50, %max3A_51 : vector<10000x128xf32>
    %get3A_53 = arith.constant 0 : index
    %get3A_54 = arith.constant 0 : index
    %get3A_55 = vector.load %arg7[%get3A_53, %get3A_54] : memref<128x128xf32, #tpu.memory_space<vmem>>, vector<128x128xf32>
    %dot_general3A_56 = arith.constant dense<0.000000e+00> : vector<10000x128xf32>
    %dot_general3A_57 = tpu.matmul %max3A_52, %get3A_55, %dot_general3A_56 {dimension_numbers = #tpu.dot_dimension_numbers<[1], [0], [0], [1], [0, 0, 1, 1], [], []>, transpose_lhs_hint = false} : vector<10000x128xf32>, vector<128x128xf32>, vector<10000x128xf32> -> vector<10000x128xf32>
    %get3A_58 = arith.constant 0 : index
    %get3A_59 = arith.constant 0 : index
    %get3A_60 = vector.load %arg8[%get3A_58, %get3A_59] : memref<1x128xf32, #tpu.memory_space<vmem>>, vector<1x128xf32>
    %add3A_61 = vector.broadcast %get3A_60 : vector<1x128xf32> to vector<10000x128xf32>
    %add3A_62 = arith.addf %dot_general3A_57, %add3A_61 : vector<10000x128xf32>
    %max3A_63 = arith.constant 0.000000e+00 : f32
    %max3A_64 = vector.broadcast %max3A_63 : f32 to vector<10000x128xf32>
    %max3A_65 = arith.maximumf %add3A_62, %max3A_64 : vector<10000x128xf32>
    %swap3A = arith.constant 0 : index
    %swap3A_66 = arith.constant 0 : index
    %swap3A_67 = vector.load %arg9[%swap3A, %swap3A_66] : memref<10000x128xf32, #tpu.memory_space<vmem>>, vector<10000x128xf32>
    tpu.vector_store %arg9[%swap3A, %swap3A_66], %max3A_65 {strides = array<i32>} : memref<10000x128xf32, #tpu.memory_space<vmem>>, vector<10000x128xf32>,
    return
  }
}

</mosaic_0001>

<sc_bundles>
// kernel: kernel.6.cloned.1.call-start
scs
__scs_entry_jumppad:
0x0: {  	(pc) =	sbr.rel $0x88, $3  }
0x1: {  	(tag) =	ssettag $0x0;
	lr =	simm.s32 $0x1  }
0x2: {  	[smem:$0x3F91] =	sst lr;
	_ =	strace $0xD0000000  }
0x3: {  	_ = 	snop  }
0x4: {  	_ = 	snop  }
0x5: {  	_ = 	snop  }
0x6: {  	_ = 	snop  }
0x7: {  	_ = 	snop  }
__scs_overlays_trampoline_lowered:
0x8: {  	[smem:$0x3FA0] =	sst s0  }
0x9: {  	[smem:$0x3FA1] =	sst s1  }
0xa: {  	[smem:$0x3FA2] =	sst s2  }
0xb: {  	[smem:$0x3FA3] =	sst s3  }
0xc: {  	[smem:$0x3FA4] =	sst s4  }
0xd: {  	[smem:$0x3FA5] =	sst s5  }
0xe: {  	[smem:$0x3FA6] =	sst s6  }
0xf: {  	[smem:$0x3FA7] =	sst s7  }
0x10: {  	[smem:$0x3FA8] =	sst s8  }
0x11: {  	[smem:$0x3FA9] =	sst s9;
	s0 =	simm.s32 @!p0 $0x0  }
0x12: {  	s1 =	sld [smem:$0x3F8F];
	s0 =	simm.s32 @p0 $0x1  }
0x13: {  	[smem:$0x3FAA] =	sst s0;
	s0 =	simm.s32 @!p1 $0x0  }
0x14: {  	s2 =	sld [smem:$0x3F8E];
	s0 =	simm.s32 @p1 $0x1  }
0x15: {  	[smem:$0x3FAB] =	sst s0;
	s0 =	simm.s32 @!p2 $0x0  }
0x16: {  	s3 =	sld [smem:$0x3FDB];
	s0 =	simm.s32 @p2 $0x1  }
0x17: {  	s4 =	simm.s32 $0x1BF5;
	[smem:$0x3FAD] =	sst s0  }
0x18: {  	s0 =	sld [smem:$0x3F90];
	_ =	swait.ge [sflag:s4], $0x0  }
0x19: {  	s7 =	sld [smem:$0x3F91]  }
0x1a: {  	s8 =	sadd.s32 $0xFFFFE003, lr  }
0x1b: {  	s9 =	sadd.s32 $0xFFFFFEF7, lr;
	s5 =	simm.s32 $0xFFFFFFFF;
	p2 =	slt.u32 s8, $0xFFFFF086  }
0x1c: {  	p1 =	slt.u32 s9, $0xF7A;
	s5 =	simm.s32 @!p2 $0x0  }
0x1d: {  	s5 =	simm.s32 @p1 $0x1;
	p0 =	seq.s32 s7, s2  }
0x1e: {  	s7 =	smul.u32 @!p0 $0xF7A, s2;
	p2 =	seq.s32 @!p0 s5, $0x0  }
0x1f: {  	s9 =	smul.u32 $0xF7A, s1;
	s8 =	simm.s32 @!p0 $0x1BF5;
	p2 =	por !p2, p0  }
0x20: {  	[sflag:s8] =	ssyncset.s32 @!p0 $0xFFFFF086;
	s6 =	sadd.s32 @!p0 s3, s7;
	s7 =	simm.s32 @!p0 $0x108  }
0x21: {  	s3 =	sadd.s32 s3, s9;
	s6 =	sadd.s32 @!p0 $0x88, s6;
	s7 =	simm.s32 @p2 $0x1082  }
0x22: {  	[simem:s7], [sflag:s8] =	dma.local @!p0 [hbm:s6], $0xF7A  }
0x23: {  	s9 =	sor.u32 $0xD0000000, s2;
	s6 =	simm.s32 $0x108;
	_ =	swait.ge @!p0 [sflag:s8], $0x0  }
0x24: {  	s3 =	sadd.s32 $0x88, s3;
	s6 =	simm.s32 @!p1 $0x1082;
	[sflag:s4] =	ssyncset.s32 $0xFFFFF086  }
0x25: {  	[simem:s6], [sflag:s4] =	dma.local [hbm:s3], $0xF7A  }
0x26: {  	[smem:$0x3F91] =	sst s1;
	(tag) =	ssettag s2;
	_ =	strace s9  }
0x27: {  	s1 =	sld [smem:$0x3FA1]  }
0x28: {  	s2 =	sld [smem:$0x3FA2]  }
0x29: {  	s4 =	sld [smem:$0x3FA4]  }
0x2a: {  	p0 =	seq.s32 s5, $0x0;
	s5 =	sld [smem:$0x3FA5]  }
0x2b: {  	s6 =	sld [smem:$0x3FA6]  }
0x2c: {  	s7 =	sld [smem:$0x3FA7]  }
0x2d: {  	s3 =	simm.s32 $0x108;
	s8 =	sld [smem:$0x3FA8]  }
0x2e: {  	s3 =	simm.s32 @!p0 $0x1082;
	s9 =	sld [smem:$0x3FA9]  }
0x2f: {  	lr =	sadd.s32 s0, s3;
	s0 =	sld [smem:$0x3FA0]  }
0x30: {  	s3 =	sld [smem:$0x3FA3]  }
0x31: {  	[smem:$0x3FAC] =	sst s10  }
0x32: {  	s10 =	sld [smem:$0x3FAA];
	_ =	sdelay $0x3  }
0x33: {  	p0 =	seq.s32 s10, $0x1;
	s10 =	sld [smem:$0x3FAC];
	_ =	sdelay $0x3  }
0x34: {  	[smem:$0x3FAC] =	sst s10  }
0x35: {  	s10 =	sld [smem:$0x3FAB];
	_ =	sdelay $0x3  }
0x36: {  	p1 =	seq.s32 s10, $0x1;
	s10 =	sld [smem:$0x3FAC];
	_ =	sdelay $0x3  }
0x37: {  	[smem:$0x3FAC] =	sst s10  }
0x38: {  	s10 =	sld [smem:$0x3FAD]  }
0x39: {  	_ = 	snop;
	(pc) =	sbr.ind lr, $3  }
0x3a: {  	_ = 	snop  }
0x3b: {  	_ = 	snop  }
0x3c: {  	p2 =	seq.s32 s10, $0x1;
	s10 =	sld [smem:$0x3FAC]  }
0x3d: {  	_ =	shalt  }
0x3e: {  	_ =	shalt  }
0x3f: {  	_ =	shalt  }
0x40: {  	_ =	shalt  }
0x41: {  	_ =	shalt  }
0x42: {  	_ =	shalt  }
0x43: {  	_ =	shalt  }
0x44: {  	_ =	shalt  }
0x45: {  	_ =	shalt  }
0x46: {  	_ =	shalt  }
0x47: {  	_ =	shalt  }
0x48: {  	_ =	shalt  }
0x49: {  	_ =	shalt  }
0x4a: {  	_ =	shalt  }
0x4b: {  	_ =	shalt  }
0x4c: {  	_ =	shalt  }
0x4d: {  	_ =	shalt  }
0x4e: {  	_ =	shalt  }
0x4f: {  	_ =	shalt  }
0x50: {  	_ =	shalt  }
0x51: {  	_ =	shalt  }
0x52: {  	_ =	shalt  }
0x53: {  	_ =	shalt  }
0x54: {  	_ =	shalt  }
0x55: {  	_ =	shalt  }
0x56: {  	_ =	shalt  }
0x57: {  	_ =	shalt  }
0x58: {  	_ =	shalt  }
0x59: {  	_ =	shalt  }
0x5a: {  	_ =	shalt  }
0x5b: {  	_ =	shalt  }
0x5c: {  	_ =	shalt  }
0x5d: {  	_ =	shalt  }
0x5e: {  	_ =	shalt  }
0x5f: {  	_ =	shalt  }
0x60: {  	_ =	shalt  }
0x61: {  	_ =	shalt  }
0x62: {  	_ =	shalt  }
0x63: {  	_ =	shalt  }
0x64: {  	_ =	shalt  }
0x65: {  	_ =	shalt  }
0x66: {  	_ =	shalt  }
0x67: {  	_ =	shalt  }
0x68: {  	_ =	shalt  }
0x69: {  	_ =	shalt  }
0x6a: {  	_ =	shalt  }
0x6b: {  	_ =	shalt  }
0x6c: {  	_ =	shalt  }
0x6d: {  	_ =	shalt  }
0x6e: {  	_ =	shalt  }
0x6f: {  	_ =	shalt  }
0x70: {  	_ =	shalt  }
0x71: {  	_ =	shalt  }
0x72: {  	_ =	shalt  }
0x73: {  	_ =	shalt  }
0x74: {  	_ =	shalt  }
0x75: {  	_ =	shalt  }
0x76: {  	_ =	shalt  }
0x77: {  	_ =	shalt  }
0x78: {  	_ =	shalt  }
0x79: {  	_ =	shalt  }
0x7a: {  	_ =	shalt  }
0x7b: {  	_ =	shalt  }
0x7c: {  	_ =	shalt  }
0x7d: {  	_ =	shalt  }
0x7e: {  	_ =	shalt  }
0x7f: {  	_ =	shalt  }
0x80: {  	_ =	shalt  }
0x81: {  	_ =	shalt  }
0x82: {  	_ =	shalt  }
0x83: {  	_ =	shalt  }
0x84: {  	_ =	shalt  }
0x85: {  	_ =	shalt  }
0x86: {  	_ =	shalt  }
0x87: {  	_ =	shalt  }
.Lfunc_end0:
.L_simem_size_0:
called_computation_lowered:
.L_overlay_start_0:
0x88: {  	s2 =	sld [smem:$0x3FD9]  }
0x89: {  	s3 =	sld [smem:$0x3FFE];
	_ =	sdelay $0x1  }
0x8a: {  	s1 =	srdreg.scid  }
0x8b: {  	s0 =	sand.u32 $0x1, s1  }
0x8c: {  	s17 =	sshll.u32 s0, $0xA;
	s2 =	sadd.s32 s3, s2  }
0x8d: {  	s2 =	sadd.s32 s2, s17  }
0x8e: {  	[smem:$0x3FB8] =	sst s2  }
0x8f: {  	_ = 	snop  }
0x90: {  	s2 =	sld [smem:$0x3FC9];
	(tm) =	ssettm $0x1  }
0x91: {  	s18 =	sld [smem:$0x3FFB];
	_ =	sdelay $0x3  }
0x92: {  	_ =	strace s18  }
0x93: {  	s3 =	sld [smem:$0x3FFC];
	_ =	sdelay $0x3  }
0x94: {  	_ =	strace s3  }
0x95: {  	s3 =	sld [smem:$0x3FFD];
	_ =	sdelay $0x3  }
0x96: {  	_ =	strace s3  }
0x97: {  	_ =	strace $0x8FFFFFFF  }
0x98: {  	s19 =	sld [smem:$0x3FDB];
	_ =	sdelay $0x1  }
0x99: {  	s4 =	simm.s32 $_scs_section_size  }
0x9a: {  	s5 =	simm.s32 $_size__tile_overlayer_lowered;
	s6 =	simm.s32 $_tile_overlayer_lowered  }
0x9b: {  	s22 =	simm.s32 $0x1BFF;
	s21 =	sshll.u32 s6, $0x1;
	s3 =	sadd.s32 s4, s19  }
0x9c: {  	s7 =	simm.s32 $0x0;
	s20 =	sshll.u32 s5, $0x1;
	s5 =	sadd.s32 s21, s3  }
0x9d: {  	[timem:s7], [sflag:s22] =	dma.local [hbm:s5], s20  }
0x9e: {  	_ =	swait.ge [sflag:s22], s20  }
0x9f: {  	s4 =	ssub.s32 $0x0, s20;
	[sflag:s22] =	ssyncset.done $0x0  }
0xa0: {  	[sflag:s22] =	ssyncadd.s32 s4;
	_ =	sdelay $0x1  }
0xa1: {  	s23 =	simm.s32 $0x1B8B  }
0xa2: {  	_ =	swait.ge [sflag:s23], $0x1  }
0xa3: {  	[sflag:s23] =	ssyncset.done $0x0  }
0xa4: {  	s25 =	simm.s32 $0x1B8E;
	s24 =	sld [smem:$0x3FFE];
	[sflag:s23] =	ssyncadd.s32 $0xFFFFFFFF  }
0xa5: {  	s26 =	simm.s32 $execute0_lowered;
	[smem:$0x3FD2] =	sst s25  }
0xa6: {  	s5 =	sshll.u32 s26, $0x1;
	_ =	strace $0x80000046;
	[dreg:$0x1] =	wrdreg $0xFFFFFFFF  }
0xa7: {  	s28 =	simm.s32 $_size_execute0_lowered;
	s3 =	sadd.s32 s3, s5;
	[dreg:$0x0] =	wrdreg $0x0  }
0xa8: {  	s5 =	sshll.u32 s28, $0x1;
	[dreg:$0x2] =	wrdreg s3  }
0xa9: {  	[dreg:$0x3] =	wrdreg s5  }
0xaa: {  	[dreg:$0x4] =	wrdreg $0xC0  }
0xab: {  	_ =	task [dreg:s7], $0x5FFFF  }
0xac: {  	[dreg:$0x1] =	wrdreg $0xFFFFFFFF  }
0xad: {  	[dreg:$0x0] =	wrdreg $0x60  }
0xae: {  	[dreg:$0x2] =	wrdreg s2  }
0xaf: {  	[dreg:$0x3] =	wrdreg s24  }
0xb0: {  	[dreg:$0x4] =	wrdreg $0x86000  }
0xb1: {  	[dreg:$0x5] =	wrdreg $0x9  }
0xb2: {  	_ =	task.clear_ibuf [dreg:s7], $0x6FFFF;
	_ =	strace $0x90000046  }
0xb3: {  	s29 =	simm.s32 $0x9;
	_ =	strace $0x80000048  }
0xb4: {  	_ =	swait.ge [sflag:s29], $0x1  }
0xb5: {  	[sflag:s29] =	ssyncadd.s32 $0xFFFFFFFF  }
0xb6: {  	_ =	strace $0x90000048  }
0xb7: {  	_ =	sfence  }
0xb8: {  	s30 =	sld [smem:$0x0];
	_ =	sdelay $0x2  }
0xb9: {  	s31 =	sshll.u32 s1, $0xD;
	s1 =	sshrl.u32 s1, $0x2  }
0xba: {  	s3 =	sand.u32 $0x4000, s31;
	s1 =	sadd.s32 s1, s30  }
0xbb: {  	s0 =	sor.u32 s3, s0;
	s1 =	sshll.u32 s1, $0x11  }
0xbc: {  	s0 =	sor.u32 s1, s0  }
0xbd: {  	s0 =	sadd.s32 $0x8F2B, s0  }
0xbe: {  	[sflag:s0] =	ssyncadd.remote.s32 $0x1  }
0xbf: {  	_ =	sfence.sel $0xFFFF  }
0xc0: {  	[dreg:$0x0] =	wrdreg $0xFFFFFFFF;
	(pc) =	sbr.abs _section_cstart, $3  }
0xc1: {  	[dreg:$0x1] =	wrdreg $0xFFFFFFFF  }
0xc2: {  	_ =	task.clear_ibuf [dreg:s7], $0x2FFFF;
	_ =	strace $0x9FFFFFFF  }
0xc3: {  	(tm) =	ssettm $0x7FFFFFFF  }
tec
execute0_lowered:
.L_overlay_start_1:
0x0: {  	(tag) =	ssettag $0x1  }
0x1: {  	s0 =	rddreg [dreg:$0x0]  }
0x2: {  	s1 =	rddreg [dreg:$0x1];
	s5 =	stileid.u32  }
0x3: {  	s2 =	srdreg.scid;
	s7 =	smul.u32 $0x14000, s5  }
0x4: {  	s3 =	rddreg [dreg:$0x2];
	s4 =	simm.s32 $0x0;
	s8 =	smul.u32 $0x50000, s5  }
0x5: {  	s2 =	sand.u32 $0x1, s2;
	[smem:$0x7FF] =	sst s4;
	s24 =	smul.u32 $0x2710, s5  }
0x6: {  	s11 =	sadd.s32 $0xCA00, s1;
	s6 =	smul.u32 $0x140000, s2;
	_ =	strace $0x80000047  }
0x7: {  	s21 =	ssub.s32 $0x2, s2;
	s9 =	sshll.u32 s2, $0x4;
	s2 =	smul.u32 $0x27100, s2  }
0x8: {  	s9 =	sor.u32 s5, s9;
	s8 =	sshrl.u32 s8, $0x2;
	s5 =	smov.u32 s11  }
0x9: {  	s10 =	sshrl.u32 s21, $0x1;
	s12 =	sadd.s32 s8, s3;
	[dreg:$0xf] =	wrdreg s5  }
0xa: {  	s7 =	sadd.s32 s7, s6;
	s6 =	sadd.s32 $0x2C00, s1;
	[dreg:$0x10] =	wrdreg s12  }
0xb: {  	s9 =	smul.u32 $0x2710, s9;
	s8 =	sadd.s32 $0x800, s12;
	[dreg:$0xe] =	wrdreg s6  }
0xc: {  	s2 =	sadd.s32 s24, s2;
	s22 =	sadd.s32 $0x1000, s12;
	[dreg:$0x11] =	wrdreg s8  }
0xd: {  	s7 =	sshrl.u32 s7, $0x3;
	s23 =	sadd.s32 $0x1800, s12;
	[dreg:$0x12] =	wrdreg s22  }
0xe: {  	s25 =	sadd.s32 $0x2000, s12;
	s26 =	sadd.s32 $0x2800, s12;
	[dreg:$0x13] =	wrdreg s23  }
0xf: {  	s18 =	sadd.s32 $0x280, s2;
	s8 =	sshrl.u32 s9, $0x3;
	[dreg:$0x14] =	wrdreg s25  }
0x10: {  	s1 =	sadd.s32 s7, s1;
	[dreg:$0x15] =	wrdreg s26;
	s13 =	sadd.s32 s11, s8  }
0x11: {  	s20 =	sshrl.u32 s18, $0x3;
	s14 =	sadd.s32 s6, s8;
	[dreg:$0x16] =	wrdreg s13  }
0x12: {  	s7 =	ssub.s32 s21, s10;
	s21 =	sadd.s32 s20, s6;
	[dreg:$0x17] =	wrdreg s14  }
0x13: {  	s18 =	sadd.s32 $0xF0, s2;
	s23 =	sadd.s32 s20, s5;
	[dreg:$0x4] =	wrdreg s21  }
0x14: {  	s15 =	sadd.s32 $0xA, s8;
	s1 =	sadd.s32 $0x16800, s1;
	[dreg:$0x5] =	wrdreg s23  }
0x15: {  	s20 =	sshrl.u32 s18, $0x3;
	s18 =	sadd.s32 $0x5800, s12;
	[smem:$0x7D9] =	sst s1  }
0x16: {  	s16 =	sadd.s32 s11, s15;
	[smem:$0x7E1] =	sst s18  }
0x17: {  	s17 =	sadd.s32 $0x14, s8;
	s10 =	sadd.s32 s6, s15;
	[dreg:$0x18] =	wrdreg s16  }
0x18: {  	s22 =	sadd.s32 $0x230, s2;
	s19 =	sadd.s32 s5, s17;
	[dreg:$0x19] =	wrdreg s10  }
0x19: {  	s24 =	sshrl.u32 s22, $0x3;
	s9 =	sadd.s32 s6, s17;
	[dreg:$0x1a] =	wrdreg s19  }
0x1a: {  	s25 =	sadd.s32 s24, s6;
	[dreg:$0x1b] =	wrdreg s9  }
0x1b: {  	s22 =	sadd.s32 s20, s6;
	[dreg:$0x6] =	wrdreg s25  }
0x1c: {  	s26 =	sadd.s32 $0x190, s2;
	s18 =	sadd.s32 $0xF800, s12;
	[dreg:$0xc] =	wrdreg s22  }
0x1d: {  	s11 =	sshrl.u32 s26, $0x3;
	s10 =	sadd.s32 s24, s5;
	[smem:$0x7F5] =	sst s18  }
0x1e: {  	s13 =	sadd.s32 s11, s6;
	[dreg:$0x7] =	wrdreg s10  }
0x1f: {  	s21 =	sadd.s32 $0x4CE, s8;
	s15 =	sadd.s32 s11, s5;
	[dreg:$0x8] =	wrdreg s13  }
0x20: {  	s23 =	sadd.s32 s5, s21;
	[dreg:$0x9] =	wrdreg s15  }
0x21: {  	s25 =	sadd.s32 s6, s21;
	[dreg:$0x1c] =	wrdreg s23  }
0x22: {  	s8 =	sadd.s32 $0x4D8, s8;
	s24 =	sadd.s32 s20, s5;
	[dreg:$0x1d] =	wrdreg s25  }
0x23: {  	s26 =	sadd.s32 s5, s8;
	[dreg:$0xd] =	wrdreg s24  }
0x24: {  	s8 =	sadd.s32 s6, s8;
	[dreg:$0x1e] =	wrdreg s26  }
0x25: {  	s14 =	sadd.s32 $0x140, s2;
	s11 =	sadd.s32 $0x1E0, s2;
	[dreg:$0x1f] =	wrdreg s8  }
0x26: {  	s16 =	sshrl.u32 s14, $0x3;
	s14 =	sadd.s32 $0x3800, s12;
	[smem:$0x7DB] =	sst s11  }
0x27: {  	s20 =	sadd.s32 $0x6800, s12;
	[smem:$0x7DD] =	sst s14  }
0x28: {  	s21 =	sadd.s32 $0x7000, s12;
	[smem:$0x7E3] =	sst s20  }
0x29: {  	s22 =	sadd.s32 $0x7800, s12;
	[smem:$0x7E4] =	sst s21  }
0x2a: {  	s2 =	sadd.s32 $0xA000, s12;
	[smem:$0x7E5] =	sst s22  }
0x2b: {  	s9 =	sadd.s32 $0xB800, s12;
	[smem:$0x7EA] =	sst s2  }
0x2c: {  	s17 =	sadd.s32 s16, s6;
	[smem:$0x7ED] =	sst s9  }
0x2d: {  	s19 =	sadd.s32 s16, s5;
	[dreg:$0xa] =	wrdreg s17  }
0x2e: {  	s10 =	smax.u32 s7, $0x1;
	[dreg:$0xb] =	wrdreg s19  }
0x2f: {  	s13 =	sadd.s32 $0x3000, s12;
	[smem:$0x7DA] =	sst s10  }
0x30: {  	s15 =	sadd.s32 $0x4000, s12;
	[smem:$0x7DC] =	sst s13  }
0x31: {  	s16 =	sadd.s32 $0x4800, s12;
	[smem:$0x7DE] =	sst s15  }
0x32: {  	s23 =	sadd.s32 $0x8000, s12;
	[smem:$0x7DF] =	sst s16  }
0x33: {  	s24 =	sadd.s32 $0x8800, s12;
	[smem:$0x7E6] =	sst s23  }
0x34: {  	s25 =	sadd.s32 $0x9000, s12;
	[smem:$0x7E7] =	sst s24  }
0x35: {  	s26 =	sadd.s32 $0x9800, s12;
	[smem:$0x7E8] =	sst s25  }
0x36: {  	s7 =	sadd.s32 $0xA800, s12;
	[smem:$0x7E9] =	sst s26  }
0x37: {  	s8 =	sadd.s32 $0xB000, s12;
	[smem:$0x7EB] =	sst s7  }
0x38: {  	s11 =	sadd.s32 $0xC800, s12;
	[smem:$0x7EC] =	sst s8  }
0x39: {  	s28 =	simm.s32 $0x5;
	s14 =	sadd.s32 $0xD800, s12;
	[smem:$0x7EF] =	sst s11  }
0x3a: {  	s29 =	simm.s32 $0x6;
	s20 =	sadd.s32 $0x10800, s12;
	[smem:$0x7F1] =	sst s14  }
0x3b: {  	s30 =	simm.s32 $0x480;
	s21 =	sadd.s32 $0x11000, s12;
	[smem:$0x7F7] =	sst s20  }
0x3c: {  	s31 =	simm.s32 $0x380;
	s22 =	sadd.s32 $0x11800, s12;
	[smem:$0x7F8] =	sst s21  }
0x3d: {  	s1 =	simm.s32 $0x480;
	s17 =	sadd.s32 $0x5000, s12;
	[smem:$0x7F9] =	sst s22  }
0x3e: {  	s18 =	simm.s32 $0x50;
	s19 =	sadd.s32 $0x6000, s12;
	[smem:$0x7E0] =	sst s17  }
0x3f: {  	s2 =	simm.s32 $0x8;
	s10 =	sadd.s32 $0xC000, s12;
	[smem:$0x7E2] =	sst s19  }
0x40: {  	s13 =	sadd.s32 $0xD000, s12;
	s15 =	sadd.s32 $0xE000, s12;
	[smem:$0x7EE] =	sst s10  }
0x41: {  	s16 =	sadd.s32 $0xE800, s12;
	s23 =	sadd.s32 $0x12000, s12;
	[smem:$0x7F0] =	sst s13  }
0x42: {  	s24 =	sadd.s32 $0x12800, s12;
	s25 =	sadd.s32 $0x13000, s12;
	[smem:$0x7F2] =	sst s15  }
0x43: {  	s26 =	sadd.s32 $0x13800, s12;
	s14 =	simm.s32 $0x100;
	[smem:$0x7F3] =	sst s16  }
0x44: {  	s20 =	simm.s32 $0x2;
	s21 =	simm.s32 $0x2E00;
	[smem:$0x7FA] =	sst s23  }
0x45: {  	s22 =	simm.s32 $0x3;
	s11 =	simm.s32 $0x380;
	[smem:$0x7FB] =	sst s24  }
0x46: {  	s8 =	simm.s32 $0x9;
	s7 =	simm.s32 $0x0;
	[smem:$0x7FC] =	sst s25  }
0x47: {  	s17 =	sadd.s32 $0xF000, s12;
	s19 =	sadd.s32 $0x10000, s12;
	[smem:$0x7FD] =	sst s26  }
0x48: {  	s13 =	simm.s32 $0x80;
	s23 =	simm.s32 $0x5600;
	s24 =	simm.s32 $0x7  }
0x49: {  	s26 =	simm.s32 $0x4;
	s12 =	simm.s32 $0x400;
	[smem:$0x7F4] =	sst s17  }
0x4a: {  	v0 =	vimm.f32 $0.0e+00;
	[smem:$0x7F6] =	sst s19;
	s17 =	simm.s32 $0x1;
	s19 =	simm.s32 $0x600  }
.LBB2_1:
0x4b: {  	s25 =	sand.u32 $0x1E00, s4  }
0x4c: {  	[smem:$0x7D8] =	sst s7;
	s9 =	sand.u32 $0x70, s4;
	s25 =	sshrl.u32 s25, $0x2  }
0x4d: {  	s7 =	simm.s32 $0x40;
	s25 =	sor.u32 s9, s25;
	s9 =	simm.s32 $0x0  }
.LBB2_2:
0x4e: {  	p0 =	sne.s32 s7, $0x1FC0  }
0x4f: {  	[tilespmem:s25+$0x7E00] =	vst v0;
	s9 =	sadd.s32 $0x10, s9;
	s25 =	smov.u32 s7;
	s7 =	sadd.s32 $0x40, s7  }
.Ltmp0:
0x50: {  	(pc) =	sbr.rel @p0 .LBB2_2-.Ltmp0, $4  }
0x51: {  	_ = 	snop  }
0x52: {  	s25 =	sand.u32 $0x1E00, s25  }
0x53: {  	s10 =	sand.u32 $0x70, s9;
	s25 =	sshrl.u32 s25, $0x2  }
0x54: {  	s25 =	sor.u32 s10, s25  }
0x55: {  	s7 =	rddreg [dreg:$0x10]  }
0x56: {  	[tilespmem:s25+$0x7E00] =	vst v0;
	s9 =	simm.s32 $0x7E00;
	s16 =	rddreg [dreg:$0x11]  }
0x57: {  	[spmem:s7] =	stream.linear.scatter [tilespmem:s9], [sflag:$0x7], $0x800, $0x38;
	[tilespmem:$0x1C600] =	vst v63  }
0x58: {  	s25 =	rddreg [dreg:$0x12]  }
0x59: {  	[spmem:s16] =	stream.linear.scatter [tilespmem:s9], [sflag:$0x7], $0x800, $0x38;
	[tilespmem:$0x1C600] =	vst v63  }
0x5a: {  	s10 =	rddreg [dreg:$0x13]  }
0x5b: {  	[spmem:s25] =	stream.linear.scatter [tilespmem:s9], [sflag:$0x7], $0x800, $0x38;
	[tilespmem:$0x1C600] =	vst v63  }
0x5c: {  	s15 =	rddreg [dreg:$0x14]  }
0x5d: {  	[spmem:s10] =	stream.linear.scatter [tilespmem:s9], [sflag:$0x7], $0x800, $0x38;
	[tilespmem:$0x1C600] =	vst v63  }
0x5e: {  	s16 =	rddreg [dreg:$0x15]  }
0x5f: {  	[spmem:s15] =	stream.linear.scatter [tilespmem:s9], [sflag:$0x7], $0x800, $0x38;
	[tilespmem:$0x1C600] =	vst v63  }
0x60: {  	s25 =	sld [smem:$0x7DC]  }
0x61: {  	[spmem:s16] =	stream.linear.scatter [tilespmem:s9], [sflag:$0x7], $0x800, $0x38;
	[tilespmem:$0x1C600] =	vst v63  }
0x62: {  	s10 =	sld [smem:$0x7DD]  }
0x63: {  	[spmem:s25] =	stream.linear.scatter [tilespmem:s9], [sflag:$0x7], $0x800, $0x38;
	[tilespmem:$0x1C600] =	vst v63  }
0x64: {  	s15 =	sld [smem:$0x7DE]  }
0x65: {  	[spmem:s10] =	stream.linear.scatter [tilespmem:s9], [sflag:$0x7], $0x800, $0x38;
	[tilespmem:$0x1C600] =	vst v63  }
0x66: {  	s16 =	sld [smem:$0x7DF]  }
0x67: {  	[spmem:s15] =	stream.linear.scatter [tilespmem:s9], [sflag:$0x7], $0x800, $0x38;
	[tilespmem:$0x1C600] =	vst v63  }
0x68: {  	s25 =	sld [smem:$0x7E0]  }
0x69: {  	[spmem:s16] =	stream.linear.scatter [tilespmem:s9], [sflag:$0x7], $0x800, $0x38;
	[tilespmem:$0x1C600] =	vst v63  }
0x6a: {  	s10 =	sld [smem:$0x7E1]  }
0x6b: {  	[spmem:s25] =	stream.linear.scatter [tilespmem:s9], [sflag:$0x7], $0x800, $0x38;
	[tilespmem:$0x1C600] =	vst v63  }
0x6c: {  	s15 =	sld [smem:$0x7E2]  }
0x6d: {  	[spmem:s10] =	stream.linear.scatter [tilespmem:s9], [sflag:$0x7], $0x800, $0x38;
	[tilespmem:$0x1C600] =	vst v63  }
0x6e: {  	s16 =	sld [smem:$0x7E3]  }
0x6f: {  	[spmem:s15] =	stream.linear.scatter [tilespmem:s9], [sflag:$0x7], $0x800, $0x38;
	[tilespmem:$0x1C600] =	vst v63  }
0x70: {  	s25 =	sld [smem:$0x7E4]  }
0x71: {  	[spmem:s16] =	stream.linear.scatter [tilespmem:s9], [sflag:$0x7], $0x800, $0x38;
	[tilespmem:$0x1C600] =	vst v63  }
0x72: {  	s10 =	sld [smem:$0x7E5]  }
0x73: {  	[spmem:s25] =	stream.linear.scatter [tilespmem:s9], [sflag:$0x7], $0x800, $0x38;
	[tilespmem:$0x1C600] =	vst v63  }
0x74: {  	s15 =	sld [smem:$0x7E6]  }
0x75: {  	[spmem:s10] =	stream.linear.scatter [tilespmem:s9], [sflag:$0x7], $0x800, $0x38;
	[tilespmem:$0x1C600] =	vst v63  }
0x76: {  	s16 =	sld [smem:$0x7E7]  }
0x77: {  	[spmem:s15] =	stream.linear.scatter [tilespmem:s9], [sflag:$0x7], $0x800, $0x38;
	[tilespmem:$0x1C600] =	vst v63  }
0x78: {  	s25 =	sld [smem:$0x7E8]  }
0x79: {  	[spmem:s16] =	stream.linear.scatter [tilespmem:s9], [sflag:$0x7], $0x800, $0x38;
	[tilespmem:$0x1C600] =	vst v63  }
0x7a: {  	s10 =	sld [smem:$0x7E9]  }
0x7b: {  	[spmem:s25] =	stream.linear.scatter [tilespmem:s9], [sflag:$0x7], $0x800, $0x38;
	[tilespmem:$0x1C600] =	vst v63  }
0x7c: {  	s15 =	sld [smem:$0x7EA]  }
0x7d: {  	[spmem:s10] =	stream.linear.scatter [tilespmem:s9], [sflag:$0x7], $0x800, $0x38;
	[tilespmem:$0x1C600] =	vst v63  }
0x7e: {  	s16 =	sld [smem:$0x7EB]  }
0x7f: {  	[spmem:s15] =	stream.linear.scatter [tilespmem:s9], [sflag:$0x7], $0x800, $0x38;
	[tilespmem:$0x1C600] =	vst v63  }
0x80: {  	s25 =	sld [smem:$0x7EC]  }
0x81: {  	[spmem:s16] =	stream.linear.scatter [tilespmem:s9], [sflag:$0x7], $0x800, $0x38;
	[tilespmem:$0x1C600] =	vst v63  }
0x82: {  	s10 =	sld [smem:$0x7ED]  }
0x83: {  	[spmem:s25] =	stream.linear.scatter [tilespmem:s9], [sflag:$0x7], $0x800, $0x38;
	[tilespmem:$0x1C600] =	vst v63  }
0x84: {  	s15 =	sld [smem:$0x7EE]  }
0x85: {  	[spmem:s10] =	stream.linear.scatter [tilespmem:s9], [sflag:$0x7], $0x800, $0x38;
	[tilespmem:$0x1C600] =	vst v63  }
0x86: {  	s16 =	sld [smem:$0x7EF]  }
0x87: {  	[spmem:s15] =	stream.linear.scatter [tilespmem:s9], [sflag:$0x7], $0x800, $0x38;
	[tilespmem:$0x1C600] =	vst v63  }
0x88: {  	s25 =	sld [smem:$0x7F0]  }
0x89: {  	[spmem:s16] =	stream.linear.scatter [tilespmem:s9], [sflag:$0x7], $0x800, $0x38;
	[tilespmem:$0x1C600] =	vst v63  }
0x8a: {  	s10 =	sld [smem:$0x7F1]  }
0x8b: {  	[spmem:s25] =	stream.linear.scatter [tilespmem:s9], [sflag:$0x7], $0x800, $0x38;
	[tilespmem:$0x1C600] =	vst v63  }
0x8c: {  	s15 =	sld [smem:$0x7F2]  }
0x8d: {  	[spmem:s10] =	stream.linear.scatter [tilespmem:s9], [sflag:$0x7], $0x800, $0x38;
	[tilespmem:$0x1C600] =	vst v63  }
0x8e: {  	s16 =	sld [smem:$0x7F3]  }
0x8f: {  	[spmem:s15] =	stream.linear.scatter [tilespmem:s9], [sflag:$0x7], $0x800, $0x38;
	[tilespmem:$0x1C600] =	vst v63  }
0x90: {  	s25 =	sld [smem:$0x7F4]  }
0x91: {  	[spmem:s16] =	stream.linear.scatter [tilespmem:s9], [sflag:$0x7], $0x800, $0x38;
	[tilespmem:$0x1C600] =	vst v63  }
0x92: {  	s10 =	sld [smem:$0x7F5]  }
0x93: {  	[spmem:s25] =	stream.linear.scatter [tilespmem:s9], [sflag:$0x7], $0x800, $0x38;
	[tilespmem:$0x1C600] =	vst v63  }
0x94: {  	s15 =	sld [smem:$0x7F6]  }
0x95: {  	[spmem:s10] =	stream.linear.scatter [tilespmem:s9], [sflag:$0x7], $0x800, $0x38;
	[tilespmem:$0x1C600] =	vst v63  }
0x96: {  	s16 =	sld [smem:$0x7F7]  }
0x97: {  	[spmem:s15] =	stream.linear.scatter [tilespmem:s9], [sflag:$0x7], $0x800, $0x38;
	[tilespmem:$0x1C600] =	vst v63  }
0x98: {  	s25 =	sld [smem:$0x7F8]  }
0x99: {  	[spmem:s16] =	stream.linear.scatter [tilespmem:s9], [sflag:$0x7], $0x800, $0x38;
	[tilespmem:$0x1C600] =	vst v63  }
0x9a: {  	s10 =	sld [smem:$0x7F9]  }
0x9b: {  	[spmem:s25] =	stream.linear.scatter [tilespmem:s9], [sflag:$0x7], $0x800, $0x38;
	[tilespmem:$0x1C600] =	vst v63  }
0x9c: {  	s15 =	sld [smem:$0x7FA]  }
0x9d: {  	[spmem:s10] =	stream.linear.scatter [tilespmem:s9], [sflag:$0x7], $0x800, $0x38;
	[tilespmem:$0x1C600] =	vst v63  }
0x9e: {  	s16 =	sld [smem:$0x7FB]  }
0x9f: {  	[spmem:s15] =	stream.linear.scatter [tilespmem:s9], [sflag:$0x7], $0x800, $0x38;
	[tilespmem:$0x1C600] =	vst v63  }
0xa0: {  	s25 =	sld [smem:$0x7FC]  }
0xa1: {  	[spmem:s16] =	stream.linear.scatter [tilespmem:s9], [sflag:$0x7], $0x800, $0x38;
	[tilespmem:$0x1C600] =	vst v63  }
0xa2: {  	s10 =	sld [smem:$0x7FD]  }
0xa3: {  	[spmem:s25] =	stream.linear.scatter [tilespmem:s9], [sflag:$0x7], $0x800, $0x38;
	[tilespmem:$0x1C600] =	vst v63  }
0xa4: {  	_ = 	snop  }
0xa5: {  	[spmem:s10] =	stream.linear.scatter [tilespmem:s9], [sflag:$0x7], $0x800, $0x38;
	[tilespmem:$0x1C600] =	vst v63  }
0xa6: {  	s7 =	simm.s32 $0x0;
	s15 =	rddreg [dreg:$0x16]  }
0xa7: {  	[tilespmem:s7], [sflag:$0x1] =	stream.linear.gather [hbm4b:s15+s7], $0x50, $0x38;
	[tilespmem:$0x1C600] =	vst v63  }
0xa8: {  	s16 =	rddreg [dreg:$0x17];
	s15 =	simm.s32 $0x200  }
0xa9: {  	[tilespmem:s15], [sflag:$0x1] =	stream.linear.gather [hbm4b:s16+s7], $0x50, $0x38;
	[tilespmem:$0x1C600] =	vst v63  }
0xaa: {  	s25 =	rddreg [dreg:$0x18]  }
0xab: {  	[tilespmem:s13], [sflag:$0x2] =	stream.linear.gather [hbm4b:s25+s7], $0x50, $0x38;
	[tilespmem:$0x1C600] =	vst v63  }
0xac: {  	s10 =	rddreg [dreg:$0x19];
	s16 =	simm.s32 $0x280  }
0xad: {  	[tilespmem:s16], [sflag:$0x2] =	stream.linear.gather [hbm4b:s10+s7], $0x50, $0x38;
	[tilespmem:$0x1C600] =	vst v63  }
0xae: {  	s25 =	rddreg [dreg:$0x1a]  }
0xaf: {  	[tilespmem:s14], [sflag:$0x3] =	stream.linear.gather [hbm4b:s25+s7], $0x50, $0x38;
	[tilespmem:$0x1C600] =	vst v63  }
0xb0: {  	s10 =	rddreg [dreg:$0x1b];
	s25 =	simm.s32 $0x300  }
0xb1: {  	[tilespmem:s25], [sflag:$0x3] =	stream.linear.gather [hbm4b:s10+s7], $0x50, $0x38;
	[tilespmem:$0x1C600] =	vst v63  }
0xb2: {  	_ =	swait.ge [sflag:s17], $0x50  }
0xb3: {  	[sflag:s17] =	ssyncset.done $0x0  }
0xb4: {  	[sflag:s17] =	ssyncadd.s32 $0xFFFFFFB0  }
0xb5: {  	_ =	swait.ge [sflag:s17], $0x50  }
0xb6: {  	[sflag:s17] =	ssyncset.done $0x0  }
0xb7: {  	[sflag:s17] =	ssyncadd.s32 $0xFFFFFFB0  }
0xb8: {  	[tilespmem:s19], [sflag:$0x4] =	stream.indirect.gather [hbm4b:s0+s18], $0x80, s7, s18, $0xb8;
	[tilespmem:$0x1C600] =	vst v63  }
0xb9: {  	_ =	swait.ge [sflag:s20], $0x50  }
0xba: {  	[sflag:s20] =	ssyncset.done $0x0  }
0xbb: {  	[sflag:s20] =	ssyncadd.s32 $0xFFFFFFB0  }
0xbc: {  	_ =	swait.ge [sflag:s20], $0x50  }
0xbd: {  	[sflag:s20] =	ssyncset.done $0x0  }
0xbe: {  	[sflag:s20] =	ssyncadd.s32 $0xFFFFFFB0  }
0xbf: {  	[tilespmem:s21], [sflag:$0x5] =	stream.indirect.gather [hbm4b:s0+s18], $0x80, s13, s18, $0xb8;
	[tilespmem:$0x1C600] =	vst v63  }
0xc0: {  	_ =	swait.ge [sflag:s22], $0x50  }
0xc1: {  	[sflag:s22] =	ssyncset.done $0x0  }
0xc2: {  	[sflag:s22] =	ssyncadd.s32 $0xFFFFFFB0  }
0xc3: {  	_ =	swait.ge [sflag:s22], $0x50  }
0xc4: {  	[sflag:s22] =	ssyncset.done $0x0  }
0xc5: {  	[sflag:s22] =	ssyncadd.s32 $0xFFFFFFB0  }
0xc6: {  	[tilespmem:s23], [sflag:$0x6] =	stream.indirect.gather [hbm4b:s0+s18], $0x80, s14, s18, $0xb8;
	[tilespmem:$0x1C600] =	vst v63  }
0xc7: {  	_ =	swait.ge [sflag:s24], $0x800  }
0xc8: {  	[sflag:s24] =	ssyncset.done $0x0  }
0xc9: {  	[sflag:s24] =	ssyncadd.s32 $0xFFFFF800  }
0xca: {  	_ =	swait.ge [sflag:s24], $0x800  }
0xcb: {  	[sflag:s24] =	ssyncset.done $0x0  }
0xcc: {  	[sflag:s24] =	ssyncadd.s32 $0xFFFFF800  }
0xcd: {  	_ =	swait.ge [sflag:s24], $0x800  }
0xce: {  	[sflag:s24] =	ssyncset.done $0x0  }
0xcf: {  	[sflag:s24] =	ssyncadd.s32 $0xFFFFF800  }
0xd0: {  	_ =	swait.ge [sflag:s24], $0x800  }
0xd1: {  	[sflag:s24] =	ssyncset.done $0x0  }
0xd2: {  	[sflag:s24] =	ssyncadd.s32 $0xFFFFF800  }
0xd3: {  	_ =	swait.ge [sflag:s24], $0x800  }
0xd4: {  	[sflag:s24] =	ssyncset.done $0x0  }
0xd5: {  	[sflag:s24] =	ssyncadd.s32 $0xFFFFF800  }
0xd6: {  	_ =	swait.ge [sflag:s24], $0x800  }
0xd7: {  	[sflag:s24] =	ssyncset.done $0x0  }
0xd8: {  	[sflag:s24] =	ssyncadd.s32 $0xFFFFF800  }
0xd9: {  	_ =	swait.ge [sflag:s24], $0x800  }
0xda: {  	[sflag:s24] =	ssyncset.done $0x0  }
0xdb: {  	[sflag:s24] =	ssyncadd.s32 $0xFFFFF800  }
0xdc: {  	_ =	swait.ge [sflag:s24], $0x800  }
0xdd: {  	[sflag:s24] =	ssyncset.done $0x0  }
0xde: {  	[sflag:s24] =	ssyncadd.s32 $0xFFFFF800  }
0xdf: {  	_ =	swait.ge [sflag:s24], $0x800  }
0xe0: {  	[sflag:s24] =	ssyncset.done $0x0  }
0xe1: {  	[sflag:s24] =	ssyncadd.s32 $0xFFFFF800  }
0xe2: {  	_ =	swait.ge [sflag:s24], $0x800  }
0xe3: {  	[sflag:s24] =	ssyncset.done $0x0  }
0xe4: {  	[sflag:s24] =	ssyncadd.s32 $0xFFFFF800  }
0xe5: {  	_ =	swait.ge [sflag:s24], $0x800  }
0xe6: {  	[sflag:s24] =	ssyncset.done $0x0  }
0xe7: {  	[sflag:s24] =	ssyncadd.s32 $0xFFFFF800  }
0xe8: {  	_ =	swait.ge [sflag:s24], $0x800  }
0xe9: {  	[sflag:s24] =	ssyncset.done $0x0  }
0xea: {  	[sflag:s24] =	ssyncadd.s32 $0xFFFFF800  }
0xeb: {  	_ =	swait.ge [sflag:s24], $0x800  }
0xec: {  	[sflag:s24] =	ssyncset.done $0x0  }
0xed: {  	[sflag:s24] =	ssyncadd.s32 $0xFFFFF800  }
0xee: {  	_ =	swait.ge [sflag:s24], $0x800  }
0xef: {  	[sflag:s24] =	ssyncset.done $0x0  }
0xf0: {  	[sflag:s24] =	ssyncadd.s32 $0xFFFFF800  }
0xf1: {  	_ =	swait.ge [sflag:s24], $0x800  }
0xf2: {  	[sflag:s24] =	ssyncset.done $0x0  }
0xf3: {  	[sflag:s24] =	ssyncadd.s32 $0xFFFFF800  }
0xf4: {  	_ =	swait.ge [sflag:s24], $0x800  }
0xf5: {  	[sflag:s24] =	ssyncset.done $0x0  }
0xf6: {  	[sflag:s24] =	ssyncadd.s32 $0xFFFFF800  }
0xf7: {  	_ =	swait.ge [sflag:s24], $0x800  }
0xf8: {  	[sflag:s24] =	ssyncset.done $0x0  }
0xf9: {  	[sflag:s24] =	ssyncadd.s32 $0xFFFFF800  }
0xfa: {  	_ =	swait.ge [sflag:s24], $0x800  }
0xfb: {  	[sflag:s24] =	ssyncset.done $0x0  }
0xfc: {  	[sflag:s24] =	ssyncadd.s32 $0xFFFFF800  }
0xfd: {  	_ =	swait.ge [sflag:s24], $0x800  }
0xfe: {  	[sflag:s24] =	ssyncset.done $0x0  }
0xff: {  	[sflag:s24] =	ssyncadd.s32 $0xFFFFF800  }
0x100: {  	_ =	swait.ge [sflag:s24], $0x800  }
0x101: {  	[sflag:s24] =	ssyncset.done $0x0  }
0x102: {  	[sflag:s24] =	ssyncadd.s32 $0xFFFFF800  }
0x103: {  	_ =	swait.ge [sflag:s24], $0x800  }
0x104: {  	[sflag:s24] =	ssyncset.done $0x0  }
0x105: {  	[sflag:s24] =	ssyncadd.s32 $0xFFFFF800  }
0x106: {  	_ =	swait.ge [sflag:s24], $0x800  }
0x107: {  	[sflag:s24] =	ssyncset.done $0x0  }
0x108: {  	[sflag:s24] =	ssyncadd.s32 $0xFFFFF800  }
0x109: {  	_ =	swait.ge [sflag:s24], $0x800  }
0x10a: {  	[sflag:s24] =	ssyncset.done $0x0  }
0x10b: {  	[sflag:s24] =	ssyncadd.s32 $0xFFFFF800  }
0x10c: {  	_ =	swait.ge [sflag:s24], $0x800  }
0x10d: {  	[sflag:s24] =	ssyncset.done $0x0  }
0x10e: {  	[sflag:s24] =	ssyncadd.s32 $0xFFFFF800  }
0x10f: {  	_ =	swait.ge [sflag:s24], $0x800  }
0x110: {  	[sflag:s24] =	ssyncset.done $0x0  }
0x111: {  	[sflag:s24] =	ssyncadd.s32 $0xFFFFF800  }
0x112: {  	_ =	swait.ge [sflag:s24], $0x800  }
0x113: {  	[sflag:s24] =	ssyncset.done $0x0  }
0x114: {  	[sflag:s24] =	ssyncadd.s32 $0xFFFFF800  }
0x115: {  	_ =	swait.ge [sflag:s24], $0x800  }
0x116: {  	[sflag:s24] =	ssyncset.done $0x0  }
0x117: {  	[sflag:s24] =	ssyncadd.s32 $0xFFFFF800  }
0x118: {  	_ =	swait.ge [sflag:s24], $0x800  }
0x119: {  	[sflag:s24] =	ssyncset.done $0x0  }
0x11a: {  	[sflag:s24] =	ssyncadd.s32 $0xFFFFF800  }
0x11b: {  	_ =	swait.ge [sflag:s24], $0x800  }
0x11c: {  	[sflag:s24] =	ssyncset.done $0x0  }
0x11d: {  	[sflag:s24] =	ssyncadd.s32 $0xFFFFF800  }
0x11e: {  	_ =	swait.ge [sflag:s24], $0x800  }
0x11f: {  	[sflag:s24] =	ssyncset.done $0x0  }
0x120: {  	[sflag:s24] =	ssyncadd.s32 $0xFFFFF800  }
0x121: {  	_ =	swait.ge [sflag:s24], $0x800  }
0x122: {  	[sflag:s24] =	ssyncset.done $0x0  }
0x123: {  	[sflag:s24] =	ssyncadd.s32 $0xFFFFF800  }
0x124: {  	_ =	swait.ge [sflag:s24], $0x800  }
0x125: {  	[sflag:s24] =	ssyncset.done $0x0  }
0x126: {  	[sflag:s24] =	ssyncadd.s32 $0xFFFFF800  }
0x127: {  	_ =	swait.ge [sflag:s24], $0x800  }
0x128: {  	[sflag:s24] =	ssyncset.done $0x0  }
0x129: {  	[sflag:s24] =	ssyncadd.s32 $0xFFFFF800  }
0x12a: {  	_ =	swait.ge [sflag:s24], $0x800  }
0x12b: {  	[sflag:s24] =	ssyncset.done $0x0  }
0x12c: {  	[sflag:s24] =	ssyncadd.s32 $0xFFFFF800  }
0x12d: {  	_ =	swait.ge [sflag:s24], $0x800  }
0x12e: {  	[sflag:s24] =	ssyncset.done $0x0  }
0x12f: {  	[sflag:s24] =	ssyncadd.s32 $0xFFFFF800  }
0x130: {  	_ =	swait.ge [sflag:s24], $0x800  }
0x131: {  	[sflag:s24] =	ssyncset.done $0x0  }
0x132: {  	[sflag:s24] =	ssyncadd.s32 $0xFFFFF800  }
0x133: {  	_ =	swait.ge [sflag:s24], $0x800  }
0x134: {  	[sflag:s24] =	ssyncset.done $0x0  }
0x135: {  	[sflag:s24] =	ssyncadd.s32 $0xFFFFF800  }
0x136: {  	_ =	swait.ge [sflag:s24], $0x800  }
0x137: {  	[sflag:s24] =	ssyncset.done $0x0  }
0x138: {  	[sflag:s24] =	ssyncadd.s32 $0xFFFFF800  }
0x139: {  	_ =	swait.ge [sflag:s24], $0x800  }
0x13a: {  	[sflag:s24] =	ssyncset.done $0x0  }
0x13b: {  	[sflag:s24] =	ssyncadd.s32 $0xFFFFF800  }
0x13c: {  	_ =	swait.ge [sflag:s24], $0x800  }
0x13d: {  	[sflag:s24] =	ssyncset.done $0x0  }
0x13e: {  	[sflag:s24] =	ssyncadd.s32 $0xFFFFF800  }
0x13f: {  	[bflag:$0x0] =	sbarrier.arrive $0xFFFF  }
0x140: {  	_ =	swait.ge [sflag:s26], $0x2800  }
0x141: {  	[sflag:s26] =	ssyncset.done $0x0  }
0x142: {  	[sflag:s26] =	ssyncadd.s32 $0xFFFFD800  }
0x143: {  	[spmem:s3] =	stream.indirect.scatter.add.f32 [tilespmem:s19], [sflag:$0x7], $0x80, s15, s18, $0xb8;
	[tilespmem:$0x1C600] =	vst v63  }
0x144: {  	_ =	swait.ge [sflag:s28], $0x2800  }
0x145: {  	[sflag:s28] =	ssyncset.done $0x0  }
0x146: {  	[sflag:s28] =	ssyncadd.s32 $0xFFFFD800  }
0x147: {  	[spmem:s3] =	stream.indirect.scatter.add.f32 [tilespmem:s21], [sflag:$0x8], $0x80, s16, s18, $0xb8;
	[tilespmem:$0x1C600] =	vst v63  }
0x148: {  	_ =	swait.ge [sflag:s29], $0x2800  }
0x149: {  	[sflag:s29] =	ssyncset.done $0x0  }
0x14a: {  	s9 =	rddreg [dreg:$0xd];
	[sflag:s29] =	ssyncadd.s32 $0xFFFFD800  }
0x14b: {  	[spmem:s3] =	stream.indirect.scatter.add.f32 [tilespmem:s23], [sflag:$0x9], $0x80, s25, s18, $0xb8;
	[tilespmem:$0x1C600] =	vst v63  }
0x14c: {  	s10 =	rddreg [dreg:$0xc];
	s7 =	sadd.s32 $0x0, s9  }
0x14d: {  	[tilespmem:s4], [sflag:$0x1] =	stream.linear.gather [hbm4b:s7+s4], $0x50, $0x38;
	[tilespmem:$0x1C600] =	vst v63  }
0x14e: {  	s9 =	sadd.s32 $0x0, s10;
	s7 =	rddreg [dreg:$0xb]  }
0x14f: {  	[tilespmem:s11], [sflag:$0x1] =	stream.linear.gather [hbm4b:s9+s4], $0x50, $0x38;
	[tilespmem:$0x1C600] =	vst v63  }
0x150: {  	s10 =	rddreg [dreg:$0xa];
	s7 =	sadd.s32 $0x0, s7  }
0x151: {  	[tilespmem:s13], [sflag:$0x2] =	stream.linear.gather [hbm4b:s7+s4], $0x50, $0x38;
	[tilespmem:$0x1C600] =	vst v63  }
0x152: {  	s9 =	sadd.s32 $0x0, s10;
	s7 =	rddreg [dreg:$0x9]  }
0x153: {  	[tilespmem:s12], [sflag:$0x2] =	stream.linear.gather [hbm4b:s9+s4], $0x50, $0x38;
	[tilespmem:$0x1C600] =	vst v63  }
0x154: {  	s10 =	rddreg [dreg:$0x8];
	s7 =	sadd.s32 $0x0, s7  }
0x155: {  	[tilespmem:s14], [sflag:$0x3] =	stream.linear.gather [hbm4b:s7+s4], $0x50, $0x38;
	[tilespmem:$0x1C600] =	vst v63  }
0x156: {  	s10 =	sadd.s32 $0x0, s10  }
0x157: {  	[tilespmem:s1], [sflag:$0x3] =	stream.linear.gather [hbm4b:s10+s4], $0x50, $0x38;
	[tilespmem:$0x1C600] =	vst v63  }
0x158: {  	_ =	swait.ge [sflag:s24], $0x2800  }
0x159: {  	[sflag:s24] =	ssyncset.done $0x0  }
0x15a: {  	[sflag:s24] =	ssyncadd.s32 $0xFFFFD800  }
0x15b: {  	_ =	swait.ge [sflag:s2], $0x2800  }
0x15c: {  	[sflag:s2] =	ssyncset.done $0x0  }
0x15d: {  	[sflag:s2] =	ssyncadd.s32 $0xFFFFD800  }
0x15e: {  	_ =	swait.ge [sflag:s8], $0x2800  }
0x15f: {  	[sflag:s8] =	ssyncset.done $0x0  }
0x160: {  	[sflag:s8] =	ssyncadd.s32 $0xFFFFD800  }
0x161: {  	_ =	swait.ge [sflag:s17], $0x50  }
0x162: {  	[sflag:s17] =	ssyncset.done $0x0  }
0x163: {  	[sflag:s17] =	ssyncadd.s32 $0xFFFFFFB0  }
0x164: {  	_ =	swait.ge [sflag:s17], $0x50  }
0x165: {  	[sflag:s17] =	ssyncset.done $0x0  }
0x166: {  	[sflag:s17] =	ssyncadd.s32 $0xFFFFFFB0  }
0x167: {  	[tilespmem:s19], [sflag:$0x4] =	stream.indirect.gather [hbm4b:s0+s18], $0x80, s4, s18, $0xb8;
	[tilespmem:$0x1C600] =	vst v63  }
0x168: {  	_ =	swait.ge [sflag:s20], $0x50  }
0x169: {  	[sflag:s20] =	ssyncset.done $0x0  }
0x16a: {  	[sflag:s20] =	ssyncadd.s32 $0xFFFFFFB0  }
0x16b: {  	_ =	swait.ge [sflag:s20], $0x50  }
0x16c: {  	[sflag:s20] =	ssyncset.done $0x0  }
0x16d: {  	[sflag:s20] =	ssyncadd.s32 $0xFFFFFFB0  }
0x16e: {  	[tilespmem:s21], [sflag:$0x5] =	stream.indirect.gather [hbm4b:s0+s18], $0x80, s13, s18, $0xb8;
	[tilespmem:$0x1C600] =	vst v63  }
0x16f: {  	_ =	swait.ge [sflag:s22], $0x50  }
0x170: {  	[sflag:s22] =	ssyncset.done $0x0  }
0x171: {  	[sflag:s22] =	ssyncadd.s32 $0xFFFFFFB0  }
0x172: {  	_ =	swait.ge [sflag:s22], $0x50  }
0x173: {  	[sflag:s22] =	ssyncset.done $0x0  }
0x174: {  	[sflag:s22] =	ssyncadd.s32 $0xFFFFFFB0  }
0x175: {  	[tilespmem:s23], [sflag:$0x6] =	stream.indirect.gather [hbm4b:s0+s18], $0x80, s14, s18, $0xb8;
	[tilespmem:$0x1C600] =	vst v63  }
0x176: {  	_ =	swait.ge [sflag:s26], $0x2800  }
0x177: {  	[sflag:s26] =	ssyncset.done $0x0  }
0x178: {  	[sflag:s26] =	ssyncadd.s32 $0xFFFFD800  }
0x179: {  	[spmem:s3] =	stream.indirect.scatter.add.f32 [tilespmem:s19], [sflag:$0x7], $0x80, s11, s18, $0xb8;
	[tilespmem:$0x1C600] =	vst v63  }
0x17a: {  	_ =	swait.ge [sflag:s28], $0x2800  }
0x17b: {  	[sflag:s28] =	ssyncset.done $0x0  }
0x17c: {  	[sflag:s28] =	ssyncadd.s32 $0xFFFFD800  }
0x17d: {  	[spmem:s3] =	stream.indirect.scatter.add.f32 [tilespmem:s21], [sflag:$0x8], $0x80, s12, s18, $0xb8;
	[tilespmem:$0x1C600] =	vst v63  }
0x17e: {  	_ =	swait.ge [sflag:s29], $0x2800  }
0x17f: {  	[sflag:s29] =	ssyncset.done $0x0;
	s10 =	sld [smem:$0x7DB]  }
0x180: {  	[sflag:s29] =	ssyncadd.s32 $0xFFFFD800  }
0x181: {  	[spmem:s3] =	stream.indirect.scatter.add.f32 [tilespmem:s23], [sflag:$0x9], $0x80, s1, s18, $0xb8;
	[tilespmem:$0x1C600] =	vst v63  }
0x182: {  	s12 =	sshrl.u32 s10, $0x3  }
0x183: {  	s5 =	sadd.s32 s5, s12  }
0x184: {  	[tilespmem:s4], [sflag:$0x1] =	stream.linear.gather [hbm4b:s5+s4], $0x50, $0x38;
	[tilespmem:$0x1C600] =	vst v63  }
0x185: {  	s11 =	rddreg [dreg:$0x7];
	s7 =	sadd.s32 s6, s12  }
0x186: {  	[tilespmem:s15], [sflag:$0x1] =	stream.linear.gather [hbm4b:s7+s4], $0x50, $0x38;
	[tilespmem:$0x1C600] =	vst v63  }
0x187: {  	s9 =	sadd.s32 $0x0, s11;
	s12 =	rddreg [dreg:$0x6]  }
0x188: {  	[tilespmem:s13], [sflag:$0x2] =	stream.linear.gather [hbm4b:s9+s4], $0x50, $0x38;
	[tilespmem:$0x1C600] =	vst v63  }
0x189: {  	s15 =	rddreg [dreg:$0x5];
	s7 =	sadd.s32 $0x0, s12  }
0x18a: {  	[tilespmem:s16], [sflag:$0x2] =	stream.linear.gather [hbm4b:s7+s4], $0x50, $0x38;
	[tilespmem:$0x1C600] =	vst v63  }
0x18b: {  	s23 =	rddreg [dreg:$0x4];
	s9 =	sadd.s32 $0x0, s15  }
0x18c: {  	[tilespmem:s14], [sflag:$0x3] =	stream.linear.gather [hbm4b:s9+s4], $0x50, $0x38;
	[tilespmem:$0x1C600] =	vst v63  }
0x18d: {  	s7 =	sadd.s32 $0x0, s23  }
0x18e: {  	[tilespmem:s25], [sflag:$0x3] =	stream.linear.gather [hbm4b:s7+s4], $0x50, $0x38;
	[tilespmem:$0x1C600] =	vst v63  }
0x18f: {  	_ =	swait.ge [sflag:s24], $0x2800  }
0x190: {  	[sflag:s24] =	ssyncset.done $0x0  }
0x191: {  	[sflag:s24] =	ssyncadd.s32 $0xFFFFD800  }
0x192: {  	_ =	swait.ge [sflag:s2], $0x2800  }
0x193: {  	[sflag:s2] =	ssyncset.done $0x0  }
0x194: {  	[sflag:s2] =	ssyncadd.s32 $0xFFFFD800  }
0x195: {  	_ =	swait.ge [sflag:s8], $0x2800  }
0x196: {  	[sflag:s8] =	ssyncset.done $0x0  }
0x197: {  	[sflag:s8] =	ssyncadd.s32 $0xFFFFD800  }
0x198: {  	_ =	swait.ge [sflag:s17], $0x50  }
0x199: {  	[sflag:s17] =	ssyncset.done $0x0  }
0x19a: {  	[sflag:s17] =	ssyncadd.s32 $0xFFFFFFB0  }
0x19b: {  	_ =	swait.ge [sflag:s17], $0x50  }
0x19c: {  	[sflag:s17] =	ssyncset.done $0x0  }
0x19d: {  	[sflag:s17] =	ssyncadd.s32 $0xFFFFFFB0  }
0x19e: {  	[tilespmem:s19], [sflag:$0x4] =	stream.indirect.gather [hbm4b:s0+s18], $0x80, s4, s18, $0xb8;
	[tilespmem:$0x1C600] =	vst v63  }
0x19f: {  	_ =	swait.ge [sflag:s20], $0x50  }
0x1a0: {  	[sflag:s20] =	ssyncset.done $0x0  }
0x1a1: {  	[sflag:s20] =	ssyncadd.s32 $0xFFFFFFB0  }
0x1a2: {  	_ =	swait.ge [sflag:s20], $0x50  }
0x1a3: {  	[sflag:s20] =	ssyncset.done $0x0  }
0x1a4: {  	[sflag:s20] =	ssyncadd.s32 $0xFFFFFFB0  }
0x1a5: {  	[tilespmem:s21], [sflag:$0x5] =	stream.indirect.gather [hbm4b:s0+s18], $0x80, s13, s18, $0xb8;
	[tilespmem:$0x1C600] =	vst v63  }
0x1a6: {  	_ =	swait.ge [sflag:s22], $0x50  }
0x1a7: {  	[sflag:s22] =	ssyncset.done $0x0  }
0x1a8: {  	s1 =	simm.s32 $0x400;
	[sflag:s22] =	ssyncadd.s32 $0xFFFFFFB0  }
0x1a9: {  	s6 =	simm.s32 $0x5600;
	s12 =	simm.s32 $0x2E00;
	_ =	swait.ge [sflag:s22], $0x50  }
0x1aa: {  	s15 =	simm.s32 $0x80;
	s23 =	simm.s32 $0x600;
	[sflag:s22] =	ssyncset.done $0x0  }
0x1ab: {  	s9 =	simm.s32 $0x3C;
	s25 =	sadd.s32 $0x1E0, s10;
	[sflag:s22] =	ssyncadd.s32 $0xFFFFFFB0  }
.LBB2_4:
0x1ac: {  	[tilespmem:s6], [sflag:$0x6] =	stream.indirect.gather [hbm4b:s0+s18], $0x80, s14, s18, $0xb8;
	[tilespmem:$0x1C600] =	vst v63  }
0x1ad: {  	_ =	swait.ge [sflag:s26], $0x2800  }
0x1ae: {  	[sflag:s26] =	ssyncset.done $0x0  }
0x1af: {  	s19 =	simm.s32 $0x200;
	[sflag:s26] =	ssyncadd.s32 $0xFFFFD800  }
0x1b0: {  	[spmem:s3] =	stream.indirect.scatter.add.f32 [tilespmem:s23], [sflag:$0x7], $0x80, s19, s18, $0xb8;
	[tilespmem:$0x1C600] =	vst v63  }
0x1b1: {  	_ =	swait.ge [sflag:s28], $0x2800  }
0x1b2: {  	[sflag:s28] =	ssyncset.done $0x0  }
0x1b3: {  	s14 =	simm.s32 $0x280;
	[sflag:s28] =	ssyncadd.s32 $0xFFFFD800  }
0x1b4: {  	[spmem:s3] =	stream.indirect.scatter.add.f32 [tilespmem:s12], [sflag:$0x8], $0x80, s14, s18, $0xb8;
	[tilespmem:$0x1C600] =	vst v63  }
0x1b5: {  	_ =	swait.ge [sflag:s29], $0x2800  }
0x1b6: {  	s7 =	smov.u32 s9;
	[sflag:s29] =	ssyncset.done $0x0  }
0x1b7: {  	s16 =	simm.s32 $0x300;
	s10 =	rddreg [dreg:$0xd];
	[sflag:s29] =	ssyncadd.s32 $0xFFFFD800  }
0x1b8: {  	[spmem:s3] =	stream.indirect.scatter.add.f32 [tilespmem:s6], [sflag:$0x9], $0x80, s16, s18, $0xb8;
	[tilespmem:$0x1C600] =	vst v63  }
0x1b9: {  	s11 =	rddreg [dreg:$0xc];
	s10 =	sadd.s32 s7, s10  }
0x1ba: {  	[tilespmem:s4], [sflag:$0x1] =	stream.linear.gather [hbm4b:s10+s4], $0x50, $0x38;
	[tilespmem:$0x1C600] =	vst v63  }
0x1bb: {  	s5 =	rddreg [dreg:$0xb];
	s11 =	sadd.s32 s7, s11  }
0x1bc: {  	[tilespmem:s31], [sflag:$0x1] =	stream.linear.gather [hbm4b:s11+s4], $0x50, $0x38;
	[tilespmem:$0x1C600] =	vst v63  }
0x1bd: {  	s21 =	rddreg [dreg:$0xa];
	s5 =	sadd.s32 s7, s5  }
0x1be: {  	[tilespmem:s15], [sflag:$0x2] =	stream.linear.gather [hbm4b:s5+s4], $0x50, $0x38;
	[tilespmem:$0x1C600] =	vst v63  }
0x1bf: {  	s10 =	rddreg [dreg:$0x9];
	s11 =	sadd.s32 s7, s21  }
0x1c0: {  	[tilespmem:s1], [sflag:$0x2] =	stream.linear.gather [hbm4b:s11+s4], $0x50, $0x38;
	[tilespmem:$0x1C600] =	vst v63  }
0x1c1: {  	s13 =	simm.s32 $0x100;
	s10 =	sadd.s32 s7, s10;
	s21 =	rddreg [dreg:$0x8]  }
0x1c2: {  	[tilespmem:s13], [sflag:$0x3] =	stream.linear.gather [hbm4b:s10+s4], $0x50, $0x38;
	[tilespmem:$0x1C600] =	vst v63  }
0x1c3: {  	s11 =	sadd.s32 s7, s21  }
0x1c4: {  	[tilespmem:s30], [sflag:$0x3] =	stream.linear.gather [hbm4b:s11+s4], $0x50, $0x38;
	[tilespmem:$0x1C600] =	vst v63  }
0x1c5: {  	_ =	swait.ge [sflag:s24], $0x2800  }
0x1c6: {  	[sflag:s24] =	ssyncset.done $0x0  }
0x1c7: {  	[sflag:s24] =	ssyncadd.s32 $0xFFFFD800  }
0x1c8: {  	_ =	swait.ge [sflag:s2], $0x2800  }
0x1c9: {  	[sflag:s2] =	ssyncset.done $0x0  }
0x1ca: {  	[sflag:s2] =	ssyncadd.s32 $0xFFFFD800  }
0x1cb: {  	_ =	swait.ge [sflag:s8], $0x2800  }
0x1cc: {  	[sflag:s8] =	ssyncset.done $0x0  }
0x1cd: {  	[sflag:s8] =	ssyncadd.s32 $0xFFFFD800  }
0x1ce: {  	_ =	swait.ge [sflag:s17], $0x50  }
0x1cf: {  	[sflag:s17] =	ssyncset.done $0x0  }
0x1d0: {  	[sflag:s17] =	ssyncadd.s32 $0xFFFFFFB0  }
0x1d1: {  	_ =	swait.ge [sflag:s17], $0x50  }
0x1d2: {  	[sflag:s17] =	ssyncset.done $0x0  }
0x1d3: {  	[sflag:s17] =	ssyncadd.s32 $0xFFFFFFB0  }
0x1d4: {  	[tilespmem:s23], [sflag:$0x4] =	stream.indirect.gather [hbm4b:s0+s18], $0x80, s4, s18, $0xb8;
	[tilespmem:$0x1C600] =	vst v63  }
0x1d5: {  	_ =	swait.ge [sflag:s20], $0x50  }
0x1d6: {  	[sflag:s20] =	ssyncset.done $0x0  }
0x1d7: {  	[sflag:s20] =	ssyncadd.s32 $0xFFFFFFB0  }
0x1d8: {  	_ =	swait.ge [sflag:s20], $0x50  }
0x1d9: {  	[sflag:s20] =	ssyncset.done $0x0  }
0x1da: {  	[sflag:s20] =	ssyncadd.s32 $0xFFFFFFB0  }
0x1db: {  	[tilespmem:s12], [sflag:$0x5] =	stream.indirect.gather [hbm4b:s0+s18], $0x80, s15, s18, $0xb8;
	[tilespmem:$0x1C600] =	vst v63  }
0x1dc: {  	_ =	swait.ge [sflag:s22], $0x50  }
0x1dd: {  	[sflag:s22] =	ssyncset.done $0x0  }
0x1de: {  	[sflag:s22] =	ssyncadd.s32 $0xFFFFFFB0  }
0x1df: {  	_ =	swait.ge [sflag:s22], $0x50  }
0x1e0: {  	[sflag:s22] =	ssyncset.done $0x0  }
0x1e1: {  	[sflag:s22] =	ssyncadd.s32 $0xFFFFFFB0  }
0x1e2: {  	[tilespmem:s6], [sflag:$0x6] =	stream.indirect.gather [hbm4b:s0+s18], $0x80, s13, s18, $0xb8;
	[tilespmem:$0x1C600] =	vst v63  }
0x1e3: {  	_ =	swait.ge [sflag:s26], $0x2800  }
0x1e4: {  	[sflag:s26] =	ssyncset.done $0x0  }
0x1e5: {  	[sflag:s26] =	ssyncadd.s32 $0xFFFFD800  }
0x1e6: {  	[spmem:s3] =	stream.indirect.scatter.add.f32 [tilespmem:s23], [sflag:$0x7], $0x80, s31, s18, $0xb8;
	[tilespmem:$0x1C600] =	vst v63  }
0x1e7: {  	_ =	swait.ge [sflag:s28], $0x2800  }
0x1e8: {  	[sflag:s28] =	ssyncset.done $0x0  }
0x1e9: {  	[sflag:s28] =	ssyncadd.s32 $0xFFFFD800  }
0x1ea: {  	[spmem:s3] =	stream.indirect.scatter.add.f32 [tilespmem:s12], [sflag:$0x8], $0x80, s1, s18, $0xb8;
	[tilespmem:$0x1C600] =	vst v63  }
0x1eb: {  	_ =	swait.ge [sflag:s29], $0x2800  }
0x1ec: {  	[sflag:s29] =	ssyncset.done $0x0  }
0x1ed: {  	s5 =	sshrl.u32 s25, $0x3;
	s13 =	rddreg [dreg:$0xf];
	[sflag:s29] =	ssyncadd.s32 $0xFFFFD800  }
0x1ee: {  	[spmem:s3] =	stream.indirect.scatter.add.f32 [tilespmem:s6], [sflag:$0x9], $0x80, s30, s18, $0xb8;
	[tilespmem:$0x1C600] =	vst v63  }
0x1ef: {  	s21 =	rddreg [dreg:$0xe];
	s10 =	sadd.s32 s13, s5  }
0x1f0: {  	[tilespmem:s4], [sflag:$0x1] =	stream.linear.gather [hbm4b:s10+s4], $0x50, $0x38;
	[tilespmem:$0x1C600] =	vst v63  }
0x1f1: {  	s11 =	rddreg [dreg:$0x7];
	s5 =	sadd.s32 s21, s5  }
0x1f2: {  	[tilespmem:s19], [sflag:$0x1] =	stream.linear.gather [hbm4b:s5+s4], $0x50, $0x38;
	[tilespmem:$0x1C600] =	vst v63  }
0x1f3: {  	s13 =	rddreg [dreg:$0x6];
	s19 =	sadd.s32 s7, s11  }
0x1f4: {  	[tilespmem:s15], [sflag:$0x2] =	stream.linear.gather [hbm4b:s19+s4], $0x50, $0x38;
	[tilespmem:$0x1C600] =	vst v63  }
0x1f5: {  	s10 =	sadd.s32 s7, s13;
	s11 =	rddreg [dreg:$0x5]  }
0x1f6: {  	[tilespmem:s14], [sflag:$0x2] =	stream.linear.gather [hbm4b:s10+s4], $0x50, $0x38;
	[tilespmem:$0x1C600] =	vst v63  }
0x1f7: {  	s11 =	sadd.s32 s7, s11;
	s19 =	rddreg [dreg:$0x4];
	s14 =	simm.s32 $0x100  }
0x1f8: {  	[tilespmem:s14], [sflag:$0x3] =	stream.linear.gather [hbm4b:s11+s4], $0x50, $0x38;
	[tilespmem:$0x1C600] =	vst v63  }
0x1f9: {  	s19 =	sadd.s32 s7, s19  }
0x1fa: {  	[tilespmem:s16], [sflag:$0x3] =	stream.linear.gather [hbm4b:s19+s4], $0x50, $0x38;
	[tilespmem:$0x1C600] =	vst v63  }
0x1fb: {  	_ =	swait.ge [sflag:s24], $0x2800  }
0x1fc: {  	[sflag:s24] =	ssyncset.done $0x0  }
0x1fd: {  	[sflag:s24] =	ssyncadd.s32 $0xFFFFD800  }
0x1fe: {  	_ =	swait.ge [sflag:s2], $0x2800  }
0x1ff: {  	[sflag:s2] =	ssyncset.done $0x0  }
0x200: {  	[sflag:s2] =	ssyncadd.s32 $0xFFFFD800  }
0x201: {  	_ =	swait.ge [sflag:s8], $0x2800  }
0x202: {  	[sflag:s8] =	ssyncset.done $0x0  }
0x203: {  	[sflag:s8] =	ssyncadd.s32 $0xFFFFD800  }
0x204: {  	_ =	swait.ge [sflag:s17], $0x50  }
0x205: {  	[sflag:s17] =	ssyncset.done $0x0  }
0x206: {  	[sflag:s17] =	ssyncadd.s32 $0xFFFFFFB0  }
0x207: {  	_ =	swait.ge [sflag:s17], $0x50  }
0x208: {  	[sflag:s17] =	ssyncset.done $0x0  }
0x209: {  	[sflag:s17] =	ssyncadd.s32 $0xFFFFFFB0  }
0x20a: {  	[tilespmem:s23], [sflag:$0x4] =	stream.indirect.gather [hbm4b:s0+s18], $0x80, s4, s18, $0xb8;
	[tilespmem:$0x1C600] =	vst v63  }
0x20b: {  	_ =	swait.ge [sflag:s20], $0x50  }
0x20c: {  	[sflag:s20] =	ssyncset.done $0x0  }
0x20d: {  	[sflag:s20] =	ssyncadd.s32 $0xFFFFFFB0  }
0x20e: {  	_ =	swait.ge [sflag:s20], $0x50  }
0x20f: {  	[sflag:s20] =	ssyncset.done $0x0  }
0x210: {  	[sflag:s20] =	ssyncadd.s32 $0xFFFFFFB0  }
0x211: {  	[tilespmem:s12], [sflag:$0x5] =	stream.indirect.gather [hbm4b:s0+s18], $0x80, s15, s18, $0xb8;
	[tilespmem:$0x1C600] =	vst v63  }
0x212: {  	p0 =	sne.s32 s9, $0x474;
	_ =	swait.ge [sflag:s22], $0x50  }
.Ltmp1:
0x213: {  	[sflag:s22] =	ssyncset.done $0x0;
	(pc) =	sbr.rel @p0 .LBB2_4-.Ltmp1, $4  }
0x214: {  	[sflag:s22] =	ssyncadd.s32 $0xFFFFFFB0  }
0x215: {  	s9 =	sadd.s32 $0x3C, s9;
	_ =	swait.ge [sflag:s22], $0x50  }
0x216: {  	s25 =	sadd.s32 $0x1E0, s25;
	s21 =	simm.s32 $0x200;
	[sflag:s22] =	ssyncset.done $0x0  }
0x217: {  	s13 =	simm.s32 $0x280;
	s7 =	simm.s32 $0x300;
	[sflag:s22] =	ssyncadd.s32 $0xFFFFFFB0  }
0x218: {  	[tilespmem:s6], [sflag:$0x6] =	stream.indirect.gather [hbm4b:s0+s18], $0x80, s14, s18, $0xb8;
	[tilespmem:$0x1C600] =	vst v63  }
0x219: {  	_ =	swait.ge [sflag:s26], $0x2800  }
0x21a: {  	[sflag:s26] =	ssyncset.done $0x0  }
0x21b: {  	[sflag:s26] =	ssyncadd.s32 $0xFFFFD800  }
0x21c: {  	[spmem:s3] =	stream.indirect.scatter.add.f32 [tilespmem:s23], [sflag:$0x7], $0x80, s21, s18, $0xb8;
	[tilespmem:$0x1C600] =	vst v63  }
0x21d: {  	_ =	swait.ge [sflag:s28], $0x2800  }
0x21e: {  	[sflag:s28] =	ssyncset.done $0x0  }
0x21f: {  	[sflag:s28] =	ssyncadd.s32 $0xFFFFD800  }
0x220: {  	[spmem:s3] =	stream.indirect.scatter.add.f32 [tilespmem:s12], [sflag:$0x8], $0x80, s13, s18, $0xb8;
	[tilespmem:$0x1C600] =	vst v63  }
0x221: {  	_ =	swait.ge [sflag:s29], $0x2800  }
0x222: {  	[sflag:s29] =	ssyncset.done $0x0  }
0x223: {  	[sflag:s29] =	ssyncadd.s32 $0xFFFFD800  }
0x224: {  	[spmem:s3] =	stream.indirect.scatter.add.f32 [tilespmem:s6], [sflag:$0x9], $0x80, s7, s18, $0xb8;
	[tilespmem:$0x1C600] =	vst v63  }
0x225: {  	s5 =	rddreg [dreg:$0x1c]  }
0x226: {  	[tilespmem:s4], [sflag:$0x1] =	stream.linear.gather [hbm4b:s5+s4], $0x50, $0x38;
	[tilespmem:$0x1C600] =	vst v63  }
0x227: {  	s10 =	rddreg [dreg:$0x1d]  }
0x228: {  	[tilespmem:s31], [sflag:$0x1] =	stream.linear.gather [hbm4b:s10+s4], $0x50, $0x38;
	[tilespmem:$0x1C600] =	vst v63  }
0x229: {  	s11 =	rddreg [dreg:$0x1e]  }
0x22a: {  	[tilespmem:s15], [sflag:$0x2] =	stream.linear.gather [hbm4b:s11+s4], $0x50, $0x38;
	[tilespmem:$0x1C600] =	vst v63  }
0x22b: {  	s13 =	rddreg [dreg:$0x1f]  }
0x22c: {  	[tilespmem:s1], [sflag:$0x2] =	stream.linear.gather [hbm4b:s13+s4], $0x50, $0x38;
	[tilespmem:$0x1C600] =	vst v63  }
0x22d: {  	_ =	swait.ge [sflag:s24], $0x2800  }
0x22e: {  	[sflag:s24] =	ssyncset.done $0x0  }
0x22f: {  	[sflag:s24] =	ssyncadd.s32 $0xFFFFD800  }
0x230: {  	_ =	swait.ge [sflag:s2], $0x2800  }
0x231: {  	[sflag:s2] =	ssyncset.done $0x0  }
0x232: {  	[sflag:s2] =	ssyncadd.s32 $0xFFFFD800  }
0x233: {  	_ =	swait.ge [sflag:s8], $0x2800  }
0x234: {  	[sflag:s8] =	ssyncset.done $0x0  }
0x235: {  	[sflag:s8] =	ssyncadd.s32 $0xFFFFD800  }
0x236: {  	_ =	swait.ge [sflag:s17], $0x50  }
0x237: {  	[sflag:s17] =	ssyncset.done $0x0  }
0x238: {  	[sflag:s17] =	ssyncadd.s32 $0xFFFFFFB0  }
0x239: {  	_ =	swait.ge [sflag:s17], $0x50  }
0x23a: {  	[sflag:s17] =	ssyncset.done $0x0  }
0x23b: {  	[sflag:s17] =	ssyncadd.s32 $0xFFFFFFB0  }
0x23c: {  	[tilespmem:s23], [sflag:$0x4] =	stream.indirect.gather [hbm4b:s0+s18], $0x80, s4, s18, $0xb8;
	[tilespmem:$0x1C600] =	vst v63  }
0x23d: {  	_ =	swait.ge [sflag:s20], $0x50  }
0x23e: {  	[sflag:s20] =	ssyncset.done $0x0  }
0x23f: {  	[sflag:s20] =	ssyncadd.s32 $0xFFFFFFB0  }
0x240: {  	_ =	swait.ge [sflag:s20], $0x50  }
0x241: {  	[sflag:s20] =	ssyncset.done $0x0  }
0x242: {  	[sflag:s20] =	ssyncadd.s32 $0xFFFFFFB0  }
0x243: {  	[tilespmem:s12], [sflag:$0x5] =	stream.indirect.gather [hbm4b:s0+s18], $0x80, s15, s18, $0xb8;
	[tilespmem:$0x1C600] =	vst v63  }
0x244: {  	_ =	swait.ge [sflag:s26], $0x2800  }
0x245: {  	[sflag:s26] =	ssyncset.done $0x0  }
0x246: {  	[sflag:s26] =	ssyncadd.s32 $0xFFFFD800  }
0x247: {  	[spmem:s3] =	stream.indirect.scatter.add.f32 [tilespmem:s23], [sflag:$0x7], $0x80, s31, s18, $0xb8;
	[tilespmem:$0x1C600] =	vst v63  }
0x248: {  	_ =	swait.ge [sflag:s28], $0x2800  }
0x249: {  	[sflag:s28] =	ssyncset.done $0x0  }
0x24a: {  	[sflag:s28] =	ssyncadd.s32 $0xFFFFD800  }
0x24b: {  	[spmem:s3] =	stream.indirect.scatter.add.f32 [tilespmem:s12], [sflag:$0x8], $0x80, s1, s18, $0xb8;
	[tilespmem:$0x1C600] =	vst v63  }
0x24c: {  	_ =	swait.ge [sflag:s24], $0x2800  }
0x24d: {  	[sflag:s24] =	ssyncset.done $0x0  }
0x24e: {  	[sflag:s24] =	ssyncadd.s32 $0xFFFFD800  }
0x24f: {  	_ =	swait.ge [sflag:s2], $0x2800  }
0x250: {  	[sflag:s2] =	ssyncset.done $0x0  }
0x251: {  	[sflag:s2] =	ssyncadd.s32 $0xFFFFD800  }
0x252: {  	[bflag:$0x0] =	sbarrier.arrive $0xFFFF  }
0x253: {  	s16 =	stileid.u32;
	s9 =	sld [smem:$0x7D9]  }
0x254: {  	s5 =	sshll.u32 s16, $0x6;
	s19 =	rddreg [dreg:$0x10]  }
0x255: {  	s21 =	simm.s32 $0xA;
	s5 =	sor.u32 $0x1C0A, s5;
	s7 =	sshrl.u32 s19, $0x3  }
0x256: {  	[hbm:s9], [sflag:s5] =	dma.local [spmem:s7], $0x2800  }
0x257: {  	_ =	swait.ge [sflag:s21], $0x2800  }
0x258: {  	s23 =	sld [smem:$0x7D8]  }
0x259: {  	s25 =	sld [smem:$0x7DA];
	_ =	sdelay $0x1  }
0x25a: {  	s7 =	sadd.s32 $0x1, s23  }
0x25b: {  	p0 =	sne.s32 s7, s25  }
.Ltmp2:
0x25c: {  	_ = 	snop;
	(pc) =	sbr.rel @p0 .LBB2_1-.Ltmp2, $4  }
0x25d: {  	s11 =	simm.s32 $0x380;
	s13 =	simm.s32 $0x80  }
0x25e: {  	s12 =	simm.s32 $0x400;
	s1 =	simm.s32 $0x480;
	s5 =	rddreg [dreg:$0xf]  }
0x25f: {  	s19 =	simm.s32 $0x600;
	[sflag:s21] =	ssyncset.done $0x0;
	s6 =	rddreg [dreg:$0xe]  }
0x260: {  	[sflag:s21] =	ssyncadd.s32 $0xFFFFD800;
	s21 =	simm.s32 $0x2E00;
	s23 =	simm.s32 $0x5600  }
0x261: {  	_ =	sfence.sel $0x180000  }
0x262: {  	[bflag:$0x0] =	sbarrier.arrive $0xFFFF  }
0x263: {  	_ =	strace $0x90000047  }
0x264: {  	s0 =	stileid.u32;
	[bflag:$0x2] =	sbarrier.arrive $0xFFFF  }
0x265: {  	p0 =	sne.s32 s0, $0x0;
	s0 =	rddreg [dreg:$0x3]  }
0x266: {  	s0 =	sadd.s32 @!p0 $0x100000, s0  }
0x267: {  	[sflag:s0] =	ssyncadd.tile.s32 @!p0 $0x1;
	_ =	shalt  }
.Lfunc_end2:
_tile_overlayer_lowered:
.L_overlay_start_2:
0x268: {  	(tag) =	ssettag $0x2  }
0x269: {  	s0 =	rddreg [dreg:$0x0];
	s2 =	stileid.u32  }
0x26a: {  	s1 =	rddreg [dreg:$0x1];
	p0 =	sne.s32 s2, $0x0  }
0x26b: {  	s3 =	rddreg [dreg:$0x2];
	[bflag:$0x3] =	sbarrier.arrive $0xFFFF;
	s2 =	simm.s32 @!p0 $0x1C0A  }
0x26c: {  	[timem:s3], [sflag:s2] =	dma.local @!p0 [hbm:s0], s1  }
0x26d: {  	s0 =	simm.s32 @!p0 $0xA  }
0x26e: {  	_ =	swait.ge @!p0 [sflag:s0], s1  }
0x26f: {  	s1 =	ssub.s32 @!p0 $0x0, s1;
	[sflag:s0] =	ssyncset.done @!p0 $0x0  }
0x270: {  	[sflag:s0] =	ssyncadd.s32 @!p0 s1  }
0x271: {  	[bflag:$0x3] =	sbarrier.arrive $0xFFFF  }
0x272: {  	_ =	shalt  }

// kernel: kernel.9.cloned.1.call-start
scs
__scs_entry_jumppad:
0x0: {  	(pc) =	sbr.rel $0x88, $3  }
0x1: {  	(tag) =	ssettag $0x0;
	lr =	simm.s32 $0x1  }
0x2: {  	[smem:$0x3F91] =	sst lr;
	_ =	strace $0xD0000000  }
0x3: {  	_ = 	snop  }
0x4: {  	_ = 	snop  }
0x5: {  	_ = 	snop  }
0x6: {  	_ = 	snop  }
0x7: {  	_ = 	snop  }
__scs_overlays_trampoline_lowered:
0x8: {  	[smem:$0x3FA0] =	sst s0  }
0x9: {  	[smem:$0x3FA1] =	sst s1  }
0xa: {  	[smem:$0x3FA2] =	sst s2  }
0xb: {  	[smem:$0x3FA3] =	sst s3  }
0xc: {  	[smem:$0x3FA4] =	sst s4  }
0xd: {  	[smem:$0x3FA5] =	sst s5  }
0xe: {  	[smem:$0x3FA6] =	sst s6  }
0xf: {  	[smem:$0x3FA7] =	sst s7  }
0x10: {  	[smem:$0x3FA8] =	sst s8  }
0x11: {  	[smem:$0x3FA9] =	sst s9;
	s0 =	simm.s32 @!p0 $0x0  }
0x12: {  	s1 =	sld [smem:$0x3F8F];
	s0 =	simm.s32 @p0 $0x1  }
0x13: {  	[smem:$0x3FAA] =	sst s0;
	s0 =	simm.s32 @!p1 $0x0  }
0x14: {  	s2 =	sld [smem:$0x3F8E];
	s0 =	simm.s32 @p1 $0x1  }
0x15: {  	[smem:$0x3FAB] =	sst s0;
	s0 =	simm.s32 @!p2 $0x0  }
0x16: {  	s3 =	sld [smem:$0x3FDB];
	s0 =	simm.s32 @p2 $0x1  }
0x17: {  	s4 =	simm.s32 $0x1BF5;
	[smem:$0x3FAD] =	sst s0  }
0x18: {  	s0 =	sld [smem:$0x3F90];
	_ =	swait.ge [sflag:s4], $0x0  }
0x19: {  	s7 =	sld [smem:$0x3F91]  }
0x1a: {  	s8 =	sadd.s32 $0xFFFFE003, lr  }
0x1b: {  	s9 =	sadd.s32 $0xFFFFFEF7, lr;
	s5 =	simm.s32 $0xFFFFFFFF;
	p2 =	slt.u32 s8, $0xFFFFF086  }
0x1c: {  	p1 =	slt.u32 s9, $0xF7A;
	s5 =	simm.s32 @!p2 $0x0  }
0x1d: {  	s5 =	simm.s32 @p1 $0x1;
	p0 =	seq.s32 s7, s2  }
0x1e: {  	s7 =	smul.u32 @!p0 $0xF7A, s2;
	p2 =	seq.s32 @!p0 s5, $0x0  }
0x1f: {  	s9 =	smul.u32 $0xF7A, s1;
	s8 =	simm.s32 @!p0 $0x1BF5;
	p2 =	por !p2, p0  }
0x20: {  	[sflag:s8] =	ssyncset.s32 @!p0 $0xFFFFF086;
	s6 =	sadd.s32 @!p0 s3, s7;
	s7 =	simm.s32 @!p0 $0x108  }
0x21: {  	s3 =	sadd.s32 s3, s9;
	s6 =	sadd.s32 @!p0 $0x88, s6;
	s7 =	simm.s32 @p2 $0x1082  }
0x22: {  	[simem:s7], [sflag:s8] =	dma.local @!p0 [hbm:s6], $0xF7A  }
0x23: {  	s9 =	sor.u32 $0xD0000000, s2;
	s6 =	simm.s32 $0x108;
	_ =	swait.ge @!p0 [sflag:s8], $0x0  }
0x24: {  	s3 =	sadd.s32 $0x88, s3;
	s6 =	simm.s32 @!p1 $0x1082;
	[sflag:s4] =	ssyncset.s32 $0xFFFFF086  }
0x25: {  	[simem:s6], [sflag:s4] =	dma.local [hbm:s3], $0xF7A  }
0x26: {  	[smem:$0x3F91] =	sst s1;
	(tag) =	ssettag s2;
	_ =	strace s9  }
0x27: {  	s1 =	sld [smem:$0x3FA1]  }
0x28: {  	s2 =	sld [smem:$0x3FA2]  }
0x29: {  	s4 =	sld [smem:$0x3FA4]  }
0x2a: {  	p0 =	seq.s32 s5, $0x0;
	s5 =	sld [smem:$0x3FA5]  }
0x2b: {  	s6 =	sld [smem:$0x3FA6]  }
0x2c: {  	s7 =	sld [smem:$0x3FA7]  }
0x2d: {  	s3 =	simm.s32 $0x108;
	s8 =	sld [smem:$0x3FA8]  }
0x2e: {  	s3 =	simm.s32 @!p0 $0x1082;
	s9 =	sld [smem:$0x3FA9]  }
0x2f: {  	lr =	sadd.s32 s0, s3;
	s0 =	sld [smem:$0x3FA0]  }
0x30: {  	s3 =	sld [smem:$0x3FA3]  }
0x31: {  	[smem:$0x3FAC] =	sst s10  }
0x32: {  	s10 =	sld [smem:$0x3FAA];
	_ =	sdelay $0x3  }
0x33: {  	p0 =	seq.s32 s10, $0x1;
	s10 =	sld [smem:$0x3FAC];
	_ =	sdelay $0x3  }
0x34: {  	[smem:$0x3FAC] =	sst s10  }
0x35: {  	s10 =	sld [smem:$0x3FAB];
	_ =	sdelay $0x3  }
0x36: {  	p1 =	seq.s32 s10, $0x1;
	s10 =	sld [smem:$0x3FAC];
	_ =	sdelay $0x3  }
0x37: {  	[smem:$0x3FAC] =	sst s10  }
0x38: {  	s10 =	sld [smem:$0x3FAD]  }
0x39: {  	_ = 	snop;
	(pc) =	sbr.ind lr, $3  }
0x3a: {  	_ = 	snop  }
0x3b: {  	_ = 	snop  }
0x3c: {  	p2 =	seq.s32 s10, $0x1;
	s10 =	sld [smem:$0x3FAC]  }
0x3d: {  	_ =	shalt  }
0x3e: {  	_ =	shalt  }
0x3f: {  	_ =	shalt  }
0x40: {  	_ =	shalt  }
0x41: {  	_ =	shalt  }
0x42: {  	_ =	shalt  }
0x43: {  	_ =	shalt  }
0x44: {  	_ =	shalt  }
0x45: {  	_ =	shalt  }
0x46: {  	_ =	shalt  }
0x47: {  	_ =	shalt  }
0x48: {  	_ =	shalt  }
0x49: {  	_ =	shalt  }
0x4a: {  	_ =	shalt  }
0x4b: {  	_ =	shalt  }
0x4c: {  	_ =	shalt  }
0x4d: {  	_ =	shalt  }
0x4e: {  	_ =	shalt  }
0x4f: {  	_ =	shalt  }
0x50: {  	_ =	shalt  }
0x51: {  	_ =	shalt  }
0x52: {  	_ =	shalt  }
0x53: {  	_ =	shalt  }
0x54: {  	_ =	shalt  }
0x55: {  	_ =	shalt  }
0x56: {  	_ =	shalt  }
0x57: {  	_ =	shalt  }
0x58: {  	_ =	shalt  }
0x59: {  	_ =	shalt  }
0x5a: {  	_ =	shalt  }
0x5b: {  	_ =	shalt  }
0x5c: {  	_ =	shalt  }
0x5d: {  	_ =	shalt  }
0x5e: {  	_ =	shalt  }
0x5f: {  	_ =	shalt  }
0x60: {  	_ =	shalt  }
0x61: {  	_ =	shalt  }
0x62: {  	_ =	shalt  }
0x63: {  	_ =	shalt  }
0x64: {  	_ =	shalt  }
0x65: {  	_ =	shalt  }
0x66: {  	_ =	shalt  }
0x67: {  	_ =	shalt  }
0x68: {  	_ =	shalt  }
0x69: {  	_ =	shalt  }
0x6a: {  	_ =	shalt  }
0x6b: {  	_ =	shalt  }
0x6c: {  	_ =	shalt  }
0x6d: {  	_ =	shalt  }
0x6e: {  	_ =	shalt  }
0x6f: {  	_ =	shalt  }
0x70: {  	_ =	shalt  }
0x71: {  	_ =	shalt  }
0x72: {  	_ =	shalt  }
0x73: {  	_ =	shalt  }
0x74: {  	_ =	shalt  }
0x75: {  	_ =	shalt  }
0x76: {  	_ =	shalt  }
0x77: {  	_ =	shalt  }
0x78: {  	_ =	shalt  }
0x79: {  	_ =	shalt  }
0x7a: {  	_ =	shalt  }
0x7b: {  	_ =	shalt  }
0x7c: {  	_ =	shalt  }
0x7d: {  	_ =	shalt  }
0x7e: {  	_ =	shalt  }
0x7f: {  	_ =	shalt  }
0x80: {  	_ =	shalt  }
0x81: {  	_ =	shalt  }
0x82: {  	_ =	shalt  }
0x83: {  	_ =	shalt  }
0x84: {  	_ =	shalt  }
0x85: {  	_ =	shalt  }
0x86: {  	_ =	shalt  }
0x87: {  	_ =	shalt  }
.Lfunc_end0:
.L_simem_size_0:
called_computation.1_lowered:
.L_overlay_start_0:
0x88: {  	s2 =	sld [smem:$0x3FD9]  }
0x89: {  	s3 =	sld [smem:$0x3FFE];
	_ =	sdelay $0x1  }
0x8a: {  	s1 =	srdreg.scid  }
0x8b: {  	s0 =	sand.u32 $0x1, s1  }
0x8c: {  	s17 =	sshll.u32 s0, $0xA;
	s2 =	sadd.s32 s3, s2  }
0x8d: {  	s2 =	sadd.s32 s2, s17  }
0x8e: {  	[smem:$0x3FB8] =	sst s2  }
0x8f: {  	_ = 	snop  }
0x90: {  	s2 =	sld [smem:$0x3FD0];
	(tm) =	ssettm $0x1  }
0x91: {  	s18 =	sld [smem:$0x3FFB];
	_ =	sdelay $0x3  }
0x92: {  	_ =	strace s18  }
0x93: {  	s3 =	sld [smem:$0x3FFC];
	_ =	sdelay $0x3  }
0x94: {  	_ =	strace s3  }
0x95: {  	s3 =	sld [smem:$0x3FFD];
	_ =	sdelay $0x3  }
0x96: {  	_ =	strace s3  }
0x97: {  	_ =	strace $0x8FFFFFFF  }
0x98: {  	s19 =	sld [smem:$0x3FDB];
	_ =	sdelay $0x1  }
0x99: {  	s4 =	simm.s32 $_scs_section_size  }
0x9a: {  	s5 =	simm.s32 $_size__tile_overlayer_lowered;
	s6 =	simm.s32 $_tile_overlayer_lowered  }
0x9b: {  	s22 =	simm.s32 $0x1BFF;
	s21 =	sshll.u32 s6, $0x1;
	s3 =	sadd.s32 s4, s19  }
0x9c: {  	s7 =	simm.s32 $0x0;
	s20 =	sshll.u32 s5, $0x1;
	s5 =	sadd.s32 s21, s3  }
0x9d: {  	[timem:s7], [sflag:s22] =	dma.local [hbm:s5], s20  }
0x9e: {  	_ =	swait.ge [sflag:s22], s20  }
0x9f: {  	s4 =	ssub.s32 $0x0, s20;
	[sflag:s22] =	ssyncset.done $0x0  }
0xa0: {  	[sflag:s22] =	ssyncadd.s32 s4;
	_ =	sdelay $0x1  }
0xa1: {  	s23 =	simm.s32 $0x1B8B  }
0xa2: {  	_ =	swait.ge [sflag:s23], $0x1  }
0xa3: {  	[sflag:s23] =	ssyncset.done $0x0  }
0xa4: {  	s25 =	simm.s32 $0x1B8E;
	s24 =	sld [smem:$0x3FFE];
	[sflag:s23] =	ssyncadd.s32 $0xFFFFFFFF  }
0xa5: {  	s26 =	simm.s32 $execute0_lowered;
	[smem:$0x3FD2] =	sst s25  }
0xa6: {  	s5 =	sshll.u32 s26, $0x1;
	_ =	strace $0x80000049;
	[dreg:$0x1] =	wrdreg $0xFFFFFFFF  }
0xa7: {  	s28 =	simm.s32 $_size_execute0_lowered;
	s3 =	sadd.s32 s3, s5;
	[dreg:$0x0] =	wrdreg $0x0  }
0xa8: {  	s5 =	sshll.u32 s28, $0x1;
	[dreg:$0x2] =	wrdreg s3  }
0xa9: {  	[dreg:$0x3] =	wrdreg s5  }
0xaa: {  	[dreg:$0x4] =	wrdreg $0xC0  }
0xab: {  	_ =	task [dreg:s7], $0x5FFFF  }
0xac: {  	[dreg:$0x1] =	wrdreg $0xFFFFFFFF  }
0xad: {  	[dreg:$0x0] =	wrdreg $0x60  }
0xae: {  	[dreg:$0x2] =	wrdreg s2  }
0xaf: {  	[dreg:$0x3] =	wrdreg s24  }
0xb0: {  	[dreg:$0x4] =	wrdreg $0x86000  }
0xb1: {  	[dreg:$0x5] =	wrdreg $0x9  }
0xb2: {  	_ =	task.clear_ibuf [dreg:s7], $0x6FFFF;
	_ =	strace $0x90000049  }
0xb3: {  	s29 =	simm.s32 $0x9;
	_ =	strace $0x8000004B  }
0xb4: {  	_ =	swait.ge [sflag:s29], $0x1  }
0xb5: {  	[sflag:s29] =	ssyncadd.s32 $0xFFFFFFFF  }
0xb6: {  	_ =	strace $0x9000004B  }
0xb7: {  	_ =	sfence  }
0xb8: {  	s30 =	sld [smem:$0x0];
	_ =	sdelay $0x2  }
0xb9: {  	s31 =	sshll.u32 s1, $0xD;
	s1 =	sshrl.u32 s1, $0x2  }
0xba: {  	s3 =	sand.u32 $0x4000, s31;
	s1 =	sadd.s32 s1, s30  }
0xbb: {  	s0 =	sor.u32 s3, s0;
	s1 =	sshll.u32 s1, $0x11  }
0xbc: {  	s0 =	sor.u32 s1, s0  }
0xbd: {  	s0 =	sadd.s32 $0x8F2B, s0  }
0xbe: {  	[sflag:s0] =	ssyncadd.remote.s32 $0x1  }
0xbf: {  	_ =	sfence.sel $0xFFFF  }
0xc0: {  	[dreg:$0x0] =	wrdreg $0xFFFFFFFF;
	(pc) =	sbr.abs _section_cstart, $3  }
0xc1: {  	[dreg:$0x1] =	wrdreg $0xFFFFFFFF  }
0xc2: {  	_ =	task.clear_ibuf [dreg:s7], $0x2FFFF;
	_ =	strace $0x9FFFFFFF  }
0xc3: {  	(tm) =	ssettm $0x7FFFFFFF  }
tec
execute0_lowered:
.L_overlay_start_1:
0x0: {  	(tag) =	ssettag $0x1  }
0x1: {  	s0 =	rddreg [dreg:$0x0]  }
0x2: {  	s1 =	rddreg [dreg:$0x1];
	s5 =	stileid.u32  }
0x3: {  	s2 =	srdreg.scid;
	s7 =	smul.u32 $0x14000, s5  }
0x4: {  	s3 =	rddreg [dreg:$0x2];
	s4 =	simm.s32 $0x0;
	s8 =	smul.u32 $0x50000, s5  }
0x5: {  	s2 =	sand.u32 $0x1, s2;
	[smem:$0x7FF] =	sst s4;
	s24 =	smul.u32 $0x2710, s5  }
0x6: {  	s11 =	sadd.s32 $0xCA00, s1;
	s6 =	smul.u32 $0x140000, s2;
	_ =	strace $0x8000004A  }
0x7: {  	s21 =	ssub.s32 $0x2, s2;
	s9 =	sshll.u32 s2, $0x4;
	s2 =	smul.u32 $0x27100, s2  }
0x8: {  	s9 =	sor.u32 s5, s9;
	s8 =	sshrl.u32 s8, $0x2;
	s5 =	smov.u32 s11  }
0x9: {  	s10 =	sshrl.u32 s21, $0x1;
	s12 =	sadd.s32 s8, s3;
	[dreg:$0xf] =	wrdreg s5  }
0xa: {  	s7 =	sadd.s32 s7, s6;
	s6 =	sadd.s32 $0x2C00, s1;
	[dreg:$0x10] =	wrdreg s12  }
0xb: {  	s9 =	smul.u32 $0x2710, s9;
	s8 =	sadd.s32 $0x800, s12;
	[dreg:$0xe] =	wrdreg s6  }
0xc: {  	s2 =	sadd.s32 s24, s2;
	s22 =	sadd.s32 $0x1000, s12;
	[dreg:$0x11] =	wrdreg s8  }
0xd: {  	s7 =	sshrl.u32 s7, $0x3;
	s23 =	sadd.s32 $0x1800, s12;
	[dreg:$0x12] =	wrdreg s22  }
0xe: {  	s25 =	sadd.s32 $0x2000, s12;
	s26 =	sadd.s32 $0x2800, s12;
	[dreg:$0x13] =	wrdreg s23  }
0xf: {  	s18 =	sadd.s32 $0x280, s2;
	s8 =	sshrl.u32 s9, $0x3;
	[dreg:$0x14] =	wrdreg s25  }
0x10: {  	s1 =	sadd.s32 s7, s1;
	[dreg:$0x15] =	wrdreg s26;
	s13 =	sadd.s32 s11, s8  }
0x11: {  	s20 =	sshrl.u32 s18, $0x3;
	s14 =	sadd.s32 s6, s8;
	[dreg:$0x16] =	wrdreg s13  }
0x12: {  	s7 =	ssub.s32 s21, s10;
	s21 =	sadd.s32 s20, s6;
	[dreg:$0x17] =	wrdreg s14  }
0x13: {  	s18 =	sadd.s32 $0xF0, s2;
	s23 =	sadd.s32 s20, s5;
	[dreg:$0x4] =	wrdreg s21  }
0x14: {  	s15 =	sadd.s32 $0xA, s8;
	s1 =	sadd.s32 $0x16800, s1;
	[dreg:$0x5] =	wrdreg s23  }
0x15: {  	s20 =	sshrl.u32 s18, $0x3;
	s18 =	sadd.s32 $0x5800, s12;
	[smem:$0x7D9] =	sst s1  }
0x16: {  	s16 =	sadd.s32 s11, s15;
	[smem:$0x7E1] =	sst s18  }
0x17: {  	s17 =	sadd.s32 $0x14, s8;
	s10 =	sadd.s32 s6, s15;
	[dreg:$0x18] =	wrdreg s16  }
0x18: {  	s22 =	sadd.s32 $0x230, s2;
	s19 =	sadd.s32 s5, s17;
	[dreg:$0x19] =	wrdreg s10  }
0x19: {  	s24 =	sshrl.u32 s22, $0x3;
	s9 =	sadd.s32 s6, s17;
	[dreg:$0x1a] =	wrdreg s19  }
0x1a: {  	s25 =	sadd.s32 s24, s6;
	[dreg:$0x1b] =	wrdreg s9  }
0x1b: {  	s22 =	sadd.s32 s20, s6;
	[dreg:$0x6] =	wrdreg s25  }
0x1c: {  	s26 =	sadd.s32 $0x190, s2;
	s18 =	sadd.s32 $0xF800, s12;
	[dreg:$0xc] =	wrdreg s22  }
0x1d: {  	s11 =	sshrl.u32 s26, $0x3;
	s10 =	sadd.s32 s24, s5;
	[smem:$0x7F5] =	sst s18  }
0x1e: {  	s13 =	sadd.s32 s11, s6;
	[dreg:$0x7] =	wrdreg s10  }
0x1f: {  	s21 =	sadd.s32 $0x4CE, s8;
	s15 =	sadd.s32 s11, s5;
	[dreg:$0x8] =	wrdreg s13  }
0x20: {  	s23 =	sadd.s32 s5, s21;
	[dreg:$0x9] =	wrdreg s15  }
0x21: {  	s25 =	sadd.s32 s6, s21;
	[dreg:$0x1c] =	wrdreg s23  }
0x22: {  	s8 =	sadd.s32 $0x4D8, s8;
	s24 =	sadd.s32 s20, s5;
	[dreg:$0x1d] =	wrdreg s25  }
0x23: {  	s26 =	sadd.s32 s5, s8;
	[dreg:$0xd] =	wrdreg s24  }
0x24: {  	s8 =	sadd.s32 s6, s8;
	[dreg:$0x1e] =	wrdreg s26  }
0x25: {  	s14 =	sadd.s32 $0x140, s2;
	s11 =	sadd.s32 $0x1E0, s2;
	[dreg:$0x1f] =	wrdreg s8  }
0x26: {  	s16 =	sshrl.u32 s14, $0x3;
	s14 =	sadd.s32 $0x3800, s12;
	[smem:$0x7DB] =	sst s11  }
0x27: {  	s20 =	sadd.s32 $0x6800, s12;
	[smem:$0x7DD] =	sst s14  }
0x28: {  	s21 =	sadd.s32 $0x7000, s12;
	[smem:$0x7E3] =	sst s20  }
0x29: {  	s22 =	sadd.s32 $0x7800, s12;
	[smem:$0x7E4] =	sst s21  }
0x2a: {  	s2 =	sadd.s32 $0xA000, s12;
	[smem:$0x7E5] =	sst s22  }
0x2b: {  	s9 =	sadd.s32 $0xB800, s12;
	[smem:$0x7EA] =	sst s2  }
0x2c: {  	s17 =	sadd.s32 s16, s6;
	[smem:$0x7ED] =	sst s9  }
0x2d: {  	s19 =	sadd.s32 s16, s5;
	[dreg:$0xa] =	wrdreg s17  }
0x2e: {  	s10 =	smax.u32 s7, $0x1;
	[dreg:$0xb] =	wrdreg s19  }
0x2f: {  	s13 =	sadd.s32 $0x3000, s12;
	[smem:$0x7DA] =	sst s10  }
0x30: {  	s15 =	sadd.s32 $0x4000, s12;
	[smem:$0x7DC] =	sst s13  }
0x31: {  	s16 =	sadd.s32 $0x4800, s12;
	[smem:$0x7DE] =	sst s15  }
0x32: {  	s23 =	sadd.s32 $0x8000, s12;
	[smem:$0x7DF] =	sst s16  }
0x33: {  	s24 =	sadd.s32 $0x8800, s12;
	[smem:$0x7E6] =	sst s23  }
0x34: {  	s25 =	sadd.s32 $0x9000, s12;
	[smem:$0x7E7] =	sst s24  }
0x35: {  	s26 =	sadd.s32 $0x9800, s12;
	[smem:$0x7E8] =	sst s25  }
0x36: {  	s7 =	sadd.s32 $0xA800, s12;
	[smem:$0x7E9] =	sst s26  }
0x37: {  	s8 =	sadd.s32 $0xB000, s12;
	[smem:$0x7EB] =	sst s7  }
0x38: {  	s11 =	sadd.s32 $0xC800, s12;
	[smem:$0x7EC] =	sst s8  }
0x39: {  	s28 =	simm.s32 $0x5;
	s14 =	sadd.s32 $0xD800, s12;
	[smem:$0x7EF] =	sst s11  }
0x3a: {  	s29 =	simm.s32 $0x6;
	s20 =	sadd.s32 $0x10800, s12;
	[smem:$0x7F1] =	sst s14  }
0x3b: {  	s30 =	simm.s32 $0x480;
	s21 =	sadd.s32 $0x11000, s12;
	[smem:$0x7F7] =	sst s20  }
0x3c: {  	s31 =	simm.s32 $0x380;
	s22 =	sadd.s32 $0x11800, s12;
	[smem:$0x7F8] =	sst s21  }
0x3d: {  	s1 =	simm.s32 $0x480;
	s17 =	sadd.s32 $0x5000, s12;
	[smem:$0x7F9] =	sst s22  }
0x3e: {  	s18 =	simm.s32 $0x50;
	s19 =	sadd.s32 $0x6000, s12;
	[smem:$0x7E0] =	sst s17  }
0x3f: {  	s2 =	simm.s32 $0x8;
	s10 =	sadd.s32 $0xC000, s12;
	[smem:$0x7E2] =	sst s19  }
0x40: {  	s13 =	sadd.s32 $0xD000, s12;
	s15 =	sadd.s32 $0xE000, s12;
	[smem:$0x7EE] =	sst s10  }
0x41: {  	s16 =	sadd.s32 $0xE800, s12;
	s23 =	sadd.s32 $0x12000, s12;
	[smem:$0x7F0] =	sst s13  }
0x42: {  	s24 =	sadd.s32 $0x12800, s12;
	s25 =	sadd.s32 $0x13000, s12;
	[smem:$0x7F2] =	sst s15  }
0x43: {  	s26 =	sadd.s32 $0x13800, s12;
	s14 =	simm.s32 $0x100;
	[smem:$0x7F3] =	sst s16  }
0x44: {  	s20 =	simm.s32 $0x2;
	s21 =	simm.s32 $0x2E00;
	[smem:$0x7FA] =	sst s23  }
0x45: {  	s22 =	simm.s32 $0x3;
	s11 =	simm.s32 $0x380;
	[smem:$0x7FB] =	sst s24  }
0x46: {  	s8 =	simm.s32 $0x9;
	s7 =	simm.s32 $0x0;
	[smem:$0x7FC] =	sst s25  }
0x47: {  	s17 =	sadd.s32 $0xF000, s12;
	s19 =	sadd.s32 $0x10000, s12;
	[smem:$0x7FD] =	sst s26  }
0x48: {  	s13 =	simm.s32 $0x80;
	s23 =	simm.s32 $0x5600;
	s24 =	simm.s32 $0x7  }
0x49: {  	s26 =	simm.s32 $0x4;
	s12 =	simm.s32 $0x400;
	[smem:$0x7F4] =	sst s17  }
0x4a: {  	v0 =	vimm.f32 $0.0e+00;
	[smem:$0x7F6] =	sst s19;
	s17 =	simm.s32 $0x1;
	s19 =	simm.s32 $0x600  }
.LBB2_1:
0x4b: {  	s25 =	sand.u32 $0x1E00, s4  }
0x4c: {  	[smem:$0x7D8] =	sst s7;
	s9 =	sand.u32 $0x70, s4;
	s25 =	sshrl.u32 s25, $0x2  }
0x4d: {  	s7 =	simm.s32 $0x40;
	s25 =	sor.u32 s9, s25;
	s9 =	simm.s32 $0x0  }
.LBB2_2:
0x4e: {  	p0 =	sne.s32 s7, $0x1FC0  }
0x4f: {  	[tilespmem:s25+$0x7E00] =	vst v0;
	s9 =	sadd.s32 $0x10, s9;
	s25 =	smov.u32 s7;
	s7 =	sadd.s32 $0x40, s7  }
.Ltmp0:
0x50: {  	(pc) =	sbr.rel @p0 .LBB2_2-.Ltmp0, $4  }
0x51: {  	_ = 	snop  }
0x52: {  	s25 =	sand.u32 $0x1E00, s25  }
0x53: {  	s10 =	sand.u32 $0x70, s9;
	s25 =	sshrl.u32 s25, $0x2  }
0x54: {  	s25 =	sor.u32 s10, s25  }
0x55: {  	s7 =	rddreg [dreg:$0x10]  }
0x56: {  	[tilespmem:s25+$0x7E00] =	vst v0;
	s9 =	simm.s32 $0x7E00;
	s16 =	rddreg [dreg:$0x11]  }
0x57: {  	[spmem:s7] =	stream.linear.scatter [tilespmem:s9], [sflag:$0x7], $0x800, $0x38;
	[tilespmem:$0x1C600] =	vst v63  }
0x58: {  	s25 =	rddreg [dreg:$0x12]  }
0x59: {  	[spmem:s16] =	stream.linear.scatter [tilespmem:s9], [sflag:$0x7], $0x800, $0x38;
	[tilespmem:$0x1C600] =	vst v63  }
0x5a: {  	s10 =	rddreg [dreg:$0x13]  }
0x5b: {  	[spmem:s25] =	stream.linear.scatter [tilespmem:s9], [sflag:$0x7], $0x800, $0x38;
	[tilespmem:$0x1C600] =	vst v63  }
0x5c: {  	s15 =	rddreg [dreg:$0x14]  }
0x5d: {  	[spmem:s10] =	stream.linear.scatter [tilespmem:s9], [sflag:$0x7], $0x800, $0x38;
	[tilespmem:$0x1C600] =	vst v63  }
0x5e: {  	s16 =	rddreg [dreg:$0x15]  }
0x5f: {  	[spmem:s15] =	stream.linear.scatter [tilespmem:s9], [sflag:$0x7], $0x800, $0x38;
	[tilespmem:$0x1C600] =	vst v63  }
0x60: {  	s25 =	sld [smem:$0x7DC]  }
0x61: {  	[spmem:s16] =	stream.linear.scatter [tilespmem:s9], [sflag:$0x7], $0x800, $0x38;
	[tilespmem:$0x1C600] =	vst v63  }
0x62: {  	s10 =	sld [smem:$0x7DD]  }
0x63: {  	[spmem:s25] =	stream.linear.scatter [tilespmem:s9], [sflag:$0x7], $0x800, $0x38;
	[tilespmem:$0x1C600] =	vst v63  }
0x64: {  	s15 =	sld [smem:$0x7DE]  }
0x65: {  	[spmem:s10] =	stream.linear.scatter [tilespmem:s9], [sflag:$0x7], $0x800, $0x38;
	[tilespmem:$0x1C600] =	vst v63  }
0x66: {  	s16 =	sld [smem:$0x7DF]  }
0x67: {  	[spmem:s15] =	stream.linear.scatter [tilespmem:s9], [sflag:$0x7], $0x800, $0x38;
	[tilespmem:$0x1C600] =	vst v63  }
0x68: {  	s25 =	sld [smem:$0x7E0]  }
0x69: {  	[spmem:s16] =	stream.linear.scatter [tilespmem:s9], [sflag:$0x7], $0x800, $0x38;
	[tilespmem:$0x1C600] =	vst v63  }
0x6a: {  	s10 =	sld [smem:$0x7E1]  }
0x6b: {  	[spmem:s25] =	stream.linear.scatter [tilespmem:s9], [sflag:$0x7], $0x800, $0x38;
	[tilespmem:$0x1C600] =	vst v63  }
0x6c: {  	s15 =	sld [smem:$0x7E2]  }
0x6d: {  	[spmem:s10] =	stream.linear.scatter [tilespmem:s9], [sflag:$0x7], $0x800, $0x38;
	[tilespmem:$0x1C600] =	vst v63  }
0x6e: {  	s16 =	sld [smem:$0x7E3]  }
0x6f: {  	[spmem:s15] =	stream.linear.scatter [tilespmem:s9], [sflag:$0x7], $0x800, $0x38;
	[tilespmem:$0x1C600] =	vst v63  }
0x70: {  	s25 =	sld [smem:$0x7E4]  }
0x71: {  	[spmem:s16] =	stream.linear.scatter [tilespmem:s9], [sflag:$0x7], $0x800, $0x38;
	[tilespmem:$0x1C600] =	vst v63  }
0x72: {  	s10 =	sld [smem:$0x7E5]  }
0x73: {  	[spmem:s25] =	stream.linear.scatter [tilespmem:s9], [sflag:$0x7], $0x800, $0x38;
	[tilespmem:$0x1C600] =	vst v63  }
0x74: {  	s15 =	sld [smem:$0x7E6]  }
0x75: {  	[spmem:s10] =	stream.linear.scatter [tilespmem:s9], [sflag:$0x7], $0x800, $0x38;
	[tilespmem:$0x1C600] =	vst v63  }
0x76: {  	s16 =	sld [smem:$0x7E7]  }
0x77: {  	[spmem:s15] =	stream.linear.scatter [tilespmem:s9], [sflag:$0x7], $0x800, $0x38;
	[tilespmem:$0x1C600] =	vst v63  }
0x78: {  	s25 =	sld [smem:$0x7E8]  }
0x79: {  	[spmem:s16] =	stream.linear.scatter [tilespmem:s9], [sflag:$0x7], $0x800, $0x38;
	[tilespmem:$0x1C600] =	vst v63  }
0x7a: {  	s10 =	sld [smem:$0x7E9]  }
0x7b: {  	[spmem:s25] =	stream.linear.scatter [tilespmem:s9], [sflag:$0x7], $0x800, $0x38;
	[tilespmem:$0x1C600] =	vst v63  }
0x7c: {  	s15 =	sld [smem:$0x7EA]  }
0x7d: {  	[spmem:s10] =	stream.linear.scatter [tilespmem:s9], [sflag:$0x7], $0x800, $0x38;
	[tilespmem:$0x1C600] =	vst v63  }
0x7e: {  	s16 =	sld [smem:$0x7EB]  }
0x7f: {  	[spmem:s15] =	stream.linear.scatter [tilespmem:s9], [sflag:$0x7], $0x800, $0x38;
	[tilespmem:$0x1C600] =	vst v63  }
0x80: {  	s25 =	sld [smem:$0x7EC]  }
0x81: {  	[spmem:s16] =	stream.linear.scatter [tilespmem:s9], [sflag:$0x7], $0x800, $0x38;
	[tilespmem:$0x1C600] =	vst v63  }
0x82: {  	s10 =	sld [smem:$0x7ED]  }
0x83: {  	[spmem:s25] =	stream.linear.scatter [tilespmem:s9], [sflag:$0x7], $0x800, $0x38;
	[tilespmem:$0x1C600] =	vst v63  }
0x84: {  	s15 =	sld [smem:$0x7EE]  }
0x85: {  	[spmem:s10] =	stream.linear.scatter [tilespmem:s9], [sflag:$0x7], $0x800, $0x38;
	[tilespmem:$0x1C600] =	vst v63  }
0x86: {  	s16 =	sld [smem:$0x7EF]  }
0x87: {  	[spmem:s15] =	stream.linear.scatter [tilespmem:s9], [sflag:$0x7], $0x800, $0x38;
	[tilespmem:$0x1C600] =	vst v63  }
0x88: {  	s25 =	sld [smem:$0x7F0]  }
0x89: {  	[spmem:s16] =	stream.linear.scatter [tilespmem:s9], [sflag:$0x7], $0x800, $0x38;
	[tilespmem:$0x1C600] =	vst v63  }
0x8a: {  	s10 =	sld [smem:$0x7F1]  }
0x8b: {  	[spmem:s25] =	stream.linear.scatter [tilespmem:s9], [sflag:$0x7], $0x800, $0x38;
	[tilespmem:$0x1C600] =	vst v63  }
0x8c: {  	s15 =	sld [smem:$0x7F2]  }
0x8d: {  	[spmem:s10] =	stream.linear.scatter [tilespmem:s9], [sflag:$0x7], $0x800, $0x38;
	[tilespmem:$0x1C600] =	vst v63  }
0x8e: {  	s16 =	sld [smem:$0x7F3]  }
0x8f: {  	[spmem:s15] =	stream.linear.scatter [tilespmem:s9], [sflag:$0x7], $0x800, $0x38;
	[tilespmem:$0x1C600] =	vst v63  }
0x90: {  	s25 =	sld [smem:$0x7F4]  }
0x91: {  	[spmem:s16] =	stream.linear.scatter [tilespmem:s9], [sflag:$0x7], $0x800, $0x38;
	[tilespmem:$0x1C600] =	vst v63  }
0x92: {  	s10 =	sld [smem:$0x7F5]  }
0x93: {  	[spmem:s25] =	stream.linear.scatter [tilespmem:s9], [sflag:$0x7], $0x800, $0x38;
	[tilespmem:$0x1C600] =	vst v63  }
0x94: {  	s15 =	sld [smem:$0x7F6]  }
0x95: {  	[spmem:s10] =	stream.linear.scatter [tilespmem:s9], [sflag:$0x7], $0x800, $0x38;
	[tilespmem:$0x1C600] =	vst v63  }
0x96: {  	s16 =	sld [smem:$0x7F7]  }
0x97: {  	[spmem:s15] =	stream.linear.scatter [tilespmem:s9], [sflag:$0x7], $0x800, $0x38;
	[tilespmem:$0x1C600] =	vst v63  }
0x98: {  	s25 =	sld [smem:$0x7F8]  }
0x99: {  	[spmem:s16] =	stream.linear.scatter [tilespmem:s9], [sflag:$0x7], $0x800, $0x38;
	[tilespmem:$0x1C600] =	vst v63  }
0x9a: {  	s10 =	sld [smem:$0x7F9]  }
0x9b: {  	[spmem:s25] =	stream.linear.scatter [tilespmem:s9], [sflag:$0x7], $0x800, $0x38;
	[tilespmem:$0x1C600] =	vst v63  }
0x9c: {  	s15 =	sld [smem:$0x7FA]  }
0x9d: {  	[spmem:s10] =	stream.linear.scatter [tilespmem:s9], [sflag:$0x7], $0x800, $0x38;
	[tilespmem:$0x1C600] =	vst v63  }
0x9e: {  	s16 =	sld [smem:$0x7FB]  }
0x9f: {  	[spmem:s15] =	stream.linear.scatter [tilespmem:s9], [sflag:$0x7], $0x800, $0x38;
	[tilespmem:$0x1C600] =	vst v63  }
0xa0: {  	s25 =	sld [smem:$0x7FC]  }
0xa1: {  	[spmem:s16] =	stream.linear.scatter [tilespmem:s9], [sflag:$0x7], $0x800, $0x38;
	[tilespmem:$0x1C600] =	vst v63  }
0xa2: {  	s10 =	sld [smem:$0x7FD]  }
0xa3: {  	[spmem:s25] =	stream.linear.scatter [tilespmem:s9], [sflag:$0x7], $0x800, $0x38;
	[tilespmem:$0x1C600] =	vst v63  }
0xa4: {  	_ = 	snop  }
0xa5: {  	[spmem:s10] =	stream.linear.scatter [tilespmem:s9], [sflag:$0x7], $0x800, $0x38;
	[tilespmem:$0x1C600] =	vst v63  }
0xa6: {  	s7 =	simm.s32 $0x0;
	s15 =	rddreg [dreg:$0x16]  }
0xa7: {  	[tilespmem:s7], [sflag:$0x1] =	stream.linear.gather [hbm4b:s15+s7], $0x50, $0x38;
	[tilespmem:$0x1C600] =	vst v63  }
0xa8: {  	s16 =	rddreg [dreg:$0x17];
	s15 =	simm.s32 $0x200  }
0xa9: {  	[tilespmem:s15], [sflag:$0x1] =	stream.linear.gather [hbm4b:s16+s7], $0x50, $0x38;
	[tilespmem:$0x1C600] =	vst v63  }
0xaa: {  	s25 =	rddreg [dreg:$0x18]  }
0xab: {  	[tilespmem:s13], [sflag:$0x2] =	stream.linear.gather [hbm4b:s25+s7], $0x50, $0x38;
	[tilespmem:$0x1C600] =	vst v63  }
0xac: {  	s10 =	rddreg [dreg:$0x19];
	s16 =	simm.s32 $0x280  }
0xad: {  	[tilespmem:s16], [sflag:$0x2] =	stream.linear.gather [hbm4b:s10+s7], $0x50, $0x38;
	[tilespmem:$0x1C600] =	vst v63  }
0xae: {  	s25 =	rddreg [dreg:$0x1a]  }
0xaf: {  	[tilespmem:s14], [sflag:$0x3] =	stream.linear.gather [hbm4b:s25+s7], $0x50, $0x38;
	[tilespmem:$0x1C600] =	vst v63  }
0xb0: {  	s10 =	rddreg [dreg:$0x1b];
	s25 =	simm.s32 $0x300  }
0xb1: {  	[tilespmem:s25], [sflag:$0x3] =	stream.linear.gather [hbm4b:s10+s7], $0x50, $0x38;
	[tilespmem:$0x1C600] =	vst v63  }
0xb2: {  	_ =	swait.ge [sflag:s17], $0x50  }
0xb3: {  	[sflag:s17] =	ssyncset.done $0x0  }
0xb4: {  	[sflag:s17] =	ssyncadd.s32 $0xFFFFFFB0  }
0xb5: {  	_ =	swait.ge [sflag:s17], $0x50  }
0xb6: {  	[sflag:s17] =	ssyncset.done $0x0  }
0xb7: {  	[sflag:s17] =	ssyncadd.s32 $0xFFFFFFB0  }
0xb8: {  	[tilespmem:s19], [sflag:$0x4] =	stream.indirect.gather [hbm4b:s0+s18], $0x80, s7, s18, $0xb8;
	[tilespmem:$0x1C600] =	vst v63  }
0xb9: {  	_ =	swait.ge [sflag:s20], $0x50  }
0xba: {  	[sflag:s20] =	ssyncset.done $0x0  }
0xbb: {  	[sflag:s20] =	ssyncadd.s32 $0xFFFFFFB0  }
0xbc: {  	_ =	swait.ge [sflag:s20], $0x50  }
0xbd: {  	[sflag:s20] =	ssyncset.done $0x0  }
0xbe: {  	[sflag:s20] =	ssyncadd.s32 $0xFFFFFFB0  }
0xbf: {  	[tilespmem:s21], [sflag:$0x5] =	stream.indirect.gather [hbm4b:s0+s18], $0x80, s13, s18, $0xb8;
	[tilespmem:$0x1C600] =	vst v63  }
0xc0: {  	_ =	swait.ge [sflag:s22], $0x50  }
0xc1: {  	[sflag:s22] =	ssyncset.done $0x0  }
0xc2: {  	[sflag:s22] =	ssyncadd.s32 $0xFFFFFFB0  }
0xc3: {  	_ =	swait.ge [sflag:s22], $0x50  }
0xc4: {  	[sflag:s22] =	ssyncset.done $0x0  }
0xc5: {  	[sflag:s22] =	ssyncadd.s32 $0xFFFFFFB0  }
0xc6: {  	[tilespmem:s23], [sflag:$0x6] =	stream.indirect.gather [hbm4b:s0+s18], $0x80, s14, s18, $0xb8;
	[tilespmem:$0x1C600] =	vst v63  }
0xc7: {  	_ =	swait.ge [sflag:s24], $0x800  }
0xc8: {  	[sflag:s24] =	ssyncset.done $0x0  }
0xc9: {  	[sflag:s24] =	ssyncadd.s32 $0xFFFFF800  }
0xca: {  	_ =	swait.ge [sflag:s24], $0x800  }
0xcb: {  	[sflag:s24] =	ssyncset.done $0x0  }
0xcc: {  	[sflag:s24] =	ssyncadd.s32 $0xFFFFF800  }
0xcd: {  	_ =	swait.ge [sflag:s24], $0x800  }
0xce: {  	[sflag:s24] =	ssyncset.done $0x0  }
0xcf: {  	[sflag:s24] =	ssyncadd.s32 $0xFFFFF800  }
0xd0: {  	_ =	swait.ge [sflag:s24], $0x800  }
0xd1: {  	[sflag:s24] =	ssyncset.done $0x0  }
0xd2: {  	[sflag:s24] =	ssyncadd.s32 $0xFFFFF800  }
0xd3: {  	_ =	swait.ge [sflag:s24], $0x800  }
0xd4: {  	[sflag:s24] =	ssyncset.done $0x0  }
0xd5: {  	[sflag:s24] =	ssyncadd.s32 $0xFFFFF800  }
0xd6: {  	_ =	swait.ge [sflag:s24], $0x800  }
0xd7: {  	[sflag:s24] =	ssyncset.done $0x0  }
0xd8: {  	[sflag:s24] =	ssyncadd.s32 $0xFFFFF800  }
0xd9: {  	_ =	swait.ge [sflag:s24], $0x800  }
0xda: {  	[sflag:s24] =	ssyncset.done $0x0  }
0xdb: {  	[sflag:s24] =	ssyncadd.s32 $0xFFFFF800  }
0xdc: {  	_ =	swait.ge [sflag:s24], $0x800  }
0xdd: {  	[sflag:s24] =	ssyncset.done $0x0  }
0xde: {  	[sflag:s24] =	ssyncadd.s32 $0xFFFFF800  }
0xdf: {  	_ =	swait.ge [sflag:s24], $0x800  }
0xe0: {  	[sflag:s24] =	ssyncset.done $0x0  }
0xe1: {  	[sflag:s24] =	ssyncadd.s32 $0xFFFFF800  }
0xe2: {  	_ =	swait.ge [sflag:s24], $0x800  }
0xe3: {  	[sflag:s24] =	ssyncset.done $0x0  }
0xe4: {  	[sflag:s24] =	ssyncadd.s32 $0xFFFFF800  }
0xe5: {  	_ =	swait.ge [sflag:s24], $0x800  }
0xe6: {  	[sflag:s24] =	ssyncset.done $0x0  }
0xe7: {  	[sflag:s24] =	ssyncadd.s32 $0xFFFFF800  }
0xe8: {  	_ =	swait.ge [sflag:s24], $0x800  }
0xe9: {  	[sflag:s24] =	ssyncset.done $0x0  }
0xea: {  	[sflag:s24] =	ssyncadd.s32 $0xFFFFF800  }
0xeb: {  	_ =	swait.ge [sflag:s24], $0x800  }
0xec: {  	[sflag:s24] =	ssyncset.done $0x0  }
0xed: {  	[sflag:s24] =	ssyncadd.s32 $0xFFFFF800  }
0xee: {  	_ =	swait.ge [sflag:s24], $0x800  }
0xef: {  	[sflag:s24] =	ssyncset.done $0x0  }
0xf0: {  	[sflag:s24] =	ssyncadd.s32 $0xFFFFF800  }
0xf1: {  	_ =	swait.ge [sflag:s24], $0x800  }
0xf2: {  	[sflag:s24] =	ssyncset.done $0x0  }
0xf3: {  	[sflag:s24] =	ssyncadd.s32 $0xFFFFF800  }
0xf4: {  	_ =	swait.ge [sflag:s24], $0x800  }
0xf5: {  	[sflag:s24] =	ssyncset.done $0x0  }
0xf6: {  	[sflag:s24] =	ssyncadd.s32 $0xFFFFF800  }
0xf7: {  	_ =	swait.ge [sflag:s24], $0x800  }
0xf8: {  	[sflag:s24] =	ssyncset.done $0x0  }
0xf9: {  	[sflag:s24] =	ssyncadd.s32 $0xFFFFF800  }
0xfa: {  	_ =	swait.ge [sflag:s24], $0x800  }
0xfb: {  	[sflag:s24] =	ssyncset.done $0x0  }
0xfc: {  	[sflag:s24] =	ssyncadd.s32 $0xFFFFF800  }
0xfd: {  	_ =	swait.ge [sflag:s24], $0x800  }
0xfe: {  	[sflag:s24] =	ssyncset.done $0x0  }
0xff: {  	[sflag:s24] =	ssyncadd.s32 $0xFFFFF800  }
0x100: {  	_ =	swait.ge [sflag:s24], $0x800  }
0x101: {  	[sflag:s24] =	ssyncset.done $0x0  }
0x102: {  	[sflag:s24] =	ssyncadd.s32 $0xFFFFF800  }
0x103: {  	_ =	swait.ge [sflag:s24], $0x800  }
0x104: {  	[sflag:s24] =	ssyncset.done $0x0  }
0x105: {  	[sflag:s24] =	ssyncadd.s32 $0xFFFFF800  }
0x106: {  	_ =	swait.ge [sflag:s24], $0x800  }
0x107: {  	[sflag:s24] =	ssyncset.done $0x0  }
0x108: {  	[sflag:s24] =	ssyncadd.s32 $0xFFFFF800  }
0x109: {  	_ =	swait.ge [sflag:s24], $0x800  }
0x10a: {  	[sflag:s24] =	ssyncset.done $0x0  }
0x10b: {  	[sflag:s24] =	ssyncadd.s32 $0xFFFFF800  }
0x10c: {  	_ =	swait.ge [sflag:s24], $0x800  }
0x10d: {  	[sflag:s24] =	ssyncset.done $0x0  }
0x10e: {  	[sflag:s24] =	ssyncadd.s32 $0xFFFFF800  }
0x10f: {  	_ =	swait.ge [sflag:s24], $0x800  }
0x110: {  	[sflag:s24] =	ssyncset.done $0x0  }
0x111: {  	[sflag:s24] =	ssyncadd.s32 $0xFFFFF800  }
0x112: {  	_ =	swait.ge [sflag:s24], $0x800  }
0x113: {  	[sflag:s24] =	ssyncset.done $0x0  }
0x114: {  	[sflag:s24] =	ssyncadd.s32 $0xFFFFF800  }
0x115: {  	_ =	swait.ge [sflag:s24], $0x800  }
0x116: {  	[sflag:s24] =	ssyncset.done $0x0  }
0x117: {  	[sflag:s24] =	ssyncadd.s32 $0xFFFFF800  }
0x118: {  	_ =	swait.ge [sflag:s24], $0x800  }
0x119: {  	[sflag:s24] =	ssyncset.done $0x0  }
0x11a: {  	[sflag:s24] =	ssyncadd.s32 $0xFFFFF800  }
0x11b: {  	_ =	swait.ge [sflag:s24], $0x800  }
0x11c: {  	[sflag:s24] =	ssyncset.done $0x0  }
0x11d: {  	[sflag:s24] =	ssyncadd.s32 $0xFFFFF800  }
0x11e: {  	_ =	swait.ge [sflag:s24], $0x800  }
0x11f: {  	[sflag:s24] =	ssyncset.done $0x0  }
0x120: {  	[sflag:s24] =	ssyncadd.s32 $0xFFFFF800  }
0x121: {  	_ =	swait.ge [sflag:s24], $0x800  }
0x122: {  	[sflag:s24] =	ssyncset.done $0x0  }
0x123: {  	[sflag:s24] =	ssyncadd.s32 $0xFFFFF800  }
0x124: {  	_ =	swait.ge [sflag:s24], $0x800  }
0x125: {  	[sflag:s24] =	ssyncset.done $0x0  }
0x126: {  	[sflag:s24] =	ssyncadd.s32 $0xFFFFF800  }
0x127: {  	_ =	swait.ge [sflag:s24], $0x800  }
0x128: {  	[sflag:s24] =	ssyncset.done $0x0  }
0x129: {  	[sflag:s24] =	ssyncadd.s32 $0xFFFFF800  }
0x12a: {  	_ =	swait.ge [sflag:s24], $0x800  }
0x12b: {  	[sflag:s24] =	ssyncset.done $0x0  }
0x12c: {  	[sflag:s24] =	ssyncadd.s32 $0xFFFFF800  }
0x12d: {  	_ =	swait.ge [sflag:s24], $0x800  }
0x12e: {  	[sflag:s24] =	ssyncset.done $0x0  }
0x12f: {  	[sflag:s24] =	ssyncadd.s32 $0xFFFFF800  }
0x130: {  	_ =	swait.ge [sflag:s24], $0x800  }
0x131: {  	[sflag:s24] =	ssyncset.done $0x0  }
0x132: {  	[sflag:s24] =	ssyncadd.s32 $0xFFFFF800  }
0x133: {  	_ =	swait.ge [sflag:s24], $0x800  }
0x134: {  	[sflag:s24] =	ssyncset.done $0x0  }
0x135: {  	[sflag:s24] =	ssyncadd.s32 $0xFFFFF800  }
0x136: {  	_ =	swait.ge [sflag:s24], $0x800  }
0x137: {  	[sflag:s24] =	ssyncset.done $0x0  }
0x138: {  	[sflag:s24] =	ssyncadd.s32 $0xFFFFF800  }
0x139: {  	_ =	swait.ge [sflag:s24], $0x800  }
0x13a: {  	[sflag:s24] =	ssyncset.done $0x0  }
0x13b: {  	[sflag:s24] =	ssyncadd.s32 $0xFFFFF800  }
0x13c: {  	_ =	swait.ge [sflag:s24], $0x800  }
0x13d: {  	[sflag:s24] =	ssyncset.done $0x0  }
0x13e: {  	[sflag:s24] =	ssyncadd.s32 $0xFFFFF800  }
0x13f: {  	[bflag:$0x0] =	sbarrier.arrive $0xFFFF  }
0x140: {  	_ =	swait.ge [sflag:s26], $0x2800  }
0x141: {  	[sflag:s26] =	ssyncset.done $0x0  }
0x142: {  	[sflag:s26] =	ssyncadd.s32 $0xFFFFD800  }
0x143: {  	[spmem:s3] =	stream.indirect.scatter.add.f32 [tilespmem:s19], [sflag:$0x7], $0x80, s15, s18, $0xb8;
	[tilespmem:$0x1C600] =	vst v63  }
0x144: {  	_ =	swait.ge [sflag:s28], $0x2800  }
0x145: {  	[sflag:s28] =	ssyncset.done $0x0  }
0x146: {  	[sflag:s28] =	ssyncadd.s32 $0xFFFFD800  }
0x147: {  	[spmem:s3] =	stream.indirect.scatter.add.f32 [tilespmem:s21], [sflag:$0x8], $0x80, s16, s18, $0xb8;
	[tilespmem:$0x1C600] =	vst v63  }
0x148: {  	_ =	swait.ge [sflag:s29], $0x2800  }
0x149: {  	[sflag:s29] =	ssyncset.done $0x0  }
0x14a: {  	s9 =	rddreg [dreg:$0xd];
	[sflag:s29] =	ssyncadd.s32 $0xFFFFD800  }
0x14b: {  	[spmem:s3] =	stream.indirect.scatter.add.f32 [tilespmem:s23], [sflag:$0x9], $0x80, s25, s18, $0xb8;
	[tilespmem:$0x1C600] =	vst v63  }
0x14c: {  	s10 =	rddreg [dreg:$0xc];
	s7 =	sadd.s32 $0x0, s9  }
0x14d: {  	[tilespmem:s4], [sflag:$0x1] =	stream.linear.gather [hbm4b:s7+s4], $0x50, $0x38;
	[tilespmem:$0x1C600] =	vst v63  }
0x14e: {  	s9 =	sadd.s32 $0x0, s10;
	s7 =	rddreg [dreg:$0xb]  }
0x14f: {  	[tilespmem:s11], [sflag:$0x1] =	stream.linear.gather [hbm4b:s9+s4], $0x50, $0x38;
	[tilespmem:$0x1C600] =	vst v63  }
0x150: {  	s10 =	rddreg [dreg:$0xa];
	s7 =	sadd.s32 $0x0, s7  }
0x151: {  	[tilespmem:s13], [sflag:$0x2] =	stream.linear.gather [hbm4b:s7+s4], $0x50, $0x38;
	[tilespmem:$0x1C600] =	vst v63  }
0x152: {  	s9 =	sadd.s32 $0x0, s10;
	s7 =	rddreg [dreg:$0x9]  }
0x153: {  	[tilespmem:s12], [sflag:$0x2] =	stream.linear.gather [hbm4b:s9+s4], $0x50, $0x38;
	[tilespmem:$0x1C600] =	vst v63  }
0x154: {  	s10 =	rddreg [dreg:$0x8];
	s7 =	sadd.s32 $0x0, s7  }
0x155: {  	[tilespmem:s14], [sflag:$0x3] =	stream.linear.gather [hbm4b:s7+s4], $0x50, $0x38;
	[tilespmem:$0x1C600] =	vst v63  }
0x156: {  	s10 =	sadd.s32 $0x0, s10  }
0x157: {  	[tilespmem:s1], [sflag:$0x3] =	stream.linear.gather [hbm4b:s10+s4], $0x50, $0x38;
	[tilespmem:$0x1C600] =	vst v63  }
0x158: {  	_ =	swait.ge [sflag:s24], $0x2800  }
0x159: {  	[sflag:s24] =	ssyncset.done $0x0  }
0x15a: {  	[sflag:s24] =	ssyncadd.s32 $0xFFFFD800  }
0x15b: {  	_ =	swait.ge [sflag:s2], $0x2800  }
0x15c: {  	[sflag:s2] =	ssyncset.done $0x0  }
0x15d: {  	[sflag:s2] =	ssyncadd.s32 $0xFFFFD800  }
0x15e: {  	_ =	swait.ge [sflag:s8], $0x2800  }
0x15f: {  	[sflag:s8] =	ssyncset.done $0x0  }
0x160: {  	[sflag:s8] =	ssyncadd.s32 $0xFFFFD800  }
0x161: {  	_ =	swait.ge [sflag:s17], $0x50  }
0x162: {  	[sflag:s17] =	ssyncset.done $0x0  }
0x163: {  	[sflag:s17] =	ssyncadd.s32 $0xFFFFFFB0  }
0x164: {  	_ =	swait.ge [sflag:s17], $0x50  }
0x165: {  	[sflag:s17] =	ssyncset.done $0x0  }
0x166: {  	[sflag:s17] =	ssyncadd.s32 $0xFFFFFFB0  }
0x167: {  	[tilespmem:s19], [sflag:$0x4] =	stream.indirect.gather [hbm4b:s0+s18], $0x80, s4, s18, $0xb8;
	[tilespmem:$0x1C600] =	vst v63  }
0x168: {  	_ =	swait.ge [sflag:s20], $0x50  }
0x169: {  	[sflag:s20] =	ssyncset.done $0x0  }
0x16a: {  	[sflag:s20] =	ssyncadd.s32 $0xFFFFFFB0  }
0x16b: {  	_ =	swait.ge [sflag:s20], $0x50  }
0x16c: {  	[sflag:s20] =	ssyncset.done $0x0  }
0x16d: {  	[sflag:s20] =	ssyncadd.s32 $0xFFFFFFB0  }
0x16e: {  	[tilespmem:s21], [sflag:$0x5] =	stream.indirect.gather [hbm4b:s0+s18], $0x80, s13, s18, $0xb8;
	[tilespmem:$0x1C600] =	vst v63  }
0x16f: {  	_ =	swait.ge [sflag:s22], $0x50  }
0x170: {  	[sflag:s22] =	ssyncset.done $0x0  }
0x171: {  	[sflag:s22] =	ssyncadd.s32 $0xFFFFFFB0  }
0x172: {  	_ =	swait.ge [sflag:s22], $0x50  }
0x173: {  	[sflag:s22] =	ssyncset.done $0x0  }
0x174: {  	[sflag:s22] =	ssyncadd.s32 $0xFFFFFFB0  }
0x175: {  	[tilespmem:s23], [sflag:$0x6] =	stream.indirect.gather [hbm4b:s0+s18], $0x80, s14, s18, $0xb8;
	[tilespmem:$0x1C600] =	vst v63  }
0x176: {  	_ =	swait.ge [sflag:s26], $0x2800  }
0x177: {  	[sflag:s26] =	ssyncset.done $0x0  }
0x178: {  	[sflag:s26] =	ssyncadd.s32 $0xFFFFD800  }
0x179: {  	[spmem:s3] =	stream.indirect.scatter.add.f32 [tilespmem:s19], [sflag:$0x7], $0x80, s11, s18, $0xb8;
	[tilespmem:$0x1C600] =	vst v63  }
0x17a: {  	_ =	swait.ge [sflag:s28], $0x2800  }
0x17b: {  	[sflag:s28] =	ssyncset.done $0x0  }
0x17c: {  	[sflag:s28] =	ssyncadd.s32 $0xFFFFD800  }
0x17d: {  	[spmem:s3] =	stream.indirect.scatter.add.f32 [tilespmem:s21], [sflag:$0x8], $0x80, s12, s18, $0xb8;
	[tilespmem:$0x1C600] =	vst v63  }
0x17e: {  	_ =	swait.ge [sflag:s29], $0x2800  }
0x17f: {  	[sflag:s29] =	ssyncset.done $0x0;
	s10 =	sld [smem:$0x7DB]  }
0x180: {  	[sflag:s29] =	ssyncadd.s32 $0xFFFFD800  }
0x181: {  	[spmem:s3] =	stream.indirect.scatter.add.f32 [tilespmem:s23], [sflag:$0x9], $0x80, s1, s18, $0xb8;
	[tilespmem:$0x1C600] =	vst v63  }
0x182: {  	s12 =	sshrl.u32 s10, $0x3  }
0x183: {  	s5 =	sadd.s32 s5, s12  }
0x184: {  	[tilespmem:s4], [sflag:$0x1] =	stream.linear.gather [hbm4b:s5+s4], $0x50, $0x38;
	[tilespmem:$0x1C600] =	vst v63  }
0x185: {  	s11 =	rddreg [dreg:$0x7];
	s7 =	sadd.s32 s6, s12  }
0x186: {  	[tilespmem:s15], [sflag:$0x1] =	stream.linear.gather [hbm4b:s7+s4], $0x50, $0x38;
	[tilespmem:$0x1C600] =	vst v63  }
0x187: {  	s9 =	sadd.s32 $0x0, s11;
	s12 =	rddreg [dreg:$0x6]  }
0x188: {  	[tilespmem:s13], [sflag:$0x2] =	stream.linear.gather [hbm4b:s9+s4], $0x50, $0x38;
	[tilespmem:$0x1C600] =	vst v63  }
0x189: {  	s15 =	rddreg [dreg:$0x5];
	s7 =	sadd.s32 $0x0, s12  }
0x18a: {  	[tilespmem:s16], [sflag:$0x2] =	stream.linear.gather [hbm4b:s7+s4], $0x50, $0x38;
	[tilespmem:$0x1C600] =	vst v63  }
0x18b: {  	s23 =	rddreg [dreg:$0x4];
	s9 =	sadd.s32 $0x0, s15  }
0x18c: {  	[tilespmem:s14], [sflag:$0x3] =	stream.linear.gather [hbm4b:s9+s4], $0x50, $0x38;
	[tilespmem:$0x1C600] =	vst v63  }
0x18d: {  	s7 =	sadd.s32 $0x0, s23  }
0x18e: {  	[tilespmem:s25], [sflag:$0x3] =	stream.linear.gather [hbm4b:s7+s4], $0x50, $0x38;
	[tilespmem:$0x1C600] =	vst v63  }
0x18f: {  	_ =	swait.ge [sflag:s24], $0x2800  }
0x190: {  	[sflag:s24] =	ssyncset.done $0x0  }
0x191: {  	[sflag:s24] =	ssyncadd.s32 $0xFFFFD800  }
0x192: {  	_ =	swait.ge [sflag:s2], $0x2800  }
0x193: {  	[sflag:s2] =	ssyncset.done $0x0  }
0x194: {  	[sflag:s2] =	ssyncadd.s32 $0xFFFFD800  }
0x195: {  	_ =	swait.ge [sflag:s8], $0x2800  }
0x196: {  	[sflag:s8] =	ssyncset.done $0x0  }
0x197: {  	[sflag:s8] =	ssyncadd.s32 $0xFFFFD800  }
0x198: {  	_ =	swait.ge [sflag:s17], $0x50  }
0x199: {  	[sflag:s17] =	ssyncset.done $0x0  }
0x19a: {  	[sflag:s17] =	ssyncadd.s32 $0xFFFFFFB0  }
0x19b: {  	_ =	swait.ge [sflag:s17], $0x50  }
0x19c: {  	[sflag:s17] =	ssyncset.done $0x0  }
0x19d: {  	[sflag:s17] =	ssyncadd.s32 $0xFFFFFFB0  }
0x19e: {  	[tilespmem:s19], [sflag:$0x4] =	stream.indirect.gather [hbm4b:s0+s18], $0x80, s4, s18, $0xb8;
	[tilespmem:$0x1C600] =	vst v63  }
0x19f: {  	_ =	swait.ge [sflag:s20], $0x50  }
0x1a0: {  	[sflag:s20] =	ssyncset.done $0x0  }
0x1a1: {  	[sflag:s20] =	ssyncadd.s32 $0xFFFFFFB0  }
0x1a2: {  	_ =	swait.ge [sflag:s20], $0x50  }
0x1a3: {  	[sflag:s20] =	ssyncset.done $0x0  }
0x1a4: {  	[sflag:s20] =	ssyncadd.s32 $0xFFFFFFB0  }
0x1a5: {  	[tilespmem:s21], [sflag:$0x5] =	stream.indirect.gather [hbm4b:s0+s18], $0x80, s13, s18, $0xb8;
	[tilespmem:$0x1C600] =	vst v63  }
0x1a6: {  	_ =	swait.ge [sflag:s22], $0x50  }
0x1a7: {  	[sflag:s22] =	ssyncset.done $0x0  }
0x1a8: {  	s1 =	simm.s32 $0x400;
	[sflag:s22] =	ssyncadd.s32 $0xFFFFFFB0  }
0x1a9: {  	s6 =	simm.s32 $0x5600;
	s12 =	simm.s32 $0x2E00;
	_ =	swait.ge [sflag:s22], $0x50  }
0x1aa: {  	s15 =	simm.s32 $0x80;
	s23 =	simm.s32 $0x600;
	[sflag:s22] =	ssyncset.done $0x0  }
0x1ab: {  	s9 =	simm.s32 $0x3C;
	s25 =	sadd.s32 $0x1E0, s10;
	[sflag:s22] =	ssyncadd.s32 $0xFFFFFFB0  }
.LBB2_4:
0x1ac: {  	[tilespmem:s6], [sflag:$0x6] =	stream.indirect.gather [hbm4b:s0+s18], $0x80, s14, s18, $0xb8;
	[tilespmem:$0x1C600] =	vst v63  }
0x1ad: {  	_ =	swait.ge [sflag:s26], $0x2800  }
0x1ae: {  	[sflag:s26] =	ssyncset.done $0x0  }
0x1af: {  	s19 =	simm.s32 $0x200;
	[sflag:s26] =	ssyncadd.s32 $0xFFFFD800  }
0x1b0: {  	[spmem:s3] =	stream.indirect.scatter.add.f32 [tilespmem:s23], [sflag:$0x7], $0x80, s19, s18, $0xb8;
	[tilespmem:$0x1C600] =	vst v63  }
0x1b1: {  	_ =	swait.ge [sflag:s28], $0x2800  }
0x1b2: {  	[sflag:s28] =	ssyncset.done $0x0  }
0x1b3: {  	s14 =	simm.s32 $0x280;
	[sflag:s28] =	ssyncadd.s32 $0xFFFFD800  }
0x1b4: {  	[spmem:s3] =	stream.indirect.scatter.add.f32 [tilespmem:s12], [sflag:$0x8], $0x80, s14, s18, $0xb8;
	[tilespmem:$0x1C600] =	vst v63  }
0x1b5: {  	_ =	swait.ge [sflag:s29], $0x2800  }
0x1b6: {  	s7 =	smov.u32 s9;
	[sflag:s29] =	ssyncset.done $0x0  }
0x1b7: {  	s16 =	simm.s32 $0x300;
	s10 =	rddreg [dreg:$0xd];
	[sflag:s29] =	ssyncadd.s32 $0xFFFFD800  }
0x1b8: {  	[spmem:s3] =	stream.indirect.scatter.add.f32 [tilespmem:s6], [sflag:$0x9], $0x80, s16, s18, $0xb8;
	[tilespmem:$0x1C600] =	vst v63  }
0x1b9: {  	s11 =	rddreg [dreg:$0xc];
	s10 =	sadd.s32 s7, s10  }
0x1ba: {  	[tilespmem:s4], [sflag:$0x1] =	stream.linear.gather [hbm4b:s10+s4], $0x50, $0x38;
	[tilespmem:$0x1C600] =	vst v63  }
0x1bb: {  	s5 =	rddreg [dreg:$0xb];
	s11 =	sadd.s32 s7, s11  }
0x1bc: {  	[tilespmem:s31], [sflag:$0x1] =	stream.linear.gather [hbm4b:s11+s4], $0x50, $0x38;
	[tilespmem:$0x1C600] =	vst v63  }
0x1bd: {  	s21 =	rddreg [dreg:$0xa];
	s5 =	sadd.s32 s7, s5  }
0x1be: {  	[tilespmem:s15], [sflag:$0x2] =	stream.linear.gather [hbm4b:s5+s4], $0x50, $0x38;
	[tilespmem:$0x1C600] =	vst v63  }
0x1bf: {  	s10 =	rddreg [dreg:$0x9];
	s11 =	sadd.s32 s7, s21  }
0x1c0: {  	[tilespmem:s1], [sflag:$0x2] =	stream.linear.gather [hbm4b:s11+s4], $0x50, $0x38;
	[tilespmem:$0x1C600] =	vst v63  }
0x1c1: {  	s13 =	simm.s32 $0x100;
	s10 =	sadd.s32 s7, s10;
	s21 =	rddreg [dreg:$0x8]  }
0x1c2: {  	[tilespmem:s13], [sflag:$0x3] =	stream.linear.gather [hbm4b:s10+s4], $0x50, $0x38;
	[tilespmem:$0x1C600] =	vst v63  }
0x1c3: {  	s11 =	sadd.s32 s7, s21  }
0x1c4: {  	[tilespmem:s30], [sflag:$0x3] =	stream.linear.gather [hbm4b:s11+s4], $0x50, $0x38;
	[tilespmem:$0x1C600] =	vst v63  }
0x1c5: {  	_ =	swait.ge [sflag:s24], $0x2800  }
0x1c6: {  	[sflag:s24] =	ssyncset.done $0x0  }
0x1c7: {  	[sflag:s24] =	ssyncadd.s32 $0xFFFFD800  }
0x1c8: {  	_ =	swait.ge [sflag:s2], $0x2800  }
0x1c9: {  	[sflag:s2] =	ssyncset.done $0x0  }
0x1ca: {  	[sflag:s2] =	ssyncadd.s32 $0xFFFFD800  }
0x1cb: {  	_ =	swait.ge [sflag:s8], $0x2800  }
0x1cc: {  	[sflag:s8] =	ssyncset.done $0x0  }
0x1cd: {  	[sflag:s8] =	ssyncadd.s32 $0xFFFFD800  }
0x1ce: {  	_ =	swait.ge [sflag:s17], $0x50  }
0x1cf: {  	[sflag:s17] =	ssyncset.done $0x0  }
0x1d0: {  	[sflag:s17] =	ssyncadd.s32 $0xFFFFFFB0  }
0x1d1: {  	_ =	swait.ge [sflag:s17], $0x50  }
0x1d2: {  	[sflag:s17] =	ssyncset.done $0x0  }
0x1d3: {  	[sflag:s17] =	ssyncadd.s32 $0xFFFFFFB0  }
0x1d4: {  	[tilespmem:s23], [sflag:$0x4] =	stream.indirect.gather [hbm4b:s0+s18], $0x80, s4, s18, $0xb8;
	[tilespmem:$0x1C600] =	vst v63  }
0x1d5: {  	_ =	swait.ge [sflag:s20], $0x50  }
0x1d6: {  	[sflag:s20] =	ssyncset.done $0x0  }
0x1d7: {  	[sflag:s20] =	ssyncadd.s32 $0xFFFFFFB0  }
0x1d8: {  	_ =	swait.ge [sflag:s20], $0x50  }
0x1d9: {  	[sflag:s20] =	ssyncset.done $0x0  }
0x1da: {  	[sflag:s20] =	ssyncadd.s32 $0xFFFFFFB0  }
0x1db: {  	[tilespmem:s12], [sflag:$0x5] =	stream.indirect.gather [hbm4b:s0+s18], $0x80, s15, s18, $0xb8;
	[tilespmem:$0x1C600] =	vst v63  }
0x1dc: {  	_ =	swait.ge [sflag:s22], $0x50  }
0x1dd: {  	[sflag:s22] =	ssyncset.done $0x0  }
0x1de: {  	[sflag:s22] =	ssyncadd.s32 $0xFFFFFFB0  }
0x1df: {  	_ =	swait.ge [sflag:s22], $0x50  }
0x1e0: {  	[sflag:s22] =	ssyncset.done $0x0  }
0x1e1: {  	[sflag:s22] =	ssyncadd.s32 $0xFFFFFFB0  }
0x1e2: {  	[tilespmem:s6], [sflag:$0x6] =	stream.indirect.gather [hbm4b:s0+s18], $0x80, s13, s18, $0xb8;
	[tilespmem:$0x1C600] =	vst v63  }
0x1e3: {  	_ =	swait.ge [sflag:s26], $0x2800  }
0x1e4: {  	[sflag:s26] =	ssyncset.done $0x0  }
0x1e5: {  	[sflag:s26] =	ssyncadd.s32 $0xFFFFD800  }
0x1e6: {  	[spmem:s3] =	stream.indirect.scatter.add.f32 [tilespmem:s23], [sflag:$0x7], $0x80, s31, s18, $0xb8;
	[tilespmem:$0x1C600] =	vst v63  }
0x1e7: {  	_ =	swait.ge [sflag:s28], $0x2800  }
0x1e8: {  	[sflag:s28] =	ssyncset.done $0x0  }
0x1e9: {  	[sflag:s28] =	ssyncadd.s32 $0xFFFFD800  }
0x1ea: {  	[spmem:s3] =	stream.indirect.scatter.add.f32 [tilespmem:s12], [sflag:$0x8], $0x80, s1, s18, $0xb8;
	[tilespmem:$0x1C600] =	vst v63  }
0x1eb: {  	_ =	swait.ge [sflag:s29], $0x2800  }
0x1ec: {  	[sflag:s29] =	ssyncset.done $0x0  }
0x1ed: {  	s5 =	sshrl.u32 s25, $0x3;
	s13 =	rddreg [dreg:$0xf];
	[sflag:s29] =	ssyncadd.s32 $0xFFFFD800  }
0x1ee: {  	[spmem:s3] =	stream.indirect.scatter.add.f32 [tilespmem:s6], [sflag:$0x9], $0x80, s30, s18, $0xb8;
	[tilespmem:$0x1C600] =	vst v63  }
0x1ef: {  	s21 =	rddreg [dreg:$0xe];
	s10 =	sadd.s32 s13, s5  }
0x1f0: {  	[tilespmem:s4], [sflag:$0x1] =	stream.linear.gather [hbm4b:s10+s4], $0x50, $0x38;
	[tilespmem:$0x1C600] =	vst v63  }
0x1f1: {  	s11 =	rddreg [dreg:$0x7];
	s5 =	sadd.s32 s21, s5  }
0x1f2: {  	[tilespmem:s19], [sflag:$0x1] =	stream.linear.gather [hbm4b:s5+s4], $0x50, $0x38;
	[tilespmem:$0x1C600] =	vst v63  }
0x1f3: {  	s13 =	rddreg [dreg:$0x6];
	s19 =	sadd.s32 s7, s11  }
0x1f4: {  	[tilespmem:s15], [sflag:$0x2] =	stream.linear.gather [hbm4b:s19+s4], $0x50, $0x38;
	[tilespmem:$0x1C600] =	vst v63  }
0x1f5: {  	s10 =	sadd.s32 s7, s13;
	s11 =	rddreg [dreg:$0x5]  }
0x1f6: {  	[tilespmem:s14], [sflag:$0x2] =	stream.linear.gather [hbm4b:s10+s4], $0x50, $0x38;
	[tilespmem:$0x1C600] =	vst v63  }
0x1f7: {  	s11 =	sadd.s32 s7, s11;
	s19 =	rddreg [dreg:$0x4];
	s14 =	simm.s32 $0x100  }
0x1f8: {  	[tilespmem:s14], [sflag:$0x3] =	stream.linear.gather [hbm4b:s11+s4], $0x50, $0x38;
	[tilespmem:$0x1C600] =	vst v63  }
0x1f9: {  	s19 =	sadd.s32 s7, s19  }
0x1fa: {  	[tilespmem:s16], [sflag:$0x3] =	stream.linear.gather [hbm4b:s19+s4], $0x50, $0x38;
	[tilespmem:$0x1C600] =	vst v63  }
0x1fb: {  	_ =	swait.ge [sflag:s24], $0x2800  }
0x1fc: {  	[sflag:s24] =	ssyncset.done $0x0  }
0x1fd: {  	[sflag:s24] =	ssyncadd.s32 $0xFFFFD800  }
0x1fe: {  	_ =	swait.ge [sflag:s2], $0x2800  }
0x1ff: {  	[sflag:s2] =	ssyncset.done $0x0  }
0x200: {  	[sflag:s2] =	ssyncadd.s32 $0xFFFFD800  }
0x201: {  	_ =	swait.ge [sflag:s8], $0x2800  }
0x202: {  	[sflag:s8] =	ssyncset.done $0x0  }
0x203: {  	[sflag:s8] =	ssyncadd.s32 $0xFFFFD800  }
0x204: {  	_ =	swait.ge [sflag:s17], $0x50  }
0x205: {  	[sflag:s17] =	ssyncset.done $0x0  }
0x206: {  	[sflag:s17] =	ssyncadd.s32 $0xFFFFFFB0  }
0x207: {  	_ =	swait.ge [sflag:s17], $0x50  }
0x208: {  	[sflag:s17] =	ssyncset.done $0x0  }
0x209: {  	[sflag:s17] =	ssyncadd.s32 $0xFFFFFFB0  }
0x20a: {  	[tilespmem:s23], [sflag:$0x4] =	stream.indirect.gather [hbm4b:s0+s18], $0x80, s4, s18, $0xb8;
	[tilespmem:$0x1C600] =	vst v63  }
0x20b: {  	_ =	swait.ge [sflag:s20], $0x50  }
0x20c: {  	[sflag:s20] =	ssyncset.done $0x0  }
0x20d: {  	[sflag:s20] =	ssyncadd.s32 $0xFFFFFFB0  }
0x20e: {  	_ =	swait.ge [sflag:s20], $0x50  }
0x20f: {  	[sflag:s20] =	ssyncset.done $0x0  }
0x210: {  	[sflag:s20] =	ssyncadd.s32 $0xFFFFFFB0  }
0x211: {  	[tilespmem:s12], [sflag:$0x5] =	stream.indirect.gather [hbm4b:s0+s18], $0x80, s15, s18, $0xb8;
	[tilespmem:$0x1C600] =	vst v63  }
0x212: {  	p0 =	sne.s32 s9, $0x474;
	_ =	swait.ge [sflag:s22], $0x50  }
.Ltmp1:
0x213: {  	[sflag:s22] =	ssyncset.done $0x0;
	(pc) =	sbr.rel @p0 .LBB2_4-.Ltmp1, $4  }
0x214: {  	[sflag:s22] =	ssyncadd.s32 $0xFFFFFFB0  }
0x215: {  	s9 =	sadd.s32 $0x3C, s9;
	_ =	swait.ge [sflag:s22], $0x50  }
0x216: {  	s25 =	sadd.s32 $0x1E0, s25;
	s21 =	simm.s32 $0x200;
	[sflag:s22] =	ssyncset.done $0x0  }
0x217: {  	s13 =	simm.s32 $0x280;
	s7 =	simm.s32 $0x300;
	[sflag:s22] =	ssyncadd.s32 $0xFFFFFFB0  }
0x218: {  	[tilespmem:s6], [sflag:$0x6] =	stream.indirect.gather [hbm4b:s0+s18], $0x80, s14, s18, $0xb8;
	[tilespmem:$0x1C600] =	vst v63  }
0x219: {  	_ =	swait.ge [sflag:s26], $0x2800  }
0x21a: {  	[sflag:s26] =	ssyncset.done $0x0  }
0x21b: {  	[sflag:s26] =	ssyncadd.s32 $0xFFFFD800  }
0x21c: {  	[spmem:s3] =	stream.indirect.scatter.add.f32 [tilespmem:s23], [sflag:$0x7], $0x80, s21, s18, $0xb8;
	[tilespmem:$0x1C600] =	vst v63  }
0x21d: {  	_ =	swait.ge [sflag:s28], $0x2800  }
0x21e: {  	[sflag:s28] =	ssyncset.done $0x0  }
0x21f: {  	[sflag:s28] =	ssyncadd.s32 $0xFFFFD800  }
0x220: {  	[spmem:s3] =	stream.indirect.scatter.add.f32 [tilespmem:s12], [sflag:$0x8], $0x80, s13, s18, $0xb8;
	[tilespmem:$0x1C600] =	vst v63  }
0x221: {  	_ =	swait.ge [sflag:s29], $0x2800  }
0x222: {  	[sflag:s29] =	ssyncset.done $0x0  }
0x223: {  	[sflag:s29] =	ssyncadd.s32 $0xFFFFD800  }
0x224: {  	[spmem:s3] =	stream.indirect.scatter.add.f32 [tilespmem:s6], [sflag:$0x9], $0x80, s7, s18, $0xb8;
	[tilespmem:$0x1C600] =	vst v63  }
0x225: {  	s5 =	rddreg [dreg:$0x1c]  }
0x226: {  	[tilespmem:s4], [sflag:$0x1] =	stream.linear.gather [hbm4b:s5+s4], $0x50, $0x38;
	[tilespmem:$0x1C600] =	vst v63  }
0x227: {  	s10 =	rddreg [dreg:$0x1d]  }
0x228: {  	[tilespmem:s31], [sflag:$0x1] =	stream.linear.gather [hbm4b:s10+s4], $0x50, $0x38;
	[tilespmem:$0x1C600] =	vst v63  }
0x229: {  	s11 =	rddreg [dreg:$0x1e]  }
0x22a: {  	[tilespmem:s15], [sflag:$0x2] =	stream.linear.gather [hbm4b:s11+s4], $0x50, $0x38;
	[tilespmem:$0x1C600] =	vst v63  }
0x22b: {  	s13 =	rddreg [dreg:$0x1f]  }
0x22c: {  	[tilespmem:s1], [sflag:$0x2] =	stream.linear.gather [hbm4b:s13+s4], $0x50, $0x38;
	[tilespmem:$0x1C600] =	vst v63  }
0x22d: {  	_ =	swait.ge [sflag:s24], $0x2800  }
0x22e: {  	[sflag:s24] =	ssyncset.done $0x0  }
0x22f: {  	[sflag:s24] =	ssyncadd.s32 $0xFFFFD800  }
0x230: {  	_ =	swait.ge [sflag:s2], $0x2800  }
0x231: {  	[sflag:s2] =	ssyncset.done $0x0  }
0x232: {  	[sflag:s2] =	ssyncadd.s32 $0xFFFFD800  }
0x233: {  	_ =	swait.ge [sflag:s8], $0x2800  }
0x234: {  	[sflag:s8] =	ssyncset.done $0x0  }
0x235: {  	[sflag:s8] =	ssyncadd.s32 $0xFFFFD800  }
0x236: {  	_ =	swait.ge [sflag:s17], $0x50  }
0x237: {  	[sflag:s17] =	ssyncset.done $0x0  }
0x238: {  	[sflag:s17] =	ssyncadd.s32 $0xFFFFFFB0  }
0x239: {  	_ =	swait.ge [sflag:s17], $0x50  }
0x23a: {  	[sflag:s17] =	ssyncset.done $0x0  }
0x23b: {  	[sflag:s17] =	ssyncadd.s32 $0xFFFFFFB0  }
0x23c: {  	[tilespmem:s23], [sflag:$0x4] =	stream.indirect.gather [hbm4b:s0+s18], $0x80, s4, s18, $0xb8;
	[tilespmem:$0x1C600] =	vst v63  }
0x23d: {  	_ =	swait.ge [sflag:s20], $0x50  }
0x23e: {  	[sflag:s20] =	ssyncset.done $0x0  }
0x23f: {  	[sflag:s20] =	ssyncadd.s32 $0xFFFFFFB0  }
0x240: {  	_ =	swait.ge [sflag:s20], $0x50  }
0x241: {  	[sflag:s20] =	ssyncset.done $0x0  }
0x242: {  	[sflag:s20] =	ssyncadd.s32 $0xFFFFFFB0  }
0x243: {  	[tilespmem:s12], [sflag:$0x5] =	stream.indirect.gather [hbm4b:s0+s18], $0x80, s15, s18, $0xb8;
	[tilespmem:$0x1C600] =	vst v63  }
0x244: {  	_ =	swait.ge [sflag:s26], $0x2800  }
0x245: {  	[sflag:s26] =	ssyncset.done $0x0  }
0x246: {  	[sflag:s26] =	ssyncadd.s32 $0xFFFFD800  }
0x247: {  	[spmem:s3] =	stream.indirect.scatter.add.f32 [tilespmem:s23], [sflag:$0x7], $0x80, s31, s18, $0xb8;
	[tilespmem:$0x1C600] =	vst v63  }
0x248: {  	_ =	swait.ge [sflag:s28], $0x2800  }
0x249: {  	[sflag:s28] =	ssyncset.done $0x0  }
0x24a: {  	[sflag:s28] =	ssyncadd.s32 $0xFFFFD800  }
0x24b: {  	[spmem:s3] =	stream.indirect.scatter.add.f32 [tilespmem:s12], [sflag:$0x8], $0x80, s1, s18, $0xb8;
	[tilespmem:$0x1C600] =	vst v63  }
0x24c: {  	_ =	swait.ge [sflag:s24], $0x2800  }
0x24d: {  	[sflag:s24] =	ssyncset.done $0x0  }
0x24e: {  	[sflag:s24] =	ssyncadd.s32 $0xFFFFD800  }
0x24f: {  	_ =	swait.ge [sflag:s2], $0x2800  }
0x250: {  	[sflag:s2] =	ssyncset.done $0x0  }
0x251: {  	[sflag:s2] =	ssyncadd.s32 $0xFFFFD800  }
0x252: {  	[bflag:$0x0] =	sbarrier.arrive $0xFFFF  }
0x253: {  	s16 =	stileid.u32;
	s9 =	sld [smem:$0x7D9]  }
0x254: {  	s5 =	sshll.u32 s16, $0x6;
	s19 =	rddreg [dreg:$0x10]  }
0x255: {  	s21 =	simm.s32 $0xA;
	s5 =	sor.u32 $0x1C0A, s5;
	s7 =	sshrl.u32 s19, $0x3  }
0x256: {  	[hbm:s9], [sflag:s5] =	dma.local [spmem:s7], $0x2800  }
0x257: {  	_ =	swait.ge [sflag:s21], $0x2800  }
0x258: {  	s23 =	sld [smem:$0x7D8]  }
0x259: {  	s25 =	sld [smem:$0x7DA];
	_ =	sdelay $0x1  }
0x25a: {  	s7 =	sadd.s32 $0x1, s23  }
0x25b: {  	p0 =	sne.s32 s7, s25  }
.Ltmp2:
0x25c: {  	_ = 	snop;
	(pc) =	sbr.rel @p0 .LBB2_1-.Ltmp2, $4  }
0x25d: {  	s11 =	simm.s32 $0x380;
	s13 =	simm.s32 $0x80  }
0x25e: {  	s12 =	simm.s32 $0x400;
	s1 =	simm.s32 $0x480;
	s5 =	rddreg [dreg:$0xf]  }
0x25f: {  	s19 =	simm.s32 $0x600;
	[sflag:s21] =	ssyncset.done $0x0;
	s6 =	rddreg [dreg:$0xe]  }
0x260: {  	[sflag:s21] =	ssyncadd.s32 $0xFFFFD800;
	s21 =	simm.s32 $0x2E00;
	s23 =	simm.s32 $0x5600  }
0x261: {  	_ =	sfence.sel $0x180000  }
0x262: {  	[bflag:$0x0] =	sbarrier.arrive $0xFFFF  }
0x263: {  	_ =	strace $0x9000004A  }
0x264: {  	s0 =	stileid.u32;
	[bflag:$0x2] =	sbarrier.arrive $0xFFFF  }
0x265: {  	p0 =	sne.s32 s0, $0x0;
	s0 =	rddreg [dreg:$0x3]  }
0x266: {  	s0 =	sadd.s32 @!p0 $0x100000, s0  }
0x267: {  	[sflag:s0] =	ssyncadd.tile.s32 @!p0 $0x1;
	_ =	shalt  }
.Lfunc_end2:
_tile_overlayer_lowered:
.L_overlay_start_2:
0x268: {  	(tag) =	ssettag $0x2  }
0x269: {  	s0 =	rddreg [dreg:$0x0];
	s2 =	stileid.u32  }
0x26a: {  	s1 =	rddreg [dreg:$0x1];
	p0 =	sne.s32 s2, $0x0  }
0x26b: {  	s3 =	rddreg [dreg:$0x2];
	[bflag:$0x3] =	sbarrier.arrive $0xFFFF;
	s2 =	simm.s32 @!p0 $0x1C0A  }
0x26c: {  	[timem:s3], [sflag:s2] =	dma.local @!p0 [hbm:s0], s1  }
0x26d: {  	s0 =	simm.s32 @!p0 $0xA  }
0x26e: {  	_ =	swait.ge @!p0 [sflag:s0], s1  }
0x26f: {  	s1 =	ssub.s32 @!p0 $0x0, s1;
	[sflag:s0] =	ssyncset.done @!p0 $0x0  }
0x270: {  	[sflag:s0] =	ssyncadd.s32 @!p0 s1  }
0x271: {  	[bflag:$0x3] =	sbarrier.arrive $0xFFFF  }
0x272: {  	_ =	shalt  }

</sc_bundles>
